<compile_context>
chip_gen: v7x
topology: tpu7x:2x2x1
jax: 0.10.2.dev20260603
libtpu: 0.0.44.dev20260713+nightly
codegen_flags: <defaults>
</compile_context>

<pallas_src>
import functools

import jax
import jax.numpy as jnp
from jax import lax
from jax.experimental import pallas as pl
from jax.experimental.pallas import tpu as pltpu
from jax.experimental.pallas import tpu_sc as plsc

F32 = jnp.float32
BF16 = jnp.bfloat16
I32 = jnp.int32

N = 10000
NP = 10240
E = 160000
D = 320
DH = D // 2
NG = 64
NLAYERS = 5
NS = 16
ROWS_PT = NP // NS
BN = 1024
GRID = NP // BN

def _mesh():
    return plsc.VectorSubcoreMesh(core_axis_name="c", subcore_axis_name="s",
                                  num_cores=2, num_subcores=NS)



def _sc_agg(h_lo, h_hi, src, dst):
    ept = E // NS
    n_full = ept // 128
    tail = ept - n_full * 128

    @functools.partial(
        pl.kernel,
        out_type=(jax.ShapeDtypeStruct((NP, DH), F32),
                  jax.ShapeDtypeStruct((NP, DH), F32)),
        mesh=_mesh(),
        compiler_params=pltpu.CompilerParams(use_tc_tiling_on_sc=False),
        scratch_types=[
            pltpu.VMEM_SHARED((NP, DH), F32),
            pltpu.VMEM((128,), I32),
            pltpu.VMEM((128,), I32),
            pltpu.VMEM((128, DH), F32),
            pltpu.VMEM((tail,), I32),
            pltpu.VMEM((tail,), I32),
            pltpu.VMEM((tail, DH), F32),
            pltpu.SemaphoreType.DMA,
        ],
    )
    def run(h_lo_r, h_hi_r, src_r, dst_r, o_lo_r, o_hi_r,
            acc, sb, db, gb, sb2, db2, gb2, sem):
        c = lax.axis_index("c")
        s = lax.axis_index("s")
        r0 = s * ROWS_PT
        e0 = s * ept

        def half(h_r, o_r):
            pltpu.sync_copy(h_r.at[pl.ds(r0, ROWS_PT)],
                            acc.at[pl.ds(r0, ROWS_PT)])
            plsc.subcore_barrier()

            def body(j, carry):
                off = e0 + j * 128
                pltpu.sync_copy(src_r.at[pl.ds(off, 128)], sb)
                pltpu.sync_copy(dst_r.at[pl.ds(off, 128)], db)
                pltpu.async_copy(h_r.at[sb], gb, sem).wait()
                pltpu.sync_copy(gb, acc.at[db], add=True)
                return carry

            lax.fori_loop(0, n_full, body, 0)
            if tail:
                off = e0 + n_full * 128
                pltpu.sync_copy(src_r.at[pl.ds(off, tail)], sb2)
                pltpu.sync_copy(dst_r.at[pl.ds(off, tail)], db2)
                pltpu.async_copy(h_r.at[sb2], gb2, sem).wait()
                pltpu.sync_copy(gb2, acc.at[db2], add=True)
            plsc.subcore_barrier()
            pltpu.sync_copy(acc.at[pl.ds(r0, ROWS_PT)],
                            o_r.at[pl.ds(r0, ROWS_PT)])

        @pl.when(c == 0)
        def _():
            half(h_lo_r, o_lo_r)

        @pl.when(c == 1)
        def _():
            half(h_hi_r, o_hi_r)

    return run(h_lo, h_hi, src, dst)


def _sc_counts(oh16, eval_ids, dst, zeros16):
    ept = E // (2 * NS)
    n_full = ept // 128
    tail = ept - n_full * 128

    @functools.partial(
        pl.kernel,
        out_type=(jax.ShapeDtypeStruct((NP, 16), F32),
                  jax.ShapeDtypeStruct((NP, 16), F32)),
        mesh=_mesh(),
        compiler_params=pltpu.CompilerParams(use_tc_tiling_on_sc=False),
        scratch_types=[
            pltpu.VMEM_SHARED((NP, 16), F32),
            pltpu.VMEM((128,), I32),
            pltpu.VMEM((128,), I32),
            pltpu.VMEM((128, 16), F32),
            pltpu.VMEM((tail,), I32),
            pltpu.VMEM((tail,), I32),
            pltpu.VMEM((tail, 16), F32),
            pltpu.SemaphoreType.DMA,
        ],
    )
    def run(oh_r, ev_r, dst_r, z_r, c0_r, c1_r,
            acc, sb, db, gb, sb2, db2, gb2, sem):
        c = lax.axis_index("c")
        s = lax.axis_index("s")
        r0 = s * ROWS_PT
        e0 = (c * NS + s) * ept

        pltpu.sync_copy(z_r.at[pl.ds(r0, ROWS_PT)], acc.at[pl.ds(r0, ROWS_PT)])
        plsc.subcore_barrier()

        def body(j, carry):
            off = e0 + j * 128
            pltpu.sync_copy(ev_r.at[pl.ds(off, 128)], sb)
            pltpu.sync_copy(dst_r.at[pl.ds(off, 128)], db)
            pltpu.async_copy(oh_r.at[sb], gb, sem).wait()
            pltpu.sync_copy(gb, acc.at[db], add=True)
            return carry

        lax.fori_loop(0, n_full, body, 0)
        if tail:
            off = e0 + n_full * 128
            pltpu.sync_copy(ev_r.at[pl.ds(off, tail)], sb2)
            pltpu.sync_copy(dst_r.at[pl.ds(off, tail)], db2)
            pltpu.async_copy(oh_r.at[sb2], gb2, sem).wait()
            pltpu.sync_copy(gb2, acc.at[db2], add=True)
        plsc.subcore_barrier()

        def out(o_r):
            pltpu.sync_copy(acc.at[pl.ds(r0, ROWS_PT)],
                            o_r.at[pl.ds(r0, ROWS_PT)])

        @pl.when(c == 0)
        def _():
            out(c0_r)

        @pl.when(c == 1)
        def _():
            out(c1_r)

    return run(oh16, eval_ids, dst, zeros16)



def _embed_body(nval_r, c0_r, c1_r, cn_r, hlo_r, hhi_r, ct_r):
    iota = lax.broadcasted_iota(I32, (BN, 16), 1)
    oh = (nval_r[:] == iota).astype(F32)
    h0 = jnp.dot(oh, cn_r[:], preferred_element_type=F32,
                 precision=lax.Precision.HIGHEST)
    hlo_r[:] = h0[:, :DH]
    hhi_r[:] = h0[:, DH:]
    ct_r[:] = c0_r[:] + c1_r[:]


def _tc_embed(nval, c0, c1, combo_node):
    return pl.pallas_call(
        _embed_body,
        grid=(GRID,),
        in_specs=[
            pl.BlockSpec((BN, 1), lambda i: (i, 0)),
            pl.BlockSpec((BN, 16), lambda i: (i, 0)),
            pl.BlockSpec((BN, 16), lambda i: (i, 0)),
            pl.BlockSpec((16, D), lambda i: (0, 0)),
        ],
        out_specs=[
            pl.BlockSpec((BN, DH), lambda i: (i, 0)),
            pl.BlockSpec((BN, DH), lambda i: (i, 0)),
            pl.BlockSpec((BN, 16), lambda i: (i, 0)),
        ],
        out_shape=[
            jax.ShapeDtypeStruct((NP, DH), F32),
            jax.ShapeDtypeStruct((NP, DH), F32),
            jax.ShapeDtypeStruct((NP, 16), F32),
        ],
    )(nval, c0, c1, combo_node)


def _layer_body(alo_r, ahi_r, ct_r, ce_r, w1_r, b1_r, w2_r, b2_r,
                z_r, st_r):
    i = pl.program_id(0)
    agg = jnp.concatenate([alo_r[:], ahi_r[:]], axis=1)
    ct = ct_r[:]
    ce = ce_r[:]
    for v in range(9):
        agg = agg + ct[:, v:v + 1] * ce[v:v + 1, :]
    z1 = jnp.dot(agg, w1_r[:], preferred_element_type=F32)
    z1 = jnp.maximum(z1 + b1_r[:], 0.0)
    z = jnp.dot(z1, w2_r[:], preferred_element_type=F32) + b2_r[:]
    z_r[:] = z
    row = lax.broadcasted_iota(I32, (BN, 1), 0) + i * BN
    zm = jnp.where(row < N, z, 0.0)
    s = jnp.sum(zm, axis=0, keepdims=True)
    st = jnp.concatenate([s, jnp.zeros((7, D), F32)], axis=0)

    @pl.when(i == 0)
    def _():
        st_r[:] = st

    @pl.when(i > 0)
    def _():
        st_r[:] += st


def _tc_layer(agg_lo, agg_hi, ctot, combo_e, w1, b1, w2, b2):
    return pl.pallas_call(
        _layer_body,
        grid=(GRID,),
        in_specs=[
            pl.BlockSpec((BN, DH), lambda i: (i, 0)),
            pl.BlockSpec((BN, DH), lambda i: (i, 0)),
            pl.BlockSpec((BN, 16), lambda i: (i, 0)),
            pl.BlockSpec((16, D), lambda i: (0, 0)),
            pl.BlockSpec((D, 2 * D), lambda i: (0, 0)),
            pl.BlockSpec((1, 2 * D), lambda i: (0, 0)),
            pl.BlockSpec((2 * D, D), lambda i: (0, 0)),
            pl.BlockSpec((1, D), lambda i: (0, 0)),
        ],
        out_specs=[
            pl.BlockSpec((BN, D), lambda i: (i, 0)),
            pl.BlockSpec((8, D), lambda i: (0, 0)),
        ],
        out_shape=[
            jax.ShapeDtypeStruct((NP, D), F32),
            jax.ShapeDtypeStruct((8, D), F32),
        ],
    )(agg_lo, agg_hi, ctot, combo_e, w1, b1, w2, b2)


def _var_body(z_r, st_r, v_r):
    i = pl.program_id(0)
    mean = st_r[0:1, :] * (1.0 / N)
    dv = z_r[:] - mean
    row = lax.broadcasted_iota(I32, (BN, 1), 0) + i * BN
    dv = jnp.where(row < N, dv, 0.0)
    ssd = jnp.sum(dv * dv, axis=0, keepdims=True)
    vv = jnp.concatenate([ssd, jnp.zeros((7, D), F32)], axis=0)

    @pl.when(i == 0)
    def _():
        v_r[:] = vv

    @pl.when(i > 0)
    def _():
        v_r[:] += vv


def _tc_var(z, stats):
    return pl.pallas_call(
        _var_body,
        grid=(GRID,),
        in_specs=[
            pl.BlockSpec((BN, D), lambda i: (i, 0)),
            pl.BlockSpec((8, D), lambda i: (0, 0)),
        ],
        out_specs=pl.BlockSpec((8, D), lambda i: (0, 0)),
        out_shape=jax.ShapeDtypeStruct((8, D), F32),
    )(z, stats)


def _apply_body(z_r, st_r, sv_r, g_r, b_r, hlo_r, hhi_r, *, relu):
    inv_n = 1.0 / N
    mean = st_r[0:1, :] * inv_n
    var = sv_r[0:1, :] * inv_n
    v = var + 1e-5
    inv = lax.rsqrt(v)
    inv = inv * (1.5 - 0.5 * v * inv * inv)
    inv = inv * (1.5 - 0.5 * v * inv * inv)
    h = (z_r[:] - mean) * (inv * g_r[:]) + b_r[:]
    if relu:
        h = jnp.maximum(h, 0.0)
    hlo_r[:] = h[:, :DH]
    hhi_r[:] = h[:, DH:]


def _tc_apply(z, stats, ssd, gamma, beta, relu):
    return pl.pallas_call(
        functools.partial(_apply_body, relu=relu),
        grid=(GRID,),
        in_specs=[
            pl.BlockSpec((BN, D), lambda i: (i, 0)),
            pl.BlockSpec((8, D), lambda i: (0, 0)),
            pl.BlockSpec((8, D), lambda i: (0, 0)),
            pl.BlockSpec((1, D), lambda i: (0, 0)),
            pl.BlockSpec((1, D), lambda i: (0, 0)),
        ],
        out_specs=[
            pl.BlockSpec((BN, DH), lambda i: (i, 0)),
            pl.BlockSpec((BN, DH), lambda i: (i, 0)),
        ],
        out_shape=[
            jax.ShapeDtypeStruct((NP, DH), F32),
            jax.ShapeDtypeStruct((NP, DH), F32),
        ],
    )(z, stats, ssd, gamma, beta)


def _pool_body(hlo_r, hhi_r, n2g_r, wa_r, ba_r, wb_r, bb_r, wc_r, bc_r,
               out_r, gacc, cacc):
    i = pl.program_id(0)
    h = jnp.concatenate([hlo_r[:], hhi_r[:]], axis=1)
    iota = lax.broadcasted_iota(I32, (BN, NG), 1)
    oh = (n2g_r[:] == iota).astype(F32)
    gpart = lax.dot_general(oh, h, (((0,), (0,)), ((), ())),
                            preferred_element_type=F32,
                            precision=lax.Precision.HIGHEST)
    cpart = lax.dot_general(oh, jnp.ones((BN, 8), F32),
                            (((0,), (0,)), ((), ())),
                            preferred_element_type=F32,
                            precision=lax.Precision.HIGHEST)

    @pl.when(i == 0)
    def _():
        gacc[:] = gpart
        cacc[:] = cpart

    @pl.when(i > 0)
    def _():
        gacc[:] += gpart
        cacc[:] += cpart

    @pl.when(i == GRID - 1)
    def _():
        g = gacc[:] / jnp.maximum(cacc[:, 0:1], 1.0)
        a = jnp.maximum(jnp.dot(g, wa_r[:], preferred_element_type=F32)
                        + ba_r[:], 0.0)
        a = jnp.maximum(jnp.dot(a, wb_r[:], preferred_element_type=F32)
                        + bb_r[:], 0.0)
        out_r[:] = jnp.dot(a, wc_r[:], preferred_element_type=F32) + bc_r[:]


def _tc_pool_head(h_lo, h_hi, n2g, wa, ba, wb, bb, wc, bc):
    return pl.pallas_call(
        _pool_body,
        grid=(GRID,),
        in_specs=[
            pl.BlockSpec((BN, DH), lambda i: (i, 0)),
            pl.BlockSpec((BN, DH), lambda i: (i, 0)),
            pl.BlockSpec((BN, 1), lambda i: (i, 0)),
            pl.BlockSpec((D, 128), lambda i: (0, 0)),
            pl.BlockSpec((1, 128), lambda i: (0, 0)),
            pl.BlockSpec((128, 32), lambda i: (0, 0)),
            pl.BlockSpec((1, 32), lambda i: (0, 0)),
            pl.BlockSpec((32, 128), lambda i: (0, 0)),
            pl.BlockSpec((1, 128), lambda i: (0, 0)),
        ],
        out_specs=pl.BlockSpec((NG, 128), lambda i: (0, 0)),
        out_shape=jax.ShapeDtypeStruct((NG, 128), F32),
        scratch_shapes=[
            pltpu.VMEM((NG, D), F32),
            pltpu.VMEM((NG, 8), F32),
        ],
    )(h_lo, h_hi, n2g, wa, ba, wb, bb, wc, bc)



def _pad2(x, rows, cols):
    return jnp.pad(x, ((0, rows - x.shape[0]), (0, cols - x.shape[1])))


def _combo16(emb_a, emb_b):
    t = (emb_a[:3, None, :] + emb_b[None, :3, :]).reshape(9, -1)
    return _pad2(t, 16, D)


def kernel(params, nfeats, efeats, edge_index, node2graph):
    nfeats = nfeats.astype(I32)
    efeats = efeats.astype(I32)
    src = edge_index[0].astype(I32)
    dst = edge_index[1].astype(I32)
    nval = (nfeats[:, 0] * 3 + nfeats[:, 1]).reshape(N, 1)
    nval = jnp.pad(nval, ((0, NP - N), (0, 0)), constant_values=15)
    eval_ids = efeats[:, 0] * 3 + efeats[:, 1]
    n2g = node2graph.astype(I32).reshape(N, 1)
    n2g = jnp.pad(n2g, ((0, NP - N), (0, 0)), constant_values=NG)

    combo_node = _combo16(params['node_emb0'], params['node_emb1'])
    oh16 = jnp.eye(16, dtype=F32)
    zeros16 = jnp.zeros((NP, 16), F32)

    c0, c1 = _sc_counts(oh16, eval_ids, dst, zeros16)
    h_lo, h_hi, ctot = _tc_embed(nval, c0, c1, combo_node)

    for l in range(NLAYERS):
        p = params['layers'][l]
        combo_e = _combo16(p['edge_emb0'], p['edge_emb1'])
        w1 = _pad2(p['W1'], D, 2 * D)
        b1 = jnp.pad(p['b1'], (0, 2 * D - p['b1'].shape[0])).reshape(1, 2 * D)
        w2 = _pad2(p['W2'], 2 * D, D)
        b2 = jnp.pad(p['b2'], (0, D - p['b2'].shape[0])).reshape(1, D)
        gamma = jnp.pad(p['gamma'], (0, D - p['gamma'].shape[0])).reshape(1, D)
        beta = jnp.pad(p['beta'], (0, D - p['beta'].shape[0])).reshape(1, D)

        agg_lo, agg_hi = _sc_agg(h_lo, h_hi, src, dst)
        z, stats = _tc_layer(agg_lo, agg_hi, ctot, combo_e, w1, b1, w2, b2)
        ssd = _tc_var(z, stats)
        h_lo, h_hi = _tc_apply(z, stats, ssd, gamma, beta,
                               relu=(l < NLAYERS - 1))

    wa = _pad2(params['Wa'], D, 128)
    ba = params['ba'].reshape(1, 128)
    wb = params['Wb']
    bb = params['bb'].reshape(1, 32)
    wc = _pad2(params['Wc'], 32, 128)
    bc = jnp.pad(params['bc'], (0, 127)).reshape(1, 128)

    out = _tc_pool_head(h_lo, h_hi, n2g, wa, ba, wb, bb, wc, bc)
    return out[:, :1]

# --- scband reference (transcript-rebuilt; emitter-appended) ---
"""Pipeline reference for scband-net-27736898797895 (READ-ONLY COPY).

The authoritative reference and input builder live on the scoring server;
editing this copy changes nothing except your own understanding.
"""

import jax, jax.numpy as jnp
import numpy as np

EMB = 300
N_LAYERS = 5
N_GRAPHS = 64


def _init_params(key):
    ks = list(jax.random.split(key, 64))
    it = iter(ks)
    def nrm(shape, scale=0.05):
        return jax.random.normal(next(it), shape, dtype=jnp.float32) * scale
    params = {
        'node_emb0': nrm((120, EMB)),
        'node_emb1': nrm((3, EMB)),
        'layers': [],
        'Wa': nrm((EMB, 128)), 'ba': jnp.zeros((128,), jnp.float32),
        'Wb': nrm((128, 32)), 'bb': jnp.zeros((32,), jnp.float32),
        'Wc': nrm((32, 1)), 'bc': jnp.zeros((1,), jnp.float32),
    }
    for _ in range(N_LAYERS):
        params['layers'].append({
            'edge_emb0': nrm((6, EMB)),
            'edge_emb1': nrm((3, EMB)),
            'W1': nrm((EMB, 2 * EMB)), 'b1': jnp.zeros((2 * EMB,), jnp.float32),
            'W2': nrm((2 * EMB, EMB)), 'b2': jnp.zeros((EMB,), jnp.float32),
            'gamma': jnp.ones((EMB,), jnp.float32),
            'beta': jnp.zeros((EMB,), jnp.float32),
        })
    return params


def setup_inputs(seed: int = 0):
    key = jax.random.key(seed)
    k1, k2, k3, k4, k5 = jax.random.split(key, 5)
    N, E = 10000, 160000
    nfeats = jax.random.randint(k1, (N, 2), 0, 3)
    efeats = jax.random.randint(k2, (E, 2), 0, 3)
    edge_index = jax.random.randint(k3, (2, E), 0, N)
    node2graph = jnp.sort(jax.random.randint(k4, (N,), 0, N_GRAPHS))
    params = _init_params(k5)
    return {'params': params, 'nfeats': nfeats, 'efeats': efeats,
            'edge_index': edge_index, 'node2graph': node2graph}


def _forward(params, nfeats, efeats, edge_index, node2graph):
    # GIN node input embeddings (atom type + chirality)
    h = params['node_emb0'][nfeats[:, 0]] + params['node_emb1'][nfeats[:, 1]]
    src = edge_index[0]
    dst = edge_index[1]
    N = h.shape[0]
    for l in range(N_LAYERS):
        p = params['layers'][l]
        # per-layer edge embeddings (bond type + bond direction)
        e = p['edge_emb0'][efeats[:, 0]] + p['edge_emb1'][efeats[:, 1]]
        msg = h[src] + e
        agg = h + jax.ops.segment_sum(msg, dst, num_segments=N)
        # GIN MLP 300 -> 600 -> 300
        z = agg @ p['W1'] + p['b1']
        z = jax.nn.relu(z)
        z = z @ p['W2'] + p['b2']
        # batch norm over nodes
        mean = z.mean(axis=0)
        var = z.var(axis=0)
        z = (z - mean) / jnp.sqrt(var + 1e-5) * p['gamma'] + p['beta']
        if l < N_LAYERS - 1:
            z = jax.nn.relu(z)
        h = z
    # AvgPooling readout per graph
    sums = jax.ops.segment_sum(h, node2graph, num_segments=N_GRAPHS)
    cnt = jax.ops.segment_sum(jnp.ones((N,), jnp.float32), node2graph, num_segments=N_GRAPHS)
    g = sums / jnp.maximum(cnt, 1.0)[:, None]
    # prediction head 300 -> 128 -> 32 -> 1
    a = jax.nn.relu(g @ params['Wa'] + params['ba'])
    a = jax.nn.relu(a @ params['Wb'] + params['bb'])
    return a @ params['Wc'] + params['bc']


def reference(params, nfeats, efeats, edge_index, node2graph):
    return _forward(params, nfeats, efeats, edge_index, node2graph)

if __name__ == "__main__":
    import jax
    _d = setup_inputs()
    print(jax.jit(kernel)(*tuple(_d.values())))

</pallas_src>

<mosaic_0001>
#map = affine_map<(d0, d1) -> (0, 0)>
#map1 = affine_map<(d0, d1) -> (0)>
module attributes {stable_mosaic.version = 14 : i64} {
  func.func @run(%arg0: i32, %arg1: i32, %arg2: memref<16x16xf32, #tpu.memory_space<hbm>>, %arg3: memref<160000xi32, #tpu.memory_space<hbm>>, %arg4: memref<160000xi32, #tpu.memory_space<hbm>>, %arg5: memref<10240x16xf32, #tpu.memory_space<hbm>>, %arg6: memref<10240x16xf32, #tpu.memory_space<hbm>>, %arg7: memref<10240x16xf32, #tpu.memory_space<hbm>>, %arg8: memref<10240x16xf32, #tpu.memory_space<vmem_shared>>, %arg9: memref<128xi32, #tpu.memory_space<vmem>>, %arg10: memref<128xi32, #tpu.memory_space<vmem>>, %arg11: memref<128x16xf32, #tpu.memory_space<vmem>>, %arg12: memref<8xi32, #tpu.memory_space<vmem>>, %arg13: memref<8xi32, #tpu.memory_space<vmem>>, %arg14: memref<8x16xf32, #tpu.memory_space<vmem>>, %arg15: memref<!tpu.dma_semaphore, #tpu.memory_space<semaphore_mem>>) attributes {dimension_semantics = [#tpu.dimension_semantics<core_parallel>, #tpu.dimension_semantics<subcore_parallel>], iteration_bounds = array<i64: 2, 16>, scalar_prefetch = 0 : i64, scratch_operands = 8 : i64, tpu.core_type = #tpu.core_type<sc_vector_subcore>, window_params = [{transform_indices = #map}, {transform_indices = #map1}, {transform_indices = #map1}, {transform_indices = #map}, {transform_indices = #map}, {transform_indices = #map}]} {
    %mul3A = arith.constant 640 : i32
    %mul3A_0 = arith.muli %arg1, %mul3A : i32
    %mul3A_1 = arith.constant 16 : i32
    %mul3A_2 = arith.muli %arg0, %mul3A_1 : i32
    %add3A = arith.addi %mul3A_2, %arg1 : i32
    %mul3A_3 = arith.constant 5000 : i32
    %mul3A_4 = arith.muli %add3A, %mul3A_3 : i32
    "tpu.region"() ({
      %run_scoped3A = tpu.sem_alloc : memref<!tpu.dma_semaphore, #tpu.memory_space<semaphore_mem>>
      %dma_start3A_24 = arith.constant 0 : i32
      %dma_start3A_25 = tpu.memref_slice %arg8[%mul3A_0, %dma_start3A_24] : memref<10240x16xf32, #tpu.memory_space<vmem_shared>> -> memref<640x16xf32, #tpu.memory_space<vmem_shared>>
      %dma_start3A_26 = arith.constant 0 : i32
      %dma_start3A_27 = tpu.memref_slice %arg5[%mul3A_0, %dma_start3A_26] : memref<10240x16xf32, #tpu.memory_space<hbm>> -> memref<640x16xf32, #tpu.memory_space<hbm>>
      tpu.enqueue_dma source(%dma_start3A_27 : memref<640x16xf32, #tpu.memory_space<hbm>>) target(%dma_start3A_25 : memref<640x16xf32, #tpu.memory_space<vmem_shared>>) target_semaphore(%run_scoped3A : memref<!tpu.dma_semaphore, #tpu.memory_space<semaphore_mem>>)
      %dma_wait3A_28 = arith.constant 0 : i32
      %dma_wait3A_29 = tpu.memref_slice %arg8[%mul3A_0, %dma_wait3A_28] : memref<10240x16xf32, #tpu.memory_space<vmem_shared>> -> memref<640x16xf32, #tpu.memory_space<vmem_shared>>
      %dma_wait3A_30 = arith.constant 0 : i32
      %dma_wait3A_31 = tpu.memref_slice %arg5[%mul3A_0, %dma_wait3A_30] : memref<10240x16xf32, #tpu.memory_space<hbm>> -> memref<640x16xf32, #tpu.memory_space<hbm>>
      tpu.wait_dma2 semaphore(%run_scoped3A : memref<!tpu.dma_semaphore, #tpu.memory_space<semaphore_mem>>) src(%dma_wait3A_31 : memref<640x16xf32, #tpu.memory_space<hbm>>) dst(%dma_wait3A_29 : memref<640x16xf32, #tpu.memory_space<vmem_shared>>)
      tpu.yield
    }) : () -> ()
    %barrier3A = arith.constant 0 : index
    tpu.barrier barrier_id(%barrier3A)
    %scan3A = arith.constant 0 : i32
    %scan3A_5 = arith.constant 0 : i32
    %scan3A_6 = arith.constant 39 : i32
    %scan3A_7 = arith.addi %scan3A_5, %scan3A_6 : i32
    %scan3A_8 = arith.constant 1 : i32
    scf.for %scan3A_24 = %scan3A_5 to %scan3A_7 step %scan3A_8  : i32 {
      %mul3A_25 = arith.constant 128 : i32
      %mul3A_26 = arith.muli %scan3A_24, %mul3A_25 : i32
      %add3A_27 = arith.addi %mul3A_4, %mul3A_26 : i32
      "tpu.region"() ({
        %run_scoped3A = tpu.sem_alloc : memref<!tpu.dma_semaphore, #tpu.memory_space<semaphore_mem>>
        %dma_start3A_34 = tpu.memref_slice %arg3[%add3A_27] : memref<160000xi32, #tpu.memory_space<hbm>> -> memref<128xi32, #tpu.memory_space<hbm>>
        %dma_start3A_35 = tpu.memref_slice %arg3[%add3A_27] : memref<160000xi32, #tpu.memory_space<hbm>> -> memref<128xi32, #tpu.memory_space<hbm>>
        tpu.enqueue_dma source(%dma_start3A_35 : memref<128xi32, #tpu.memory_space<hbm>>) target(%arg9 : memref<128xi32, #tpu.memory_space<vmem>>) target_semaphore(%run_scoped3A : memref<!tpu.dma_semaphore, #tpu.memory_space<semaphore_mem>>)
        %dma_wait3A_36 = tpu.memref_slice %arg3[%add3A_27] : memref<160000xi32, #tpu.memory_space<hbm>> -> memref<128xi32, #tpu.memory_space<hbm>>
        %dma_wait3A_37 = tpu.memref_slice %arg3[%add3A_27] : memref<160000xi32, #tpu.memory_space<hbm>> -> memref<128xi32, #tpu.memory_space<hbm>>
        tpu.wait_dma2 semaphore(%run_scoped3A : memref<!tpu.dma_semaphore, #tpu.memory_space<semaphore_mem>>) src(%dma_wait3A_37 : memref<128xi32, #tpu.memory_space<hbm>>) dst(%arg9 : memref<128xi32, #tpu.memory_space<vmem>>)
        tpu.yield
      }) : () -> ()
      "tpu.region"() ({
        %run_scoped3A = tpu.sem_alloc : memref<!tpu.dma_semaphore, #tpu.memory_space<semaphore_mem>>
        %dma_start3A_34 = tpu.memref_slice %arg4[%add3A_27] : memref<160000xi32, #tpu.memory_space<hbm>> -> memref<128xi32, #tpu.memory_space<hbm>>
        %dma_start3A_35 = tpu.memref_slice %arg4[%add3A_27] : memref<160000xi32, #tpu.memory_space<hbm>> -> memref<128xi32, #tpu.memory_space<hbm>>
        tpu.enqueue_dma source(%dma_start3A_35 : memref<128xi32, #tpu.memory_space<hbm>>) target(%arg10 : memref<128xi32, #tpu.memory_space<vmem>>) target_semaphore(%run_scoped3A : memref<!tpu.dma_semaphore, #tpu.memory_space<semaphore_mem>>)
        %dma_wait3A_36 = tpu.memref_slice %arg4[%add3A_27] : memref<160000xi32, #tpu.memory_space<hbm>> -> memref<128xi32, #tpu.memory_space<hbm>>
        %dma_wait3A_37 = tpu.memref_slice %arg4[%add3A_27] : memref<160000xi32, #tpu.memory_space<hbm>> -> memref<128xi32, #tpu.memory_space<hbm>>
        tpu.wait_dma2 semaphore(%run_scoped3A : memref<!tpu.dma_semaphore, #tpu.memory_space<semaphore_mem>>) src(%dma_wait3A_37 : memref<128xi32, #tpu.memory_space<hbm>>) dst(%arg10 : memref<128xi32, #tpu.memory_space<vmem>>)
        tpu.yield
      }) : () -> ()
      %dma_start3A_28 = arith.constant 0 : i32
      %dma_start3A_29 = arith.constant 0 : i32
      %dma_start3A_30 = tpu.memref_slice %arg2[%dma_start3A_28, %dma_start3A_29] : memref<16x16xf32, #tpu.memory_space<hbm>> -> memref<16x16xf32, #tpu.memory_space<hbm>>
      tpu.enqueue_indirect_dma source(%dma_start3A_30 : memref<16x16xf32, #tpu.memory_space<hbm>>) target(%arg11 : memref<128x16xf32, #tpu.memory_space<vmem>>) offsets(%arg9 : memref<128xi32, #tpu.memory_space<vmem>>) semaphore(%arg15 : memref<!tpu.dma_semaphore, #tpu.memory_space<semaphore_mem>>)
      %dma_wait3A_31 = arith.constant 0 : i32
      %dma_wait3A_32 = arith.constant 0 : i32
      %dma_wait3A_33 = tpu.memref_slice %arg2[%dma_wait3A_31, %dma_wait3A_32] : memref<16x16xf32, #tpu.memory_space<hbm>> -> memref<16x16xf32, #tpu.memory_space<hbm>>
      tpu.wait_indirect_dma semaphore(%arg15 : memref<!tpu.dma_semaphore, #tpu.memory_space<semaphore_mem>>) src(%dma_wait3A_33 : memref<16x16xf32, #tpu.memory_space<hbm>>) dst(%arg11 : memref<128x16xf32, #tpu.memory_space<vmem>>)
      "tpu.region"() ({
        %run_scoped3A = tpu.sem_alloc : memref<!tpu.dma_semaphore, #tpu.memory_space<semaphore_mem>>
        %dma_start3A_34 = arith.constant 0 : i32
        %dma_start3A_35 = arith.constant 0 : i32
        %dma_start3A_36 = tpu.memref_slice %arg8[%dma_start3A_34, %dma_start3A_35] : memref<10240x16xf32, #tpu.memory_space<vmem_shared>> -> memref<10240x16xf32, #tpu.memory_space<vmem_shared>>
        tpu.enqueue_indirect_dma source(%arg11 : memref<128x16xf32, #tpu.memory_space<vmem>>) target(%dma_start3A_36 : memref<10240x16xf32, #tpu.memory_space<vmem_shared>>) offsets(%arg10 : memref<128xi32, #tpu.memory_space<vmem>>) semaphore(%run_scoped3A : memref<!tpu.dma_semaphore, #tpu.memory_space<semaphore_mem>>) {add = true}
        %dma_wait3A_37 = arith.constant 0 : i32
        %dma_wait3A_38 = arith.constant 0 : i32
        %dma_wait3A_39 = tpu.memref_slice %arg8[%dma_wait3A_37, %dma_wait3A_38] : memref<10240x16xf32, #tpu.memory_space<vmem_shared>> -> memref<10240x16xf32, #tpu.memory_space<vmem_shared>>
        tpu.wait_indirect_dma semaphore(%run_scoped3A : memref<!tpu.dma_semaphore, #tpu.memory_space<semaphore_mem>>) src(%arg11 : memref<128x16xf32, #tpu.memory_space<vmem>>) dst(%dma_wait3A_39 : memref<10240x16xf32, #tpu.memory_space<vmem_shared>>)
        tpu.yield
      }) : () -> ()
    }
    %scan3A_9 = arith.constant 39 : i32
    %add3A_10 = arith.constant 4992 : i32
    %add3A_11 = arith.addi %mul3A_4, %add3A_10 : i32
    "tpu.region"() ({
      %run_scoped3A = tpu.sem_alloc : memref<!tpu.dma_semaphore, #tpu.memory_space<semaphore_mem>>
      %dma_start3A_24 = tpu.memref_slice %arg3[%add3A_11] : memref<160000xi32, #tpu.memory_space<hbm>> -> memref<8xi32, #tpu.memory_space<hbm>>
      %dma_start3A_25 = tpu.memref_slice %arg3[%add3A_11] : memref<160000xi32, #tpu.memory_space<hbm>> -> memref<8xi32, #tpu.memory_space<hbm>>
      tpu.enqueue_dma source(%dma_start3A_25 : memref<8xi32, #tpu.memory_space<hbm>>) target(%arg12 : memref<8xi32, #tpu.memory_space<vmem>>) target_semaphore(%run_scoped3A : memref<!tpu.dma_semaphore, #tpu.memory_space<semaphore_mem>>)
      %dma_wait3A_26 = tpu.memref_slice %arg3[%add3A_11] : memref<160000xi32, #tpu.memory_space<hbm>> -> memref<8xi32, #tpu.memory_space<hbm>>
      %dma_wait3A_27 = tpu.memref_slice %arg3[%add3A_11] : memref<160000xi32, #tpu.memory_space<hbm>> -> memref<8xi32, #tpu.memory_space<hbm>>
      tpu.wait_dma2 semaphore(%run_scoped3A : memref<!tpu.dma_semaphore, #tpu.memory_space<semaphore_mem>>) src(%dma_wait3A_27 : memref<8xi32, #tpu.memory_space<hbm>>) dst(%arg12 : memref<8xi32, #tpu.memory_space<vmem>>)
      tpu.yield
    }) : () -> ()
    "tpu.region"() ({
      %run_scoped3A = tpu.sem_alloc : memref<!tpu.dma_semaphore, #tpu.memory_space<semaphore_mem>>
      %dma_start3A_24 = tpu.memref_slice %arg4[%add3A_11] : memref<160000xi32, #tpu.memory_space<hbm>> -> memref<8xi32, #tpu.memory_space<hbm>>
      %dma_start3A_25 = tpu.memref_slice %arg4[%add3A_11] : memref<160000xi32, #tpu.memory_space<hbm>> -> memref<8xi32, #tpu.memory_space<hbm>>
      tpu.enqueue_dma source(%dma_start3A_25 : memref<8xi32, #tpu.memory_space<hbm>>) target(%arg13 : memref<8xi32, #tpu.memory_space<vmem>>) target_semaphore(%run_scoped3A : memref<!tpu.dma_semaphore, #tpu.memory_space<semaphore_mem>>)
      %dma_wait3A_26 = tpu.memref_slice %arg4[%add3A_11] : memref<160000xi32, #tpu.memory_space<hbm>> -> memref<8xi32, #tpu.memory_space<hbm>>
      %dma_wait3A_27 = tpu.memref_slice %arg4[%add3A_11] : memref<160000xi32, #tpu.memory_space<hbm>> -> memref<8xi32, #tpu.memory_space<hbm>>
      tpu.wait_dma2 semaphore(%run_scoped3A : memref<!tpu.dma_semaphore, #tpu.memory_space<semaphore_mem>>) src(%dma_wait3A_27 : memref<8xi32, #tpu.memory_space<hbm>>) dst(%arg13 : memref<8xi32, #tpu.memory_space<vmem>>)
      tpu.yield
    }) : () -> ()
    %dma_start3A = arith.constant 0 : i32
    %dma_start3A_12 = arith.constant 0 : i32
    %dma_start3A_13 = tpu.memref_slice %arg2[%dma_start3A, %dma_start3A_12] : memref<16x16xf32, #tpu.memory_space<hbm>> -> memref<16x16xf32, #tpu.memory_space<hbm>>
    tpu.enqueue_indirect_dma source(%dma_start3A_13 : memref<16x16xf32, #tpu.memory_space<hbm>>) target(%arg14 : memref<8x16xf32, #tpu.memory_space<vmem>>) offsets(%arg12 : memref<8xi32, #tpu.memory_space<vmem>>) semaphore(%arg15 : memref<!tpu.dma_semaphore, #tpu.memory_space<semaphore_mem>>)
    %dma_wait3A = arith.constant 0 : i32
    %dma_wait3A_14 = arith.constant 0 : i32
    %dma_wait3A_15 = tpu.memref_slice %arg2[%dma_wait3A, %dma_wait3A_14] : memref<16x16xf32, #tpu.memory_space<hbm>> -> memref<16x16xf32, #tpu.memory_space<hbm>>
    tpu.wait_indirect_dma semaphore(%arg15 : memref<!tpu.dma_semaphore, #tpu.memory_space<semaphore_mem>>) src(%dma_wait3A_15 : memref<16x16xf32, #tpu.memory_space<hbm>>) dst(%arg14 : memref<8x16xf32, #tpu.memory_space<vmem>>)
    "tpu.region"() ({
      %run_scoped3A = tpu.sem_alloc : memref<!tpu.dma_semaphore, #tpu.memory_space<semaphore_mem>>
      %dma_start3A_24 = arith.constant 0 : i32
      %dma_start3A_25 = arith.constant 0 : i32
      %dma_start3A_26 = tpu.memref_slice %arg8[%dma_start3A_24, %dma_start3A_25] : memref<10240x16xf32, #tpu.memory_space<vmem_shared>> -> memref<10240x16xf32, #tpu.memory_space<vmem_shared>>
      tpu.enqueue_indirect_dma source(%arg14 : memref<8x16xf32, #tpu.memory_space<vmem>>) target(%dma_start3A_26 : memref<10240x16xf32, #tpu.memory_space<vmem_shared>>) offsets(%arg13 : memref<8xi32, #tpu.memory_space<vmem>>) semaphore(%run_scoped3A : memref<!tpu.dma_semaphore, #tpu.memory_space<semaphore_mem>>) {add = true}
      %dma_wait3A_27 = arith.constant 0 : i32
      %dma_wait3A_28 = arith.constant 0 : i32
      %dma_wait3A_29 = tpu.memref_slice %arg8[%dma_wait3A_27, %dma_wait3A_28] : memref<10240x16xf32, #tpu.memory_space<vmem_shared>> -> memref<10240x16xf32, #tpu.memory_space<vmem_shared>>
      tpu.wait_indirect_dma semaphore(%run_scoped3A : memref<!tpu.dma_semaphore, #tpu.memory_space<semaphore_mem>>) src(%arg14 : memref<8x16xf32, #tpu.memory_space<vmem>>) dst(%dma_wait3A_29 : memref<10240x16xf32, #tpu.memory_space<vmem_shared>>)
      tpu.yield
    }) : () -> ()
    %barrier3A_16 = arith.constant 0 : index
    tpu.barrier barrier_id(%barrier3A_16)
    %eq3A = arith.constant 0 : i32
    %eq3A_17 = arith.cmpi eq, %arg0, %eq3A : i32
    %convert_element_type3A = arith.extui %eq3A_17 : i1 to i32
    %cond3A = arith.constant 0 : i32
    %cond3A_18 = arith.cmpi ne, %convert_element_type3A, %cond3A : i32
    scf.if %cond3A_18 {
      "tpu.region"() ({
        %run_scoped3A = tpu.sem_alloc : memref<!tpu.dma_semaphore, #tpu.memory_space<semaphore_mem>>
        %dma_start3A_24 = arith.constant 0 : i32
        %dma_start3A_25 = tpu.memref_slice %arg6[%mul3A_0, %dma_start3A_24] : memref<10240x16xf32, #tpu.memory_space<hbm>> -> memref<640x16xf32, #tpu.memory_space<hbm>>
        %dma_start3A_26 = arith.constant 0 : i32
        %dma_start3A_27 = tpu.memref_slice %arg8[%mul3A_0, %dma_start3A_26] : memref<10240x16xf32, #tpu.memory_space<vmem_shared>> -> memref<640x16xf32, #tpu.memory_space<vmem_shared>>
        tpu.enqueue_dma source(%dma_start3A_27 : memref<640x16xf32, #tpu.memory_space<vmem_shared>>) target(%dma_start3A_25 : memref<640x16xf32, #tpu.memory_space<hbm>>) target_semaphore(%run_scoped3A : memref<!tpu.dma_semaphore, #tpu.memory_space<semaphore_mem>>)
        %dma_wait3A_28 = arith.constant 0 : i32
        %dma_wait3A_29 = tpu.memref_slice %arg6[%mul3A_0, %dma_wait3A_28] : memref<10240x16xf32, #tpu.memory_space<hbm>> -> memref<640x16xf32, #tpu.memory_space<hbm>>
        %dma_wait3A_30 = arith.constant 0 : i32
        %dma_wait3A_31 = tpu.memref_slice %arg8[%mul3A_0, %dma_wait3A_30] : memref<10240x16xf32, #tpu.memory_space<vmem_shared>> -> memref<640x16xf32, #tpu.memory_space<vmem_shared>>
        tpu.wait_dma2 semaphore(%run_scoped3A : memref<!tpu.dma_semaphore, #tpu.memory_space<semaphore_mem>>) src(%dma_wait3A_31 : memref<640x16xf32, #tpu.memory_space<vmem_shared>>) dst(%dma_wait3A_29 : memref<640x16xf32, #tpu.memory_space<hbm>>)
        tpu.yield
      }) : () -> ()
    } else {
    }
    %eq3A_19 = arith.constant 1 : i32
    %eq3A_20 = arith.cmpi eq, %arg0, %eq3A_19 : i32
    %convert_element_type3A_21 = arith.extui %eq3A_20 : i1 to i32
    %cond3A_22 = arith.constant 0 : i32
    %cond3A_23 = arith.cmpi ne, %convert_element_type3A_21, %cond3A_22 : i32
    scf.if %cond3A_23 {
      "tpu.region"() ({
        %run_scoped3A = tpu.sem_alloc : memref<!tpu.dma_semaphore, #tpu.memory_space<semaphore_mem>>
        %dma_start3A_24 = arith.constant 0 : i32
        %dma_start3A_25 = tpu.memref_slice %arg7[%mul3A_0, %dma_start3A_24] : memref<10240x16xf32, #tpu.memory_space<hbm>> -> memref<640x16xf32, #tpu.memory_space<hbm>>
        %dma_start3A_26 = arith.constant 0 : i32
        %dma_start3A_27 = tpu.memref_slice %arg8[%mul3A_0, %dma_start3A_26] : memref<10240x16xf32, #tpu.memory_space<vmem_shared>> -> memref<640x16xf32, #tpu.memory_space<vmem_shared>>
        tpu.enqueue_dma source(%dma_start3A_27 : memref<640x16xf32, #tpu.memory_space<vmem_shared>>) target(%dma_start3A_25 : memref<640x16xf32, #tpu.memory_space<hbm>>) target_semaphore(%run_scoped3A : memref<!tpu.dma_semaphore, #tpu.memory_space<semaphore_mem>>)
        %dma_wait3A_28 = arith.constant 0 : i32
        %dma_wait3A_29 = tpu.memref_slice %arg7[%mul3A_0, %dma_wait3A_28] : memref<10240x16xf32, #tpu.memory_space<hbm>> -> memref<640x16xf32, #tpu.memory_space<hbm>>
        %dma_wait3A_30 = arith.constant 0 : i32
        %dma_wait3A_31 = tpu.memref_slice %arg8[%mul3A_0, %dma_wait3A_30] : memref<10240x16xf32, #tpu.memory_space<vmem_shared>> -> memref<640x16xf32, #tpu.memory_space<vmem_shared>>
        tpu.wait_dma2 semaphore(%run_scoped3A : memref<!tpu.dma_semaphore, #tpu.memory_space<semaphore_mem>>) src(%dma_wait3A_31 : memref<640x16xf32, #tpu.memory_space<vmem_shared>>) dst(%dma_wait3A_29 : memref<640x16xf32, #tpu.memory_space<hbm>>)
        tpu.yield
      }) : () -> ()
    } else {
    }
    return
  }
}

#map = affine_map<(d0, d1) -> (0, 0)>
#map1 = affine_map<(d0, d1) -> (0)>
module attributes {stable_mosaic.version = 14 : i64} {
  func.func @run(%arg0: i32, %arg1: i32, %arg2: memref<10240x160xf32, #tpu.memory_space<hbm>>, %arg3: memref<10240x160xf32, #tpu.memory_space<hbm>>, %arg4: memref<160000xi32, #tpu.memory_space<hbm>>, %arg5: memref<160000xi32, #tpu.memory_space<hbm>>, %arg6: memref<10240x160xf32, #tpu.memory_space<hbm>>, %arg7: memref<10240x160xf32, #tpu.memory_space<hbm>>, %arg8: memref<10240x160xf32, #tpu.memory_space<vmem_shared>>, %arg9: memref<128xi32, #tpu.memory_space<vmem>>, %arg10: memref<128xi32, #tpu.memory_space<vmem>>, %arg11: memref<128x160xf32, #tpu.memory_space<vmem>>, %arg12: memref<16xi32, #tpu.memory_space<vmem>>, %arg13: memref<16xi32, #tpu.memory_space<vmem>>, %arg14: memref<16x160xf32, #tpu.memory_space<vmem>>, %arg15: memref<!tpu.dma_semaphore, #tpu.memory_space<semaphore_mem>>) attributes {dimension_semantics = [#tpu.dimension_semantics<core_parallel>, #tpu.dimension_semantics<subcore_parallel>], iteration_bounds = array<i64: 2, 16>, scalar_prefetch = 0 : i64, scratch_operands = 8 : i64, tpu.core_type = #tpu.core_type<sc_vector_subcore>, window_params = [{transform_indices = #map}, {transform_indices = #map}, {transform_indices = #map1}, {transform_indices = #map1}, {transform_indices = #map}, {transform_indices = #map}]} {
    %mul3A = arith.constant 640 : i32
    %mul3A_0 = arith.muli %arg1, %mul3A : i32
    %mul3A_1 = arith.constant 10000 : i32
    %mul3A_2 = arith.muli %arg1, %mul3A_1 : i32
    %eq3A = arith.constant 0 : i32
    %eq3A_3 = arith.cmpi eq, %arg0, %eq3A : i32
    %convert_element_type3A = arith.extui %eq3A_3 : i1 to i32
    %cond3A = arith.constant 0 : i32
    %cond3A_4 = arith.cmpi ne, %convert_element_type3A, %cond3A : i32
    scf.if %cond3A_4 {
      "tpu.region"() ({
        %run_scoped3A = tpu.sem_alloc : memref<!tpu.dma_semaphore, #tpu.memory_space<semaphore_mem>>
        %dma_start3A_21 = arith.constant 0 : i32
        %dma_start3A_22 = tpu.memref_slice %arg8[%mul3A_0, %dma_start3A_21] : memref<10240x160xf32, #tpu.memory_space<vmem_shared>> -> memref<640x160xf32, #tpu.memory_space<vmem_shared>>
        %dma_start3A_23 = arith.constant 0 : i32
        %dma_start3A_24 = tpu.memref_slice %arg2[%mul3A_0, %dma_start3A_23] : memref<10240x160xf32, #tpu.memory_space<hbm>> -> memref<640x160xf32, #tpu.memory_space<hbm>>
        tpu.enqueue_dma source(%dma_start3A_24 : memref<640x160xf32, #tpu.memory_space<hbm>>) target(%dma_start3A_22 : memref<640x160xf32, #tpu.memory_space<vmem_shared>>) target_semaphore(%run_scoped3A : memref<!tpu.dma_semaphore, #tpu.memory_space<semaphore_mem>>)
        %dma_wait3A_25 = arith.constant 0 : i32
        %dma_wait3A_26 = tpu.memref_slice %arg8[%mul3A_0, %dma_wait3A_25] : memref<10240x160xf32, #tpu.memory_space<vmem_shared>> -> memref<640x160xf32, #tpu.memory_space<vmem_shared>>
        %dma_wait3A_27 = arith.constant 0 : i32
        %dma_wait3A_28 = tpu.memref_slice %arg2[%mul3A_0, %dma_wait3A_27] : memref<10240x160xf32, #tpu.memory_space<hbm>> -> memref<640x160xf32, #tpu.memory_space<hbm>>
        tpu.wait_dma2 semaphore(%run_scoped3A : memref<!tpu.dma_semaphore, #tpu.memory_space<semaphore_mem>>) src(%dma_wait3A_28 : memref<640x160xf32, #tpu.memory_space<hbm>>) dst(%dma_wait3A_26 : memref<640x160xf32, #tpu.memory_space<vmem_shared>>)
        tpu.yield
      }) : () -> ()
      %barrier3A = arith.constant 0 : index
      tpu.barrier barrier_id(%barrier3A)
      %scan3A = arith.constant 0 : i32
      %scan3A_10 = arith.constant 0 : i32
      %scan3A_11 = arith.constant 78 : i32
      %scan3A_12 = arith.addi %scan3A_10, %scan3A_11 : i32
      %scan3A_13 = arith.constant 1 : i32
      scf.for %scan3A_21 = %scan3A_10 to %scan3A_12 step %scan3A_13  : i32 {
        %mul3A_22 = arith.constant 128 : i32
        %mul3A_23 = arith.muli %scan3A_21, %mul3A_22 : i32
        %add3A_24 = arith.addi %mul3A_2, %mul3A_23 : i32
        "tpu.region"() ({
          %run_scoped3A = tpu.sem_alloc : memref<!tpu.dma_semaphore, #tpu.memory_space<semaphore_mem>>
          %dma_start3A_31 = tpu.memref_slice %arg4[%add3A_24] : memref<160000xi32, #tpu.memory_space<hbm>> -> memref<128xi32, #tpu.memory_space<hbm>>
          %dma_start3A_32 = tpu.memref_slice %arg4[%add3A_24] : memref<160000xi32, #tpu.memory_space<hbm>> -> memref<128xi32, #tpu.memory_space<hbm>>
          tpu.enqueue_dma source(%dma_start3A_32 : memref<128xi32, #tpu.memory_space<hbm>>) target(%arg9 : memref<128xi32, #tpu.memory_space<vmem>>) target_semaphore(%run_scoped3A : memref<!tpu.dma_semaphore, #tpu.memory_space<semaphore_mem>>)
          %dma_wait3A_33 = tpu.memref_slice %arg4[%add3A_24] : memref<160000xi32, #tpu.memory_space<hbm>> -> memref<128xi32, #tpu.memory_space<hbm>>
          %dma_wait3A_34 = tpu.memref_slice %arg4[%add3A_24] : memref<160000xi32, #tpu.memory_space<hbm>> -> memref<128xi32, #tpu.memory_space<hbm>>
          tpu.wait_dma2 semaphore(%run_scoped3A : memref<!tpu.dma_semaphore, #tpu.memory_space<semaphore_mem>>) src(%dma_wait3A_34 : memref<128xi32, #tpu.memory_space<hbm>>) dst(%arg9 : memref<128xi32, #tpu.memory_space<vmem>>)
          tpu.yield
        }) : () -> ()
        "tpu.region"() ({
          %run_scoped3A = tpu.sem_alloc : memref<!tpu.dma_semaphore, #tpu.memory_space<semaphore_mem>>
          %dma_start3A_31 = tpu.memref_slice %arg5[%add3A_24] : memref<160000xi32, #tpu.memory_space<hbm>> -> memref<128xi32, #tpu.memory_space<hbm>>
          %dma_start3A_32 = tpu.memref_slice %arg5[%add3A_24] : memref<160000xi32, #tpu.memory_space<hbm>> -> memref<128xi32, #tpu.memory_space<hbm>>
          tpu.enqueue_dma source(%dma_start3A_32 : memref<128xi32, #tpu.memory_space<hbm>>) target(%arg10 : memref<128xi32, #tpu.memory_space<vmem>>) target_semaphore(%run_scoped3A : memref<!tpu.dma_semaphore, #tpu.memory_space<semaphore_mem>>)
          %dma_wait3A_33 = tpu.memref_slice %arg5[%add3A_24] : memref<160000xi32, #tpu.memory_space<hbm>> -> memref<128xi32, #tpu.memory_space<hbm>>
          %dma_wait3A_34 = tpu.memref_slice %arg5[%add3A_24] : memref<160000xi32, #tpu.memory_space<hbm>> -> memref<128xi32, #tpu.memory_space<hbm>>
          tpu.wait_dma2 semaphore(%run_scoped3A : memref<!tpu.dma_semaphore, #tpu.memory_space<semaphore_mem>>) src(%dma_wait3A_34 : memref<128xi32, #tpu.memory_space<hbm>>) dst(%arg10 : memref<128xi32, #tpu.memory_space<vmem>>)
          tpu.yield
        }) : () -> ()
        %dma_start3A_25 = arith.constant 0 : i32
        %dma_start3A_26 = arith.constant 0 : i32
        %dma_start3A_27 = tpu.memref_slice %arg2[%dma_start3A_25, %dma_start3A_26] : memref<10240x160xf32, #tpu.memory_space<hbm>> -> memref<10240x160xf32, #tpu.memory_space<hbm>>
        tpu.enqueue_indirect_dma source(%dma_start3A_27 : memref<10240x160xf32, #tpu.memory_space<hbm>>) target(%arg11 : memref<128x160xf32, #tpu.memory_space<vmem>>) offsets(%arg9 : memref<128xi32, #tpu.memory_space<vmem>>) semaphore(%arg15 : memref<!tpu.dma_semaphore, #tpu.memory_space<semaphore_mem>>)
        %dma_wait3A_28 = arith.constant 0 : i32
        %dma_wait3A_29 = arith.constant 0 : i32
        %dma_wait3A_30 = tpu.memref_slice %arg2[%dma_wait3A_28, %dma_wait3A_29] : memref<10240x160xf32, #tpu.memory_space<hbm>> -> memref<10240x160xf32, #tpu.memory_space<hbm>>
        tpu.wait_indirect_dma semaphore(%arg15 : memref<!tpu.dma_semaphore, #tpu.memory_space<semaphore_mem>>) src(%dma_wait3A_30 : memref<10240x160xf32, #tpu.memory_space<hbm>>) dst(%arg11 : memref<128x160xf32, #tpu.memory_space<vmem>>)
        "tpu.region"() ({
          %run_scoped3A = tpu.sem_alloc : memref<!tpu.dma_semaphore, #tpu.memory_space<semaphore_mem>>
          %dma_start3A_31 = arith.constant 0 : i32
          %dma_start3A_32 = arith.constant 0 : i32
          %dma_start3A_33 = tpu.memref_slice %arg8[%dma_start3A_31, %dma_start3A_32] : memref<10240x160xf32, #tpu.memory_space<vmem_shared>> -> memref<10240x160xf32, #tpu.memory_space<vmem_shared>>
          tpu.enqueue_indirect_dma source(%arg11 : memref<128x160xf32, #tpu.memory_space<vmem>>) target(%dma_start3A_33 : memref<10240x160xf32, #tpu.memory_space<vmem_shared>>) offsets(%arg10 : memref<128xi32, #tpu.memory_space<vmem>>) semaphore(%run_scoped3A : memref<!tpu.dma_semaphore, #tpu.memory_space<semaphore_mem>>) {add = true}
          %dma_wait3A_34 = arith.constant 0 : i32
          %dma_wait3A_35 = arith.constant 0 : i32
          %dma_wait3A_36 = tpu.memref_slice %arg8[%dma_wait3A_34, %dma_wait3A_35] : memref<10240x160xf32, #tpu.memory_space<vmem_shared>> -> memref<10240x160xf32, #tpu.memory_space<vmem_shared>>
          tpu.wait_indirect_dma semaphore(%run_scoped3A : memref<!tpu.dma_semaphore, #tpu.memory_space<semaphore_mem>>) src(%arg11 : memref<128x160xf32, #tpu.memory_space<vmem>>) dst(%dma_wait3A_36 : memref<10240x160xf32, #tpu.memory_space<vmem_shared>>)
          tpu.yield
        }) : () -> ()
      }
      %scan3A_14 = arith.constant 78 : i32
      %add3A = arith.constant 9984 : i32
      %add3A_15 = arith.addi %mul3A_2, %add3A : i32
      "tpu.region"() ({
        %run_scoped3A = tpu.sem_alloc : memref<!tpu.dma_semaphore, #tpu.memory_space<semaphore_mem>>
        %dma_start3A_21 = tpu.memref_slice %arg4[%add3A_15] : memref<160000xi32, #tpu.memory_space<hbm>> -> memref<16xi32, #tpu.memory_space<hbm>>
        %dma_start3A_22 = tpu.memref_slice %arg4[%add3A_15] : memref<160000xi32, #tpu.memory_space<hbm>> -> memref<16xi32, #tpu.memory_space<hbm>>
        tpu.enqueue_dma source(%dma_start3A_22 : memref<16xi32, #tpu.memory_space<hbm>>) target(%arg12 : memref<16xi32, #tpu.memory_space<vmem>>) target_semaphore(%run_scoped3A : memref<!tpu.dma_semaphore, #tpu.memory_space<semaphore_mem>>)
        %dma_wait3A_23 = tpu.memref_slice %arg4[%add3A_15] : memref<160000xi32, #tpu.memory_space<hbm>> -> memref<16xi32, #tpu.memory_space<hbm>>
        %dma_wait3A_24 = tpu.memref_slice %arg4[%add3A_15] : memref<160000xi32, #tpu.memory_space<hbm>> -> memref<16xi32, #tpu.memory_space<hbm>>
        tpu.wait_dma2 semaphore(%run_scoped3A : memref<!tpu.dma_semaphore, #tpu.memory_space<semaphore_mem>>) src(%dma_wait3A_24 : memref<16xi32, #tpu.memory_space<hbm>>) dst(%arg12 : memref<16xi32, #tpu.memory_space<vmem>>)
        tpu.yield
      }) : () -> ()
      "tpu.region"() ({
        %run_scoped3A = tpu.sem_alloc : memref<!tpu.dma_semaphore, #tpu.memory_space<semaphore_mem>>
        %dma_start3A_21 = tpu.memref_slice %arg5[%add3A_15] : memref<160000xi32, #tpu.memory_space<hbm>> -> memref<16xi32, #tpu.memory_space<hbm>>
        %dma_start3A_22 = tpu.memref_slice %arg5[%add3A_15] : memref<160000xi32, #tpu.memory_space<hbm>> -> memref<16xi32, #tpu.memory_space<hbm>>
        tpu.enqueue_dma source(%dma_start3A_22 : memref<16xi32, #tpu.memory_space<hbm>>) target(%arg13 : memref<16xi32, #tpu.memory_space<vmem>>) target_semaphore(%run_scoped3A : memref<!tpu.dma_semaphore, #tpu.memory_space<semaphore_mem>>)
        %dma_wait3A_23 = tpu.memref_slice %arg5[%add3A_15] : memref<160000xi32, #tpu.memory_space<hbm>> -> memref<16xi32, #tpu.memory_space<hbm>>
        %dma_wait3A_24 = tpu.memref_slice %arg5[%add3A_15] : memref<160000xi32, #tpu.memory_space<hbm>> -> memref<16xi32, #tpu.memory_space<hbm>>
        tpu.wait_dma2 semaphore(%run_scoped3A : memref<!tpu.dma_semaphore, #tpu.memory_space<semaphore_mem>>) src(%dma_wait3A_24 : memref<16xi32, #tpu.memory_space<hbm>>) dst(%arg13 : memref<16xi32, #tpu.memory_space<vmem>>)
        tpu.yield
      }) : () -> ()
      %dma_start3A = arith.constant 0 : i32
      %dma_start3A_16 = arith.constant 0 : i32
      %dma_start3A_17 = tpu.memref_slice %arg2[%dma_start3A, %dma_start3A_16] : memref<10240x160xf32, #tpu.memory_space<hbm>> -> memref<10240x160xf32, #tpu.memory_space<hbm>>
      tpu.enqueue_indirect_dma source(%dma_start3A_17 : memref<10240x160xf32, #tpu.memory_space<hbm>>) target(%arg14 : memref<16x160xf32, #tpu.memory_space<vmem>>) offsets(%arg12 : memref<16xi32, #tpu.memory_space<vmem>>) semaphore(%arg15 : memref<!tpu.dma_semaphore, #tpu.memory_space<semaphore_mem>>)
      %dma_wait3A = arith.constant 0 : i32
      %dma_wait3A_18 = arith.constant 0 : i32
      %dma_wait3A_19 = tpu.memref_slice %arg2[%dma_wait3A, %dma_wait3A_18] : memref<10240x160xf32, #tpu.memory_space<hbm>> -> memref<10240x160xf32, #tpu.memory_space<hbm>>
      tpu.wait_indirect_dma semaphore(%arg15 : memref<!tpu.dma_semaphore, #tpu.memory_space<semaphore_mem>>) src(%dma_wait3A_19 : memref<10240x160xf32, #tpu.memory_space<hbm>>) dst(%arg14 : memref<16x160xf32, #tpu.memory_space<vmem>>)
      "tpu.region"() ({
        %run_scoped3A = tpu.sem_alloc : memref<!tpu.dma_semaphore, #tpu.memory_space<semaphore_mem>>
        %dma_start3A_21 = arith.constant 0 : i32
        %dma_start3A_22 = arith.constant 0 : i32
        %dma_start3A_23 = tpu.memref_slice %arg8[%dma_start3A_21, %dma_start3A_22] : memref<10240x160xf32, #tpu.memory_space<vmem_shared>> -> memref<10240x160xf32, #tpu.memory_space<vmem_shared>>
        tpu.enqueue_indirect_dma source(%arg14 : memref<16x160xf32, #tpu.memory_space<vmem>>) target(%dma_start3A_23 : memref<10240x160xf32, #tpu.memory_space<vmem_shared>>) offsets(%arg13 : memref<16xi32, #tpu.memory_space<vmem>>) semaphore(%run_scoped3A : memref<!tpu.dma_semaphore, #tpu.memory_space<semaphore_mem>>) {add = true}
        %dma_wait3A_24 = arith.constant 0 : i32
        %dma_wait3A_25 = arith.constant 0 : i32
        %dma_wait3A_26 = tpu.memref_slice %arg8[%dma_wait3A_24, %dma_wait3A_25] : memref<10240x160xf32, #tpu.memory_space<vmem_shared>> -> memref<10240x160xf32, #tpu.memory_space<vmem_shared>>
        tpu.wait_indirect_dma semaphore(%run_scoped3A : memref<!tpu.dma_semaphore, #tpu.memory_space<semaphore_mem>>) src(%arg14 : memref<16x160xf32, #tpu.memory_space<vmem>>) dst(%dma_wait3A_26 : memref<10240x160xf32, #tpu.memory_space<vmem_shared>>)
        tpu.yield
      }) : () -> ()
      %barrier3A_20 = arith.constant 0 : index
      tpu.barrier barrier_id(%barrier3A_20)
      "tpu.region"() ({
        %run_scoped3A = tpu.sem_alloc : memref<!tpu.dma_semaphore, #tpu.memory_space<semaphore_mem>>
        %dma_start3A_21 = arith.constant 0 : i32
        %dma_start3A_22 = tpu.memref_slice %arg6[%mul3A_0, %dma_start3A_21] : memref<10240x160xf32, #tpu.memory_space<hbm>> -> memref<640x160xf32, #tpu.memory_space<hbm>>
        %dma_start3A_23 = arith.constant 0 : i32
        %dma_start3A_24 = tpu.memref_slice %arg8[%mul3A_0, %dma_start3A_23] : memref<10240x160xf32, #tpu.memory_space<vmem_shared>> -> memref<640x160xf32, #tpu.memory_space<vmem_shared>>
        tpu.enqueue_dma source(%dma_start3A_24 : memref<640x160xf32, #tpu.memory_space<vmem_shared>>) target(%dma_start3A_22 : memref<640x160xf32, #tpu.memory_space<hbm>>) target_semaphore(%run_scoped3A : memref<!tpu.dma_semaphore, #tpu.memory_space<semaphore_mem>>)
        %dma_wait3A_25 = arith.constant 0 : i32
        %dma_wait3A_26 = tpu.memref_slice %arg6[%mul3A_0, %dma_wait3A_25] : memref<10240x160xf32, #tpu.memory_space<hbm>> -> memref<640x160xf32, #tpu.memory_space<hbm>>
        %dma_wait3A_27 = arith.constant 0 : i32
        %dma_wait3A_28 = tpu.memref_slice %arg8[%mul3A_0, %dma_wait3A_27] : memref<10240x160xf32, #tpu.memory_space<vmem_shared>> -> memref<640x160xf32, #tpu.memory_space<vmem_shared>>
        tpu.wait_dma2 semaphore(%run_scoped3A : memref<!tpu.dma_semaphore, #tpu.memory_space<semaphore_mem>>) src(%dma_wait3A_28 : memref<640x160xf32, #tpu.memory_space<vmem_shared>>) dst(%dma_wait3A_26 : memref<640x160xf32, #tpu.memory_space<hbm>>)
        tpu.yield
      }) : () -> ()
    } else {
    }
    %eq3A_5 = arith.constant 1 : i32
    %eq3A_6 = arith.cmpi eq, %arg0, %eq3A_5 : i32
    %convert_element_type3A_7 = arith.extui %eq3A_6 : i1 to i32
    %cond3A_8 = arith.constant 0 : i32
    %cond3A_9 = arith.cmpi ne, %convert_element_type3A_7, %cond3A_8 : i32
    scf.if %cond3A_9 {
      "tpu.region"() ({
        %run_scoped3A = tpu.sem_alloc : memref<!tpu.dma_semaphore, #tpu.memory_space<semaphore_mem>>
        %dma_start3A_21 = arith.constant 0 : i32
        %dma_start3A_22 = tpu.memref_slice %arg8[%mul3A_0, %dma_start3A_21] : memref<10240x160xf32, #tpu.memory_space<vmem_shared>> -> memref<640x160xf32, #tpu.memory_space<vmem_shared>>
        %dma_start3A_23 = arith.constant 0 : i32
        %dma_start3A_24 = tpu.memref_slice %arg3[%mul3A_0, %dma_start3A_23] : memref<10240x160xf32, #tpu.memory_space<hbm>> -> memref<640x160xf32, #tpu.memory_space<hbm>>
        tpu.enqueue_dma source(%dma_start3A_24 : memref<640x160xf32, #tpu.memory_space<hbm>>) target(%dma_start3A_22 : memref<640x160xf32, #tpu.memory_space<vmem_shared>>) target_semaphore(%run_scoped3A : memref<!tpu.dma_semaphore, #tpu.memory_space<semaphore_mem>>)
        %dma_wait3A_25 = arith.constant 0 : i32
        %dma_wait3A_26 = tpu.memref_slice %arg8[%mul3A_0, %dma_wait3A_25] : memref<10240x160xf32, #tpu.memory_space<vmem_shared>> -> memref<640x160xf32, #tpu.memory_space<vmem_shared>>
        %dma_wait3A_27 = arith.constant 0 : i32
        %dma_wait3A_28 = tpu.memref_slice %arg3[%mul3A_0, %dma_wait3A_27] : memref<10240x160xf32, #tpu.memory_space<hbm>> -> memref<640x160xf32, #tpu.memory_space<hbm>>
        tpu.wait_dma2 semaphore(%run_scoped3A : memref<!tpu.dma_semaphore, #tpu.memory_space<semaphore_mem>>) src(%dma_wait3A_28 : memref<640x160xf32, #tpu.memory_space<hbm>>) dst(%dma_wait3A_26 : memref<640x160xf32, #tpu.memory_space<vmem_shared>>)
        tpu.yield
      }) : () -> ()
      %barrier3A = arith.constant 0 : index
      tpu.barrier barrier_id(%barrier3A)
      %scan3A = arith.constant 0 : i32
      %scan3A_10 = arith.constant 0 : i32
      %scan3A_11 = arith.constant 78 : i32
      %scan3A_12 = arith.addi %scan3A_10, %scan3A_11 : i32
      %scan3A_13 = arith.constant 1 : i32
      scf.for %scan3A_21 = %scan3A_10 to %scan3A_12 step %scan3A_13  : i32 {
        %mul3A_22 = arith.constant 128 : i32
        %mul3A_23 = arith.muli %scan3A_21, %mul3A_22 : i32
        %add3A_24 = arith.addi %mul3A_2, %mul3A_23 : i32
        "tpu.region"() ({
          %run_scoped3A = tpu.sem_alloc : memref<!tpu.dma_semaphore, #tpu.memory_space<semaphore_mem>>
          %dma_start3A_31 = tpu.memref_slice %arg4[%add3A_24] : memref<160000xi32, #tpu.memory_space<hbm>> -> memref<128xi32, #tpu.memory_space<hbm>>
          %dma_start3A_32 = tpu.memref_slice %arg4[%add3A_24] : memref<160000xi32, #tpu.memory_space<hbm>> -> memref<128xi32, #tpu.memory_space<hbm>>
          tpu.enqueue_dma source(%dma_start3A_32 : memref<128xi32, #tpu.memory_space<hbm>>) target(%arg9 : memref<128xi32, #tpu.memory_space<vmem>>) target_semaphore(%run_scoped3A : memref<!tpu.dma_semaphore, #tpu.memory_space<semaphore_mem>>)
          %dma_wait3A_33 = tpu.memref_slice %arg4[%add3A_24] : memref<160000xi32, #tpu.memory_space<hbm>> -> memref<128xi32, #tpu.memory_space<hbm>>
          %dma_wait3A_34 = tpu.memref_slice %arg4[%add3A_24] : memref<160000xi32, #tpu.memory_space<hbm>> -> memref<128xi32, #tpu.memory_space<hbm>>
          tpu.wait_dma2 semaphore(%run_scoped3A : memref<!tpu.dma_semaphore, #tpu.memory_space<semaphore_mem>>) src(%dma_wait3A_34 : memref<128xi32, #tpu.memory_space<hbm>>) dst(%arg9 : memref<128xi32, #tpu.memory_space<vmem>>)
          tpu.yield
        }) : () -> ()
        "tpu.region"() ({
          %run_scoped3A = tpu.sem_alloc : memref<!tpu.dma_semaphore, #tpu.memory_space<semaphore_mem>>
          %dma_start3A_31 = tpu.memref_slice %arg5[%add3A_24] : memref<160000xi32, #tpu.memory_space<hbm>> -> memref<128xi32, #tpu.memory_space<hbm>>
          %dma_start3A_32 = tpu.memref_slice %arg5[%add3A_24] : memref<160000xi32, #tpu.memory_space<hbm>> -> memref<128xi32, #tpu.memory_space<hbm>>
          tpu.enqueue_dma source(%dma_start3A_32 : memref<128xi32, #tpu.memory_space<hbm>>) target(%arg10 : memref<128xi32, #tpu.memory_space<vmem>>) target_semaphore(%run_scoped3A : memref<!tpu.dma_semaphore, #tpu.memory_space<semaphore_mem>>)
          %dma_wait3A_33 = tpu.memref_slice %arg5[%add3A_24] : memref<160000xi32, #tpu.memory_space<hbm>> -> memref<128xi32, #tpu.memory_space<hbm>>
          %dma_wait3A_34 = tpu.memref_slice %arg5[%add3A_24] : memref<160000xi32, #tpu.memory_space<hbm>> -> memref<128xi32, #tpu.memory_space<hbm>>
          tpu.wait_dma2 semaphore(%run_scoped3A : memref<!tpu.dma_semaphore, #tpu.memory_space<semaphore_mem>>) src(%dma_wait3A_34 : memref<128xi32, #tpu.memory_space<hbm>>) dst(%arg10 : memref<128xi32, #tpu.memory_space<vmem>>)
          tpu.yield
        }) : () -> ()
        %dma_start3A_25 = arith.constant 0 : i32
        %dma_start3A_26 = arith.constant 0 : i32
        %dma_start3A_27 = tpu.memref_slice %arg3[%dma_start3A_25, %dma_start3A_26] : memref<10240x160xf32, #tpu.memory_space<hbm>> -> memref<10240x160xf32, #tpu.memory_space<hbm>>
        tpu.enqueue_indirect_dma source(%dma_start3A_27 : memref<10240x160xf32, #tpu.memory_space<hbm>>) target(%arg11 : memref<128x160xf32, #tpu.memory_space<vmem>>) offsets(%arg9 : memref<128xi32, #tpu.memory_space<vmem>>) semaphore(%arg15 : memref<!tpu.dma_semaphore, #tpu.memory_space<semaphore_mem>>)
        %dma_wait3A_28 = arith.constant 0 : i32
        %dma_wait3A_29 = arith.constant 0 : i32
        %dma_wait3A_30 = tpu.memref_slice %arg3[%dma_wait3A_28, %dma_wait3A_29] : memref<10240x160xf32, #tpu.memory_space<hbm>> -> memref<10240x160xf32, #tpu.memory_space<hbm>>
        tpu.wait_indirect_dma semaphore(%arg15 : memref<!tpu.dma_semaphore, #tpu.memory_space<semaphore_mem>>) src(%dma_wait3A_30 : memref<10240x160xf32, #tpu.memory_space<hbm>>) dst(%arg11 : memref<128x160xf32, #tpu.memory_space<vmem>>)
        "tpu.region"() ({
          %run_scoped3A = tpu.sem_alloc : memref<!tpu.dma_semaphore, #tpu.memory_space<semaphore_mem>>
          %dma_start3A_31 = arith.constant 0 : i32
          %dma_start3A_32 = arith.constant 0 : i32
          %dma_start3A_33 = tpu.memref_slice %arg8[%dma_start3A_31, %dma_start3A_32] : memref<10240x160xf32, #tpu.memory_space<vmem_shared>> -> memref<10240x160xf32, #tpu.memory_space<vmem_shared>>
          tpu.enqueue_indirect_dma source(%arg11 : memref<128x160xf32, #tpu.memory_space<vmem>>) target(%dma_start3A_33 : memref<10240x160xf32, #tpu.memory_space<vmem_shared>>) offsets(%arg10 : memref<128xi32, #tpu.memory_space<vmem>>) semaphore(%run_scoped3A : memref<!tpu.dma_semaphore, #tpu.memory_space<semaphore_mem>>) {add = true}
          %dma_wait3A_34 = arith.constant 0 : i32
          %dma_wait3A_35 = arith.constant 0 : i32
          %dma_wait3A_36 = tpu.memref_slice %arg8[%dma_wait3A_34, %dma_wait3A_35] : memref<10240x160xf32, #tpu.memory_space<vmem_shared>> -> memref<10240x160xf32, #tpu.memory_space<vmem_shared>>
          tpu.wait_indirect_dma semaphore(%run_scoped3A : memref<!tpu.dma_semaphore, #tpu.memory_space<semaphore_mem>>) src(%arg11 : memref<128x160xf32, #tpu.memory_space<vmem>>) dst(%dma_wait3A_36 : memref<10240x160xf32, #tpu.memory_space<vmem_shared>>)
          tpu.yield
        }) : () -> ()
      }
      %scan3A_14 = arith.constant 78 : i32
      %add3A = arith.constant 9984 : i32
      %add3A_15 = arith.addi %mul3A_2, %add3A : i32
      "tpu.region"() ({
        %run_scoped3A = tpu.sem_alloc : memref<!tpu.dma_semaphore, #tpu.memory_space<semaphore_mem>>
        %dma_start3A_21 = tpu.memref_slice %arg4[%add3A_15] : memref<160000xi32, #tpu.memory_space<hbm>> -> memref<16xi32, #tpu.memory_space<hbm>>
        %dma_start3A_22 = tpu.memref_slice %arg4[%add3A_15] : memref<160000xi32, #tpu.memory_space<hbm>> -> memref<16xi32, #tpu.memory_space<hbm>>
        tpu.enqueue_dma source(%dma_start3A_22 : memref<16xi32, #tpu.memory_space<hbm>>) target(%arg12 : memref<16xi32, #tpu.memory_space<vmem>>) target_semaphore(%run_scoped3A : memref<!tpu.dma_semaphore, #tpu.memory_space<semaphore_mem>>)
        %dma_wait3A_23 = tpu.memref_slice %arg4[%add3A_15] : memref<160000xi32, #tpu.memory_space<hbm>> -> memref<16xi32, #tpu.memory_space<hbm>>
        %dma_wait3A_24 = tpu.memref_slice %arg4[%add3A_15] : memref<160000xi32, #tpu.memory_space<hbm>> -> memref<16xi32, #tpu.memory_space<hbm>>
        tpu.wait_dma2 semaphore(%run_scoped3A : memref<!tpu.dma_semaphore, #tpu.memory_space<semaphore_mem>>) src(%dma_wait3A_24 : memref<16xi32, #tpu.memory_space<hbm>>) dst(%arg12 : memref<16xi32, #tpu.memory_space<vmem>>)
        tpu.yield
      }) : () -> ()
      "tpu.region"() ({
        %run_scoped3A = tpu.sem_alloc : memref<!tpu.dma_semaphore, #tpu.memory_space<semaphore_mem>>
        %dma_start3A_21 = tpu.memref_slice %arg5[%add3A_15] : memref<160000xi32, #tpu.memory_space<hbm>> -> memref<16xi32, #tpu.memory_space<hbm>>
        %dma_start3A_22 = tpu.memref_slice %arg5[%add3A_15] : memref<160000xi32, #tpu.memory_space<hbm>> -> memref<16xi32, #tpu.memory_space<hbm>>
        tpu.enqueue_dma source(%dma_start3A_22 : memref<16xi32, #tpu.memory_space<hbm>>) target(%arg13 : memref<16xi32, #tpu.memory_space<vmem>>) target_semaphore(%run_scoped3A : memref<!tpu.dma_semaphore, #tpu.memory_space<semaphore_mem>>)
        %dma_wait3A_23 = tpu.memref_slice %arg5[%add3A_15] : memref<160000xi32, #tpu.memory_space<hbm>> -> memref<16xi32, #tpu.memory_space<hbm>>
        %dma_wait3A_24 = tpu.memref_slice %arg5[%add3A_15] : memref<160000xi32, #tpu.memory_space<hbm>> -> memref<16xi32, #tpu.memory_space<hbm>>
        tpu.wait_dma2 semaphore(%run_scoped3A : memref<!tpu.dma_semaphore, #tpu.memory_space<semaphore_mem>>) src(%dma_wait3A_24 : memref<16xi32, #tpu.memory_space<hbm>>) dst(%arg13 : memref<16xi32, #tpu.memory_space<vmem>>)
        tpu.yield
      }) : () -> ()
      %dma_start3A = arith.constant 0 : i32
      %dma_start3A_16 = arith.constant 0 : i32
      %dma_start3A_17 = tpu.memref_slice %arg3[%dma_start3A, %dma_start3A_16] : memref<10240x160xf32, #tpu.memory_space<hbm>> -> memref<10240x160xf32, #tpu.memory_space<hbm>>
      tpu.enqueue_indirect_dma source(%dma_start3A_17 : memref<10240x160xf32, #tpu.memory_space<hbm>>) target(%arg14 : memref<16x160xf32, #tpu.memory_space<vmem>>) offsets(%arg12 : memref<16xi32, #tpu.memory_space<vmem>>) semaphore(%arg15 : memref<!tpu.dma_semaphore, #tpu.memory_space<semaphore_mem>>)
      %dma_wait3A = arith.constant 0 : i32
      %dma_wait3A_18 = arith.constant 0 : i32
      %dma_wait3A_19 = tpu.memref_slice %arg3[%dma_wait3A, %dma_wait3A_18] : memref<10240x160xf32, #tpu.memory_space<hbm>> -> memref<10240x160xf32, #tpu.memory_space<hbm>>
      tpu.wait_indirect_dma semaphore(%arg15 : memref<!tpu.dma_semaphore, #tpu.memory_space<semaphore_mem>>) src(%dma_wait3A_19 : memref<10240x160xf32, #tpu.memory_space<hbm>>) dst(%arg14 : memref<16x160xf32, #tpu.memory_space<vmem>>)
      "tpu.region"() ({
        %run_scoped3A = tpu.sem_alloc : memref<!tpu.dma_semaphore, #tpu.memory_space<semaphore_mem>>
        %dma_start3A_21 = arith.constant 0 : i32
        %dma_start3A_22 = arith.constant 0 : i32
        %dma_start3A_23 = tpu.memref_slice %arg8[%dma_start3A_21, %dma_start3A_22] : memref<10240x160xf32, #tpu.memory_space<vmem_shared>> -> memref<10240x160xf32, #tpu.memory_space<vmem_shared>>
        tpu.enqueue_indirect_dma source(%arg14 : memref<16x160xf32, #tpu.memory_space<vmem>>) target(%dma_start3A_23 : memref<10240x160xf32, #tpu.memory_space<vmem_shared>>) offsets(%arg13 : memref<16xi32, #tpu.memory_space<vmem>>) semaphore(%run_scoped3A : memref<!tpu.dma_semaphore, #tpu.memory_space<semaphore_mem>>) {add = true}
        %dma_wait3A_24 = arith.constant 0 : i32
        %dma_wait3A_25 = arith.constant 0 : i32
        %dma_wait3A_26 = tpu.memref_slice %arg8[%dma_wait3A_24, %dma_wait3A_25] : memref<10240x160xf32, #tpu.memory_space<vmem_shared>> -> memref<10240x160xf32, #tpu.memory_space<vmem_shared>>
        tpu.wait_indirect_dma semaphore(%run_scoped3A : memref<!tpu.dma_semaphore, #tpu.memory_space<semaphore_mem>>) src(%arg14 : memref<16x160xf32, #tpu.memory_space<vmem>>) dst(%dma_wait3A_26 : memref<10240x160xf32, #tpu.memory_space<vmem_shared>>)
        tpu.yield
      }) : () -> ()
      %barrier3A_20 = arith.constant 0 : index
      tpu.barrier barrier_id(%barrier3A_20)
      "tpu.region"() ({
        %run_scoped3A = tpu.sem_alloc : memref<!tpu.dma_semaphore, #tpu.memory_space<semaphore_mem>>
        %dma_start3A_21 = arith.constant 0 : i32
        %dma_start3A_22 = tpu.memref_slice %arg7[%mul3A_0, %dma_start3A_21] : memref<10240x160xf32, #tpu.memory_space<hbm>> -> memref<640x160xf32, #tpu.memory_space<hbm>>
        %dma_start3A_23 = arith.constant 0 : i32
        %dma_start3A_24 = tpu.memref_slice %arg8[%mul3A_0, %dma_start3A_23] : memref<10240x160xf32, #tpu.memory_space<vmem_shared>> -> memref<640x160xf32, #tpu.memory_space<vmem_shared>>
        tpu.enqueue_dma source(%dma_start3A_24 : memref<640x160xf32, #tpu.memory_space<vmem_shared>>) target(%dma_start3A_22 : memref<640x160xf32, #tpu.memory_space<hbm>>) target_semaphore(%run_scoped3A : memref<!tpu.dma_semaphore, #tpu.memory_space<semaphore_mem>>)
        %dma_wait3A_25 = arith.constant 0 : i32
        %dma_wait3A_26 = tpu.memref_slice %arg7[%mul3A_0, %dma_wait3A_25] : memref<10240x160xf32, #tpu.memory_space<hbm>> -> memref<640x160xf32, #tpu.memory_space<hbm>>
        %dma_wait3A_27 = arith.constant 0 : i32
        %dma_wait3A_28 = tpu.memref_slice %arg8[%mul3A_0, %dma_wait3A_27] : memref<10240x160xf32, #tpu.memory_space<vmem_shared>> -> memref<640x160xf32, #tpu.memory_space<vmem_shared>>
        tpu.wait_dma2 semaphore(%run_scoped3A : memref<!tpu.dma_semaphore, #tpu.memory_space<semaphore_mem>>) src(%dma_wait3A_28 : memref<640x160xf32, #tpu.memory_space<vmem_shared>>) dst(%dma_wait3A_26 : memref<640x160xf32, #tpu.memory_space<hbm>>)
        tpu.yield
      }) : () -> ()
    } else {
    }
    return
  }
}

#map = affine_map<(d0, d1) -> (0, 0)>
#map1 = affine_map<(d0, d1) -> (0)>
module attributes {stable_mosaic.version = 14 : i64} {
  func.func @run(%arg0: i32, %arg1: i32, %arg2: memref<10240x160xf32, #tpu.memory_space<hbm>>, %arg3: memref<10240x160xf32, #tpu.memory_space<hbm>>, %arg4: memref<160000xi32, #tpu.memory_space<hbm>>, %arg5: memref<160000xi32, #tpu.memory_space<hbm>>, %arg6: memref<10240x160xf32, #tpu.memory_space<hbm>>, %arg7: memref<10240x160xf32, #tpu.memory_space<hbm>>, %arg8: memref<10240x160xf32, #tpu.memory_space<vmem_shared>>, %arg9: memref<128xi32, #tpu.memory_space<vmem>>, %arg10: memref<128xi32, #tpu.memory_space<vmem>>, %arg11: memref<128x160xf32, #tpu.memory_space<vmem>>, %arg12: memref<16xi32, #tpu.memory_space<vmem>>, %arg13: memref<16xi32, #tpu.memory_space<vmem>>, %arg14: memref<16x160xf32, #tpu.memory_space<vmem>>, %arg15: memref<!tpu.dma_semaphore, #tpu.memory_space<semaphore_mem>>) attributes {dimension_semantics = [#tpu.dimension_semantics<core_parallel>, #tpu.dimension_semantics<subcore_parallel>], iteration_bounds = array<i64: 2, 16>, scalar_prefetch = 0 : i64, scratch_operands = 8 : i64, tpu.core_type = #tpu.core_type<sc_vector_subcore>, window_params = [{transform_indices = #map}, {transform_indices = #map}, {transform_indices = #map1}, {transform_indices = #map1}, {transform_indices = #map}, {transform_indices = #map}]} {
    %mul3A = arith.constant 640 : i32
    %mul3A_0 = arith.muli %arg1, %mul3A : i32
    %mul3A_1 = arith.constant 10000 : i32
    %mul3A_2 = arith.muli %arg1, %mul3A_1 : i32
    %eq3A = arith.constant 0 : i32
    %eq3A_3 = arith.cmpi eq, %arg0, %eq3A : i32
    %convert_element_type3A = arith.extui %eq3A_3 : i1 to i32
    %cond3A = arith.constant 0 : i32
    %cond3A_4 = arith.cmpi ne, %convert_element_type3A, %cond3A : i32
    scf.if %cond3A_4 {
      "tpu.region"() ({
        %run_scoped3A = tpu.sem_alloc : memref<!tpu.dma_semaphore, #tpu.memory_space<semaphore_mem>>
        %dma_start3A_21 = arith.constant 0 : i32
        %dma_start3A_22 = tpu.memref_slice %arg8[%mul3A_0, %dma_start3A_21] : memref<10240x160xf32, #tpu.memory_space<vmem_shared>> -> memref<640x160xf32, #tpu.memory_space<vmem_shared>>
        %dma_start3A_23 = arith.constant 0 : i32
        %dma_start3A_24 = tpu.memref_slice %arg2[%mul3A_0, %dma_start3A_23] : memref<10240x160xf32, #tpu.memory_space<hbm>> -> memref<640x160xf32, #tpu.memory_space<hbm>>
        tpu.enqueue_dma source(%dma_start3A_24 : memref<640x160xf32, #tpu.memory_space<hbm>>) target(%dma_start3A_22 : memref<640x160xf32, #tpu.memory_space<vmem_shared>>) target_semaphore(%run_scoped3A : memref<!tpu.dma_semaphore, #tpu.memory_space<semaphore_mem>>)
        %dma_wait3A_25 = arith.constant 0 : i32
        %dma_wait3A_26 = tpu.memref_slice %arg8[%mul3A_0, %dma_wait3A_25] : memref<10240x160xf32, #tpu.memory_space<vmem_shared>> -> memref<640x160xf32, #tpu.memory_space<vmem_shared>>
        %dma_wait3A_27 = arith.constant 0 : i32
        %dma_wait3A_28 = tpu.memref_slice %arg2[%mul3A_0, %dma_wait3A_27] : memref<10240x160xf32, #tpu.memory_space<hbm>> -> memref<640x160xf32, #tpu.memory_space<hbm>>
        tpu.wait_dma2 semaphore(%run_scoped3A : memref<!tpu.dma_semaphore, #tpu.memory_space<semaphore_mem>>) src(%dma_wait3A_28 : memref<640x160xf32, #tpu.memory_space<hbm>>) dst(%dma_wait3A_26 : memref<640x160xf32, #tpu.memory_space<vmem_shared>>)
        tpu.yield
      }) : () -> ()
      %barrier3A = arith.constant 0 : index
      tpu.barrier barrier_id(%barrier3A)
      %scan3A = arith.constant 0 : i32
      %scan3A_10 = arith.constant 0 : i32
      %scan3A_11 = arith.constant 78 : i32
      %scan3A_12 = arith.addi %scan3A_10, %scan3A_11 : i32
      %scan3A_13 = arith.constant 1 : i32
      scf.for %scan3A_21 = %scan3A_10 to %scan3A_12 step %scan3A_13  : i32 {
        %mul3A_22 = arith.constant 128 : i32
        %mul3A_23 = arith.muli %scan3A_21, %mul3A_22 : i32
        %add3A_24 = arith.addi %mul3A_2, %mul3A_23 : i32
        "tpu.region"() ({
          %run_scoped3A = tpu.sem_alloc : memref<!tpu.dma_semaphore, #tpu.memory_space<semaphore_mem>>
          %dma_start3A_31 = tpu.memref_slice %arg4[%add3A_24] : memref<160000xi32, #tpu.memory_space<hbm>> -> memref<128xi32, #tpu.memory_space<hbm>>
          %dma_start3A_32 = tpu.memref_slice %arg4[%add3A_24] : memref<160000xi32, #tpu.memory_space<hbm>> -> memref<128xi32, #tpu.memory_space<hbm>>
          tpu.enqueue_dma source(%dma_start3A_32 : memref<128xi32, #tpu.memory_space<hbm>>) target(%arg9 : memref<128xi32, #tpu.memory_space<vmem>>) target_semaphore(%run_scoped3A : memref<!tpu.dma_semaphore, #tpu.memory_space<semaphore_mem>>)
          %dma_wait3A_33 = tpu.memref_slice %arg4[%add3A_24] : memref<160000xi32, #tpu.memory_space<hbm>> -> memref<128xi32, #tpu.memory_space<hbm>>
          %dma_wait3A_34 = tpu.memref_slice %arg4[%add3A_24] : memref<160000xi32, #tpu.memory_space<hbm>> -> memref<128xi32, #tpu.memory_space<hbm>>
          tpu.wait_dma2 semaphore(%run_scoped3A : memref<!tpu.dma_semaphore, #tpu.memory_space<semaphore_mem>>) src(%dma_wait3A_34 : memref<128xi32, #tpu.memory_space<hbm>>) dst(%arg9 : memref<128xi32, #tpu.memory_space<vmem>>)
          tpu.yield
        }) : () -> ()
        "tpu.region"() ({
          %run_scoped3A = tpu.sem_alloc : memref<!tpu.dma_semaphore, #tpu.memory_space<semaphore_mem>>
          %dma_start3A_31 = tpu.memref_slice %arg5[%add3A_24] : memref<160000xi32, #tpu.memory_space<hbm>> -> memref<128xi32, #tpu.memory_space<hbm>>
          %dma_start3A_32 = tpu.memref_slice %arg5[%add3A_24] : memref<160000xi32, #tpu.memory_space<hbm>> -> memref<128xi32, #tpu.memory_space<hbm>>
          tpu.enqueue_dma source(%dma_start3A_32 : memref<128xi32, #tpu.memory_space<hbm>>) target(%arg10 : memref<128xi32, #tpu.memory_space<vmem>>) target_semaphore(%run_scoped3A : memref<!tpu.dma_semaphore, #tpu.memory_space<semaphore_mem>>)
          %dma_wait3A_33 = tpu.memref_slice %arg5[%add3A_24] : memref<160000xi32, #tpu.memory_space<hbm>> -> memref<128xi32, #tpu.memory_space<hbm>>
          %dma_wait3A_34 = tpu.memref_slice %arg5[%add3A_24] : memref<160000xi32, #tpu.memory_space<hbm>> -> memref<128xi32, #tpu.memory_space<hbm>>
          tpu.wait_dma2 semaphore(%run_scoped3A : memref<!tpu.dma_semaphore, #tpu.memory_space<semaphore_mem>>) src(%dma_wait3A_34 : memref<128xi32, #tpu.memory_space<hbm>>) dst(%arg10 : memref<128xi32, #tpu.memory_space<vmem>>)
          tpu.yield
        }) : () -> ()
        %dma_start3A_25 = arith.constant 0 : i32
        %dma_start3A_26 = arith.constant 0 : i32
        %dma_start3A_27 = tpu.memref_slice %arg2[%dma_start3A_25, %dma_start3A_26] : memref<10240x160xf32, #tpu.memory_space<hbm>> -> memref<10240x160xf32, #tpu.memory_space<hbm>>
        tpu.enqueue_indirect_dma source(%dma_start3A_27 : memref<10240x160xf32, #tpu.memory_space<hbm>>) target(%arg11 : memref<128x160xf32, #tpu.memory_space<vmem>>) offsets(%arg9 : memref<128xi32, #tpu.memory_space<vmem>>) semaphore(%arg15 : memref<!tpu.dma_semaphore, #tpu.memory_space<semaphore_mem>>)
        %dma_wait3A_28 = arith.constant 0 : i32
        %dma_wait3A_29 = arith.constant 0 : i32
        %dma_wait3A_30 = tpu.memref_slice %arg2[%dma_wait3A_28, %dma_wait3A_29] : memref<10240x160xf32, #tpu.memory_space<hbm>> -> memref<10240x160xf32, #tpu.memory_space<hbm>>
        tpu.wait_indirect_dma semaphore(%arg15 : memref<!tpu.dma_semaphore, #tpu.memory_space<semaphore_mem>>) src(%dma_wait3A_30 : memref<10240x160xf32, #tpu.memory_space<hbm>>) dst(%arg11 : memref<128x160xf32, #tpu.memory_space<vmem>>)
        "tpu.region"() ({
          %run_scoped3A = tpu.sem_alloc : memref<!tpu.dma_semaphore, #tpu.memory_space<semaphore_mem>>
          %dma_start3A_31 = arith.constant 0 : i32
          %dma_start3A_32 = arith.constant 0 : i32
          %dma_start3A_33 = tpu.memref_slice %arg8[%dma_start3A_31, %dma_start3A_32] : memref<10240x160xf32, #tpu.memory_space<vmem_shared>> -> memref<10240x160xf32, #tpu.memory_space<vmem_shared>>
          tpu.enqueue_indirect_dma source(%arg11 : memref<128x160xf32, #tpu.memory_space<vmem>>) target(%dma_start3A_33 : memref<10240x160xf32, #tpu.memory_space<vmem_shared>>) offsets(%arg10 : memref<128xi32, #tpu.memory_space<vmem>>) semaphore(%run_scoped3A : memref<!tpu.dma_semaphore, #tpu.memory_space<semaphore_mem>>) {add = true}
          %dma_wait3A_34 = arith.constant 0 : i32
          %dma_wait3A_35 = arith.constant 0 : i32
          %dma_wait3A_36 = tpu.memref_slice %arg8[%dma_wait3A_34, %dma_wait3A_35] : memref<10240x160xf32, #tpu.memory_space<vmem_shared>> -> memref<10240x160xf32, #tpu.memory_space<vmem_shared>>
          tpu.wait_indirect_dma semaphore(%run_scoped3A : memref<!tpu.dma_semaphore, #tpu.memory_space<semaphore_mem>>) src(%arg11 : memref<128x160xf32, #tpu.memory_space<vmem>>) dst(%dma_wait3A_36 : memref<10240x160xf32, #tpu.memory_space<vmem_shared>>)
          tpu.yield
        }) : () -> ()
      }
      %scan3A_14 = arith.constant 78 : i32
      %add3A = arith.constant 9984 : i32
      %add3A_15 = arith.addi %mul3A_2, %add3A : i32
      "tpu.region"() ({
        %run_scoped3A = tpu.sem_alloc : memref<!tpu.dma_semaphore, #tpu.memory_space<semaphore_mem>>
        %dma_start3A_21 = tpu.memref_slice %arg4[%add3A_15] : memref<160000xi32, #tpu.memory_space<hbm>> -> memref<16xi32, #tpu.memory_space<hbm>>
        %dma_start3A_22 = tpu.memref_slice %arg4[%add3A_15] : memref<160000xi32, #tpu.memory_space<hbm>> -> memref<16xi32, #tpu.memory_space<hbm>>
        tpu.enqueue_dma source(%dma_start3A_22 : memref<16xi32, #tpu.memory_space<hbm>>) target(%arg12 : memref<16xi32, #tpu.memory_space<vmem>>) target_semaphore(%run_scoped3A : memref<!tpu.dma_semaphore, #tpu.memory_space<semaphore_mem>>)
        %dma_wait3A_23 = tpu.memref_slice %arg4[%add3A_15] : memref<160000xi32, #tpu.memory_space<hbm>> -> memref<16xi32, #tpu.memory_space<hbm>>
        %dma_wait3A_24 = tpu.memref_slice %arg4[%add3A_15] : memref<160000xi32, #tpu.memory_space<hbm>> -> memref<16xi32, #tpu.memory_space<hbm>>
        tpu.wait_dma2 semaphore(%run_scoped3A : memref<!tpu.dma_semaphore, #tpu.memory_space<semaphore_mem>>) src(%dma_wait3A_24 : memref<16xi32, #tpu.memory_space<hbm>>) dst(%arg12 : memref<16xi32, #tpu.memory_space<vmem>>)
        tpu.yield
      }) : () -> ()
      "tpu.region"() ({
        %run_scoped3A = tpu.sem_alloc : memref<!tpu.dma_semaphore, #tpu.memory_space<semaphore_mem>>
        %dma_start3A_21 = tpu.memref_slice %arg5[%add3A_15] : memref<160000xi32, #tpu.memory_space<hbm>> -> memref<16xi32, #tpu.memory_space<hbm>>
        %dma_start3A_22 = tpu.memref_slice %arg5[%add3A_15] : memref<160000xi32, #tpu.memory_space<hbm>> -> memref<16xi32, #tpu.memory_space<hbm>>
        tpu.enqueue_dma source(%dma_start3A_22 : memref<16xi32, #tpu.memory_space<hbm>>) target(%arg13 : memref<16xi32, #tpu.memory_space<vmem>>) target_semaphore(%run_scoped3A : memref<!tpu.dma_semaphore, #tpu.memory_space<semaphore_mem>>)
        %dma_wait3A_23 = tpu.memref_slice %arg5[%add3A_15] : memref<160000xi32, #tpu.memory_space<hbm>> -> memref<16xi32, #tpu.memory_space<hbm>>
        %dma_wait3A_24 = tpu.memref_slice %arg5[%add3A_15] : memref<160000xi32, #tpu.memory_space<hbm>> -> memref<16xi32, #tpu.memory_space<hbm>>
        tpu.wait_dma2 semaphore(%run_scoped3A : memref<!tpu.dma_semaphore, #tpu.memory_space<semaphore_mem>>) src(%dma_wait3A_24 : memref<16xi32, #tpu.memory_space<hbm>>) dst(%arg13 : memref<16xi32, #tpu.memory_space<vmem>>)
        tpu.yield
      }) : () -> ()
      %dma_start3A = arith.constant 0 : i32
      %dma_start3A_16 = arith.constant 0 : i32
      %dma_start3A_17 = tpu.memref_slice %arg2[%dma_start3A, %dma_start3A_16] : memref<10240x160xf32, #tpu.memory_space<hbm>> -> memref<10240x160xf32, #tpu.memory_space<hbm>>
      tpu.enqueue_indirect_dma source(%dma_start3A_17 : memref<10240x160xf32, #tpu.memory_space<hbm>>) target(%arg14 : memref<16x160xf32, #tpu.memory_space<vmem>>) offsets(%arg12 : memref<16xi32, #tpu.memory_space<vmem>>) semaphore(%arg15 : memref<!tpu.dma_semaphore, #tpu.memory_space<semaphore_mem>>)
      %dma_wait3A = arith.constant 0 : i32
      %dma_wait3A_18 = arith.constant 0 : i32
      %dma_wait3A_19 = tpu.memref_slice %arg2[%dma_wait3A, %dma_wait3A_18] : memref<10240x160xf32, #tpu.memory_space<hbm>> -> memref<10240x160xf32, #tpu.memory_space<hbm>>
      tpu.wait_indirect_dma semaphore(%arg15 : memref<!tpu.dma_semaphore, #tpu.memory_space<semaphore_mem>>) src(%dma_wait3A_19 : memref<10240x160xf32, #tpu.memory_space<hbm>>) dst(%arg14 : memref<16x160xf32, #tpu.memory_space<vmem>>)
      "tpu.region"() ({
        %run_scoped3A = tpu.sem_alloc : memref<!tpu.dma_semaphore, #tpu.memory_space<semaphore_mem>>
        %dma_start3A_21 = arith.constant 0 : i32
        %dma_start3A_22 = arith.constant 0 : i32
        %dma_start3A_23 = tpu.memref_slice %arg8[%dma_start3A_21, %dma_start3A_22] : memref<10240x160xf32, #tpu.memory_space<vmem_shared>> -> memref<10240x160xf32, #tpu.memory_space<vmem_shared>>
        tpu.enqueue_indirect_dma source(%arg14 : memref<16x160xf32, #tpu.memory_space<vmem>>) target(%dma_start3A_23 : memref<10240x160xf32, #tpu.memory_space<vmem_shared>>) offsets(%arg13 : memref<16xi32, #tpu.memory_space<vmem>>) semaphore(%run_scoped3A : memref<!tpu.dma_semaphore, #tpu.memory_space<semaphore_mem>>) {add = true}
        %dma_wait3A_24 = arith.constant 0 : i32
        %dma_wait3A_25 = arith.constant 0 : i32
        %dma_wait3A_26 = tpu.memref_slice %arg8[%dma_wait3A_24, %dma_wait3A_25] : memref<10240x160xf32, #tpu.memory_space<vmem_shared>> -> memref<10240x160xf32, #tpu.memory_space<vmem_shared>>
        tpu.wait_indirect_dma semaphore(%run_scoped3A : memref<!tpu.dma_semaphore, #tpu.memory_space<semaphore_mem>>) src(%arg14 : memref<16x160xf32, #tpu.memory_space<vmem>>) dst(%dma_wait3A_26 : memref<10240x160xf32, #tpu.memory_space<vmem_shared>>)
        tpu.yield
      }) : () -> ()
      %barrier3A_20 = arith.constant 0 : index
      tpu.barrier barrier_id(%barrier3A_20)
      "tpu.region"() ({
        %run_scoped3A = tpu.sem_alloc : memref<!tpu.dma_semaphore, #tpu.memory_space<semaphore_mem>>
        %dma_start3A_21 = arith.constant 0 : i32
        %dma_start3A_22 = tpu.memref_slice %arg6[%mul3A_0, %dma_start3A_21] : memref<10240x160xf32, #tpu.memory_space<hbm>> -> memref<640x160xf32, #tpu.memory_space<hbm>>
        %dma_start3A_23 = arith.constant 0 : i32
        %dma_start3A_24 = tpu.memref_slice %arg8[%mul3A_0, %dma_start3A_23] : memref<10240x160xf32, #tpu.memory_space<vmem_shared>> -> memref<640x160xf32, #tpu.memory_space<vmem_shared>>
        tpu.enqueue_dma source(%dma_start3A_24 : memref<640x160xf32, #tpu.memory_space<vmem_shared>>) target(%dma_start3A_22 : memref<640x160xf32, #tpu.memory_space<hbm>>) target_semaphore(%run_scoped3A : memref<!tpu.dma_semaphore, #tpu.memory_space<semaphore_mem>>)
        %dma_wait3A_25 = arith.constant 0 : i32
        %dma_wait3A_26 = tpu.memref_slice %arg6[%mul3A_0, %dma_wait3A_25] : memref<10240x160xf32, #tpu.memory_space<hbm>> -> memref<640x160xf32, #tpu.memory_space<hbm>>
        %dma_wait3A_27 = arith.constant 0 : i32
        %dma_wait3A_28 = tpu.memref_slice %arg8[%mul3A_0, %dma_wait3A_27] : memref<10240x160xf32, #tpu.memory_space<vmem_shared>> -> memref<640x160xf32, #tpu.memory_space<vmem_shared>>
        tpu.wait_dma2 semaphore(%run_scoped3A : memref<!tpu.dma_semaphore, #tpu.memory_space<semaphore_mem>>) src(%dma_wait3A_28 : memref<640x160xf32, #tpu.memory_space<vmem_shared>>) dst(%dma_wait3A_26 : memref<640x160xf32, #tpu.memory_space<hbm>>)
        tpu.yield
      }) : () -> ()
    } else {
    }
    %eq3A_5 = arith.constant 1 : i32
    %eq3A_6 = arith.cmpi eq, %arg0, %eq3A_5 : i32
    %convert_element_type3A_7 = arith.extui %eq3A_6 : i1 to i32
    %cond3A_8 = arith.constant 0 : i32
    %cond3A_9 = arith.cmpi ne, %convert_element_type3A_7, %cond3A_8 : i32
    scf.if %cond3A_9 {
      "tpu.region"() ({
        %run_scoped3A = tpu.sem_alloc : memref<!tpu.dma_semaphore, #tpu.memory_space<semaphore_mem>>
        %dma_start3A_21 = arith.constant 0 : i32
        %dma_start3A_22 = tpu.memref_slice %arg8[%mul3A_0, %dma_start3A_21] : memref<10240x160xf32, #tpu.memory_space<vmem_shared>> -> memref<640x160xf32, #tpu.memory_space<vmem_shared>>
        %dma_start3A_23 = arith.constant 0 : i32
        %dma_start3A_24 = tpu.memref_slice %arg3[%mul3A_0, %dma_start3A_23] : memref<10240x160xf32, #tpu.memory_space<hbm>> -> memref<640x160xf32, #tpu.memory_space<hbm>>
        tpu.enqueue_dma source(%dma_start3A_24 : memref<640x160xf32, #tpu.memory_space<hbm>>) target(%dma_start3A_22 : memref<640x160xf32, #tpu.memory_space<vmem_shared>>) target_semaphore(%run_scoped3A : memref<!tpu.dma_semaphore, #tpu.memory_space<semaphore_mem>>)
        %dma_wait3A_25 = arith.constant 0 : i32
        %dma_wait3A_26 = tpu.memref_slice %arg8[%mul3A_0, %dma_wait3A_25] : memref<10240x160xf32, #tpu.memory_space<vmem_shared>> -> memref<640x160xf32, #tpu.memory_space<vmem_shared>>
        %dma_wait3A_27 = arith.constant 0 : i32
        %dma_wait3A_28 = tpu.memref_slice %arg3[%mul3A_0, %dma_wait3A_27] : memref<10240x160xf32, #tpu.memory_space<hbm>> -> memref<640x160xf32, #tpu.memory_space<hbm>>
        tpu.wait_dma2 semaphore(%run_scoped3A : memref<!tpu.dma_semaphore, #tpu.memory_space<semaphore_mem>>) src(%dma_wait3A_28 : memref<640x160xf32, #tpu.memory_space<hbm>>) dst(%dma_wait3A_26 : memref<640x160xf32, #tpu.memory_space<vmem_shared>>)
        tpu.yield
      }) : () -> ()
      %barrier3A = arith.constant 0 : index
      tpu.barrier barrier_id(%barrier3A)
      %scan3A = arith.constant 0 : i32
      %scan3A_10 = arith.constant 0 : i32
      %scan3A_11 = arith.constant 78 : i32
      %scan3A_12 = arith.addi %scan3A_10, %scan3A_11 : i32
      %scan3A_13 = arith.constant 1 : i32
      scf.for %scan3A_21 = %scan3A_10 to %scan3A_12 step %scan3A_13  : i32 {
        %mul3A_22 = arith.constant 128 : i32
        %mul3A_23 = arith.muli %scan3A_21, %mul3A_22 : i32
        %add3A_24 = arith.addi %mul3A_2, %mul3A_23 : i32
        "tpu.region"() ({
          %run_scoped3A = tpu.sem_alloc : memref<!tpu.dma_semaphore, #tpu.memory_space<semaphore_mem>>
          %dma_start3A_31 = tpu.memref_slice %arg4[%add3A_24] : memref<160000xi32, #tpu.memory_space<hbm>> -> memref<128xi32, #tpu.memory_space<hbm>>
          %dma_start3A_32 = tpu.memref_slice %arg4[%add3A_24] : memref<160000xi32, #tpu.memory_space<hbm>> -> memref<128xi32, #tpu.memory_space<hbm>>
          tpu.enqueue_dma source(%dma_start3A_32 : memref<128xi32, #tpu.memory_space<hbm>>) target(%arg9 : memref<128xi32, #tpu.memory_space<vmem>>) target_semaphore(%run_scoped3A : memref<!tpu.dma_semaphore, #tpu.memory_space<semaphore_mem>>)
          %dma_wait3A_33 = tpu.memref_slice %arg4[%add3A_24] : memref<160000xi32, #tpu.memory_space<hbm>> -> memref<128xi32, #tpu.memory_space<hbm>>
          %dma_wait3A_34 = tpu.memref_slice %arg4[%add3A_24] : memref<160000xi32, #tpu.memory_space<hbm>> -> memref<128xi32, #tpu.memory_space<hbm>>
          tpu.wait_dma2 semaphore(%run_scoped3A : memref<!tpu.dma_semaphore, #tpu.memory_space<semaphore_mem>>) src(%dma_wait3A_34 : memref<128xi32, #tpu.memory_space<hbm>>) dst(%arg9 : memref<128xi32, #tpu.memory_space<vmem>>)
          tpu.yield
        }) : () -> ()
        "tpu.region"() ({
          %run_scoped3A = tpu.sem_alloc : memref<!tpu.dma_semaphore, #tpu.memory_space<semaphore_mem>>
          %dma_start3A_31 = tpu.memref_slice %arg5[%add3A_24] : memref<160000xi32, #tpu.memory_space<hbm>> -> memref<128xi32, #tpu.memory_space<hbm>>
          %dma_start3A_32 = tpu.memref_slice %arg5[%add3A_24] : memref<160000xi32, #tpu.memory_space<hbm>> -> memref<128xi32, #tpu.memory_space<hbm>>
          tpu.enqueue_dma source(%dma_start3A_32 : memref<128xi32, #tpu.memory_space<hbm>>) target(%arg10 : memref<128xi32, #tpu.memory_space<vmem>>) target_semaphore(%run_scoped3A : memref<!tpu.dma_semaphore, #tpu.memory_space<semaphore_mem>>)
          %dma_wait3A_33 = tpu.memref_slice %arg5[%add3A_24] : memref<160000xi32, #tpu.memory_space<hbm>> -> memref<128xi32, #tpu.memory_space<hbm>>
          %dma_wait3A_34 = tpu.memref_slice %arg5[%add3A_24] : memref<160000xi32, #tpu.memory_space<hbm>> -> memref<128xi32, #tpu.memory_space<hbm>>
          tpu.wait_dma2 semaphore(%run_scoped3A : memref<!tpu.dma_semaphore, #tpu.memory_space<semaphore_mem>>) src(%dma_wait3A_34 : memref<128xi32, #tpu.memory_space<hbm>>) dst(%arg10 : memref<128xi32, #tpu.memory_space<vmem>>)
          tpu.yield
        }) : () -> ()
        %dma_start3A_25 = arith.constant 0 : i32
        %dma_start3A_26 = arith.constant 0 : i32
        %dma_start3A_27 = tpu.memref_slice %arg3[%dma_start3A_25, %dma_start3A_26] : memref<10240x160xf32, #tpu.memory_space<hbm>> -> memref<10240x160xf32, #tpu.memory_space<hbm>>
        tpu.enqueue_indirect_dma source(%dma_start3A_27 : memref<10240x160xf32, #tpu.memory_space<hbm>>) target(%arg11 : memref<128x160xf32, #tpu.memory_space<vmem>>) offsets(%arg9 : memref<128xi32, #tpu.memory_space<vmem>>) semaphore(%arg15 : memref<!tpu.dma_semaphore, #tpu.memory_space<semaphore_mem>>)
        %dma_wait3A_28 = arith.constant 0 : i32
        %dma_wait3A_29 = arith.constant 0 : i32
        %dma_wait3A_30 = tpu.memref_slice %arg3[%dma_wait3A_28, %dma_wait3A_29] : memref<10240x160xf32, #tpu.memory_space<hbm>> -> memref<10240x160xf32, #tpu.memory_space<hbm>>
        tpu.wait_indirect_dma semaphore(%arg15 : memref<!tpu.dma_semaphore, #tpu.memory_space<semaphore_mem>>) src(%dma_wait3A_30 : memref<10240x160xf32, #tpu.memory_space<hbm>>) dst(%arg11 : memref<128x160xf32, #tpu.memory_space<vmem>>)
        "tpu.region"() ({
          %run_scoped3A = tpu.sem_alloc : memref<!tpu.dma_semaphore, #tpu.memory_space<semaphore_mem>>
          %dma_start3A_31 = arith.constant 0 : i32
          %dma_start3A_32 = arith.constant 0 : i32
          %dma_start3A_33 = tpu.memref_slice %arg8[%dma_start3A_31, %dma_start3A_32] : memref<10240x160xf32, #tpu.memory_space<vmem_shared>> -> memref<10240x160xf32, #tpu.memory_space<vmem_shared>>
          tpu.enqueue_indirect_dma source(%arg11 : memref<128x160xf32, #tpu.memory_space<vmem>>) target(%dma_start3A_33 : memref<10240x160xf32, #tpu.memory_space<vmem_shared>>) offsets(%arg10 : memref<128xi32, #tpu.memory_space<vmem>>) semaphore(%run_scoped3A : memref<!tpu.dma_semaphore, #tpu.memory_space<semaphore_mem>>) {add = true}
          %dma_wait3A_34 = arith.constant 0 : i32
          %dma_wait3A_35 = arith.constant 0 : i32
          %dma_wait3A_36 = tpu.memref_slice %arg8[%dma_wait3A_34, %dma_wait3A_35] : memref<10240x160xf32, #tpu.memory_space<vmem_shared>> -> memref<10240x160xf32, #tpu.memory_space<vmem_shared>>
          tpu.wait_indirect_dma semaphore(%run_scoped3A : memref<!tpu.dma_semaphore, #tpu.memory_space<semaphore_mem>>) src(%arg11 : memref<128x160xf32, #tpu.memory_space<vmem>>) dst(%dma_wait3A_36 : memref<10240x160xf32, #tpu.memory_space<vmem_shared>>)
          tpu.yield
        }) : () -> ()
      }
      %scan3A_14 = arith.constant 78 : i32
      %add3A = arith.constant 9984 : i32
      %add3A_15 = arith.addi %mul3A_2, %add3A : i32
      "tpu.region"() ({
        %run_scoped3A = tpu.sem_alloc : memref<!tpu.dma_semaphore, #tpu.memory_space<semaphore_mem>>
        %dma_start3A_21 = tpu.memref_slice %arg4[%add3A_15] : memref<160000xi32, #tpu.memory_space<hbm>> -> memref<16xi32, #tpu.memory_space<hbm>>
        %dma_start3A_22 = tpu.memref_slice %arg4[%add3A_15] : memref<160000xi32, #tpu.memory_space<hbm>> -> memref<16xi32, #tpu.memory_space<hbm>>
        tpu.enqueue_dma source(%dma_start3A_22 : memref<16xi32, #tpu.memory_space<hbm>>) target(%arg12 : memref<16xi32, #tpu.memory_space<vmem>>) target_semaphore(%run_scoped3A : memref<!tpu.dma_semaphore, #tpu.memory_space<semaphore_mem>>)
        %dma_wait3A_23 = tpu.memref_slice %arg4[%add3A_15] : memref<160000xi32, #tpu.memory_space<hbm>> -> memref<16xi32, #tpu.memory_space<hbm>>
        %dma_wait3A_24 = tpu.memref_slice %arg4[%add3A_15] : memref<160000xi32, #tpu.memory_space<hbm>> -> memref<16xi32, #tpu.memory_space<hbm>>
        tpu.wait_dma2 semaphore(%run_scoped3A : memref<!tpu.dma_semaphore, #tpu.memory_space<semaphore_mem>>) src(%dma_wait3A_24 : memref<16xi32, #tpu.memory_space<hbm>>) dst(%arg12 : memref<16xi32, #tpu.memory_space<vmem>>)
        tpu.yield
      }) : () -> ()
      "tpu.region"() ({
        %run_scoped3A = tpu.sem_alloc : memref<!tpu.dma_semaphore, #tpu.memory_space<semaphore_mem>>
        %dma_start3A_21 = tpu.memref_slice %arg5[%add3A_15] : memref<160000xi32, #tpu.memory_space<hbm>> -> memref<16xi32, #tpu.memory_space<hbm>>
        %dma_start3A_22 = tpu.memref_slice %arg5[%add3A_15] : memref<160000xi32, #tpu.memory_space<hbm>> -> memref<16xi32, #tpu.memory_space<hbm>>
        tpu.enqueue_dma source(%dma_start3A_22 : memref<16xi32, #tpu.memory_space<hbm>>) target(%arg13 : memref<16xi32, #tpu.memory_space<vmem>>) target_semaphore(%run_scoped3A : memref<!tpu.dma_semaphore, #tpu.memory_space<semaphore_mem>>)
        %dma_wait3A_23 = tpu.memref_slice %arg5[%add3A_15] : memref<160000xi32, #tpu.memory_space<hbm>> -> memref<16xi32, #tpu.memory_space<hbm>>
        %dma_wait3A_24 = tpu.memref_slice %arg5[%add3A_15] : memref<160000xi32, #tpu.memory_space<hbm>> -> memref<16xi32, #tpu.memory_space<hbm>>
        tpu.wait_dma2 semaphore(%run_scoped3A : memref<!tpu.dma_semaphore, #tpu.memory_space<semaphore_mem>>) src(%dma_wait3A_24 : memref<16xi32, #tpu.memory_space<hbm>>) dst(%arg13 : memref<16xi32, #tpu.memory_space<vmem>>)
        tpu.yield
      }) : () -> ()
      %dma_start3A = arith.constant 0 : i32
      %dma_start3A_16 = arith.constant 0 : i32
      %dma_start3A_17 = tpu.memref_slice %arg3[%dma_start3A, %dma_start3A_16] : memref<10240x160xf32, #tpu.memory_space<hbm>> -> memref<10240x160xf32, #tpu.memory_space<hbm>>
      tpu.enqueue_indirect_dma source(%dma_start3A_17 : memref<10240x160xf32, #tpu.memory_space<hbm>>) target(%arg14 : memref<16x160xf32, #tpu.memory_space<vmem>>) offsets(%arg12 : memref<16xi32, #tpu.memory_space<vmem>>) semaphore(%arg15 : memref<!tpu.dma_semaphore, #tpu.memory_space<semaphore_mem>>)
      %dma_wait3A = arith.constant 0 : i32
      %dma_wait3A_18 = arith.constant 0 : i32
      %dma_wait3A_19 = tpu.memref_slice %arg3[%dma_wait3A, %dma_wait3A_18] : memref<10240x160xf32, #tpu.memory_space<hbm>> -> memref<10240x160xf32, #tpu.memory_space<hbm>>
      tpu.wait_indirect_dma semaphore(%arg15 : memref<!tpu.dma_semaphore, #tpu.memory_space<semaphore_mem>>) src(%dma_wait3A_19 : memref<10240x160xf32, #tpu.memory_space<hbm>>) dst(%arg14 : memref<16x160xf32, #tpu.memory_space<vmem>>)
      "tpu.region"() ({
        %run_scoped3A = tpu.sem_alloc : memref<!tpu.dma_semaphore, #tpu.memory_space<semaphore_mem>>
        %dma_start3A_21 = arith.constant 0 : i32
        %dma_start3A_22 = arith.constant 0 : i32
        %dma_start3A_23 = tpu.memref_slice %arg8[%dma_start3A_21, %dma_start3A_22] : memref<10240x160xf32, #tpu.memory_space<vmem_shared>> -> memref<10240x160xf32, #tpu.memory_space<vmem_shared>>
        tpu.enqueue_indirect_dma source(%arg14 : memref<16x160xf32, #tpu.memory_space<vmem>>) target(%dma_start3A_23 : memref<10240x160xf32, #tpu.memory_space<vmem_shared>>) offsets(%arg13 : memref<16xi32, #tpu.memory_space<vmem>>) semaphore(%run_scoped3A : memref<!tpu.dma_semaphore, #tpu.memory_space<semaphore_mem>>) {add = true}
        %dma_wait3A_24 = arith.constant 0 : i32
        %dma_wait3A_25 = arith.constant 0 : i32
        %dma_wait3A_26 = tpu.memref_slice %arg8[%dma_wait3A_24, %dma_wait3A_25] : memref<10240x160xf32, #tpu.memory_space<vmem_shared>> -> memref<10240x160xf32, #tpu.memory_space<vmem_shared>>
        tpu.wait_indirect_dma semaphore(%run_scoped3A : memref<!tpu.dma_semaphore, #tpu.memory_space<semaphore_mem>>) src(%arg14 : memref<16x160xf32, #tpu.memory_space<vmem>>) dst(%dma_wait3A_26 : memref<10240x160xf32, #tpu.memory_space<vmem_shared>>)
        tpu.yield
      }) : () -> ()
      %barrier3A_20 = arith.constant 0 : index
      tpu.barrier barrier_id(%barrier3A_20)
      "tpu.region"() ({
        %run_scoped3A = tpu.sem_alloc : memref<!tpu.dma_semaphore, #tpu.memory_space<semaphore_mem>>
        %dma_start3A_21 = arith.constant 0 : i32
        %dma_start3A_22 = tpu.memref_slice %arg7[%mul3A_0, %dma_start3A_21] : memref<10240x160xf32, #tpu.memory_space<hbm>> -> memref<640x160xf32, #tpu.memory_space<hbm>>
        %dma_start3A_23 = arith.constant 0 : i32
        %dma_start3A_24 = tpu.memref_slice %arg8[%mul3A_0, %dma_start3A_23] : memref<10240x160xf32, #tpu.memory_space<vmem_shared>> -> memref<640x160xf32, #tpu.memory_space<vmem_shared>>
        tpu.enqueue_dma source(%dma_start3A_24 : memref<640x160xf32, #tpu.memory_space<vmem_shared>>) target(%dma_start3A_22 : memref<640x160xf32, #tpu.memory_space<hbm>>) target_semaphore(%run_scoped3A : memref<!tpu.dma_semaphore, #tpu.memory_space<semaphore_mem>>)
        %dma_wait3A_25 = arith.constant 0 : i32
        %dma_wait3A_26 = tpu.memref_slice %arg7[%mul3A_0, %dma_wait3A_25] : memref<10240x160xf32, #tpu.memory_space<hbm>> -> memref<640x160xf32, #tpu.memory_space<hbm>>
        %dma_wait3A_27 = arith.constant 0 : i32
        %dma_wait3A_28 = tpu.memref_slice %arg8[%mul3A_0, %dma_wait3A_27] : memref<10240x160xf32, #tpu.memory_space<vmem_shared>> -> memref<640x160xf32, #tpu.memory_space<vmem_shared>>
        tpu.wait_dma2 semaphore(%run_scoped3A : memref<!tpu.dma_semaphore, #tpu.memory_space<semaphore_mem>>) src(%dma_wait3A_28 : memref<640x160xf32, #tpu.memory_space<vmem_shared>>) dst(%dma_wait3A_26 : memref<640x160xf32, #tpu.memory_space<hbm>>)
        tpu.yield
      }) : () -> ()
    } else {
    }
    return
  }
}

#map = affine_map<(d0, d1) -> (0, 0)>
#map1 = affine_map<(d0, d1) -> (0)>
module attributes {stable_mosaic.version = 14 : i64} {
  func.func @run(%arg0: i32, %arg1: i32, %arg2: memref<10240x160xf32, #tpu.memory_space<hbm>>, %arg3: memref<10240x160xf32, #tpu.memory_space<hbm>>, %arg4: memref<160000xi32, #tpu.memory_space<hbm>>, %arg5: memref<160000xi32, #tpu.memory_space<hbm>>, %arg6: memref<10240x160xf32, #tpu.memory_space<hbm>>, %arg7: memref<10240x160xf32, #tpu.memory_space<hbm>>, %arg8: memref<10240x160xf32, #tpu.memory_space<vmem_shared>>, %arg9: memref<128xi32, #tpu.memory_space<vmem>>, %arg10: memref<128xi32, #tpu.memory_space<vmem>>, %arg11: memref<128x160xf32, #tpu.memory_space<vmem>>, %arg12: memref<16xi32, #tpu.memory_space<vmem>>, %arg13: memref<16xi32, #tpu.memory_space<vmem>>, %arg14: memref<16x160xf32, #tpu.memory_space<vmem>>, %arg15: memref<!tpu.dma_semaphore, #tpu.memory_space<semaphore_mem>>) attributes {dimension_semantics = [#tpu.dimension_semantics<core_parallel>, #tpu.dimension_semantics<subcore_parallel>], iteration_bounds = array<i64: 2, 16>, scalar_prefetch = 0 : i64, scratch_operands = 8 : i64, tpu.core_type = #tpu.core_type<sc_vector_subcore>, window_params = [{transform_indices = #map}, {transform_indices = #map}, {transform_indices = #map1}, {transform_indices = #map1}, {transform_indices = #map}, {transform_indices = #map}]} {
    %mul3A = arith.constant 640 : i32
    %mul3A_0 = arith.muli %arg1, %mul3A : i32
    %mul3A_1 = arith.constant 10000 : i32
    %mul3A_2 = arith.muli %arg1, %mul3A_1 : i32
    %eq3A = arith.constant 0 : i32
    %eq3A_3 = arith.cmpi eq, %arg0, %eq3A : i32
    %convert_element_type3A = arith.extui %eq3A_3 : i1 to i32
    %cond3A = arith.constant 0 : i32
    %cond3A_4 = arith.cmpi ne, %convert_element_type3A, %cond3A : i32
    scf.if %cond3A_4 {
      "tpu.region"() ({
        %run_scoped3A = tpu.sem_alloc : memref<!tpu.dma_semaphore, #tpu.memory_space<semaphore_mem>>
        %dma_start3A_21 = arith.constant 0 : i32
        %dma_start3A_22 = tpu.memref_slice %arg8[%mul3A_0, %dma_start3A_21] : memref<10240x160xf32, #tpu.memory_space<vmem_shared>> -> memref<640x160xf32, #tpu.memory_space<vmem_shared>>
        %dma_start3A_23 = arith.constant 0 : i32
        %dma_start3A_24 = tpu.memref_slice %arg2[%mul3A_0, %dma_start3A_23] : memref<10240x160xf32, #tpu.memory_space<hbm>> -> memref<640x160xf32, #tpu.memory_space<hbm>>
        tpu.enqueue_dma source(%dma_start3A_24 : memref<640x160xf32, #tpu.memory_space<hbm>>) target(%dma_start3A_22 : memref<640x160xf32, #tpu.memory_space<vmem_shared>>) target_semaphore(%run_scoped3A : memref<!tpu.dma_semaphore, #tpu.memory_space<semaphore_mem>>)
        %dma_wait3A_25 = arith.constant 0 : i32
        %dma_wait3A_26 = tpu.memref_slice %arg8[%mul3A_0, %dma_wait3A_25] : memref<10240x160xf32, #tpu.memory_space<vmem_shared>> -> memref<640x160xf32, #tpu.memory_space<vmem_shared>>
        %dma_wait3A_27 = arith.constant 0 : i32
        %dma_wait3A_28 = tpu.memref_slice %arg2[%mul3A_0, %dma_wait3A_27] : memref<10240x160xf32, #tpu.memory_space<hbm>> -> memref<640x160xf32, #tpu.memory_space<hbm>>
        tpu.wait_dma2 semaphore(%run_scoped3A : memref<!tpu.dma_semaphore, #tpu.memory_space<semaphore_mem>>) src(%dma_wait3A_28 : memref<640x160xf32, #tpu.memory_space<hbm>>) dst(%dma_wait3A_26 : memref<640x160xf32, #tpu.memory_space<vmem_shared>>)
        tpu.yield
      }) : () -> ()
      %barrier3A = arith.constant 0 : index
      tpu.barrier barrier_id(%barrier3A)
      %scan3A = arith.constant 0 : i32
      %scan3A_10 = arith.constant 0 : i32
      %scan3A_11 = arith.constant 78 : i32
      %scan3A_12 = arith.addi %scan3A_10, %scan3A_11 : i32
      %scan3A_13 = arith.constant 1 : i32
      scf.for %scan3A_21 = %scan3A_10 to %scan3A_12 step %scan3A_13  : i32 {
        %mul3A_22 = arith.constant 128 : i32
        %mul3A_23 = arith.muli %scan3A_21, %mul3A_22 : i32
        %add3A_24 = arith.addi %mul3A_2, %mul3A_23 : i32
        "tpu.region"() ({
          %run_scoped3A = tpu.sem_alloc : memref<!tpu.dma_semaphore, #tpu.memory_space<semaphore_mem>>
          %dma_start3A_31 = tpu.memref_slice %arg4[%add3A_24] : memref<160000xi32, #tpu.memory_space<hbm>> -> memref<128xi32, #tpu.memory_space<hbm>>
          %dma_start3A_32 = tpu.memref_slice %arg4[%add3A_24] : memref<160000xi32, #tpu.memory_space<hbm>> -> memref<128xi32, #tpu.memory_space<hbm>>
          tpu.enqueue_dma source(%dma_start3A_32 : memref<128xi32, #tpu.memory_space<hbm>>) target(%arg9 : memref<128xi32, #tpu.memory_space<vmem>>) target_semaphore(%run_scoped3A : memref<!tpu.dma_semaphore, #tpu.memory_space<semaphore_mem>>)
          %dma_wait3A_33 = tpu.memref_slice %arg4[%add3A_24] : memref<160000xi32, #tpu.memory_space<hbm>> -> memref<128xi32, #tpu.memory_space<hbm>>
          %dma_wait3A_34 = tpu.memref_slice %arg4[%add3A_24] : memref<160000xi32, #tpu.memory_space<hbm>> -> memref<128xi32, #tpu.memory_space<hbm>>
          tpu.wait_dma2 semaphore(%run_scoped3A : memref<!tpu.dma_semaphore, #tpu.memory_space<semaphore_mem>>) src(%dma_wait3A_34 : memref<128xi32, #tpu.memory_space<hbm>>) dst(%arg9 : memref<128xi32, #tpu.memory_space<vmem>>)
          tpu.yield
        }) : () -> ()
        "tpu.region"() ({
          %run_scoped3A = tpu.sem_alloc : memref<!tpu.dma_semaphore, #tpu.memory_space<semaphore_mem>>
          %dma_start3A_31 = tpu.memref_slice %arg5[%add3A_24] : memref<160000xi32, #tpu.memory_space<hbm>> -> memref<128xi32, #tpu.memory_space<hbm>>
          %dma_start3A_32 = tpu.memref_slice %arg5[%add3A_24] : memref<160000xi32, #tpu.memory_space<hbm>> -> memref<128xi32, #tpu.memory_space<hbm>>
          tpu.enqueue_dma source(%dma_start3A_32 : memref<128xi32, #tpu.memory_space<hbm>>) target(%arg10 : memref<128xi32, #tpu.memory_space<vmem>>) target_semaphore(%run_scoped3A : memref<!tpu.dma_semaphore, #tpu.memory_space<semaphore_mem>>)
          %dma_wait3A_33 = tpu.memref_slice %arg5[%add3A_24] : memref<160000xi32, #tpu.memory_space<hbm>> -> memref<128xi32, #tpu.memory_space<hbm>>
          %dma_wait3A_34 = tpu.memref_slice %arg5[%add3A_24] : memref<160000xi32, #tpu.memory_space<hbm>> -> memref<128xi32, #tpu.memory_space<hbm>>
          tpu.wait_dma2 semaphore(%run_scoped3A : memref<!tpu.dma_semaphore, #tpu.memory_space<semaphore_mem>>) src(%dma_wait3A_34 : memref<128xi32, #tpu.memory_space<hbm>>) dst(%arg10 : memref<128xi32, #tpu.memory_space<vmem>>)
          tpu.yield
        }) : () -> ()
        %dma_start3A_25 = arith.constant 0 : i32
        %dma_start3A_26 = arith.constant 0 : i32
        %dma_start3A_27 = tpu.memref_slice %arg2[%dma_start3A_25, %dma_start3A_26] : memref<10240x160xf32, #tpu.memory_space<hbm>> -> memref<10240x160xf32, #tpu.memory_space<hbm>>
        tpu.enqueue_indirect_dma source(%dma_start3A_27 : memref<10240x160xf32, #tpu.memory_space<hbm>>) target(%arg11 : memref<128x160xf32, #tpu.memory_space<vmem>>) offsets(%arg9 : memref<128xi32, #tpu.memory_space<vmem>>) semaphore(%arg15 : memref<!tpu.dma_semaphore, #tpu.memory_space<semaphore_mem>>)
        %dma_wait3A_28 = arith.constant 0 : i32
        %dma_wait3A_29 = arith.constant 0 : i32
        %dma_wait3A_30 = tpu.memref_slice %arg2[%dma_wait3A_28, %dma_wait3A_29] : memref<10240x160xf32, #tpu.memory_space<hbm>> -> memref<10240x160xf32, #tpu.memory_space<hbm>>
        tpu.wait_indirect_dma semaphore(%arg15 : memref<!tpu.dma_semaphore, #tpu.memory_space<semaphore_mem>>) src(%dma_wait3A_30 : memref<10240x160xf32, #tpu.memory_space<hbm>>) dst(%arg11 : memref<128x160xf32, #tpu.memory_space<vmem>>)
        "tpu.region"() ({
          %run_scoped3A = tpu.sem_alloc : memref<!tpu.dma_semaphore, #tpu.memory_space<semaphore_mem>>
          %dma_start3A_31 = arith.constant 0 : i32
          %dma_start3A_32 = arith.constant 0 : i32
          %dma_start3A_33 = tpu.memref_slice %arg8[%dma_start3A_31, %dma_start3A_32] : memref<10240x160xf32, #tpu.memory_space<vmem_shared>> -> memref<10240x160xf32, #tpu.memory_space<vmem_shared>>
          tpu.enqueue_indirect_dma source(%arg11 : memref<128x160xf32, #tpu.memory_space<vmem>>) target(%dma_start3A_33 : memref<10240x160xf32, #tpu.memory_space<vmem_shared>>) offsets(%arg10 : memref<128xi32, #tpu.memory_space<vmem>>) semaphore(%run_scoped3A : memref<!tpu.dma_semaphore, #tpu.memory_space<semaphore_mem>>) {add = true}
          %dma_wait3A_34 = arith.constant 0 : i32
          %dma_wait3A_35 = arith.constant 0 : i32
          %dma_wait3A_36 = tpu.memref_slice %arg8[%dma_wait3A_34, %dma_wait3A_35] : memref<10240x160xf32, #tpu.memory_space<vmem_shared>> -> memref<10240x160xf32, #tpu.memory_space<vmem_shared>>
          tpu.wait_indirect_dma semaphore(%run_scoped3A : memref<!tpu.dma_semaphore, #tpu.memory_space<semaphore_mem>>) src(%arg11 : memref<128x160xf32, #tpu.memory_space<vmem>>) dst(%dma_wait3A_36 : memref<10240x160xf32, #tpu.memory_space<vmem_shared>>)
          tpu.yield
        }) : () -> ()
      }
      %scan3A_14 = arith.constant 78 : i32
      %add3A = arith.constant 9984 : i32
      %add3A_15 = arith.addi %mul3A_2, %add3A : i32
      "tpu.region"() ({
        %run_scoped3A = tpu.sem_alloc : memref<!tpu.dma_semaphore, #tpu.memory_space<semaphore_mem>>
        %dma_start3A_21 = tpu.memref_slice %arg4[%add3A_15] : memref<160000xi32, #tpu.memory_space<hbm>> -> memref<16xi32, #tpu.memory_space<hbm>>
        %dma_start3A_22 = tpu.memref_slice %arg4[%add3A_15] : memref<160000xi32, #tpu.memory_space<hbm>> -> memref<16xi32, #tpu.memory_space<hbm>>
        tpu.enqueue_dma source(%dma_start3A_22 : memref<16xi32, #tpu.memory_space<hbm>>) target(%arg12 : memref<16xi32, #tpu.memory_space<vmem>>) target_semaphore(%run_scoped3A : memref<!tpu.dma_semaphore, #tpu.memory_space<semaphore_mem>>)
        %dma_wait3A_23 = tpu.memref_slice %arg4[%add3A_15] : memref<160000xi32, #tpu.memory_space<hbm>> -> memref<16xi32, #tpu.memory_space<hbm>>
        %dma_wait3A_24 = tpu.memref_slice %arg4[%add3A_15] : memref<160000xi32, #tpu.memory_space<hbm>> -> memref<16xi32, #tpu.memory_space<hbm>>
        tpu.wait_dma2 semaphore(%run_scoped3A : memref<!tpu.dma_semaphore, #tpu.memory_space<semaphore_mem>>) src(%dma_wait3A_24 : memref<16xi32, #tpu.memory_space<hbm>>) dst(%arg12 : memref<16xi32, #tpu.memory_space<vmem>>)
        tpu.yield
      }) : () -> ()
      "tpu.region"() ({
        %run_scoped3A = tpu.sem_alloc : memref<!tpu.dma_semaphore, #tpu.memory_space<semaphore_mem>>
        %dma_start3A_21 = tpu.memref_slice %arg5[%add3A_15] : memref<160000xi32, #tpu.memory_space<hbm>> -> memref<16xi32, #tpu.memory_space<hbm>>
        %dma_start3A_22 = tpu.memref_slice %arg5[%add3A_15] : memref<160000xi32, #tpu.memory_space<hbm>> -> memref<16xi32, #tpu.memory_space<hbm>>
        tpu.enqueue_dma source(%dma_start3A_22 : memref<16xi32, #tpu.memory_space<hbm>>) target(%arg13 : memref<16xi32, #tpu.memory_space<vmem>>) target_semaphore(%run_scoped3A : memref<!tpu.dma_semaphore, #tpu.memory_space<semaphore_mem>>)
        %dma_wait3A_23 = tpu.memref_slice %arg5[%add3A_15] : memref<160000xi32, #tpu.memory_space<hbm>> -> memref<16xi32, #tpu.memory_space<hbm>>
        %dma_wait3A_24 = tpu.memref_slice %arg5[%add3A_15] : memref<160000xi32, #tpu.memory_space<hbm>> -> memref<16xi32, #tpu.memory_space<hbm>>
        tpu.wait_dma2 semaphore(%run_scoped3A : memref<!tpu.dma_semaphore, #tpu.memory_space<semaphore_mem>>) src(%dma_wait3A_24 : memref<16xi32, #tpu.memory_space<hbm>>) dst(%arg13 : memref<16xi32, #tpu.memory_space<vmem>>)
        tpu.yield
      }) : () -> ()
      %dma_start3A = arith.constant 0 : i32
      %dma_start3A_16 = arith.constant 0 : i32
      %dma_start3A_17 = tpu.memref_slice %arg2[%dma_start3A, %dma_start3A_16] : memref<10240x160xf32, #tpu.memory_space<hbm>> -> memref<10240x160xf32, #tpu.memory_space<hbm>>
      tpu.enqueue_indirect_dma source(%dma_start3A_17 : memref<10240x160xf32, #tpu.memory_space<hbm>>) target(%arg14 : memref<16x160xf32, #tpu.memory_space<vmem>>) offsets(%arg12 : memref<16xi32, #tpu.memory_space<vmem>>) semaphore(%arg15 : memref<!tpu.dma_semaphore, #tpu.memory_space<semaphore_mem>>)
      %dma_wait3A = arith.constant 0 : i32
      %dma_wait3A_18 = arith.constant 0 : i32
      %dma_wait3A_19 = tpu.memref_slice %arg2[%dma_wait3A, %dma_wait3A_18] : memref<10240x160xf32, #tpu.memory_space<hbm>> -> memref<10240x160xf32, #tpu.memory_space<hbm>>
      tpu.wait_indirect_dma semaphore(%arg15 : memref<!tpu.dma_semaphore, #tpu.memory_space<semaphore_mem>>) src(%dma_wait3A_19 : memref<10240x160xf32, #tpu.memory_space<hbm>>) dst(%arg14 : memref<16x160xf32, #tpu.memory_space<vmem>>)
      "tpu.region"() ({
        %run_scoped3A = tpu.sem_alloc : memref<!tpu.dma_semaphore, #tpu.memory_space<semaphore_mem>>
        %dma_start3A_21 = arith.constant 0 : i32
        %dma_start3A_22 = arith.constant 0 : i32
        %dma_start3A_23 = tpu.memref_slice %arg8[%dma_start3A_21, %dma_start3A_22] : memref<10240x160xf32, #tpu.memory_space<vmem_shared>> -> memref<10240x160xf32, #tpu.memory_space<vmem_shared>>
        tpu.enqueue_indirect_dma source(%arg14 : memref<16x160xf32, #tpu.memory_space<vmem>>) target(%dma_start3A_23 : memref<10240x160xf32, #tpu.memory_space<vmem_shared>>) offsets(%arg13 : memref<16xi32, #tpu.memory_space<vmem>>) semaphore(%run_scoped3A : memref<!tpu.dma_semaphore, #tpu.memory_space<semaphore_mem>>) {add = true}
        %dma_wait3A_24 = arith.constant 0 : i32
        %dma_wait3A_25 = arith.constant 0 : i32
        %dma_wait3A_26 = tpu.memref_slice %arg8[%dma_wait3A_24, %dma_wait3A_25] : memref<10240x160xf32, #tpu.memory_space<vmem_shared>> -> memref<10240x160xf32, #tpu.memory_space<vmem_shared>>
        tpu.wait_indirect_dma semaphore(%run_scoped3A : memref<!tpu.dma_semaphore, #tpu.memory_space<semaphore_mem>>) src(%arg14 : memref<16x160xf32, #tpu.memory_space<vmem>>) dst(%dma_wait3A_26 : memref<10240x160xf32, #tpu.memory_space<vmem_shared>>)
        tpu.yield
      }) : () -> ()
      %barrier3A_20 = arith.constant 0 : index
      tpu.barrier barrier_id(%barrier3A_20)
      "tpu.region"() ({
        %run_scoped3A = tpu.sem_alloc : memref<!tpu.dma_semaphore, #tpu.memory_space<semaphore_mem>>
        %dma_start3A_21 = arith.constant 0 : i32
        %dma_start3A_22 = tpu.memref_slice %arg6[%mul3A_0, %dma_start3A_21] : memref<10240x160xf32, #tpu.memory_space<hbm>> -> memref<640x160xf32, #tpu.memory_space<hbm>>
        %dma_start3A_23 = arith.constant 0 : i32
        %dma_start3A_24 = tpu.memref_slice %arg8[%mul3A_0, %dma_start3A_23] : memref<10240x160xf32, #tpu.memory_space<vmem_shared>> -> memref<640x160xf32, #tpu.memory_space<vmem_shared>>
        tpu.enqueue_dma source(%dma_start3A_24 : memref<640x160xf32, #tpu.memory_space<vmem_shared>>) target(%dma_start3A_22 : memref<640x160xf32, #tpu.memory_space<hbm>>) target_semaphore(%run_scoped3A : memref<!tpu.dma_semaphore, #tpu.memory_space<semaphore_mem>>)
        %dma_wait3A_25 = arith.constant 0 : i32
        %dma_wait3A_26 = tpu.memref_slice %arg6[%mul3A_0, %dma_wait3A_25] : memref<10240x160xf32, #tpu.memory_space<hbm>> -> memref<640x160xf32, #tpu.memory_space<hbm>>
        %dma_wait3A_27 = arith.constant 0 : i32
        %dma_wait3A_28 = tpu.memref_slice %arg8[%mul3A_0, %dma_wait3A_27] : memref<10240x160xf32, #tpu.memory_space<vmem_shared>> -> memref<640x160xf32, #tpu.memory_space<vmem_shared>>
        tpu.wait_dma2 semaphore(%run_scoped3A : memref<!tpu.dma_semaphore, #tpu.memory_space<semaphore_mem>>) src(%dma_wait3A_28 : memref<640x160xf32, #tpu.memory_space<vmem_shared>>) dst(%dma_wait3A_26 : memref<640x160xf32, #tpu.memory_space<hbm>>)
        tpu.yield
      }) : () -> ()
    } else {
    }
    %eq3A_5 = arith.constant 1 : i32
    %eq3A_6 = arith.cmpi eq, %arg0, %eq3A_5 : i32
    %convert_element_type3A_7 = arith.extui %eq3A_6 : i1 to i32
    %cond3A_8 = arith.constant 0 : i32
    %cond3A_9 = arith.cmpi ne, %convert_element_type3A_7, %cond3A_8 : i32
    scf.if %cond3A_9 {
      "tpu.region"() ({
        %run_scoped3A = tpu.sem_alloc : memref<!tpu.dma_semaphore, #tpu.memory_space<semaphore_mem>>
        %dma_start3A_21 = arith.constant 0 : i32
        %dma_start3A_22 = tpu.memref_slice %arg8[%mul3A_0, %dma_start3A_21] : memref<10240x160xf32, #tpu.memory_space<vmem_shared>> -> memref<640x160xf32, #tpu.memory_space<vmem_shared>>
        %dma_start3A_23 = arith.constant 0 : i32
        %dma_start3A_24 = tpu.memref_slice %arg3[%mul3A_0, %dma_start3A_23] : memref<10240x160xf32, #tpu.memory_space<hbm>> -> memref<640x160xf32, #tpu.memory_space<hbm>>
        tpu.enqueue_dma source(%dma_start3A_24 : memref<640x160xf32, #tpu.memory_space<hbm>>) target(%dma_start3A_22 : memref<640x160xf32, #tpu.memory_space<vmem_shared>>) target_semaphore(%run_scoped3A : memref<!tpu.dma_semaphore, #tpu.memory_space<semaphore_mem>>)
        %dma_wait3A_25 = arith.constant 0 : i32
        %dma_wait3A_26 = tpu.memref_slice %arg8[%mul3A_0, %dma_wait3A_25] : memref<10240x160xf32, #tpu.memory_space<vmem_shared>> -> memref<640x160xf32, #tpu.memory_space<vmem_shared>>
        %dma_wait3A_27 = arith.constant 0 : i32
        %dma_wait3A_28 = tpu.memref_slice %arg3[%mul3A_0, %dma_wait3A_27] : memref<10240x160xf32, #tpu.memory_space<hbm>> -> memref<640x160xf32, #tpu.memory_space<hbm>>
        tpu.wait_dma2 semaphore(%run_scoped3A : memref<!tpu.dma_semaphore, #tpu.memory_space<semaphore_mem>>) src(%dma_wait3A_28 : memref<640x160xf32, #tpu.memory_space<hbm>>) dst(%dma_wait3A_26 : memref<640x160xf32, #tpu.memory_space<vmem_shared>>)
        tpu.yield
      }) : () -> ()
      %barrier3A = arith.constant 0 : index
      tpu.barrier barrier_id(%barrier3A)
      %scan3A = arith.constant 0 : i32
      %scan3A_10 = arith.constant 0 : i32
      %scan3A_11 = arith.constant 78 : i32
      %scan3A_12 = arith.addi %scan3A_10, %scan3A_11 : i32
      %scan3A_13 = arith.constant 1 : i32
      scf.for %scan3A_21 = %scan3A_10 to %scan3A_12 step %scan3A_13  : i32 {
        %mul3A_22 = arith.constant 128 : i32
        %mul3A_23 = arith.muli %scan3A_21, %mul3A_22 : i32
        %add3A_24 = arith.addi %mul3A_2, %mul3A_23 : i32
        "tpu.region"() ({
          %run_scoped3A = tpu.sem_alloc : memref<!tpu.dma_semaphore, #tpu.memory_space<semaphore_mem>>
          %dma_start3A_31 = tpu.memref_slice %arg4[%add3A_24] : memref<160000xi32, #tpu.memory_space<hbm>> -> memref<128xi32, #tpu.memory_space<hbm>>
          %dma_start3A_32 = tpu.memref_slice %arg4[%add3A_24] : memref<160000xi32, #tpu.memory_space<hbm>> -> memref<128xi32, #tpu.memory_space<hbm>>
          tpu.enqueue_dma source(%dma_start3A_32 : memref<128xi32, #tpu.memory_space<hbm>>) target(%arg9 : memref<128xi32, #tpu.memory_space<vmem>>) target_semaphore(%run_scoped3A : memref<!tpu.dma_semaphore, #tpu.memory_space<semaphore_mem>>)
          %dma_wait3A_33 = tpu.memref_slice %arg4[%add3A_24] : memref<160000xi32, #tpu.memory_space<hbm>> -> memref<128xi32, #tpu.memory_space<hbm>>
          %dma_wait3A_34 = tpu.memref_slice %arg4[%add3A_24] : memref<160000xi32, #tpu.memory_space<hbm>> -> memref<128xi32, #tpu.memory_space<hbm>>
          tpu.wait_dma2 semaphore(%run_scoped3A : memref<!tpu.dma_semaphore, #tpu.memory_space<semaphore_mem>>) src(%dma_wait3A_34 : memref<128xi32, #tpu.memory_space<hbm>>) dst(%arg9 : memref<128xi32, #tpu.memory_space<vmem>>)
          tpu.yield
        }) : () -> ()
        "tpu.region"() ({
          %run_scoped3A = tpu.sem_alloc : memref<!tpu.dma_semaphore, #tpu.memory_space<semaphore_mem>>
          %dma_start3A_31 = tpu.memref_slice %arg5[%add3A_24] : memref<160000xi32, #tpu.memory_space<hbm>> -> memref<128xi32, #tpu.memory_space<hbm>>
          %dma_start3A_32 = tpu.memref_slice %arg5[%add3A_24] : memref<160000xi32, #tpu.memory_space<hbm>> -> memref<128xi32, #tpu.memory_space<hbm>>
          tpu.enqueue_dma source(%dma_start3A_32 : memref<128xi32, #tpu.memory_space<hbm>>) target(%arg10 : memref<128xi32, #tpu.memory_space<vmem>>) target_semaphore(%run_scoped3A : memref<!tpu.dma_semaphore, #tpu.memory_space<semaphore_mem>>)
          %dma_wait3A_33 = tpu.memref_slice %arg5[%add3A_24] : memref<160000xi32, #tpu.memory_space<hbm>> -> memref<128xi32, #tpu.memory_space<hbm>>
          %dma_wait3A_34 = tpu.memref_slice %arg5[%add3A_24] : memref<160000xi32, #tpu.memory_space<hbm>> -> memref<128xi32, #tpu.memory_space<hbm>>
          tpu.wait_dma2 semaphore(%run_scoped3A : memref<!tpu.dma_semaphore, #tpu.memory_space<semaphore_mem>>) src(%dma_wait3A_34 : memref<128xi32, #tpu.memory_space<hbm>>) dst(%arg10 : memref<128xi32, #tpu.memory_space<vmem>>)
          tpu.yield
        }) : () -> ()
        %dma_start3A_25 = arith.constant 0 : i32
        %dma_start3A_26 = arith.constant 0 : i32
        %dma_start3A_27 = tpu.memref_slice %arg3[%dma_start3A_25, %dma_start3A_26] : memref<10240x160xf32, #tpu.memory_space<hbm>> -> memref<10240x160xf32, #tpu.memory_space<hbm>>
        tpu.enqueue_indirect_dma source(%dma_start3A_27 : memref<10240x160xf32, #tpu.memory_space<hbm>>) target(%arg11 : memref<128x160xf32, #tpu.memory_space<vmem>>) offsets(%arg9 : memref<128xi32, #tpu.memory_space<vmem>>) semaphore(%arg15 : memref<!tpu.dma_semaphore, #tpu.memory_space<semaphore_mem>>)
        %dma_wait3A_28 = arith.constant 0 : i32
        %dma_wait3A_29 = arith.constant 0 : i32
        %dma_wait3A_30 = tpu.memref_slice %arg3[%dma_wait3A_28, %dma_wait3A_29] : memref<10240x160xf32, #tpu.memory_space<hbm>> -> memref<10240x160xf32, #tpu.memory_space<hbm>>
        tpu.wait_indirect_dma semaphore(%arg15 : memref<!tpu.dma_semaphore, #tpu.memory_space<semaphore_mem>>) src(%dma_wait3A_30 : memref<10240x160xf32, #tpu.memory_space<hbm>>) dst(%arg11 : memref<128x160xf32, #tpu.memory_space<vmem>>)
        "tpu.region"() ({
          %run_scoped3A = tpu.sem_alloc : memref<!tpu.dma_semaphore, #tpu.memory_space<semaphore_mem>>
          %dma_start3A_31 = arith.constant 0 : i32
          %dma_start3A_32 = arith.constant 0 : i32
          %dma_start3A_33 = tpu.memref_slice %arg8[%dma_start3A_31, %dma_start3A_32] : memref<10240x160xf32, #tpu.memory_space<vmem_shared>> -> memref<10240x160xf32, #tpu.memory_space<vmem_shared>>
          tpu.enqueue_indirect_dma source(%arg11 : memref<128x160xf32, #tpu.memory_space<vmem>>) target(%dma_start3A_33 : memref<10240x160xf32, #tpu.memory_space<vmem_shared>>) offsets(%arg10 : memref<128xi32, #tpu.memory_space<vmem>>) semaphore(%run_scoped3A : memref<!tpu.dma_semaphore, #tpu.memory_space<semaphore_mem>>) {add = true}
          %dma_wait3A_34 = arith.constant 0 : i32
          %dma_wait3A_35 = arith.constant 0 : i32
          %dma_wait3A_36 = tpu.memref_slice %arg8[%dma_wait3A_34, %dma_wait3A_35] : memref<10240x160xf32, #tpu.memory_space<vmem_shared>> -> memref<10240x160xf32, #tpu.memory_space<vmem_shared>>
          tpu.wait_indirect_dma semaphore(%run_scoped3A : memref<!tpu.dma_semaphore, #tpu.memory_space<semaphore_mem>>) src(%arg11 : memref<128x160xf32, #tpu.memory_space<vmem>>) dst(%dma_wait3A_36 : memref<10240x160xf32, #tpu.memory_space<vmem_shared>>)
          tpu.yield
        }) : () -> ()
      }
      %scan3A_14 = arith.constant 78 : i32
      %add3A = arith.constant 9984 : i32
      %add3A_15 = arith.addi %mul3A_2, %add3A : i32
      "tpu.region"() ({
        %run_scoped3A = tpu.sem_alloc : memref<!tpu.dma_semaphore, #tpu.memory_space<semaphore_mem>>
        %dma_start3A_21 = tpu.memref_slice %arg4[%add3A_15] : memref<160000xi32, #tpu.memory_space<hbm>> -> memref<16xi32, #tpu.memory_space<hbm>>
        %dma_start3A_22 = tpu.memref_slice %arg4[%add3A_15] : memref<160000xi32, #tpu.memory_space<hbm>> -> memref<16xi32, #tpu.memory_space<hbm>>
        tpu.enqueue_dma source(%dma_start3A_22 : memref<16xi32, #tpu.memory_space<hbm>>) target(%arg12 : memref<16xi32, #tpu.memory_space<vmem>>) target_semaphore(%run_scoped3A : memref<!tpu.dma_semaphore, #tpu.memory_space<semaphore_mem>>)
        %dma_wait3A_23 = tpu.memref_slice %arg4[%add3A_15] : memref<160000xi32, #tpu.memory_space<hbm>> -> memref<16xi32, #tpu.memory_space<hbm>>
        %dma_wait3A_24 = tpu.memref_slice %arg4[%add3A_15] : memref<160000xi32, #tpu.memory_space<hbm>> -> memref<16xi32, #tpu.memory_space<hbm>>
        tpu.wait_dma2 semaphore(%run_scoped3A : memref<!tpu.dma_semaphore, #tpu.memory_space<semaphore_mem>>) src(%dma_wait3A_24 : memref<16xi32, #tpu.memory_space<hbm>>) dst(%arg12 : memref<16xi32, #tpu.memory_space<vmem>>)
        tpu.yield
      }) : () -> ()
      "tpu.region"() ({
        %run_scoped3A = tpu.sem_alloc : memref<!tpu.dma_semaphore, #tpu.memory_space<semaphore_mem>>
        %dma_start3A_21 = tpu.memref_slice %arg5[%add3A_15] : memref<160000xi32, #tpu.memory_space<hbm>> -> memref<16xi32, #tpu.memory_space<hbm>>
        %dma_start3A_22 = tpu.memref_slice %arg5[%add3A_15] : memref<160000xi32, #tpu.memory_space<hbm>> -> memref<16xi32, #tpu.memory_space<hbm>>
        tpu.enqueue_dma source(%dma_start3A_22 : memref<16xi32, #tpu.memory_space<hbm>>) target(%arg13 : memref<16xi32, #tpu.memory_space<vmem>>) target_semaphore(%run_scoped3A : memref<!tpu.dma_semaphore, #tpu.memory_space<semaphore_mem>>)
        %dma_wait3A_23 = tpu.memref_slice %arg5[%add3A_15] : memref<160000xi32, #tpu.memory_space<hbm>> -> memref<16xi32, #tpu.memory_space<hbm>>
        %dma_wait3A_24 = tpu.memref_slice %arg5[%add3A_15] : memref<160000xi32, #tpu.memory_space<hbm>> -> memref<16xi32, #tpu.memory_space<hbm>>
        tpu.wait_dma2 semaphore(%run_scoped3A : memref<!tpu.dma_semaphore, #tpu.memory_space<semaphore_mem>>) src(%dma_wait3A_24 : memref<16xi32, #tpu.memory_space<hbm>>) dst(%arg13 : memref<16xi32, #tpu.memory_space<vmem>>)
        tpu.yield
      }) : () -> ()
      %dma_start3A = arith.constant 0 : i32
      %dma_start3A_16 = arith.constant 0 : i32
      %dma_start3A_17 = tpu.memref_slice %arg3[%dma_start3A, %dma_start3A_16] : memref<10240x160xf32, #tpu.memory_space<hbm>> -> memref<10240x160xf32, #tpu.memory_space<hbm>>
      tpu.enqueue_indirect_dma source(%dma_start3A_17 : memref<10240x160xf32, #tpu.memory_space<hbm>>) target(%arg14 : memref<16x160xf32, #tpu.memory_space<vmem>>) offsets(%arg12 : memref<16xi32, #tpu.memory_space<vmem>>) semaphore(%arg15 : memref<!tpu.dma_semaphore, #tpu.memory_space<semaphore_mem>>)
      %dma_wait3A = arith.constant 0 : i32
      %dma_wait3A_18 = arith.constant 0 : i32
      %dma_wait3A_19 = tpu.memref_slice %arg3[%dma_wait3A, %dma_wait3A_18] : memref<10240x160xf32, #tpu.memory_space<hbm>> -> memref<10240x160xf32, #tpu.memory_space<hbm>>
      tpu.wait_indirect_dma semaphore(%arg15 : memref<!tpu.dma_semaphore, #tpu.memory_space<semaphore_mem>>) src(%dma_wait3A_19 : memref<10240x160xf32, #tpu.memory_space<hbm>>) dst(%arg14 : memref<16x160xf32, #tpu.memory_space<vmem>>)
      "tpu.region"() ({
        %run_scoped3A = tpu.sem_alloc : memref<!tpu.dma_semaphore, #tpu.memory_space<semaphore_mem>>
        %dma_start3A_21 = arith.constant 0 : i32
        %dma_start3A_22 = arith.constant 0 : i32
        %dma_start3A_23 = tpu.memref_slice %arg8[%dma_start3A_21, %dma_start3A_22] : memref<10240x160xf32, #tpu.memory_space<vmem_shared>> -> memref<10240x160xf32, #tpu.memory_space<vmem_shared>>
        tpu.enqueue_indirect_dma source(%arg14 : memref<16x160xf32, #tpu.memory_space<vmem>>) target(%dma_start3A_23 : memref<10240x160xf32, #tpu.memory_space<vmem_shared>>) offsets(%arg13 : memref<16xi32, #tpu.memory_space<vmem>>) semaphore(%run_scoped3A : memref<!tpu.dma_semaphore, #tpu.memory_space<semaphore_mem>>) {add = true}
        %dma_wait3A_24 = arith.constant 0 : i32
        %dma_wait3A_25 = arith.constant 0 : i32
        %dma_wait3A_26 = tpu.memref_slice %arg8[%dma_wait3A_24, %dma_wait3A_25] : memref<10240x160xf32, #tpu.memory_space<vmem_shared>> -> memref<10240x160xf32, #tpu.memory_space<vmem_shared>>
        tpu.wait_indirect_dma semaphore(%run_scoped3A : memref<!tpu.dma_semaphore, #tpu.memory_space<semaphore_mem>>) src(%arg14 : memref<16x160xf32, #tpu.memory_space<vmem>>) dst(%dma_wait3A_26 : memref<10240x160xf32, #tpu.memory_space<vmem_shared>>)
        tpu.yield
      }) : () -> ()
      %barrier3A_20 = arith.constant 0 : index
      tpu.barrier barrier_id(%barrier3A_20)
      "tpu.region"() ({
        %run_scoped3A = tpu.sem_alloc : memref<!tpu.dma_semaphore, #tpu.memory_space<semaphore_mem>>
        %dma_start3A_21 = arith.constant 0 : i32
        %dma_start3A_22 = tpu.memref_slice %arg7[%mul3A_0, %dma_start3A_21] : memref<10240x160xf32, #tpu.memory_space<hbm>> -> memref<640x160xf32, #tpu.memory_space<hbm>>
        %dma_start3A_23 = arith.constant 0 : i32
        %dma_start3A_24 = tpu.memref_slice %arg8[%mul3A_0, %dma_start3A_23] : memref<10240x160xf32, #tpu.memory_space<vmem_shared>> -> memref<640x160xf32, #tpu.memory_space<vmem_shared>>
        tpu.enqueue_dma source(%dma_start3A_24 : memref<640x160xf32, #tpu.memory_space<vmem_shared>>) target(%dma_start3A_22 : memref<640x160xf32, #tpu.memory_space<hbm>>) target_semaphore(%run_scoped3A : memref<!tpu.dma_semaphore, #tpu.memory_space<semaphore_mem>>)
        %dma_wait3A_25 = arith.constant 0 : i32
        %dma_wait3A_26 = tpu.memref_slice %arg7[%mul3A_0, %dma_wait3A_25] : memref<10240x160xf32, #tpu.memory_space<hbm>> -> memref<640x160xf32, #tpu.memory_space<hbm>>
        %dma_wait3A_27 = arith.constant 0 : i32
        %dma_wait3A_28 = tpu.memref_slice %arg8[%mul3A_0, %dma_wait3A_27] : memref<10240x160xf32, #tpu.memory_space<vmem_shared>> -> memref<640x160xf32, #tpu.memory_space<vmem_shared>>
        tpu.wait_dma2 semaphore(%run_scoped3A : memref<!tpu.dma_semaphore, #tpu.memory_space<semaphore_mem>>) src(%dma_wait3A_28 : memref<640x160xf32, #tpu.memory_space<vmem_shared>>) dst(%dma_wait3A_26 : memref<640x160xf32, #tpu.memory_space<hbm>>)
        tpu.yield
      }) : () -> ()
    } else {
    }
    return
  }
}

#map = affine_map<(d0, d1) -> (0, 0)>
#map1 = affine_map<(d0, d1) -> (0)>
module attributes {stable_mosaic.version = 14 : i64} {
  func.func @run(%arg0: i32, %arg1: i32, %arg2: memref<10240x160xf32, #tpu.memory_space<hbm>>, %arg3: memref<10240x160xf32, #tpu.memory_space<hbm>>, %arg4: memref<160000xi32, #tpu.memory_space<hbm>>, %arg5: memref<160000xi32, #tpu.memory_space<hbm>>, %arg6: memref<10240x160xf32, #tpu.memory_space<hbm>>, %arg7: memref<10240x160xf32, #tpu.memory_space<hbm>>, %arg8: memref<10240x160xf32, #tpu.memory_space<vmem_shared>>, %arg9: memref<128xi32, #tpu.memory_space<vmem>>, %arg10: memref<128xi32, #tpu.memory_space<vmem>>, %arg11: memref<128x160xf32, #tpu.memory_space<vmem>>, %arg12: memref<16xi32, #tpu.memory_space<vmem>>, %arg13: memref<16xi32, #tpu.memory_space<vmem>>, %arg14: memref<16x160xf32, #tpu.memory_space<vmem>>, %arg15: memref<!tpu.dma_semaphore, #tpu.memory_space<semaphore_mem>>) attributes {dimension_semantics = [#tpu.dimension_semantics<core_parallel>, #tpu.dimension_semantics<subcore_parallel>], iteration_bounds = array<i64: 2, 16>, scalar_prefetch = 0 : i64, scratch_operands = 8 : i64, tpu.core_type = #tpu.core_type<sc_vector_subcore>, window_params = [{transform_indices = #map}, {transform_indices = #map}, {transform_indices = #map1}, {transform_indices = #map1}, {transform_indices = #map}, {transform_indices = #map}]} {
    %mul3A = arith.constant 640 : i32
    %mul3A_0 = arith.muli %arg1, %mul3A : i32
    %mul3A_1 = arith.constant 10000 : i32
    %mul3A_2 = arith.muli %arg1, %mul3A_1 : i32
    %eq3A = arith.constant 0 : i32
    %eq3A_3 = arith.cmpi eq, %arg0, %eq3A : i32
    %convert_element_type3A = arith.extui %eq3A_3 : i1 to i32
    %cond3A = arith.constant 0 : i32
    %cond3A_4 = arith.cmpi ne, %convert_element_type3A, %cond3A : i32
    scf.if %cond3A_4 {
      "tpu.region"() ({
        %run_scoped3A = tpu.sem_alloc : memref<!tpu.dma_semaphore, #tpu.memory_space<semaphore_mem>>
        %dma_start3A_21 = arith.constant 0 : i32
        %dma_start3A_22 = tpu.memref_slice %arg8[%mul3A_0, %dma_start3A_21] : memref<10240x160xf32, #tpu.memory_space<vmem_shared>> -> memref<640x160xf32, #tpu.memory_space<vmem_shared>>
        %dma_start3A_23 = arith.constant 0 : i32
        %dma_start3A_24 = tpu.memref_slice %arg2[%mul3A_0, %dma_start3A_23] : memref<10240x160xf32, #tpu.memory_space<hbm>> -> memref<640x160xf32, #tpu.memory_space<hbm>>
        tpu.enqueue_dma source(%dma_start3A_24 : memref<640x160xf32, #tpu.memory_space<hbm>>) target(%dma_start3A_22 : memref<640x160xf32, #tpu.memory_space<vmem_shared>>) target_semaphore(%run_scoped3A : memref<!tpu.dma_semaphore, #tpu.memory_space<semaphore_mem>>)
        %dma_wait3A_25 = arith.constant 0 : i32
        %dma_wait3A_26 = tpu.memref_slice %arg8[%mul3A_0, %dma_wait3A_25] : memref<10240x160xf32, #tpu.memory_space<vmem_shared>> -> memref<640x160xf32, #tpu.memory_space<vmem_shared>>
        %dma_wait3A_27 = arith.constant 0 : i32
        %dma_wait3A_28 = tpu.memref_slice %arg2[%mul3A_0, %dma_wait3A_27] : memref<10240x160xf32, #tpu.memory_space<hbm>> -> memref<640x160xf32, #tpu.memory_space<hbm>>
        tpu.wait_dma2 semaphore(%run_scoped3A : memref<!tpu.dma_semaphore, #tpu.memory_space<semaphore_mem>>) src(%dma_wait3A_28 : memref<640x160xf32, #tpu.memory_space<hbm>>) dst(%dma_wait3A_26 : memref<640x160xf32, #tpu.memory_space<vmem_shared>>)
        tpu.yield
      }) : () -> ()
      %barrier3A = arith.constant 0 : index
      tpu.barrier barrier_id(%barrier3A)
      %scan3A = arith.constant 0 : i32
      %scan3A_10 = arith.constant 0 : i32
      %scan3A_11 = arith.constant 78 : i32
      %scan3A_12 = arith.addi %scan3A_10, %scan3A_11 : i32
      %scan3A_13 = arith.constant 1 : i32
      scf.for %scan3A_21 = %scan3A_10 to %scan3A_12 step %scan3A_13  : i32 {
        %mul3A_22 = arith.constant 128 : i32
        %mul3A_23 = arith.muli %scan3A_21, %mul3A_22 : i32
        %add3A_24 = arith.addi %mul3A_2, %mul3A_23 : i32
        "tpu.region"() ({
          %run_scoped3A = tpu.sem_alloc : memref<!tpu.dma_semaphore, #tpu.memory_space<semaphore_mem>>
          %dma_start3A_31 = tpu.memref_slice %arg4[%add3A_24] : memref<160000xi32, #tpu.memory_space<hbm>> -> memref<128xi32, #tpu.memory_space<hbm>>
          %dma_start3A_32 = tpu.memref_slice %arg4[%add3A_24] : memref<160000xi32, #tpu.memory_space<hbm>> -> memref<128xi32, #tpu.memory_space<hbm>>
          tpu.enqueue_dma source(%dma_start3A_32 : memref<128xi32, #tpu.memory_space<hbm>>) target(%arg9 : memref<128xi32, #tpu.memory_space<vmem>>) target_semaphore(%run_scoped3A : memref<!tpu.dma_semaphore, #tpu.memory_space<semaphore_mem>>)
          %dma_wait3A_33 = tpu.memref_slice %arg4[%add3A_24] : memref<160000xi32, #tpu.memory_space<hbm>> -> memref<128xi32, #tpu.memory_space<hbm>>
          %dma_wait3A_34 = tpu.memref_slice %arg4[%add3A_24] : memref<160000xi32, #tpu.memory_space<hbm>> -> memref<128xi32, #tpu.memory_space<hbm>>
          tpu.wait_dma2 semaphore(%run_scoped3A : memref<!tpu.dma_semaphore, #tpu.memory_space<semaphore_mem>>) src(%dma_wait3A_34 : memref<128xi32, #tpu.memory_space<hbm>>) dst(%arg9 : memref<128xi32, #tpu.memory_space<vmem>>)
          tpu.yield
        }) : () -> ()
        "tpu.region"() ({
          %run_scoped3A = tpu.sem_alloc : memref<!tpu.dma_semaphore, #tpu.memory_space<semaphore_mem>>
          %dma_start3A_31 = tpu.memref_slice %arg5[%add3A_24] : memref<160000xi32, #tpu.memory_space<hbm>> -> memref<128xi32, #tpu.memory_space<hbm>>
          %dma_start3A_32 = tpu.memref_slice %arg5[%add3A_24] : memref<160000xi32, #tpu.memory_space<hbm>> -> memref<128xi32, #tpu.memory_space<hbm>>
          tpu.enqueue_dma source(%dma_start3A_32 : memref<128xi32, #tpu.memory_space<hbm>>) target(%arg10 : memref<128xi32, #tpu.memory_space<vmem>>) target_semaphore(%run_scoped3A : memref<!tpu.dma_semaphore, #tpu.memory_space<semaphore_mem>>)
          %dma_wait3A_33 = tpu.memref_slice %arg5[%add3A_24] : memref<160000xi32, #tpu.memory_space<hbm>> -> memref<128xi32, #tpu.memory_space<hbm>>
          %dma_wait3A_34 = tpu.memref_slice %arg5[%add3A_24] : memref<160000xi32, #tpu.memory_space<hbm>> -> memref<128xi32, #tpu.memory_space<hbm>>
          tpu.wait_dma2 semaphore(%run_scoped3A : memref<!tpu.dma_semaphore, #tpu.memory_space<semaphore_mem>>) src(%dma_wait3A_34 : memref<128xi32, #tpu.memory_space<hbm>>) dst(%arg10 : memref<128xi32, #tpu.memory_space<vmem>>)
          tpu.yield
        }) : () -> ()
        %dma_start3A_25 = arith.constant 0 : i32
        %dma_start3A_26 = arith.constant 0 : i32
        %dma_start3A_27 = tpu.memref_slice %arg2[%dma_start3A_25, %dma_start3A_26] : memref<10240x160xf32, #tpu.memory_space<hbm>> -> memref<10240x160xf32, #tpu.memory_space<hbm>>
        tpu.enqueue_indirect_dma source(%dma_start3A_27 : memref<10240x160xf32, #tpu.memory_space<hbm>>) target(%arg11 : memref<128x160xf32, #tpu.memory_space<vmem>>) offsets(%arg9 : memref<128xi32, #tpu.memory_space<vmem>>) semaphore(%arg15 : memref<!tpu.dma_semaphore, #tpu.memory_space<semaphore_mem>>)
        %dma_wait3A_28 = arith.constant 0 : i32
        %dma_wait3A_29 = arith.constant 0 : i32
        %dma_wait3A_30 = tpu.memref_slice %arg2[%dma_wait3A_28, %dma_wait3A_29] : memref<10240x160xf32, #tpu.memory_space<hbm>> -> memref<10240x160xf32, #tpu.memory_space<hbm>>
        tpu.wait_indirect_dma semaphore(%arg15 : memref<!tpu.dma_semaphore, #tpu.memory_space<semaphore_mem>>) src(%dma_wait3A_30 : memref<10240x160xf32, #tpu.memory_space<hbm>>) dst(%arg11 : memref<128x160xf32, #tpu.memory_space<vmem>>)
        "tpu.region"() ({
          %run_scoped3A = tpu.sem_alloc : memref<!tpu.dma_semaphore, #tpu.memory_space<semaphore_mem>>
          %dma_start3A_31 = arith.constant 0 : i32
          %dma_start3A_32 = arith.constant 0 : i32
          %dma_start3A_33 = tpu.memref_slice %arg8[%dma_start3A_31, %dma_start3A_32] : memref<10240x160xf32, #tpu.memory_space<vmem_shared>> -> memref<10240x160xf32, #tpu.memory_space<vmem_shared>>
          tpu.enqueue_indirect_dma source(%arg11 : memref<128x160xf32, #tpu.memory_space<vmem>>) target(%dma_start3A_33 : memref<10240x160xf32, #tpu.memory_space<vmem_shared>>) offsets(%arg10 : memref<128xi32, #tpu.memory_space<vmem>>) semaphore(%run_scoped3A : memref<!tpu.dma_semaphore, #tpu.memory_space<semaphore_mem>>) {add = true}
          %dma_wait3A_34 = arith.constant 0 : i32
          %dma_wait3A_35 = arith.constant 0 : i32
          %dma_wait3A_36 = tpu.memref_slice %arg8[%dma_wait3A_34, %dma_wait3A_35] : memref<10240x160xf32, #tpu.memory_space<vmem_shared>> -> memref<10240x160xf32, #tpu.memory_space<vmem_shared>>
          tpu.wait_indirect_dma semaphore(%run_scoped3A : memref<!tpu.dma_semaphore, #tpu.memory_space<semaphore_mem>>) src(%arg11 : memref<128x160xf32, #tpu.memory_space<vmem>>) dst(%dma_wait3A_36 : memref<10240x160xf32, #tpu.memory_space<vmem_shared>>)
          tpu.yield
        }) : () -> ()
      }
      %scan3A_14 = arith.constant 78 : i32
      %add3A = arith.constant 9984 : i32
      %add3A_15 = arith.addi %mul3A_2, %add3A : i32
      "tpu.region"() ({
        %run_scoped3A = tpu.sem_alloc : memref<!tpu.dma_semaphore, #tpu.memory_space<semaphore_mem>>
        %dma_start3A_21 = tpu.memref_slice %arg4[%add3A_15] : memref<160000xi32, #tpu.memory_space<hbm>> -> memref<16xi32, #tpu.memory_space<hbm>>
        %dma_start3A_22 = tpu.memref_slice %arg4[%add3A_15] : memref<160000xi32, #tpu.memory_space<hbm>> -> memref<16xi32, #tpu.memory_space<hbm>>
        tpu.enqueue_dma source(%dma_start3A_22 : memref<16xi32, #tpu.memory_space<hbm>>) target(%arg12 : memref<16xi32, #tpu.memory_space<vmem>>) target_semaphore(%run_scoped3A : memref<!tpu.dma_semaphore, #tpu.memory_space<semaphore_mem>>)
        %dma_wait3A_23 = tpu.memref_slice %arg4[%add3A_15] : memref<160000xi32, #tpu.memory_space<hbm>> -> memref<16xi32, #tpu.memory_space<hbm>>
        %dma_wait3A_24 = tpu.memref_slice %arg4[%add3A_15] : memref<160000xi32, #tpu.memory_space<hbm>> -> memref<16xi32, #tpu.memory_space<hbm>>
        tpu.wait_dma2 semaphore(%run_scoped3A : memref<!tpu.dma_semaphore, #tpu.memory_space<semaphore_mem>>) src(%dma_wait3A_24 : memref<16xi32, #tpu.memory_space<hbm>>) dst(%arg12 : memref<16xi32, #tpu.memory_space<vmem>>)
        tpu.yield
      }) : () -> ()
      "tpu.region"() ({
        %run_scoped3A = tpu.sem_alloc : memref<!tpu.dma_semaphore, #tpu.memory_space<semaphore_mem>>
        %dma_start3A_21 = tpu.memref_slice %arg5[%add3A_15] : memref<160000xi32, #tpu.memory_space<hbm>> -> memref<16xi32, #tpu.memory_space<hbm>>
        %dma_start3A_22 = tpu.memref_slice %arg5[%add3A_15] : memref<160000xi32, #tpu.memory_space<hbm>> -> memref<16xi32, #tpu.memory_space<hbm>>
        tpu.enqueue_dma source(%dma_start3A_22 : memref<16xi32, #tpu.memory_space<hbm>>) target(%arg13 : memref<16xi32, #tpu.memory_space<vmem>>) target_semaphore(%run_scoped3A : memref<!tpu.dma_semaphore, #tpu.memory_space<semaphore_mem>>)
        %dma_wait3A_23 = tpu.memref_slice %arg5[%add3A_15] : memref<160000xi32, #tpu.memory_space<hbm>> -> memref<16xi32, #tpu.memory_space<hbm>>
        %dma_wait3A_24 = tpu.memref_slice %arg5[%add3A_15] : memref<160000xi32, #tpu.memory_space<hbm>> -> memref<16xi32, #tpu.memory_space<hbm>>
        tpu.wait_dma2 semaphore(%run_scoped3A : memref<!tpu.dma_semaphore, #tpu.memory_space<semaphore_mem>>) src(%dma_wait3A_24 : memref<16xi32, #tpu.memory_space<hbm>>) dst(%arg13 : memref<16xi32, #tpu.memory_space<vmem>>)
        tpu.yield
      }) : () -> ()
      %dma_start3A = arith.constant 0 : i32
      %dma_start3A_16 = arith.constant 0 : i32
      %dma_start3A_17 = tpu.memref_slice %arg2[%dma_start3A, %dma_start3A_16] : memref<10240x160xf32, #tpu.memory_space<hbm>> -> memref<10240x160xf32, #tpu.memory_space<hbm>>
      tpu.enqueue_indirect_dma source(%dma_start3A_17 : memref<10240x160xf32, #tpu.memory_space<hbm>>) target(%arg14 : memref<16x160xf32, #tpu.memory_space<vmem>>) offsets(%arg12 : memref<16xi32, #tpu.memory_space<vmem>>) semaphore(%arg15 : memref<!tpu.dma_semaphore, #tpu.memory_space<semaphore_mem>>)
      %dma_wait3A = arith.constant 0 : i32
      %dma_wait3A_18 = arith.constant 0 : i32
      %dma_wait3A_19 = tpu.memref_slice %arg2[%dma_wait3A, %dma_wait3A_18] : memref<10240x160xf32, #tpu.memory_space<hbm>> -> memref<10240x160xf32, #tpu.memory_space<hbm>>
      tpu.wait_indirect_dma semaphore(%arg15 : memref<!tpu.dma_semaphore, #tpu.memory_space<semaphore_mem>>) src(%dma_wait3A_19 : memref<10240x160xf32, #tpu.memory_space<hbm>>) dst(%arg14 : memref<16x160xf32, #tpu.memory_space<vmem>>)
      "tpu.region"() ({
        %run_scoped3A = tpu.sem_alloc : memref<!tpu.dma_semaphore, #tpu.memory_space<semaphore_mem>>
        %dma_start3A_21 = arith.constant 0 : i32
        %dma_start3A_22 = arith.constant 0 : i32
        %dma_start3A_23 = tpu.memref_slice %arg8[%dma_start3A_21, %dma_start3A_22] : memref<10240x160xf32, #tpu.memory_space<vmem_shared>> -> memref<10240x160xf32, #tpu.memory_space<vmem_shared>>
        tpu.enqueue_indirect_dma source(%arg14 : memref<16x160xf32, #tpu.memory_space<vmem>>) target(%dma_start3A_23 : memref<10240x160xf32, #tpu.memory_space<vmem_shared>>) offsets(%arg13 : memref<16xi32, #tpu.memory_space<vmem>>) semaphore(%run_scoped3A : memref<!tpu.dma_semaphore, #tpu.memory_space<semaphore_mem>>) {add = true}
        %dma_wait3A_24 = arith.constant 0 : i32
        %dma_wait3A_25 = arith.constant 0 : i32
        %dma_wait3A_26 = tpu.memref_slice %arg8[%dma_wait3A_24, %dma_wait3A_25] : memref<10240x160xf32, #tpu.memory_space<vmem_shared>> -> memref<10240x160xf32, #tpu.memory_space<vmem_shared>>
        tpu.wait_indirect_dma semaphore(%run_scoped3A : memref<!tpu.dma_semaphore, #tpu.memory_space<semaphore_mem>>) src(%arg14 : memref<16x160xf32, #tpu.memory_space<vmem>>) dst(%dma_wait3A_26 : memref<10240x160xf32, #tpu.memory_space<vmem_shared>>)
        tpu.yield
      }) : () -> ()
      %barrier3A_20 = arith.constant 0 : index
      tpu.barrier barrier_id(%barrier3A_20)
      "tpu.region"() ({
        %run_scoped3A = tpu.sem_alloc : memref<!tpu.dma_semaphore, #tpu.memory_space<semaphore_mem>>
        %dma_start3A_21 = arith.constant 0 : i32
        %dma_start3A_22 = tpu.memref_slice %arg6[%mul3A_0, %dma_start3A_21] : memref<10240x160xf32, #tpu.memory_space<hbm>> -> memref<640x160xf32, #tpu.memory_space<hbm>>
        %dma_start3A_23 = arith.constant 0 : i32
        %dma_start3A_24 = tpu.memref_slice %arg8[%mul3A_0, %dma_start3A_23] : memref<10240x160xf32, #tpu.memory_space<vmem_shared>> -> memref<640x160xf32, #tpu.memory_space<vmem_shared>>
        tpu.enqueue_dma source(%dma_start3A_24 : memref<640x160xf32, #tpu.memory_space<vmem_shared>>) target(%dma_start3A_22 : memref<640x160xf32, #tpu.memory_space<hbm>>) target_semaphore(%run_scoped3A : memref<!tpu.dma_semaphore, #tpu.memory_space<semaphore_mem>>)
        %dma_wait3A_25 = arith.constant 0 : i32
        %dma_wait3A_26 = tpu.memref_slice %arg6[%mul3A_0, %dma_wait3A_25] : memref<10240x160xf32, #tpu.memory_space<hbm>> -> memref<640x160xf32, #tpu.memory_space<hbm>>
        %dma_wait3A_27 = arith.constant 0 : i32
        %dma_wait3A_28 = tpu.memref_slice %arg8[%mul3A_0, %dma_wait3A_27] : memref<10240x160xf32, #tpu.memory_space<vmem_shared>> -> memref<640x160xf32, #tpu.memory_space<vmem_shared>>
        tpu.wait_dma2 semaphore(%run_scoped3A : memref<!tpu.dma_semaphore, #tpu.memory_space<semaphore_mem>>) src(%dma_wait3A_28 : memref<640x160xf32, #tpu.memory_space<vmem_shared>>) dst(%dma_wait3A_26 : memref<640x160xf32, #tpu.memory_space<hbm>>)
        tpu.yield
      }) : () -> ()
    } else {
    }
    %eq3A_5 = arith.constant 1 : i32
    %eq3A_6 = arith.cmpi eq, %arg0, %eq3A_5 : i32
    %convert_element_type3A_7 = arith.extui %eq3A_6 : i1 to i32
    %cond3A_8 = arith.constant 0 : i32
    %cond3A_9 = arith.cmpi ne, %convert_element_type3A_7, %cond3A_8 : i32
    scf.if %cond3A_9 {
      "tpu.region"() ({
        %run_scoped3A = tpu.sem_alloc : memref<!tpu.dma_semaphore, #tpu.memory_space<semaphore_mem>>
        %dma_start3A_21 = arith.constant 0 : i32
        %dma_start3A_22 = tpu.memref_slice %arg8[%mul3A_0, %dma_start3A_21] : memref<10240x160xf32, #tpu.memory_space<vmem_shared>> -> memref<640x160xf32, #tpu.memory_space<vmem_shared>>
        %dma_start3A_23 = arith.constant 0 : i32
        %dma_start3A_24 = tpu.memref_slice %arg3[%mul3A_0, %dma_start3A_23] : memref<10240x160xf32, #tpu.memory_space<hbm>> -> memref<640x160xf32, #tpu.memory_space<hbm>>
        tpu.enqueue_dma source(%dma_start3A_24 : memref<640x160xf32, #tpu.memory_space<hbm>>) target(%dma_start3A_22 : memref<640x160xf32, #tpu.memory_space<vmem_shared>>) target_semaphore(%run_scoped3A : memref<!tpu.dma_semaphore, #tpu.memory_space<semaphore_mem>>)
        %dma_wait3A_25 = arith.constant 0 : i32
        %dma_wait3A_26 = tpu.memref_slice %arg8[%mul3A_0, %dma_wait3A_25] : memref<10240x160xf32, #tpu.memory_space<vmem_shared>> -> memref<640x160xf32, #tpu.memory_space<vmem_shared>>
        %dma_wait3A_27 = arith.constant 0 : i32
        %dma_wait3A_28 = tpu.memref_slice %arg3[%mul3A_0, %dma_wait3A_27] : memref<10240x160xf32, #tpu.memory_space<hbm>> -> memref<640x160xf32, #tpu.memory_space<hbm>>
        tpu.wait_dma2 semaphore(%run_scoped3A : memref<!tpu.dma_semaphore, #tpu.memory_space<semaphore_mem>>) src(%dma_wait3A_28 : memref<640x160xf32, #tpu.memory_space<hbm>>) dst(%dma_wait3A_26 : memref<640x160xf32, #tpu.memory_space<vmem_shared>>)
        tpu.yield
      }) : () -> ()
      %barrier3A = arith.constant 0 : index
      tpu.barrier barrier_id(%barrier3A)
      %scan3A = arith.constant 0 : i32
      %scan3A_10 = arith.constant 0 : i32
      %scan3A_11 = arith.constant 78 : i32
      %scan3A_12 = arith.addi %scan3A_10, %scan3A_11 : i32
      %scan3A_13 = arith.constant 1 : i32
      scf.for %scan3A_21 = %scan3A_10 to %scan3A_12 step %scan3A_13  : i32 {
        %mul3A_22 = arith.constant 128 : i32
        %mul3A_23 = arith.muli %scan3A_21, %mul3A_22 : i32
        %add3A_24 = arith.addi %mul3A_2, %mul3A_23 : i32
        "tpu.region"() ({
          %run_scoped3A = tpu.sem_alloc : memref<!tpu.dma_semaphore, #tpu.memory_space<semaphore_mem>>
          %dma_start3A_31 = tpu.memref_slice %arg4[%add3A_24] : memref<160000xi32, #tpu.memory_space<hbm>> -> memref<128xi32, #tpu.memory_space<hbm>>
          %dma_start3A_32 = tpu.memref_slice %arg4[%add3A_24] : memref<160000xi32, #tpu.memory_space<hbm>> -> memref<128xi32, #tpu.memory_space<hbm>>
          tpu.enqueue_dma source(%dma_start3A_32 : memref<128xi32, #tpu.memory_space<hbm>>) target(%arg9 : memref<128xi32, #tpu.memory_space<vmem>>) target_semaphore(%run_scoped3A : memref<!tpu.dma_semaphore, #tpu.memory_space<semaphore_mem>>)
          %dma_wait3A_33 = tpu.memref_slice %arg4[%add3A_24] : memref<160000xi32, #tpu.memory_space<hbm>> -> memref<128xi32, #tpu.memory_space<hbm>>
          %dma_wait3A_34 = tpu.memref_slice %arg4[%add3A_24] : memref<160000xi32, #tpu.memory_space<hbm>> -> memref<128xi32, #tpu.memory_space<hbm>>
          tpu.wait_dma2 semaphore(%run_scoped3A : memref<!tpu.dma_semaphore, #tpu.memory_space<semaphore_mem>>) src(%dma_wait3A_34 : memref<128xi32, #tpu.memory_space<hbm>>) dst(%arg9 : memref<128xi32, #tpu.memory_space<vmem>>)
          tpu.yield
        }) : () -> ()
        "tpu.region"() ({
          %run_scoped3A = tpu.sem_alloc : memref<!tpu.dma_semaphore, #tpu.memory_space<semaphore_mem>>
          %dma_start3A_31 = tpu.memref_slice %arg5[%add3A_24] : memref<160000xi32, #tpu.memory_space<hbm>> -> memref<128xi32, #tpu.memory_space<hbm>>
          %dma_start3A_32 = tpu.memref_slice %arg5[%add3A_24] : memref<160000xi32, #tpu.memory_space<hbm>> -> memref<128xi32, #tpu.memory_space<hbm>>
          tpu.enqueue_dma source(%dma_start3A_32 : memref<128xi32, #tpu.memory_space<hbm>>) target(%arg10 : memref<128xi32, #tpu.memory_space<vmem>>) target_semaphore(%run_scoped3A : memref<!tpu.dma_semaphore, #tpu.memory_space<semaphore_mem>>)
          %dma_wait3A_33 = tpu.memref_slice %arg5[%add3A_24] : memref<160000xi32, #tpu.memory_space<hbm>> -> memref<128xi32, #tpu.memory_space<hbm>>
          %dma_wait3A_34 = tpu.memref_slice %arg5[%add3A_24] : memref<160000xi32, #tpu.memory_space<hbm>> -> memref<128xi32, #tpu.memory_space<hbm>>
          tpu.wait_dma2 semaphore(%run_scoped3A : memref<!tpu.dma_semaphore, #tpu.memory_space<semaphore_mem>>) src(%dma_wait3A_34 : memref<128xi32, #tpu.memory_space<hbm>>) dst(%arg10 : memref<128xi32, #tpu.memory_space<vmem>>)
          tpu.yield
        }) : () -> ()
        %dma_start3A_25 = arith.constant 0 : i32
        %dma_start3A_26 = arith.constant 0 : i32
        %dma_start3A_27 = tpu.memref_slice %arg3[%dma_start3A_25, %dma_start3A_26] : memref<10240x160xf32, #tpu.memory_space<hbm>> -> memref<10240x160xf32, #tpu.memory_space<hbm>>
        tpu.enqueue_indirect_dma source(%dma_start3A_27 : memref<10240x160xf32, #tpu.memory_space<hbm>>) target(%arg11 : memref<128x160xf32, #tpu.memory_space<vmem>>) offsets(%arg9 : memref<128xi32, #tpu.memory_space<vmem>>) semaphore(%arg15 : memref<!tpu.dma_semaphore, #tpu.memory_space<semaphore_mem>>)
        %dma_wait3A_28 = arith.constant 0 : i32
        %dma_wait3A_29 = arith.constant 0 : i32
        %dma_wait3A_30 = tpu.memref_slice %arg3[%dma_wait3A_28, %dma_wait3A_29] : memref<10240x160xf32, #tpu.memory_space<hbm>> -> memref<10240x160xf32, #tpu.memory_space<hbm>>
        tpu.wait_indirect_dma semaphore(%arg15 : memref<!tpu.dma_semaphore, #tpu.memory_space<semaphore_mem>>) src(%dma_wait3A_30 : memref<10240x160xf32, #tpu.memory_space<hbm>>) dst(%arg11 : memref<128x160xf32, #tpu.memory_space<vmem>>)
        "tpu.region"() ({
          %run_scoped3A = tpu.sem_alloc : memref<!tpu.dma_semaphore, #tpu.memory_space<semaphore_mem>>
          %dma_start3A_31 = arith.constant 0 : i32
          %dma_start3A_32 = arith.constant 0 : i32
          %dma_start3A_33 = tpu.memref_slice %arg8[%dma_start3A_31, %dma_start3A_32] : memref<10240x160xf32, #tpu.memory_space<vmem_shared>> -> memref<10240x160xf32, #tpu.memory_space<vmem_shared>>
          tpu.enqueue_indirect_dma source(%arg11 : memref<128x160xf32, #tpu.memory_space<vmem>>) target(%dma_start3A_33 : memref<10240x160xf32, #tpu.memory_space<vmem_shared>>) offsets(%arg10 : memref<128xi32, #tpu.memory_space<vmem>>) semaphore(%run_scoped3A : memref<!tpu.dma_semaphore, #tpu.memory_space<semaphore_mem>>) {add = true}
          %dma_wait3A_34 = arith.constant 0 : i32
          %dma_wait3A_35 = arith.constant 0 : i32
          %dma_wait3A_36 = tpu.memref_slice %arg8[%dma_wait3A_34, %dma_wait3A_35] : memref<10240x160xf32, #tpu.memory_space<vmem_shared>> -> memref<10240x160xf32, #tpu.memory_space<vmem_shared>>
          tpu.wait_indirect_dma semaphore(%run_scoped3A : memref<!tpu.dma_semaphore, #tpu.memory_space<semaphore_mem>>) src(%arg11 : memref<128x160xf32, #tpu.memory_space<vmem>>) dst(%dma_wait3A_36 : memref<10240x160xf32, #tpu.memory_space<vmem_shared>>)
          tpu.yield
        }) : () -> ()
      }
      %scan3A_14 = arith.constant 78 : i32
      %add3A = arith.constant 9984 : i32
      %add3A_15 = arith.addi %mul3A_2, %add3A : i32
      "tpu.region"() ({
        %run_scoped3A = tpu.sem_alloc : memref<!tpu.dma_semaphore, #tpu.memory_space<semaphore_mem>>
        %dma_start3A_21 = tpu.memref_slice %arg4[%add3A_15] : memref<160000xi32, #tpu.memory_space<hbm>> -> memref<16xi32, #tpu.memory_space<hbm>>
        %dma_start3A_22 = tpu.memref_slice %arg4[%add3A_15] : memref<160000xi32, #tpu.memory_space<hbm>> -> memref<16xi32, #tpu.memory_space<hbm>>
        tpu.enqueue_dma source(%dma_start3A_22 : memref<16xi32, #tpu.memory_space<hbm>>) target(%arg12 : memref<16xi32, #tpu.memory_space<vmem>>) target_semaphore(%run_scoped3A : memref<!tpu.dma_semaphore, #tpu.memory_space<semaphore_mem>>)
        %dma_wait3A_23 = tpu.memref_slice %arg4[%add3A_15] : memref<160000xi32, #tpu.memory_space<hbm>> -> memref<16xi32, #tpu.memory_space<hbm>>
        %dma_wait3A_24 = tpu.memref_slice %arg4[%add3A_15] : memref<160000xi32, #tpu.memory_space<hbm>> -> memref<16xi32, #tpu.memory_space<hbm>>
        tpu.wait_dma2 semaphore(%run_scoped3A : memref<!tpu.dma_semaphore, #tpu.memory_space<semaphore_mem>>) src(%dma_wait3A_24 : memref<16xi32, #tpu.memory_space<hbm>>) dst(%arg12 : memref<16xi32, #tpu.memory_space<vmem>>)
        tpu.yield
      }) : () -> ()
      "tpu.region"() ({
        %run_scoped3A = tpu.sem_alloc : memref<!tpu.dma_semaphore, #tpu.memory_space<semaphore_mem>>
        %dma_start3A_21 = tpu.memref_slice %arg5[%add3A_15] : memref<160000xi32, #tpu.memory_space<hbm>> -> memref<16xi32, #tpu.memory_space<hbm>>
        %dma_start3A_22 = tpu.memref_slice %arg5[%add3A_15] : memref<160000xi32, #tpu.memory_space<hbm>> -> memref<16xi32, #tpu.memory_space<hbm>>
        tpu.enqueue_dma source(%dma_start3A_22 : memref<16xi32, #tpu.memory_space<hbm>>) target(%arg13 : memref<16xi32, #tpu.memory_space<vmem>>) target_semaphore(%run_scoped3A : memref<!tpu.dma_semaphore, #tpu.memory_space<semaphore_mem>>)
        %dma_wait3A_23 = tpu.memref_slice %arg5[%add3A_15] : memref<160000xi32, #tpu.memory_space<hbm>> -> memref<16xi32, #tpu.memory_space<hbm>>
        %dma_wait3A_24 = tpu.memref_slice %arg5[%add3A_15] : memref<160000xi32, #tpu.memory_space<hbm>> -> memref<16xi32, #tpu.memory_space<hbm>>
        tpu.wait_dma2 semaphore(%run_scoped3A : memref<!tpu.dma_semaphore, #tpu.memory_space<semaphore_mem>>) src(%dma_wait3A_24 : memref<16xi32, #tpu.memory_space<hbm>>) dst(%arg13 : memref<16xi32, #tpu.memory_space<vmem>>)
        tpu.yield
      }) : () -> ()
      %dma_start3A = arith.constant 0 : i32
      %dma_start3A_16 = arith.constant 0 : i32
      %dma_start3A_17 = tpu.memref_slice %arg3[%dma_start3A, %dma_start3A_16] : memref<10240x160xf32, #tpu.memory_space<hbm>> -> memref<10240x160xf32, #tpu.memory_space<hbm>>
      tpu.enqueue_indirect_dma source(%dma_start3A_17 : memref<10240x160xf32, #tpu.memory_space<hbm>>) target(%arg14 : memref<16x160xf32, #tpu.memory_space<vmem>>) offsets(%arg12 : memref<16xi32, #tpu.memory_space<vmem>>) semaphore(%arg15 : memref<!tpu.dma_semaphore, #tpu.memory_space<semaphore_mem>>)
      %dma_wait3A = arith.constant 0 : i32
      %dma_wait3A_18 = arith.constant 0 : i32
      %dma_wait3A_19 = tpu.memref_slice %arg3[%dma_wait3A, %dma_wait3A_18] : memref<10240x160xf32, #tpu.memory_space<hbm>> -> memref<10240x160xf32, #tpu.memory_space<hbm>>
      tpu.wait_indirect_dma semaphore(%arg15 : memref<!tpu.dma_semaphore, #tpu.memory_space<semaphore_mem>>) src(%dma_wait3A_19 : memref<10240x160xf32, #tpu.memory_space<hbm>>) dst(%arg14 : memref<16x160xf32, #tpu.memory_space<vmem>>)
      "tpu.region"() ({
        %run_scoped3A = tpu.sem_alloc : memref<!tpu.dma_semaphore, #tpu.memory_space<semaphore_mem>>
        %dma_start3A_21 = arith.constant 0 : i32
        %dma_start3A_22 = arith.constant 0 : i32
        %dma_start3A_23 = tpu.memref_slice %arg8[%dma_start3A_21, %dma_start3A_22] : memref<10240x160xf32, #tpu.memory_space<vmem_shared>> -> memref<10240x160xf32, #tpu.memory_space<vmem_shared>>
        tpu.enqueue_indirect_dma source(%arg14 : memref<16x160xf32, #tpu.memory_space<vmem>>) target(%dma_start3A_23 : memref<10240x160xf32, #tpu.memory_space<vmem_shared>>) offsets(%arg13 : memref<16xi32, #tpu.memory_space<vmem>>) semaphore(%run_scoped3A : memref<!tpu.dma_semaphore, #tpu.memory_space<semaphore_mem>>) {add = true}
        %dma_wait3A_24 = arith.constant 0 : i32
        %dma_wait3A_25 = arith.constant 0 : i32
        %dma_wait3A_26 = tpu.memref_slice %arg8[%dma_wait3A_24, %dma_wait3A_25] : memref<10240x160xf32, #tpu.memory_space<vmem_shared>> -> memref<10240x160xf32, #tpu.memory_space<vmem_shared>>
        tpu.wait_indirect_dma semaphore(%run_scoped3A : memref<!tpu.dma_semaphore, #tpu.memory_space<semaphore_mem>>) src(%arg14 : memref<16x160xf32, #tpu.memory_space<vmem>>) dst(%dma_wait3A_26 : memref<10240x160xf32, #tpu.memory_space<vmem_shared>>)
        tpu.yield
      }) : () -> ()
      %barrier3A_20 = arith.constant 0 : index
      tpu.barrier barrier_id(%barrier3A_20)
      "tpu.region"() ({
        %run_scoped3A = tpu.sem_alloc : memref<!tpu.dma_semaphore, #tpu.memory_space<semaphore_mem>>
        %dma_start3A_21 = arith.constant 0 : i32
        %dma_start3A_22 = tpu.memref_slice %arg7[%mul3A_0, %dma_start3A_21] : memref<10240x160xf32, #tpu.memory_space<hbm>> -> memref<640x160xf32, #tpu.memory_space<hbm>>
        %dma_start3A_23 = arith.constant 0 : i32
        %dma_start3A_24 = tpu.memref_slice %arg8[%mul3A_0, %dma_start3A_23] : memref<10240x160xf32, #tpu.memory_space<vmem_shared>> -> memref<640x160xf32, #tpu.memory_space<vmem_shared>>
        tpu.enqueue_dma source(%dma_start3A_24 : memref<640x160xf32, #tpu.memory_space<vmem_shared>>) target(%dma_start3A_22 : memref<640x160xf32, #tpu.memory_space<hbm>>) target_semaphore(%run_scoped3A : memref<!tpu.dma_semaphore, #tpu.memory_space<semaphore_mem>>)
        %dma_wait3A_25 = arith.constant 0 : i32
        %dma_wait3A_26 = tpu.memref_slice %arg7[%mul3A_0, %dma_wait3A_25] : memref<10240x160xf32, #tpu.memory_space<hbm>> -> memref<640x160xf32, #tpu.memory_space<hbm>>
        %dma_wait3A_27 = arith.constant 0 : i32
        %dma_wait3A_28 = tpu.memref_slice %arg8[%mul3A_0, %dma_wait3A_27] : memref<10240x160xf32, #tpu.memory_space<vmem_shared>> -> memref<640x160xf32, #tpu.memory_space<vmem_shared>>
        tpu.wait_dma2 semaphore(%run_scoped3A : memref<!tpu.dma_semaphore, #tpu.memory_space<semaphore_mem>>) src(%dma_wait3A_28 : memref<640x160xf32, #tpu.memory_space<vmem_shared>>) dst(%dma_wait3A_26 : memref<640x160xf32, #tpu.memory_space<hbm>>)
        tpu.yield
      }) : () -> ()
    } else {
    }
    return
  }
}

#map = affine_map<(d0, d1) -> (0, 0)>
#map1 = affine_map<(d0, d1) -> (0)>
module attributes {stable_mosaic.version = 14 : i64} {
  func.func @run(%arg0: i32, %arg1: i32, %arg2: memref<10240x160xf32, #tpu.memory_space<hbm>>, %arg3: memref<10240x160xf32, #tpu.memory_space<hbm>>, %arg4: memref<160000xi32, #tpu.memory_space<hbm>>, %arg5: memref<160000xi32, #tpu.memory_space<hbm>>, %arg6: memref<10240x160xf32, #tpu.memory_space<hbm>>, %arg7: memref<10240x160xf32, #tpu.memory_space<hbm>>, %arg8: memref<10240x160xf32, #tpu.memory_space<vmem_shared>>, %arg9: memref<128xi32, #tpu.memory_space<vmem>>, %arg10: memref<128xi32, #tpu.memory_space<vmem>>, %arg11: memref<128x160xf32, #tpu.memory_space<vmem>>, %arg12: memref<16xi32, #tpu.memory_space<vmem>>, %arg13: memref<16xi32, #tpu.memory_space<vmem>>, %arg14: memref<16x160xf32, #tpu.memory_space<vmem>>, %arg15: memref<!tpu.dma_semaphore, #tpu.memory_space<semaphore_mem>>) attributes {dimension_semantics = [#tpu.dimension_semantics<core_parallel>, #tpu.dimension_semantics<subcore_parallel>], iteration_bounds = array<i64: 2, 16>, scalar_prefetch = 0 : i64, scratch_operands = 8 : i64, tpu.core_type = #tpu.core_type<sc_vector_subcore>, window_params = [{transform_indices = #map}, {transform_indices = #map}, {transform_indices = #map1}, {transform_indices = #map1}, {transform_indices = #map}, {transform_indices = #map}]} {
    %mul3A = arith.constant 640 : i32
    %mul3A_0 = arith.muli %arg1, %mul3A : i32
    %mul3A_1 = arith.constant 10000 : i32
    %mul3A_2 = arith.muli %arg1, %mul3A_1 : i32
    %eq3A = arith.constant 0 : i32
    %eq3A_3 = arith.cmpi eq, %arg0, %eq3A : i32
    %convert_element_type3A = arith.extui %eq3A_3 : i1 to i32
    %cond3A = arith.constant 0 : i32
    %cond3A_4 = arith.cmpi ne, %convert_element_type3A, %cond3A : i32
    scf.if %cond3A_4 {
      "tpu.region"() ({
        %run_scoped3A = tpu.sem_alloc : memref<!tpu.dma_semaphore, #tpu.memory_space<semaphore_mem>>
        %dma_start3A_21 = arith.constant 0 : i32
        %dma_start3A_22 = tpu.memref_slice %arg8[%mul3A_0, %dma_start3A_21] : memref<10240x160xf32, #tpu.memory_space<vmem_shared>> -> memref<640x160xf32, #tpu.memory_space<vmem_shared>>
        %dma_start3A_23 = arith.constant 0 : i32
        %dma_start3A_24 = tpu.memref_slice %arg2[%mul3A_0, %dma_start3A_23] : memref<10240x160xf32, #tpu.memory_space<hbm>> -> memref<640x160xf32, #tpu.memory_space<hbm>>
        tpu.enqueue_dma source(%dma_start3A_24 : memref<640x160xf32, #tpu.memory_space<hbm>>) target(%dma_start3A_22 : memref<640x160xf32, #tpu.memory_space<vmem_shared>>) target_semaphore(%run_scoped3A : memref<!tpu.dma_semaphore, #tpu.memory_space<semaphore_mem>>)
        %dma_wait3A_25 = arith.constant 0 : i32
        %dma_wait3A_26 = tpu.memref_slice %arg8[%mul3A_0, %dma_wait3A_25] : memref<10240x160xf32, #tpu.memory_space<vmem_shared>> -> memref<640x160xf32, #tpu.memory_space<vmem_shared>>
        %dma_wait3A_27 = arith.constant 0 : i32
        %dma_wait3A_28 = tpu.memref_slice %arg2[%mul3A_0, %dma_wait3A_27] : memref<10240x160xf32, #tpu.memory_space<hbm>> -> memref<640x160xf32, #tpu.memory_space<hbm>>
        tpu.wait_dma2 semaphore(%run_scoped3A : memref<!tpu.dma_semaphore, #tpu.memory_space<semaphore_mem>>) src(%dma_wait3A_28 : memref<640x160xf32, #tpu.memory_space<hbm>>) dst(%dma_wait3A_26 : memref<640x160xf32, #tpu.memory_space<vmem_shared>>)
        tpu.yield
      }) : () -> ()
      %barrier3A = arith.constant 0 : index
      tpu.barrier barrier_id(%barrier3A)
      %scan3A = arith.constant 0 : i32
      %scan3A_10 = arith.constant 0 : i32
      %scan3A_11 = arith.constant 78 : i32
      %scan3A_12 = arith.addi %scan3A_10, %scan3A_11 : i32
      %scan3A_13 = arith.constant 1 : i32
      scf.for %scan3A_21 = %scan3A_10 to %scan3A_12 step %scan3A_13  : i32 {
        %mul3A_22 = arith.constant 128 : i32
        %mul3A_23 = arith.muli %scan3A_21, %mul3A_22 : i32
        %add3A_24 = arith.addi %mul3A_2, %mul3A_23 : i32
        "tpu.region"() ({
          %run_scoped3A = tpu.sem_alloc : memref<!tpu.dma_semaphore, #tpu.memory_space<semaphore_mem>>
          %dma_start3A_31 = tpu.memref_slice %arg4[%add3A_24] : memref<160000xi32, #tpu.memory_space<hbm>> -> memref<128xi32, #tpu.memory_space<hbm>>
          %dma_start3A_32 = tpu.memref_slice %arg4[%add3A_24] : memref<160000xi32, #tpu.memory_space<hbm>> -> memref<128xi32, #tpu.memory_space<hbm>>
          tpu.enqueue_dma source(%dma_start3A_32 : memref<128xi32, #tpu.memory_space<hbm>>) target(%arg9 : memref<128xi32, #tpu.memory_space<vmem>>) target_semaphore(%run_scoped3A : memref<!tpu.dma_semaphore, #tpu.memory_space<semaphore_mem>>)
          %dma_wait3A_33 = tpu.memref_slice %arg4[%add3A_24] : memref<160000xi32, #tpu.memory_space<hbm>> -> memref<128xi32, #tpu.memory_space<hbm>>
          %dma_wait3A_34 = tpu.memref_slice %arg4[%add3A_24] : memref<160000xi32, #tpu.memory_space<hbm>> -> memref<128xi32, #tpu.memory_space<hbm>>
          tpu.wait_dma2 semaphore(%run_scoped3A : memref<!tpu.dma_semaphore, #tpu.memory_space<semaphore_mem>>) src(%dma_wait3A_34 : memref<128xi32, #tpu.memory_space<hbm>>) dst(%arg9 : memref<128xi32, #tpu.memory_space<vmem>>)
          tpu.yield
        }) : () -> ()
        "tpu.region"() ({
          %run_scoped3A = tpu.sem_alloc : memref<!tpu.dma_semaphore, #tpu.memory_space<semaphore_mem>>
          %dma_start3A_31 = tpu.memref_slice %arg5[%add3A_24] : memref<160000xi32, #tpu.memory_space<hbm>> -> memref<128xi32, #tpu.memory_space<hbm>>
          %dma_start3A_32 = tpu.memref_slice %arg5[%add3A_24] : memref<160000xi32, #tpu.memory_space<hbm>> -> memref<128xi32, #tpu.memory_space<hbm>>
          tpu.enqueue_dma source(%dma_start3A_32 : memref<128xi32, #tpu.memory_space<hbm>>) target(%arg10 : memref<128xi32, #tpu.memory_space<vmem>>) target_semaphore(%run_scoped3A : memref<!tpu.dma_semaphore, #tpu.memory_space<semaphore_mem>>)
          %dma_wait3A_33 = tpu.memref_slice %arg5[%add3A_24] : memref<160000xi32, #tpu.memory_space<hbm>> -> memref<128xi32, #tpu.memory_space<hbm>>
          %dma_wait3A_34 = tpu.memref_slice %arg5[%add3A_24] : memref<160000xi32, #tpu.memory_space<hbm>> -> memref<128xi32, #tpu.memory_space<hbm>>
          tpu.wait_dma2 semaphore(%run_scoped3A : memref<!tpu.dma_semaphore, #tpu.memory_space<semaphore_mem>>) src(%dma_wait3A_34 : memref<128xi32, #tpu.memory_space<hbm>>) dst(%arg10 : memref<128xi32, #tpu.memory_space<vmem>>)
          tpu.yield
        }) : () -> ()
        %dma_start3A_25 = arith.constant 0 : i32
        %dma_start3A_26 = arith.constant 0 : i32
        %dma_start3A_27 = tpu.memref_slice %arg2[%dma_start3A_25, %dma_start3A_26] : memref<10240x160xf32, #tpu.memory_space<hbm>> -> memref<10240x160xf32, #tpu.memory_space<hbm>>
        tpu.enqueue_indirect_dma source(%dma_start3A_27 : memref<10240x160xf32, #tpu.memory_space<hbm>>) target(%arg11 : memref<128x160xf32, #tpu.memory_space<vmem>>) offsets(%arg9 : memref<128xi32, #tpu.memory_space<vmem>>) semaphore(%arg15 : memref<!tpu.dma_semaphore, #tpu.memory_space<semaphore_mem>>)
        %dma_wait3A_28 = arith.constant 0 : i32
        %dma_wait3A_29 = arith.constant 0 : i32
        %dma_wait3A_30 = tpu.memref_slice %arg2[%dma_wait3A_28, %dma_wait3A_29] : memref<10240x160xf32, #tpu.memory_space<hbm>> -> memref<10240x160xf32, #tpu.memory_space<hbm>>
        tpu.wait_indirect_dma semaphore(%arg15 : memref<!tpu.dma_semaphore, #tpu.memory_space<semaphore_mem>>) src(%dma_wait3A_30 : memref<10240x160xf32, #tpu.memory_space<hbm>>) dst(%arg11 : memref<128x160xf32, #tpu.memory_space<vmem>>)
        "tpu.region"() ({
          %run_scoped3A = tpu.sem_alloc : memref<!tpu.dma_semaphore, #tpu.memory_space<semaphore_mem>>
          %dma_start3A_31 = arith.constant 0 : i32
          %dma_start3A_32 = arith.constant 0 : i32
          %dma_start3A_33 = tpu.memref_slice %arg8[%dma_start3A_31, %dma_start3A_32] : memref<10240x160xf32, #tpu.memory_space<vmem_shared>> -> memref<10240x160xf32, #tpu.memory_space<vmem_shared>>
          tpu.enqueue_indirect_dma source(%arg11 : memref<128x160xf32, #tpu.memory_space<vmem>>) target(%dma_start3A_33 : memref<10240x160xf32, #tpu.memory_space<vmem_shared>>) offsets(%arg10 : memref<128xi32, #tpu.memory_space<vmem>>) semaphore(%run_scoped3A : memref<!tpu.dma_semaphore, #tpu.memory_space<semaphore_mem>>) {add = true}
          %dma_wait3A_34 = arith.constant 0 : i32
          %dma_wait3A_35 = arith.constant 0 : i32
          %dma_wait3A_36 = tpu.memref_slice %arg8[%dma_wait3A_34, %dma_wait3A_35] : memref<10240x160xf32, #tpu.memory_space<vmem_shared>> -> memref<10240x160xf32, #tpu.memory_space<vmem_shared>>
          tpu.wait_indirect_dma semaphore(%run_scoped3A : memref<!tpu.dma_semaphore, #tpu.memory_space<semaphore_mem>>) src(%arg11 : memref<128x160xf32, #tpu.memory_space<vmem>>) dst(%dma_wait3A_36 : memref<10240x160xf32, #tpu.memory_space<vmem_shared>>)
          tpu.yield
        }) : () -> ()
      }
      %scan3A_14 = arith.constant 78 : i32
      %add3A = arith.constant 9984 : i32
      %add3A_15 = arith.addi %mul3A_2, %add3A : i32
      "tpu.region"() ({
        %run_scoped3A = tpu.sem_alloc : memref<!tpu.dma_semaphore, #tpu.memory_space<semaphore_mem>>
        %dma_start3A_21 = tpu.memref_slice %arg4[%add3A_15] : memref<160000xi32, #tpu.memory_space<hbm>> -> memref<16xi32, #tpu.memory_space<hbm>>
        %dma_start3A_22 = tpu.memref_slice %arg4[%add3A_15] : memref<160000xi32, #tpu.memory_space<hbm>> -> memref<16xi32, #tpu.memory_space<hbm>>
        tpu.enqueue_dma source(%dma_start3A_22 : memref<16xi32, #tpu.memory_space<hbm>>) target(%arg12 : memref<16xi32, #tpu.memory_space<vmem>>) target_semaphore(%run_scoped3A : memref<!tpu.dma_semaphore, #tpu.memory_space<semaphore_mem>>)
        %dma_wait3A_23 = tpu.memref_slice %arg4[%add3A_15] : memref<160000xi32, #tpu.memory_space<hbm>> -> memref<16xi32, #tpu.memory_space<hbm>>
        %dma_wait3A_24 = tpu.memref_slice %arg4[%add3A_15] : memref<160000xi32, #tpu.memory_space<hbm>> -> memref<16xi32, #tpu.memory_space<hbm>>
        tpu.wait_dma2 semaphore(%run_scoped3A : memref<!tpu.dma_semaphore, #tpu.memory_space<semaphore_mem>>) src(%dma_wait3A_24 : memref<16xi32, #tpu.memory_space<hbm>>) dst(%arg12 : memref<16xi32, #tpu.memory_space<vmem>>)
        tpu.yield
      }) : () -> ()
      "tpu.region"() ({
        %run_scoped3A = tpu.sem_alloc : memref<!tpu.dma_semaphore, #tpu.memory_space<semaphore_mem>>
        %dma_start3A_21 = tpu.memref_slice %arg5[%add3A_15] : memref<160000xi32, #tpu.memory_space<hbm>> -> memref<16xi32, #tpu.memory_space<hbm>>
        %dma_start3A_22 = tpu.memref_slice %arg5[%add3A_15] : memref<160000xi32, #tpu.memory_space<hbm>> -> memref<16xi32, #tpu.memory_space<hbm>>
        tpu.enqueue_dma source(%dma_start3A_22 : memref<16xi32, #tpu.memory_space<hbm>>) target(%arg13 : memref<16xi32, #tpu.memory_space<vmem>>) target_semaphore(%run_scoped3A : memref<!tpu.dma_semaphore, #tpu.memory_space<semaphore_mem>>)
        %dma_wait3A_23 = tpu.memref_slice %arg5[%add3A_15] : memref<160000xi32, #tpu.memory_space<hbm>> -> memref<16xi32, #tpu.memory_space<hbm>>
        %dma_wait3A_24 = tpu.memref_slice %arg5[%add3A_15] : memref<160000xi32, #tpu.memory_space<hbm>> -> memref<16xi32, #tpu.memory_space<hbm>>
        tpu.wait_dma2 semaphore(%run_scoped3A : memref<!tpu.dma_semaphore, #tpu.memory_space<semaphore_mem>>) src(%dma_wait3A_24 : memref<16xi32, #tpu.memory_space<hbm>>) dst(%arg13 : memref<16xi32, #tpu.memory_space<vmem>>)
        tpu.yield
      }) : () -> ()
      %dma_start3A = arith.constant 0 : i32
      %dma_start3A_16 = arith.constant 0 : i32
      %dma_start3A_17 = tpu.memref_slice %arg2[%dma_start3A, %dma_start3A_16] : memref<10240x160xf32, #tpu.memory_space<hbm>> -> memref<10240x160xf32, #tpu.memory_space<hbm>>
      tpu.enqueue_indirect_dma source(%dma_start3A_17 : memref<10240x160xf32, #tpu.memory_space<hbm>>) target(%arg14 : memref<16x160xf32, #tpu.memory_space<vmem>>) offsets(%arg12 : memref<16xi32, #tpu.memory_space<vmem>>) semaphore(%arg15 : memref<!tpu.dma_semaphore, #tpu.memory_space<semaphore_mem>>)
      %dma_wait3A = arith.constant 0 : i32
      %dma_wait3A_18 = arith.constant 0 : i32
      %dma_wait3A_19 = tpu.memref_slice %arg2[%dma_wait3A, %dma_wait3A_18] : memref<10240x160xf32, #tpu.memory_space<hbm>> -> memref<10240x160xf32, #tpu.memory_space<hbm>>
      tpu.wait_indirect_dma semaphore(%arg15 : memref<!tpu.dma_semaphore, #tpu.memory_space<semaphore_mem>>) src(%dma_wait3A_19 : memref<10240x160xf32, #tpu.memory_space<hbm>>) dst(%arg14 : memref<16x160xf32, #tpu.memory_space<vmem>>)
      "tpu.region"() ({
        %run_scoped3A = tpu.sem_alloc : memref<!tpu.dma_semaphore, #tpu.memory_space<semaphore_mem>>
        %dma_start3A_21 = arith.constant 0 : i32
        %dma_start3A_22 = arith.constant 0 : i32
        %dma_start3A_23 = tpu.memref_slice %arg8[%dma_start3A_21, %dma_start3A_22] : memref<10240x160xf32, #tpu.memory_space<vmem_shared>> -> memref<10240x160xf32, #tpu.memory_space<vmem_shared>>
        tpu.enqueue_indirect_dma source(%arg14 : memref<16x160xf32, #tpu.memory_space<vmem>>) target(%dma_start3A_23 : memref<10240x160xf32, #tpu.memory_space<vmem_shared>>) offsets(%arg13 : memref<16xi32, #tpu.memory_space<vmem>>) semaphore(%run_scoped3A : memref<!tpu.dma_semaphore, #tpu.memory_space<semaphore_mem>>) {add = true}
        %dma_wait3A_24 = arith.constant 0 : i32
        %dma_wait3A_25 = arith.constant 0 : i32
        %dma_wait3A_26 = tpu.memref_slice %arg8[%dma_wait3A_24, %dma_wait3A_25] : memref<10240x160xf32, #tpu.memory_space<vmem_shared>> -> memref<10240x160xf32, #tpu.memory_space<vmem_shared>>
        tpu.wait_indirect_dma semaphore(%run_scoped3A : memref<!tpu.dma_semaphore, #tpu.memory_space<semaphore_mem>>) src(%arg14 : memref<16x160xf32, #tpu.memory_space<vmem>>) dst(%dma_wait3A_26 : memref<10240x160xf32, #tpu.memory_space<vmem_shared>>)
        tpu.yield
      }) : () -> ()
      %barrier3A_20 = arith.constant 0 : index
      tpu.barrier barrier_id(%barrier3A_20)
      "tpu.region"() ({
        %run_scoped3A = tpu.sem_alloc : memref<!tpu.dma_semaphore, #tpu.memory_space<semaphore_mem>>
        %dma_start3A_21 = arith.constant 0 : i32
        %dma_start3A_22 = tpu.memref_slice %arg6[%mul3A_0, %dma_start3A_21] : memref<10240x160xf32, #tpu.memory_space<hbm>> -> memref<640x160xf32, #tpu.memory_space<hbm>>
        %dma_start3A_23 = arith.constant 0 : i32
        %dma_start3A_24 = tpu.memref_slice %arg8[%mul3A_0, %dma_start3A_23] : memref<10240x160xf32, #tpu.memory_space<vmem_shared>> -> memref<640x160xf32, #tpu.memory_space<vmem_shared>>
        tpu.enqueue_dma source(%dma_start3A_24 : memref<640x160xf32, #tpu.memory_space<vmem_shared>>) target(%dma_start3A_22 : memref<640x160xf32, #tpu.memory_space<hbm>>) target_semaphore(%run_scoped3A : memref<!tpu.dma_semaphore, #tpu.memory_space<semaphore_mem>>)
        %dma_wait3A_25 = arith.constant 0 : i32
        %dma_wait3A_26 = tpu.memref_slice %arg6[%mul3A_0, %dma_wait3A_25] : memref<10240x160xf32, #tpu.memory_space<hbm>> -> memref<640x160xf32, #tpu.memory_space<hbm>>
        %dma_wait3A_27 = arith.constant 0 : i32
        %dma_wait3A_28 = tpu.memref_slice %arg8[%mul3A_0, %dma_wait3A_27] : memref<10240x160xf32, #tpu.memory_space<vmem_shared>> -> memref<640x160xf32, #tpu.memory_space<vmem_shared>>
        tpu.wait_dma2 semaphore(%run_scoped3A : memref<!tpu.dma_semaphore, #tpu.memory_space<semaphore_mem>>) src(%dma_wait3A_28 : memref<640x160xf32, #tpu.memory_space<vmem_shared>>) dst(%dma_wait3A_26 : memref<640x160xf32, #tpu.memory_space<hbm>>)
        tpu.yield
      }) : () -> ()
    } else {
    }
    %eq3A_5 = arith.constant 1 : i32
    %eq3A_6 = arith.cmpi eq, %arg0, %eq3A_5 : i32
    %convert_element_type3A_7 = arith.extui %eq3A_6 : i1 to i32
    %cond3A_8 = arith.constant 0 : i32
    %cond3A_9 = arith.cmpi ne, %convert_element_type3A_7, %cond3A_8 : i32
    scf.if %cond3A_9 {
      "tpu.region"() ({
        %run_scoped3A = tpu.sem_alloc : memref<!tpu.dma_semaphore, #tpu.memory_space<semaphore_mem>>
        %dma_start3A_21 = arith.constant 0 : i32
        %dma_start3A_22 = tpu.memref_slice %arg8[%mul3A_0, %dma_start3A_21] : memref<10240x160xf32, #tpu.memory_space<vmem_shared>> -> memref<640x160xf32, #tpu.memory_space<vmem_shared>>
        %dma_start3A_23 = arith.constant 0 : i32
        %dma_start3A_24 = tpu.memref_slice %arg3[%mul3A_0, %dma_start3A_23] : memref<10240x160xf32, #tpu.memory_space<hbm>> -> memref<640x160xf32, #tpu.memory_space<hbm>>
        tpu.enqueue_dma source(%dma_start3A_24 : memref<640x160xf32, #tpu.memory_space<hbm>>) target(%dma_start3A_22 : memref<640x160xf32, #tpu.memory_space<vmem_shared>>) target_semaphore(%run_scoped3A : memref<!tpu.dma_semaphore, #tpu.memory_space<semaphore_mem>>)
        %dma_wait3A_25 = arith.constant 0 : i32
        %dma_wait3A_26 = tpu.memref_slice %arg8[%mul3A_0, %dma_wait3A_25] : memref<10240x160xf32, #tpu.memory_space<vmem_shared>> -> memref<640x160xf32, #tpu.memory_space<vmem_shared>>
        %dma_wait3A_27 = arith.constant 0 : i32
        %dma_wait3A_28 = tpu.memref_slice %arg3[%mul3A_0, %dma_wait3A_27] : memref<10240x160xf32, #tpu.memory_space<hbm>> -> memref<640x160xf32, #tpu.memory_space<hbm>>
        tpu.wait_dma2 semaphore(%run_scoped3A : memref<!tpu.dma_semaphore, #tpu.memory_space<semaphore_mem>>) src(%dma_wait3A_28 : memref<640x160xf32, #tpu.memory_space<hbm>>) dst(%dma_wait3A_26 : memref<640x160xf32, #tpu.memory_space<vmem_shared>>)
        tpu.yield
      }) : () -> ()
      %barrier3A = arith.constant 0 : index
      tpu.barrier barrier_id(%barrier3A)
      %scan3A = arith.constant 0 : i32
      %scan3A_10 = arith.constant 0 : i32
      %scan3A_11 = arith.constant 78 : i32
      %scan3A_12 = arith.addi %scan3A_10, %scan3A_11 : i32
      %scan3A_13 = arith.constant 1 : i32
      scf.for %scan3A_21 = %scan3A_10 to %scan3A_12 step %scan3A_13  : i32 {
        %mul3A_22 = arith.constant 128 : i32
        %mul3A_23 = arith.muli %scan3A_21, %mul3A_22 : i32
        %add3A_24 = arith.addi %mul3A_2, %mul3A_23 : i32
        "tpu.region"() ({
          %run_scoped3A = tpu.sem_alloc : memref<!tpu.dma_semaphore, #tpu.memory_space<semaphore_mem>>
          %dma_start3A_31 = tpu.memref_slice %arg4[%add3A_24] : memref<160000xi32, #tpu.memory_space<hbm>> -> memref<128xi32, #tpu.memory_space<hbm>>
          %dma_start3A_32 = tpu.memref_slice %arg4[%add3A_24] : memref<160000xi32, #tpu.memory_space<hbm>> -> memref<128xi32, #tpu.memory_space<hbm>>
          tpu.enqueue_dma source(%dma_start3A_32 : memref<128xi32, #tpu.memory_space<hbm>>) target(%arg9 : memref<128xi32, #tpu.memory_space<vmem>>) target_semaphore(%run_scoped3A : memref<!tpu.dma_semaphore, #tpu.memory_space<semaphore_mem>>)
          %dma_wait3A_33 = tpu.memref_slice %arg4[%add3A_24] : memref<160000xi32, #tpu.memory_space<hbm>> -> memref<128xi32, #tpu.memory_space<hbm>>
          %dma_wait3A_34 = tpu.memref_slice %arg4[%add3A_24] : memref<160000xi32, #tpu.memory_space<hbm>> -> memref<128xi32, #tpu.memory_space<hbm>>
          tpu.wait_dma2 semaphore(%run_scoped3A : memref<!tpu.dma_semaphore, #tpu.memory_space<semaphore_mem>>) src(%dma_wait3A_34 : memref<128xi32, #tpu.memory_space<hbm>>) dst(%arg9 : memref<128xi32, #tpu.memory_space<vmem>>)
          tpu.yield
        }) : () -> ()
        "tpu.region"() ({
          %run_scoped3A = tpu.sem_alloc : memref<!tpu.dma_semaphore, #tpu.memory_space<semaphore_mem>>
          %dma_start3A_31 = tpu.memref_slice %arg5[%add3A_24] : memref<160000xi32, #tpu.memory_space<hbm>> -> memref<128xi32, #tpu.memory_space<hbm>>
          %dma_start3A_32 = tpu.memref_slice %arg5[%add3A_24] : memref<160000xi32, #tpu.memory_space<hbm>> -> memref<128xi32, #tpu.memory_space<hbm>>
          tpu.enqueue_dma source(%dma_start3A_32 : memref<128xi32, #tpu.memory_space<hbm>>) target(%arg10 : memref<128xi32, #tpu.memory_space<vmem>>) target_semaphore(%run_scoped3A : memref<!tpu.dma_semaphore, #tpu.memory_space<semaphore_mem>>)
          %dma_wait3A_33 = tpu.memref_slice %arg5[%add3A_24] : memref<160000xi32, #tpu.memory_space<hbm>> -> memref<128xi32, #tpu.memory_space<hbm>>
          %dma_wait3A_34 = tpu.memref_slice %arg5[%add3A_24] : memref<160000xi32, #tpu.memory_space<hbm>> -> memref<128xi32, #tpu.memory_space<hbm>>
          tpu.wait_dma2 semaphore(%run_scoped3A : memref<!tpu.dma_semaphore, #tpu.memory_space<semaphore_mem>>) src(%dma_wait3A_34 : memref<128xi32, #tpu.memory_space<hbm>>) dst(%arg10 : memref<128xi32, #tpu.memory_space<vmem>>)
          tpu.yield
        }) : () -> ()
        %dma_start3A_25 = arith.constant 0 : i32
        %dma_start3A_26 = arith.constant 0 : i32
        %dma_start3A_27 = tpu.memref_slice %arg3[%dma_start3A_25, %dma_start3A_26] : memref<10240x160xf32, #tpu.memory_space<hbm>> -> memref<10240x160xf32, #tpu.memory_space<hbm>>
        tpu.enqueue_indirect_dma source(%dma_start3A_27 : memref<10240x160xf32, #tpu.memory_space<hbm>>) target(%arg11 : memref<128x160xf32, #tpu.memory_space<vmem>>) offsets(%arg9 : memref<128xi32, #tpu.memory_space<vmem>>) semaphore(%arg15 : memref<!tpu.dma_semaphore, #tpu.memory_space<semaphore_mem>>)
        %dma_wait3A_28 = arith.constant 0 : i32
        %dma_wait3A_29 = arith.constant 0 : i32
        %dma_wait3A_30 = tpu.memref_slice %arg3[%dma_wait3A_28, %dma_wait3A_29] : memref<10240x160xf32, #tpu.memory_space<hbm>> -> memref<10240x160xf32, #tpu.memory_space<hbm>>
        tpu.wait_indirect_dma semaphore(%arg15 : memref<!tpu.dma_semaphore, #tpu.memory_space<semaphore_mem>>) src(%dma_wait3A_30 : memref<10240x160xf32, #tpu.memory_space<hbm>>) dst(%arg11 : memref<128x160xf32, #tpu.memory_space<vmem>>)
        "tpu.region"() ({
          %run_scoped3A = tpu.sem_alloc : memref<!tpu.dma_semaphore, #tpu.memory_space<semaphore_mem>>
          %dma_start3A_31 = arith.constant 0 : i32
          %dma_start3A_32 = arith.constant 0 : i32
          %dma_start3A_33 = tpu.memref_slice %arg8[%dma_start3A_31, %dma_start3A_32] : memref<10240x160xf32, #tpu.memory_space<vmem_shared>> -> memref<10240x160xf32, #tpu.memory_space<vmem_shared>>
          tpu.enqueue_indirect_dma source(%arg11 : memref<128x160xf32, #tpu.memory_space<vmem>>) target(%dma_start3A_33 : memref<10240x160xf32, #tpu.memory_space<vmem_shared>>) offsets(%arg10 : memref<128xi32, #tpu.memory_space<vmem>>) semaphore(%run_scoped3A : memref<!tpu.dma_semaphore, #tpu.memory_space<semaphore_mem>>) {add = true}
          %dma_wait3A_34 = arith.constant 0 : i32
          %dma_wait3A_35 = arith.constant 0 : i32
          %dma_wait3A_36 = tpu.memref_slice %arg8[%dma_wait3A_34, %dma_wait3A_35] : memref<10240x160xf32, #tpu.memory_space<vmem_shared>> -> memref<10240x160xf32, #tpu.memory_space<vmem_shared>>
          tpu.wait_indirect_dma semaphore(%run_scoped3A : memref<!tpu.dma_semaphore, #tpu.memory_space<semaphore_mem>>) src(%arg11 : memref<128x160xf32, #tpu.memory_space<vmem>>) dst(%dma_wait3A_36 : memref<10240x160xf32, #tpu.memory_space<vmem_shared>>)
          tpu.yield
        }) : () -> ()
      }
      %scan3A_14 = arith.constant 78 : i32
      %add3A = arith.constant 9984 : i32
      %add3A_15 = arith.addi %mul3A_2, %add3A : i32
      "tpu.region"() ({
        %run_scoped3A = tpu.sem_alloc : memref<!tpu.dma_semaphore, #tpu.memory_space<semaphore_mem>>
        %dma_start3A_21 = tpu.memref_slice %arg4[%add3A_15] : memref<160000xi32, #tpu.memory_space<hbm>> -> memref<16xi32, #tpu.memory_space<hbm>>
        %dma_start3A_22 = tpu.memref_slice %arg4[%add3A_15] : memref<160000xi32, #tpu.memory_space<hbm>> -> memref<16xi32, #tpu.memory_space<hbm>>
        tpu.enqueue_dma source(%dma_start3A_22 : memref<16xi32, #tpu.memory_space<hbm>>) target(%arg12 : memref<16xi32, #tpu.memory_space<vmem>>) target_semaphore(%run_scoped3A : memref<!tpu.dma_semaphore, #tpu.memory_space<semaphore_mem>>)
        %dma_wait3A_23 = tpu.memref_slice %arg4[%add3A_15] : memref<160000xi32, #tpu.memory_space<hbm>> -> memref<16xi32, #tpu.memory_space<hbm>>
        %dma_wait3A_24 = tpu.memref_slice %arg4[%add3A_15] : memref<160000xi32, #tpu.memory_space<hbm>> -> memref<16xi32, #tpu.memory_space<hbm>>
        tpu.wait_dma2 semaphore(%run_scoped3A : memref<!tpu.dma_semaphore, #tpu.memory_space<semaphore_mem>>) src(%dma_wait3A_24 : memref<16xi32, #tpu.memory_space<hbm>>) dst(%arg12 : memref<16xi32, #tpu.memory_space<vmem>>)
        tpu.yield
      }) : () -> ()
      "tpu.region"() ({
        %run_scoped3A = tpu.sem_alloc : memref<!tpu.dma_semaphore, #tpu.memory_space<semaphore_mem>>
        %dma_start3A_21 = tpu.memref_slice %arg5[%add3A_15] : memref<160000xi32, #tpu.memory_space<hbm>> -> memref<16xi32, #tpu.memory_space<hbm>>
        %dma_start3A_22 = tpu.memref_slice %arg5[%add3A_15] : memref<160000xi32, #tpu.memory_space<hbm>> -> memref<16xi32, #tpu.memory_space<hbm>>
        tpu.enqueue_dma source(%dma_start3A_22 : memref<16xi32, #tpu.memory_space<hbm>>) target(%arg13 : memref<16xi32, #tpu.memory_space<vmem>>) target_semaphore(%run_scoped3A : memref<!tpu.dma_semaphore, #tpu.memory_space<semaphore_mem>>)
        %dma_wait3A_23 = tpu.memref_slice %arg5[%add3A_15] : memref<160000xi32, #tpu.memory_space<hbm>> -> memref<16xi32, #tpu.memory_space<hbm>>
        %dma_wait3A_24 = tpu.memref_slice %arg5[%add3A_15] : memref<160000xi32, #tpu.memory_space<hbm>> -> memref<16xi32, #tpu.memory_space<hbm>>
        tpu.wait_dma2 semaphore(%run_scoped3A : memref<!tpu.dma_semaphore, #tpu.memory_space<semaphore_mem>>) src(%dma_wait3A_24 : memref<16xi32, #tpu.memory_space<hbm>>) dst(%arg13 : memref<16xi32, #tpu.memory_space<vmem>>)
        tpu.yield
      }) : () -> ()
      %dma_start3A = arith.constant 0 : i32
      %dma_start3A_16 = arith.constant 0 : i32
      %dma_start3A_17 = tpu.memref_slice %arg3[%dma_start3A, %dma_start3A_16] : memref<10240x160xf32, #tpu.memory_space<hbm>> -> memref<10240x160xf32, #tpu.memory_space<hbm>>
      tpu.enqueue_indirect_dma source(%dma_start3A_17 : memref<10240x160xf32, #tpu.memory_space<hbm>>) target(%arg14 : memref<16x160xf32, #tpu.memory_space<vmem>>) offsets(%arg12 : memref<16xi32, #tpu.memory_space<vmem>>) semaphore(%arg15 : memref<!tpu.dma_semaphore, #tpu.memory_space<semaphore_mem>>)
      %dma_wait3A = arith.constant 0 : i32
      %dma_wait3A_18 = arith.constant 0 : i32
      %dma_wait3A_19 = tpu.memref_slice %arg3[%dma_wait3A, %dma_wait3A_18] : memref<10240x160xf32, #tpu.memory_space<hbm>> -> memref<10240x160xf32, #tpu.memory_space<hbm>>
      tpu.wait_indirect_dma semaphore(%arg15 : memref<!tpu.dma_semaphore, #tpu.memory_space<semaphore_mem>>) src(%dma_wait3A_19 : memref<10240x160xf32, #tpu.memory_space<hbm>>) dst(%arg14 : memref<16x160xf32, #tpu.memory_space<vmem>>)
      "tpu.region"() ({
        %run_scoped3A = tpu.sem_alloc : memref<!tpu.dma_semaphore, #tpu.memory_space<semaphore_mem>>
        %dma_start3A_21 = arith.constant 0 : i32
        %dma_start3A_22 = arith.constant 0 : i32
        %dma_start3A_23 = tpu.memref_slice %arg8[%dma_start3A_21, %dma_start3A_22] : memref<10240x160xf32, #tpu.memory_space<vmem_shared>> -> memref<10240x160xf32, #tpu.memory_space<vmem_shared>>
        tpu.enqueue_indirect_dma source(%arg14 : memref<16x160xf32, #tpu.memory_space<vmem>>) target(%dma_start3A_23 : memref<10240x160xf32, #tpu.memory_space<vmem_shared>>) offsets(%arg13 : memref<16xi32, #tpu.memory_space<vmem>>) semaphore(%run_scoped3A : memref<!tpu.dma_semaphore, #tpu.memory_space<semaphore_mem>>) {add = true}
        %dma_wait3A_24 = arith.constant 0 : i32
        %dma_wait3A_25 = arith.constant 0 : i32
        %dma_wait3A_26 = tpu.memref_slice %arg8[%dma_wait3A_24, %dma_wait3A_25] : memref<10240x160xf32, #tpu.memory_space<vmem_shared>> -> memref<10240x160xf32, #tpu.memory_space<vmem_shared>>
        tpu.wait_indirect_dma semaphore(%run_scoped3A : memref<!tpu.dma_semaphore, #tpu.memory_space<semaphore_mem>>) src(%arg14 : memref<16x160xf32, #tpu.memory_space<vmem>>) dst(%dma_wait3A_26 : memref<10240x160xf32, #tpu.memory_space<vmem_shared>>)
        tpu.yield
      }) : () -> ()
      %barrier3A_20 = arith.constant 0 : index
      tpu.barrier barrier_id(%barrier3A_20)
      "tpu.region"() ({
        %run_scoped3A = tpu.sem_alloc : memref<!tpu.dma_semaphore, #tpu.memory_space<semaphore_mem>>
        %dma_start3A_21 = arith.constant 0 : i32
        %dma_start3A_22 = tpu.memref_slice %arg7[%mul3A_0, %dma_start3A_21] : memref<10240x160xf32, #tpu.memory_space<hbm>> -> memref<640x160xf32, #tpu.memory_space<hbm>>
        %dma_start3A_23 = arith.constant 0 : i32
        %dma_start3A_24 = tpu.memref_slice %arg8[%mul3A_0, %dma_start3A_23] : memref<10240x160xf32, #tpu.memory_space<vmem_shared>> -> memref<640x160xf32, #tpu.memory_space<vmem_shared>>
        tpu.enqueue_dma source(%dma_start3A_24 : memref<640x160xf32, #tpu.memory_space<vmem_shared>>) target(%dma_start3A_22 : memref<640x160xf32, #tpu.memory_space<hbm>>) target_semaphore(%run_scoped3A : memref<!tpu.dma_semaphore, #tpu.memory_space<semaphore_mem>>)
        %dma_wait3A_25 = arith.constant 0 : i32
        %dma_wait3A_26 = tpu.memref_slice %arg7[%mul3A_0, %dma_wait3A_25] : memref<10240x160xf32, #tpu.memory_space<hbm>> -> memref<640x160xf32, #tpu.memory_space<hbm>>
        %dma_wait3A_27 = arith.constant 0 : i32
        %dma_wait3A_28 = tpu.memref_slice %arg8[%mul3A_0, %dma_wait3A_27] : memref<10240x160xf32, #tpu.memory_space<vmem_shared>> -> memref<640x160xf32, #tpu.memory_space<vmem_shared>>
        tpu.wait_dma2 semaphore(%run_scoped3A : memref<!tpu.dma_semaphore, #tpu.memory_space<semaphore_mem>>) src(%dma_wait3A_28 : memref<640x160xf32, #tpu.memory_space<vmem_shared>>) dst(%dma_wait3A_26 : memref<640x160xf32, #tpu.memory_space<hbm>>)
        tpu.yield
      }) : () -> ()
    } else {
    }
    return
  }
}

module attributes {stable_mosaic.version = 14 : i64} {
  func.func @_embed_body(%arg0: i32, %arg1: memref<1024x1xi32, #tpu.memory_space<vmem>>, %arg2: memref<1024x16xf32, #tpu.memory_space<vmem>>, %arg3: memref<1024x16xf32, #tpu.memory_space<vmem>>, %arg4: memref<16x320xf32, #tpu.memory_space<vmem>>, %arg5: memref<1024x160xf32, #tpu.memory_space<vmem>>, %arg6: memref<1024x160xf32, #tpu.memory_space<vmem>>, %arg7: memref<1024x16xf32, #tpu.memory_space<vmem>>) attributes {dimension_semantics = [#tpu.dimension_semantics<arbitrary>], iteration_bounds = array<i64: 10>, scalar_prefetch = 0 : i64, scratch_operands = 0 : i64, tpu.core_type = #tpu.core_type<tc>, window_params = [{transform_indices = @transform_0, window_bounds = array<i64: 1024, 1>}, {transform_indices = @transform_1, window_bounds = array<i64: 1024, 16>}, {transform_indices = @transform_2, window_bounds = array<i64: 1024, 16>}, {pipeline_mode = #tpu.pipeline_mode<synchronous>, transform_indices = @transform_3, window_bounds = array<i64: 16, 320>}, {transform_indices = @transform_4, window_bounds = array<i64: 1024, 160>}, {transform_indices = @transform_5, window_bounds = array<i64: 1024, 160>}, {transform_indices = @transform_6, window_bounds = array<i64: 1024, 16>}]} {
    %iota3A = tpu.iota {dimensions = array<i32: 1>} : vector<1024x16xi32>
    %get3A = arith.constant 0 : index
    %get3A_0 = arith.constant 0 : index
    %get3A_1 = vector.load %arg1[%get3A, %get3A_0] : memref<1024x1xi32, #tpu.memory_space<vmem>>, vector<1024x1xi32>
    %eq3A = vector.broadcast %get3A_1 : vector<1024x1xi32> to vector<1024x16xi32>
    %eq3A_2 = arith.cmpi eq, %eq3A, %iota3A : vector<1024x16xi32>
    %convert_element_type3A = arith.extui %eq3A_2 : vector<1024x16xi1> to vector<1024x16xi32>
    %convert_element_type3A_3 = arith.sitofp %convert_element_type3A : vector<1024x16xi32> to vector<1024x16xf32>
    %get3A_4 = arith.constant 0 : index
    %get3A_5 = arith.constant 0 : index
    %get3A_6 = vector.load %arg4[%get3A_4, %get3A_5] : memref<16x320xf32, #tpu.memory_space<vmem>>, vector<16x320xf32>
    %dot_general3A = arith.constant dense<0.000000e+00> : vector<1024x320xf32>
    %dot_general3A_7 = tpu.matmul %convert_element_type3A_3, %get3A_6, %dot_general3A {dimension_numbers = #tpu.dot_dimension_numbers<[1], [0], [0], [1], [0, 0, 1, 1], [], []>, precision = #tpu.contract_precision<fp32>, transpose_lhs_hint = false} : vector<1024x16xf32>, vector<16x320xf32>, vector<1024x320xf32> -> vector<1024x320xf32>
    %slice3A = vector.extract_strided_slice %dot_general3A_7 {offsets = [0, 0], sizes = [1024, 160], strides = [1, 1]} : vector<1024x320xf32> to vector<1024x160xf32>
    %swap3A = arith.constant 0 : index
    %swap3A_8 = arith.constant 0 : index
    %swap3A_9 = vector.load %arg5[%swap3A, %swap3A_8] : memref<1024x160xf32, #tpu.memory_space<vmem>>, vector<1024x160xf32>
    tpu.vector_store %arg5[%swap3A, %swap3A_8], %slice3A {strides = array<i32>} : memref<1024x160xf32, #tpu.memory_space<vmem>>, vector<1024x160xf32>,
    %slice3A_10 = vector.extract_strided_slice %dot_general3A_7 {offsets = [0, 160], sizes = [1024, 160], strides = [1, 1]} : vector<1024x320xf32> to vector<1024x160xf32>
    %swap3A_11 = arith.constant 0 : index
    %swap3A_12 = arith.constant 0 : index
    %swap3A_13 = vector.load %arg6[%swap3A_11, %swap3A_12] : memref<1024x160xf32, #tpu.memory_space<vmem>>, vector<1024x160xf32>
    tpu.vector_store %arg6[%swap3A_11, %swap3A_12], %slice3A_10 {strides = array<i32>} : memref<1024x160xf32, #tpu.memory_space<vmem>>, vector<1024x160xf32>,
    %get3A_14 = arith.constant 0 : index
    %get3A_15 = arith.constant 0 : index
    %get3A_16 = vector.load %arg2[%get3A_14, %get3A_15] : memref<1024x16xf32, #tpu.memory_space<vmem>>, vector<1024x16xf32>
    %get3A_17 = arith.constant 0 : index
    %get3A_18 = arith.constant 0 : index
    %get3A_19 = vector.load %arg3[%get3A_17, %get3A_18] : memref<1024x16xf32, #tpu.memory_space<vmem>>, vector<1024x16xf32>
    %add3A = arith.addf %get3A_16, %get3A_19 : vector<1024x16xf32>
    %swap3A_20 = arith.constant 0 : index
    %swap3A_21 = arith.constant 0 : index
    %swap3A_22 = vector.load %arg7[%swap3A_20, %swap3A_21] : memref<1024x16xf32, #tpu.memory_space<vmem>>, vector<1024x16xf32>
    tpu.vector_store %arg7[%swap3A_20, %swap3A_21], %add3A {strides = array<i32>} : memref<1024x16xf32, #tpu.memory_space<vmem>>, vector<1024x16xf32>,
    return
  }
  func.func @transform_0(%arg0: i32) -> (i32, i32) {
    %c0_i32 = arith.constant 0 : i32
    %c0_i32_0 = arith.constant 0 : i32
    return %arg0, %c0_i32 : i32, i32
  }
  func.func @transform_1(%arg0: i32) -> (i32, i32) {
    %c0_i32 = arith.constant 0 : i32
    %c0_i32_0 = arith.constant 0 : i32
    return %arg0, %c0_i32 : i32, i32
  }
  func.func @transform_2(%arg0: i32) -> (i32, i32) {
    %c0_i32 = arith.constant 0 : i32
    %c0_i32_0 = arith.constant 0 : i32
    return %arg0, %c0_i32 : i32, i32
  }
  func.func @transform_3(%arg0: i32) -> (i32, i32) {
    %c0_i32 = arith.constant 0 : i32
    %c0_i32_0 = arith.constant 0 : i32
    %c0_i32_1 = arith.constant 0 : i32
    return %c0_i32, %c0_i32_0 : i32, i32
  }
  func.func @transform_4(%arg0: i32) -> (i32, i32) {
    %c0_i32 = arith.constant 0 : i32
    %c0_i32_0 = arith.constant 0 : i32
    return %arg0, %c0_i32 : i32, i32
  }
  func.func @transform_5(%arg0: i32) -> (i32, i32) {
    %c0_i32 = arith.constant 0 : i32
    %c0_i32_0 = arith.constant 0 : i32
    return %arg0, %c0_i32 : i32, i32
  }
  func.func @transform_6(%arg0: i32) -> (i32, i32) {
    %c0_i32 = arith.constant 0 : i32
    %c0_i32_0 = arith.constant 0 : i32
    return %arg0, %c0_i32 : i32, i32
  }
}

module attributes {stable_mosaic.version = 14 : i64} {
  func.func @_layer_body(%arg0: i32, %arg1: memref<1024x160xf32, #tpu.memory_space<vmem>>, %arg2: memref<1024x160xf32, #tpu.memory_space<vmem>>, %arg3: memref<1024x16xf32, #tpu.memory_space<vmem>>, %arg4: memref<16x320xf32, #tpu.memory_space<vmem>>, %arg5: memref<320x640xf32, #tpu.memory_space<vmem>>, %arg6: memref<1x640xf32, #tpu.memory_space<vmem>>, %arg7: memref<640x320xf32, #tpu.memory_space<vmem>>, %arg8: memref<1x320xf32, #tpu.memory_space<vmem>>, %arg9: memref<1024x320xf32, #tpu.memory_space<vmem>>, %arg10: memref<8x320xf32, #tpu.memory_space<vmem>>) attributes {dimension_semantics = [#tpu.dimension_semantics<arbitrary>], iteration_bounds = array<i64: 10>, scalar_prefetch = 0 : i64, scratch_operands = 0 : i64, tpu.core_type = #tpu.core_type<tc>, window_params = [{transform_indices = @transform_0, window_bounds = array<i64: 1024, 160>}, {transform_indices = @transform_1, window_bounds = array<i64: 1024, 160>}, {transform_indices = @transform_2, window_bounds = array<i64: 1024, 16>}, {pipeline_mode = #tpu.pipeline_mode<synchronous>, transform_indices = @transform_3, window_bounds = array<i64: 16, 320>}, {pipeline_mode = #tpu.pipeline_mode<synchronous>, transform_indices = @transform_4, window_bounds = array<i64: 320, 640>}, {pipeline_mode = #tpu.pipeline_mode<synchronous>, transform_indices = @transform_5, window_bounds = array<i64: 1, 640>}, {pipeline_mode = #tpu.pipeline_mode<synchronous>, transform_indices = @transform_6, window_bounds = array<i64: 640, 320>}, {pipeline_mode = #tpu.pipeline_mode<synchronous>, transform_indices = @transform_7, window_bounds = array<i64: 1, 320>}, {transform_indices = @transform_8, window_bounds = array<i64: 1024, 320>}, {pipeline_mode = #tpu.pipeline_mode<synchronous>, transform_indices = @transform_9, window_bounds = array<i64: 8, 320>}]} {
    %get3A = arith.constant 0 : index
    %get3A_0 = arith.constant 0 : index
    %get3A_1 = vector.load %arg1[%get3A, %get3A_0] : memref<1024x160xf32, #tpu.memory_space<vmem>>, vector<1024x160xf32>
    %get3A_2 = arith.constant 0 : index
    %get3A_3 = arith.constant 0 : index
    %get3A_4 = vector.load %arg2[%get3A_2, %get3A_3] : memref<1024x160xf32, #tpu.memory_space<vmem>>, vector<1024x160xf32>
    %concatenate3A = tpu.concatenate %get3A_1, %get3A_4 in 1 : vector<1024x160xf32>, vector<1024x160xf32> -> vector<1024x320xf32>
    %get3A_5 = arith.constant 0 : index
    %get3A_6 = arith.constant 0 : index
    %get3A_7 = vector.load %arg3[%get3A_5, %get3A_6] : memref<1024x16xf32, #tpu.memory_space<vmem>>, vector<1024x16xf32>
    %get3A_8 = arith.constant 0 : index
    %get3A_9 = arith.constant 0 : index
    %get3A_10 = vector.load %arg4[%get3A_8, %get3A_9] : memref<16x320xf32, #tpu.memory_space<vmem>>, vector<16x320xf32>
    %slice3A = vector.extract_strided_slice %get3A_7 {offsets = [0, 0], sizes = [1024, 1], strides = [1, 1]} : vector<1024x16xf32> to vector<1024x1xf32>
    %slice3A_11 = vector.extract_strided_slice %get3A_10 {offsets = [0, 0], sizes = [1, 320], strides = [1, 1]} : vector<16x320xf32> to vector<1x320xf32>
    %mul3A = vector.broadcast %slice3A : vector<1024x1xf32> to vector<1024x320xf32>
    %mul3A_12 = vector.broadcast %slice3A_11 : vector<1x320xf32> to vector<1024x320xf32>
    %mul3A_13 = arith.mulf %mul3A, %mul3A_12 : vector<1024x320xf32>
    %add3A = arith.addf %concatenate3A, %mul3A_13 : vector<1024x320xf32>
    %slice3A_14 = vector.extract_strided_slice %get3A_7 {offsets = [0, 1], sizes = [1024, 1], strides = [1, 1]} : vector<1024x16xf32> to vector<1024x1xf32>
    %slice3A_15 = vector.extract_strided_slice %get3A_10 {offsets = [1, 0], sizes = [1, 320], strides = [1, 1]} : vector<16x320xf32> to vector<1x320xf32>
    %mul3A_16 = vector.broadcast %slice3A_14 : vector<1024x1xf32> to vector<1024x320xf32>
    %mul3A_17 = vector.broadcast %slice3A_15 : vector<1x320xf32> to vector<1024x320xf32>
    %mul3A_18 = arith.mulf %mul3A_16, %mul3A_17 : vector<1024x320xf32>
    %add3A_19 = arith.addf %add3A, %mul3A_18 : vector<1024x320xf32>
    %slice3A_20 = vector.extract_strided_slice %get3A_7 {offsets = [0, 2], sizes = [1024, 1], strides = [1, 1]} : vector<1024x16xf32> to vector<1024x1xf32>
    %slice3A_21 = vector.extract_strided_slice %get3A_10 {offsets = [2, 0], sizes = [1, 320], strides = [1, 1]} : vector<16x320xf32> to vector<1x320xf32>
    %mul3A_22 = vector.broadcast %slice3A_20 : vector<1024x1xf32> to vector<1024x320xf32>
    %mul3A_23 = vector.broadcast %slice3A_21 : vector<1x320xf32> to vector<1024x320xf32>
    %mul3A_24 = arith.mulf %mul3A_22, %mul3A_23 : vector<1024x320xf32>
    %add3A_25 = arith.addf %add3A_19, %mul3A_24 : vector<1024x320xf32>
    %slice3A_26 = vector.extract_strided_slice %get3A_7 {offsets = [0, 3], sizes = [1024, 1], strides = [1, 1]} : vector<1024x16xf32> to vector<1024x1xf32>
    %slice3A_27 = vector.extract_strided_slice %get3A_10 {offsets = [3, 0], sizes = [1, 320], strides = [1, 1]} : vector<16x320xf32> to vector<1x320xf32>
    %mul3A_28 = vector.broadcast %slice3A_26 : vector<1024x1xf32> to vector<1024x320xf32>
    %mul3A_29 = vector.broadcast %slice3A_27 : vector<1x320xf32> to vector<1024x320xf32>
    %mul3A_30 = arith.mulf %mul3A_28, %mul3A_29 : vector<1024x320xf32>
    %add3A_31 = arith.addf %add3A_25, %mul3A_30 : vector<1024x320xf32>
    %slice3A_32 = vector.extract_strided_slice %get3A_7 {offsets = [0, 4], sizes = [1024, 1], strides = [1, 1]} : vector<1024x16xf32> to vector<1024x1xf32>
    %slice3A_33 = vector.extract_strided_slice %get3A_10 {offsets = [4, 0], sizes = [1, 320], strides = [1, 1]} : vector<16x320xf32> to vector<1x320xf32>
    %mul3A_34 = vector.broadcast %slice3A_32 : vector<1024x1xf32> to vector<1024x320xf32>
    %mul3A_35 = vector.broadcast %slice3A_33 : vector<1x320xf32> to vector<1024x320xf32>
    %mul3A_36 = arith.mulf %mul3A_34, %mul3A_35 : vector<1024x320xf32>
    %add3A_37 = arith.addf %add3A_31, %mul3A_36 : vector<1024x320xf32>
    %slice3A_38 = vector.extract_strided_slice %get3A_7 {offsets = [0, 5], sizes = [1024, 1], strides = [1, 1]} : vector<1024x16xf32> to vector<1024x1xf32>
    %slice3A_39 = vector.extract_strided_slice %get3A_10 {offsets = [5, 0], sizes = [1, 320], strides = [1, 1]} : vector<16x320xf32> to vector<1x320xf32>
    %mul3A_40 = vector.broadcast %slice3A_38 : vector<1024x1xf32> to vector<1024x320xf32>
    %mul3A_41 = vector.broadcast %slice3A_39 : vector<1x320xf32> to vector<1024x320xf32>
    %mul3A_42 = arith.mulf %mul3A_40, %mul3A_41 : vector<1024x320xf32>
    %add3A_43 = arith.addf %add3A_37, %mul3A_42 : vector<1024x320xf32>
    %slice3A_44 = vector.extract_strided_slice %get3A_7 {offsets = [0, 6], sizes = [1024, 1], strides = [1, 1]} : vector<1024x16xf32> to vector<1024x1xf32>
    %slice3A_45 = vector.extract_strided_slice %get3A_10 {offsets = [6, 0], sizes = [1, 320], strides = [1, 1]} : vector<16x320xf32> to vector<1x320xf32>
    %mul3A_46 = vector.broadcast %slice3A_44 : vector<1024x1xf32> to vector<1024x320xf32>
    %mul3A_47 = vector.broadcast %slice3A_45 : vector<1x320xf32> to vector<1024x320xf32>
    %mul3A_48 = arith.mulf %mul3A_46, %mul3A_47 : vector<1024x320xf32>
    %add3A_49 = arith.addf %add3A_43, %mul3A_48 : vector<1024x320xf32>
    %slice3A_50 = vector.extract_strided_slice %get3A_7 {offsets = [0, 7], sizes = [1024, 1], strides = [1, 1]} : vector<1024x16xf32> to vector<1024x1xf32>
    %slice3A_51 = vector.extract_strided_slice %get3A_10 {offsets = [7, 0], sizes = [1, 320], strides = [1, 1]} : vector<16x320xf32> to vector<1x320xf32>
    %mul3A_52 = vector.broadcast %slice3A_50 : vector<1024x1xf32> to vector<1024x320xf32>
    %mul3A_53 = vector.broadcast %slice3A_51 : vector<1x320xf32> to vector<1024x320xf32>
    %mul3A_54 = arith.mulf %mul3A_52, %mul3A_53 : vector<1024x320xf32>
    %add3A_55 = arith.addf %add3A_49, %mul3A_54 : vector<1024x320xf32>
    %slice3A_56 = vector.extract_strided_slice %get3A_7 {offsets = [0, 8], sizes = [1024, 1], strides = [1, 1]} : vector<1024x16xf32> to vector<1024x1xf32>
    %slice3A_57 = vector.extract_strided_slice %get3A_10 {offsets = [8, 0], sizes = [1, 320], strides = [1, 1]} : vector<16x320xf32> to vector<1x320xf32>
    %mul3A_58 = vector.broadcast %slice3A_56 : vector<1024x1xf32> to vector<1024x320xf32>
    %mul3A_59 = vector.broadcast %slice3A_57 : vector<1x320xf32> to vector<1024x320xf32>
    %mul3A_60 = arith.mulf %mul3A_58, %mul3A_59 : vector<1024x320xf32>
    %add3A_61 = arith.addf %add3A_55, %mul3A_60 : vector<1024x320xf32>
    %get3A_62 = arith.constant 0 : index
    %get3A_63 = arith.constant 0 : index
    %get3A_64 = vector.load %arg5[%get3A_62, %get3A_63] : memref<320x640xf32, #tpu.memory_space<vmem>>, vector<320x640xf32>
    %dot_general3A = arith.constant dense<0.000000e+00> : vector<1024x640xf32>
    %dot_general3A_65 = tpu.matmul %add3A_61, %get3A_64, %dot_general3A {dimension_numbers = #tpu.dot_dimension_numbers<[1], [0], [0], [1], [0, 0, 1, 1], [], []>, transpose_lhs_hint = false} : vector<1024x320xf32>, vector<320x640xf32>, vector<1024x640xf32> -> vector<1024x640xf32>
    %get3A_66 = arith.constant 0 : index
    %get3A_67 = arith.constant 0 : index
    %get3A_68 = vector.load %arg6[%get3A_66, %get3A_67] : memref<1x640xf32, #tpu.memory_space<vmem>>, vector<1x640xf32>
    %add3A_69 = vector.broadcast %get3A_68 : vector<1x640xf32> to vector<1024x640xf32>
    %add3A_70 = arith.addf %dot_general3A_65, %add3A_69 : vector<1024x640xf32>
    %max3A = arith.constant 0.000000e+00 : f32
    %max3A_71 = vector.broadcast %max3A : f32 to vector<1024x640xf32>
    %max3A_72 = arith.maximumf %add3A_70, %max3A_71 : vector<1024x640xf32>
    %get3A_73 = arith.constant 0 : index
    %get3A_74 = arith.constant 0 : index
    %get3A_75 = vector.load %arg7[%get3A_73, %get3A_74] : memref<640x320xf32, #tpu.memory_space<vmem>>, vector<640x320xf32>
    %dot_general3A_76 = arith.constant dense<0.000000e+00> : vector<1024x320xf32>
    %dot_general3A_77 = tpu.matmul %max3A_72, %get3A_75, %dot_general3A_76 {dimension_numbers = #tpu.dot_dimension_numbers<[1], [0], [0], [1], [0, 0, 1, 1], [], []>, transpose_lhs_hint = false} : vector<1024x640xf32>, vector<640x320xf32>, vector<1024x320xf32> -> vector<1024x320xf32>
    %get3A_78 = arith.constant 0 : index
    %get3A_79 = arith.constant 0 : index
    %get3A_80 = vector.load %arg8[%get3A_78, %get3A_79] : memref<1x320xf32, #tpu.memory_space<vmem>>, vector<1x320xf32>
    %add3A_81 = vector.broadcast %get3A_80 : vector<1x320xf32> to vector<1024x320xf32>
    %add3A_82 = arith.addf %dot_general3A_77, %add3A_81 : vector<1024x320xf32>
    %swap3A = arith.constant 0 : index
    %swap3A_83 = arith.constant 0 : index
    %swap3A_84 = vector.load %arg9[%swap3A, %swap3A_83] : memref<1024x320xf32, #tpu.memory_space<vmem>>, vector<1024x320xf32>
    tpu.vector_store %arg9[%swap3A, %swap3A_83], %add3A_82 {strides = array<i32>} : memref<1024x320xf32, #tpu.memory_space<vmem>>, vector<1024x320xf32>,
    %iota3A = tpu.iota {dimensions = array<i32: 0>} : vector<1024x1xi32>
    %mul3A_85 = arith.constant 1024 : i32
    %mul3A_86 = arith.muli %arg0, %mul3A_85 : i32
    %add3A_87 = vector.broadcast %mul3A_86 : i32 to vector<1024x1xi32>
    %add3A_88 = arith.addi %iota3A, %add3A_87 : vector<1024x1xi32>
    %lt3A = arith.constant 10000 : i32
    %lt3A_89 = vector.broadcast %lt3A : i32 to vector<1024x1xi32>
    %lt3A_90 = arith.cmpi slt, %add3A_88, %lt3A_89 : vector<1024x1xi32>
    %jit3A = arith.constant 0.000000e+00 : f32
    %broadcast_in_dim3A = vector.shape_cast %lt3A_90 : vector<1024x1xi1> to vector<1024x1xi1>
    %broadcast_in_dim3A_91 = vector.broadcast %broadcast_in_dim3A : vector<1024x1xi1> to vector<1024x320xi1>
    %broadcast_in_dim3A_92 = vector.broadcast %jit3A : f32 to vector<1024x320xf32>
    %select_n3A = arith.select %broadcast_in_dim3A_91, %add3A_82, %broadcast_in_dim3A_92 : vector<1024x320xi1>, vector<1024x320xf32>
    %reduce_sum3A = arith.constant dense<0.000000e+00> : vector<320xf32>
    %reduce_sum3A_93 = vector.multi_reduction <add>, %select_n3A, %reduce_sum3A [0] : vector<1024x320xf32> to vector<320xf32>
    %broadcast_in_dim3A_94 = vector.shape_cast %reduce_sum3A_93 : vector<320xf32> to vector<1x320xf32>
    %broadcast_in_dim3A_95 = arith.constant 0.000000e+00 : f32
    %broadcast_in_dim3A_96 = vector.broadcast %broadcast_in_dim3A_95 : f32 to vector<7x320xf32>
    %concatenate3A_97 = tpu.concatenate %broadcast_in_dim3A_94, %broadcast_in_dim3A_96 in 0 : vector<1x320xf32>, vector<7x320xf32> -> vector<8x320xf32>
    %eq3A = arith.constant 0 : i32
    %eq3A_98 = arith.cmpi eq, %arg0, %eq3A : i32
    %convert_element_type3A = arith.extui %eq3A_98 : i1 to i32
    %cond3A = arith.constant 0 : i32
    %cond3A_99 = arith.cmpi ne, %convert_element_type3A, %cond3A : i32
    scf.if %cond3A_99 {
      %swap3A_104 = arith.constant 0 : index
      %swap3A_105 = arith.constant 0 : index
      %swap3A_106 = vector.load %arg10[%swap3A_104, %swap3A_105] : memref<8x320xf32, #tpu.memory_space<vmem>>, vector<8x320xf32>
      tpu.vector_store %arg10[%swap3A_104, %swap3A_105], %concatenate3A_97 {strides = array<i32>} : memref<8x320xf32, #tpu.memory_space<vmem>>, vector<8x320xf32>,
    } else {
    }
    %gt3A = arith.constant 0 : i32
    %gt3A_100 = arith.cmpi sgt, %arg0, %gt3A : i32
    %convert_element_type3A_101 = arith.extui %gt3A_100 : i1 to i32
    %cond3A_102 = arith.constant 0 : i32
    %cond3A_103 = arith.cmpi ne, %convert_element_type3A_101, %cond3A_102 : i32
    scf.if %cond3A_103 {
      %get3A_104 = arith.constant 0 : index
      %get3A_105 = arith.constant 0 : index
      %get3A_106 = vector.load %arg10[%get3A_104, %get3A_105] : memref<8x320xf32, #tpu.memory_space<vmem>>, vector<8x320xf32>
      %add3A_107 = arith.addf %get3A_106, %concatenate3A_97 : vector<8x320xf32>
      %swap3A_108 = arith.constant 0 : index
      %swap3A_109 = arith.constant 0 : index
      %swap3A_110 = vector.load %arg10[%swap3A_108, %swap3A_109] : memref<8x320xf32, #tpu.memory_space<vmem>>, vector<8x320xf32>
      tpu.vector_store %arg10[%swap3A_108, %swap3A_109], %add3A_107 {strides = array<i32>} : memref<8x320xf32, #tpu.memory_space<vmem>>, vector<8x320xf32>,
    } else {
    }
    return
  }
  func.func @transform_0(%arg0: i32) -> (i32, i32) {
    %c0_i32 = arith.constant 0 : i32
    %c0_i32_0 = arith.constant 0 : i32
    return %arg0, %c0_i32 : i32, i32
  }
  func.func @transform_1(%arg0: i32) -> (i32, i32) {
    %c0_i32 = arith.constant 0 : i32
    %c0_i32_0 = arith.constant 0 : i32
    return %arg0, %c0_i32 : i32, i32
  }
  func.func @transform_2(%arg0: i32) -> (i32, i32) {
    %c0_i32 = arith.constant 0 : i32
    %c0_i32_0 = arith.constant 0 : i32
    return %arg0, %c0_i32 : i32, i32
  }
  func.func @transform_3(%arg0: i32) -> (i32, i32) {
    %c0_i32 = arith.constant 0 : i32
    %c0_i32_0 = arith.constant 0 : i32
    %c0_i32_1 = arith.constant 0 : i32
    return %c0_i32, %c0_i32_0 : i32, i32
  }
  func.func @transform_4(%arg0: i32) -> (i32, i32) {
    %c0_i32 = arith.constant 0 : i32
    %c0_i32_0 = arith.constant 0 : i32
    %c0_i32_1 = arith.constant 0 : i32
    return %c0_i32, %c0_i32_0 : i32, i32
  }
  func.func @transform_5(%arg0: i32) -> (i32, i32) {
    %c0_i32 = arith.constant 0 : i32
    %c0_i32_0 = arith.constant 0 : i32
    %c0_i32_1 = arith.constant 0 : i32
    return %c0_i32, %c0_i32_0 : i32, i32
  }
  func.func @transform_6(%arg0: i32) -> (i32, i32) {
    %c0_i32 = arith.constant 0 : i32
    %c0_i32_0 = arith.constant 0 : i32
    %c0_i32_1 = arith.constant 0 : i32
    return %c0_i32, %c0_i32_0 : i32, i32
  }
  func.func @transform_7(%arg0: i32) -> (i32, i32) {
    %c0_i32 = arith.constant 0 : i32
    %c0_i32_0 = arith.constant 0 : i32
    %c0_i32_1 = arith.constant 0 : i32
    return %c0_i32, %c0_i32_0 : i32, i32
  }
  func.func @transform_8(%arg0: i32) -> (i32, i32) {
    %c0_i32 = arith.constant 0 : i32
    %c0_i32_0 = arith.constant 0 : i32
    return %arg0, %c0_i32 : i32, i32
  }
  func.func @transform_9(%arg0: i32) -> (i32, i32) {
    %c0_i32 = arith.constant 0 : i32
    %c0_i32_0 = arith.constant 0 : i32
    %c0_i32_1 = arith.constant 0 : i32
    return %c0_i32, %c0_i32_0 : i32, i32
  }
}

module attributes {stable_mosaic.version = 14 : i64} {
  func.func @_var_body(%arg0: i32, %arg1: memref<1024x320xf32, #tpu.memory_space<vmem>>, %arg2: memref<8x320xf32, #tpu.memory_space<vmem>>, %arg3: memref<8x320xf32, #tpu.memory_space<vmem>>) attributes {dimension_semantics = [#tpu.dimension_semantics<arbitrary>], iteration_bounds = array<i64: 10>, scalar_prefetch = 0 : i64, scratch_operands = 0 : i64, tpu.core_type = #tpu.core_type<tc>, window_params = [{transform_indices = @transform_0, window_bounds = array<i64: 1024, 320>}, {pipeline_mode = #tpu.pipeline_mode<synchronous>, transform_indices = @transform_1, window_bounds = array<i64: 8, 320>}, {pipeline_mode = #tpu.pipeline_mode<synchronous>, transform_indices = @transform_2, window_bounds = array<i64: 8, 320>}]} {
    %get3A = arith.constant 0 : index
    %get3A_0 = arith.constant 0 : index
    %get3A_1 = vector.load %arg2[%get3A, %get3A_0] : memref<8x320xf32, #tpu.memory_space<vmem>>, vector<1x320xf32>
    %mul3A = arith.constant 9.99999974E-5 : f32
    %mul3A_2 = vector.broadcast %mul3A : f32 to vector<1x320xf32>
    %mul3A_3 = arith.mulf %get3A_1, %mul3A_2 : vector<1x320xf32>
    %get3A_4 = arith.constant 0 : index
    %get3A_5 = arith.constant 0 : index
    %get3A_6 = vector.load %arg1[%get3A_4, %get3A_5] : memref<1024x320xf32, #tpu.memory_space<vmem>>, vector<1024x320xf32>
    %sub3A = vector.broadcast %mul3A_3 : vector<1x320xf32> to vector<1024x320xf32>
    %sub3A_7 = arith.subf %get3A_6, %sub3A : vector<1024x320xf32>
    %iota3A = tpu.iota {dimensions = array<i32: 0>} : vector<1024x1xi32>
    %mul3A_8 = arith.constant 1024 : i32
    %mul3A_9 = arith.muli %arg0, %mul3A_8 : i32
    %add3A = vector.broadcast %mul3A_9 : i32 to vector<1024x1xi32>
    %add3A_10 = arith.addi %iota3A, %add3A : vector<1024x1xi32>
    %lt3A = arith.constant 10000 : i32
    %lt3A_11 = vector.broadcast %lt3A : i32 to vector<1024x1xi32>
    %lt3A_12 = arith.cmpi slt, %add3A_10, %lt3A_11 : vector<1024x1xi32>
    %jit3A = arith.constant 0.000000e+00 : f32
    %broadcast_in_dim3A = vector.shape_cast %lt3A_12 : vector<1024x1xi1> to vector<1024x1xi1>
    %broadcast_in_dim3A_13 = vector.broadcast %broadcast_in_dim3A : vector<1024x1xi1> to vector<1024x320xi1>
    %broadcast_in_dim3A_14 = vector.broadcast %jit3A : f32 to vector<1024x320xf32>
    %select_n3A = arith.select %broadcast_in_dim3A_13, %sub3A_7, %broadcast_in_dim3A_14 : vector<1024x320xi1>, vector<1024x320xf32>
    %mul3A_15 = arith.mulf %select_n3A, %select_n3A : vector<1024x320xf32>
    %reduce_sum3A = arith.constant dense<0.000000e+00> : vector<320xf32>
    %reduce_sum3A_16 = vector.multi_reduction <add>, %mul3A_15, %reduce_sum3A [0] : vector<1024x320xf32> to vector<320xf32>
    %broadcast_in_dim3A_17 = vector.shape_cast %reduce_sum3A_16 : vector<320xf32> to vector<1x320xf32>
    %broadcast_in_dim3A_18 = arith.constant 0.000000e+00 : f32
    %broadcast_in_dim3A_19 = vector.broadcast %broadcast_in_dim3A_18 : f32 to vector<7x320xf32>
    %concatenate3A = tpu.concatenate %broadcast_in_dim3A_17, %broadcast_in_dim3A_19 in 0 : vector<1x320xf32>, vector<7x320xf32> -> vector<8x320xf32>
    %eq3A = arith.constant 0 : i32
    %eq3A_20 = arith.cmpi eq, %arg0, %eq3A : i32
    %convert_element_type3A = arith.extui %eq3A_20 : i1 to i32
    %cond3A = arith.constant 0 : i32
    %cond3A_21 = arith.cmpi ne, %convert_element_type3A, %cond3A : i32
    scf.if %cond3A_21 {
      %swap3A = arith.constant 0 : index
      %swap3A_26 = arith.constant 0 : index
      %swap3A_27 = vector.load %arg3[%swap3A, %swap3A_26] : memref<8x320xf32, #tpu.memory_space<vmem>>, vector<8x320xf32>
      tpu.vector_store %arg3[%swap3A, %swap3A_26], %concatenate3A {strides = array<i32>} : memref<8x320xf32, #tpu.memory_space<vmem>>, vector<8x320xf32>,
    } else {
    }
    %gt3A = arith.constant 0 : i32
    %gt3A_22 = arith.cmpi sgt, %arg0, %gt3A : i32
    %convert_element_type3A_23 = arith.extui %gt3A_22 : i1 to i32
    %cond3A_24 = arith.constant 0 : i32
    %cond3A_25 = arith.cmpi ne, %convert_element_type3A_23, %cond3A_24 : i32
    scf.if %cond3A_25 {
      %get3A_26 = arith.constant 0 : index
      %get3A_27 = arith.constant 0 : index
      %get3A_28 = vector.load %arg3[%get3A_26, %get3A_27] : memref<8x320xf32, #tpu.memory_space<vmem>>, vector<8x320xf32>
      %add3A_29 = arith.addf %get3A_28, %concatenate3A : vector<8x320xf32>
      %swap3A = arith.constant 0 : index
      %swap3A_30 = arith.constant 0 : index
      %swap3A_31 = vector.load %arg3[%swap3A, %swap3A_30] : memref<8x320xf32, #tpu.memory_space<vmem>>, vector<8x320xf32>
      tpu.vector_store %arg3[%swap3A, %swap3A_30], %add3A_29 {strides = array<i32>} : memref<8x320xf32, #tpu.memory_space<vmem>>, vector<8x320xf32>,
    } else {
    }
    return
  }
  func.func @transform_0(%arg0: i32) -> (i32, i32) {
    %c0_i32 = arith.constant 0 : i32
    %c0_i32_0 = arith.constant 0 : i32
    return %arg0, %c0_i32 : i32, i32
  }
  func.func @transform_1(%arg0: i32) -> (i32, i32) {
    %c0_i32 = arith.constant 0 : i32
    %c0_i32_0 = arith.constant 0 : i32
    %c0_i32_1 = arith.constant 0 : i32
    return %c0_i32, %c0_i32_0 : i32, i32
  }
  func.func @transform_2(%arg0: i32) -> (i32, i32) {
    %c0_i32 = arith.constant 0 : i32
    %c0_i32_0 = arith.constant 0 : i32
    %c0_i32_1 = arith.constant 0 : i32
    return %c0_i32, %c0_i32_0 : i32, i32
  }
}

module attributes {stable_mosaic.version = 14 : i64} {
  func.func @_apply_body(%arg0: i32, %arg1: memref<1024x320xf32, #tpu.memory_space<vmem>>, %arg2: memref<8x320xf32, #tpu.memory_space<vmem>>, %arg3: memref<8x320xf32, #tpu.memory_space<vmem>>, %arg4: memref<1x320xf32, #tpu.memory_space<vmem>>, %arg5: memref<1x320xf32, #tpu.memory_space<vmem>>, %arg6: memref<1024x160xf32, #tpu.memory_space<vmem>>, %arg7: memref<1024x160xf32, #tpu.memory_space<vmem>>) attributes {dimension_semantics = [#tpu.dimension_semantics<arbitrary>], iteration_bounds = array<i64: 10>, scalar_prefetch = 0 : i64, scratch_operands = 0 : i64, tpu.core_type = #tpu.core_type<tc>, window_params = [{transform_indices = @transform_0, window_bounds = array<i64: 1024, 320>}, {pipeline_mode = #tpu.pipeline_mode<synchronous>, transform_indices = @transform_1, window_bounds = array<i64: 8, 320>}, {pipeline_mode = #tpu.pipeline_mode<synchronous>, transform_indices = @transform_2, window_bounds = array<i64: 8, 320>}, {pipeline_mode = #tpu.pipeline_mode<synchronous>, transform_indices = @transform_3, window_bounds = array<i64: 1, 320>}, {pipeline_mode = #tpu.pipeline_mode<synchronous>, transform_indices = @transform_4, window_bounds = array<i64: 1, 320>}, {transform_indices = @transform_5, window_bounds = array<i64: 1024, 160>}, {transform_indices = @transform_6, window_bounds = array<i64: 1024, 160>}]} {
    %get3A = arith.constant 0 : index
    %get3A_0 = arith.constant 0 : index
    %get3A_1 = vector.load %arg2[%get3A, %get3A_0] : memref<8x320xf32, #tpu.memory_space<vmem>>, vector<1x320xf32>
    %mul3A = arith.constant 9.99999974E-5 : f32
    %mul3A_2 = vector.broadcast %mul3A : f32 to vector<1x320xf32>
    %mul3A_3 = arith.mulf %get3A_1, %mul3A_2 : vector<1x320xf32>
    %get3A_4 = arith.constant 0 : index
    %get3A_5 = arith.constant 0 : index
    %get3A_6 = vector.load %arg3[%get3A_4, %get3A_5] : memref<8x320xf32, #tpu.memory_space<vmem>>, vector<1x320xf32>
    %mul3A_7 = arith.constant 9.99999974E-5 : f32
    %mul3A_8 = vector.broadcast %mul3A_7 : f32 to vector<1x320xf32>
    %mul3A_9 = arith.mulf %get3A_6, %mul3A_8 : vector<1x320xf32>
    %add3A = arith.constant 9.99999974E-6 : f32
    %add3A_10 = vector.broadcast %add3A : f32 to vector<1x320xf32>
    %add3A_11 = arith.addf %mul3A_9, %add3A_10 : vector<1x320xf32>
    %rsqrt3A = math.rsqrt %add3A_11 : vector<1x320xf32>
    %mul3A_12 = arith.constant 5.000000e-01 : f32
    %mul3A_13 = vector.broadcast %mul3A_12 : f32 to vector<1x320xf32>
    %mul3A_14 = arith.mulf %mul3A_13, %add3A_11 : vector<1x320xf32>
    %mul3A_15 = arith.mulf %mul3A_14, %rsqrt3A : vector<1x320xf32>
    %mul3A_16 = arith.mulf %mul3A_15, %rsqrt3A : vector<1x320xf32>
    %sub3A = arith.constant 1.500000e+00 : f32
    %sub3A_17 = vector.broadcast %sub3A : f32 to vector<1x320xf32>
    %sub3A_18 = arith.subf %sub3A_17, %mul3A_16 : vector<1x320xf32>
    %mul3A_19 = arith.mulf %rsqrt3A, %sub3A_18 : vector<1x320xf32>
    %mul3A_20 = arith.constant 5.000000e-01 : f32
    %mul3A_21 = vector.broadcast %mul3A_20 : f32 to vector<1x320xf32>
    %mul3A_22 = arith.mulf %mul3A_21, %add3A_11 : vector<1x320xf32>
    %mul3A_23 = arith.mulf %mul3A_22, %mul3A_19 : vector<1x320xf32>
    %mul3A_24 = arith.mulf %mul3A_23, %mul3A_19 : vector<1x320xf32>
    %sub3A_25 = arith.constant 1.500000e+00 : f32
    %sub3A_26 = vector.broadcast %sub3A_25 : f32 to vector<1x320xf32>
    %sub3A_27 = arith.subf %sub3A_26, %mul3A_24 : vector<1x320xf32>
    %mul3A_28 = arith.mulf %mul3A_19, %sub3A_27 : vector<1x320xf32>
    %get3A_29 = arith.constant 0 : index
    %get3A_30 = arith.constant 0 : index
    %get3A_31 = vector.load %arg1[%get3A_29, %get3A_30] : memref<1024x320xf32, #tpu.memory_space<vmem>>, vector<1024x320xf32>
    %sub3A_32 = vector.broadcast %mul3A_3 : vector<1x320xf32> to vector<1024x320xf32>
    %sub3A_33 = arith.subf %get3A_31, %sub3A_32 : vector<1024x320xf32>
    %get3A_34 = arith.constant 0 : index
    %get3A_35 = arith.constant 0 : index
    %get3A_36 = vector.load %arg4[%get3A_34, %get3A_35] : memref<1x320xf32, #tpu.memory_space<vmem>>, vector<1x320xf32>
    %mul3A_37 = arith.mulf %mul3A_28, %get3A_36 : vector<1x320xf32>
    %mul3A_38 = vector.broadcast %mul3A_37 : vector<1x320xf32> to vector<1024x320xf32>
    %mul3A_39 = arith.mulf %sub3A_33, %mul3A_38 : vector<1024x320xf32>
    %get3A_40 = arith.constant 0 : index
    %get3A_41 = arith.constant 0 : index
    %get3A_42 = vector.load %arg5[%get3A_40, %get3A_41] : memref<1x320xf32, #tpu.memory_space<vmem>>, vector<1x320xf32>
    %add3A_43 = vector.broadcast %get3A_42 : vector<1x320xf32> to vector<1024x320xf32>
    %add3A_44 = arith.addf %mul3A_39, %add3A_43 : vector<1024x320xf32>
    %max3A = arith.constant 0.000000e+00 : f32
    %max3A_45 = vector.broadcast %max3A : f32 to vector<1024x320xf32>
    %max3A_46 = arith.maximumf %add3A_44, %max3A_45 : vector<1024x320xf32>
    %slice3A = vector.extract_strided_slice %max3A_46 {offsets = [0, 0], sizes = [1024, 160], strides = [1, 1]} : vector<1024x320xf32> to vector<1024x160xf32>
    %swap3A = arith.constant 0 : index
    %swap3A_47 = arith.constant 0 : index
    %swap3A_48 = vector.load %arg6[%swap3A, %swap3A_47] : memref<1024x160xf32, #tpu.memory_space<vmem>>, vector<1024x160xf32>
    tpu.vector_store %arg6[%swap3A, %swap3A_47], %slice3A {strides = array<i32>} : memref<1024x160xf32, #tpu.memory_space<vmem>>, vector<1024x160xf32>,
    %slice3A_49 = vector.extract_strided_slice %max3A_46 {offsets = [0, 160], sizes = [1024, 160], strides = [1, 1]} : vector<1024x320xf32> to vector<1024x160xf32>
    %swap3A_50 = arith.constant 0 : index
    %swap3A_51 = arith.constant 0 : index
    %swap3A_52 = vector.load %arg7[%swap3A_50, %swap3A_51] : memref<1024x160xf32, #tpu.memory_space<vmem>>, vector<1024x160xf32>
    tpu.vector_store %arg7[%swap3A_50, %swap3A_51], %slice3A_49 {strides = array<i32>} : memref<1024x160xf32, #tpu.memory_space<vmem>>, vector<1024x160xf32>,
    return
  }
  func.func @transform_0(%arg0: i32) -> (i32, i32) {
    %c0_i32 = arith.constant 0 : i32
    %c0_i32_0 = arith.constant 0 : i32
    return %arg0, %c0_i32 : i32, i32
  }
  func.func @transform_1(%arg0: i32) -> (i32, i32) {
    %c0_i32 = arith.constant 0 : i32
    %c0_i32_0 = arith.constant 0 : i32
    %c0_i32_1 = arith.constant 0 : i32
    return %c0_i32, %c0_i32_0 : i32, i32
  }
  func.func @transform_2(%arg0: i32) -> (i32, i32) {
    %c0_i32 = arith.constant 0 : i32
    %c0_i32_0 = arith.constant 0 : i32
    %c0_i32_1 = arith.constant 0 : i32
    return %c0_i32, %c0_i32_0 : i32, i32
  }
  func.func @transform_3(%arg0: i32) -> (i32, i32) {
    %c0_i32 = arith.constant 0 : i32
    %c0_i32_0 = arith.constant 0 : i32
    %c0_i32_1 = arith.constant 0 : i32
    return %c0_i32, %c0_i32_0 : i32, i32
  }
  func.func @transform_4(%arg0: i32) -> (i32, i32) {
    %c0_i32 = arith.constant 0 : i32
    %c0_i32_0 = arith.constant 0 : i32
    %c0_i32_1 = arith.constant 0 : i32
    return %c0_i32, %c0_i32_0 : i32, i32
  }
  func.func @transform_5(%arg0: i32) -> (i32, i32) {
    %c0_i32 = arith.constant 0 : i32
    %c0_i32_0 = arith.constant 0 : i32
    return %arg0, %c0_i32 : i32, i32
  }
  func.func @transform_6(%arg0: i32) -> (i32, i32) {
    %c0_i32 = arith.constant 0 : i32
    %c0_i32_0 = arith.constant 0 : i32
    return %arg0, %c0_i32 : i32, i32
  }
}

module attributes {stable_mosaic.version = 14 : i64} {
  func.func @_apply_body(%arg0: i32, %arg1: memref<1024x320xf32, #tpu.memory_space<vmem>>, %arg2: memref<8x320xf32, #tpu.memory_space<vmem>>, %arg3: memref<8x320xf32, #tpu.memory_space<vmem>>, %arg4: memref<1x320xf32, #tpu.memory_space<vmem>>, %arg5: memref<1x320xf32, #tpu.memory_space<vmem>>, %arg6: memref<1024x160xf32, #tpu.memory_space<vmem>>, %arg7: memref<1024x160xf32, #tpu.memory_space<vmem>>) attributes {dimension_semantics = [#tpu.dimension_semantics<arbitrary>], iteration_bounds = array<i64: 10>, scalar_prefetch = 0 : i64, scratch_operands = 0 : i64, tpu.core_type = #tpu.core_type<tc>, window_params = [{transform_indices = @transform_0, window_bounds = array<i64: 1024, 320>}, {pipeline_mode = #tpu.pipeline_mode<synchronous>, transform_indices = @transform_1, window_bounds = array<i64: 8, 320>}, {pipeline_mode = #tpu.pipeline_mode<synchronous>, transform_indices = @transform_2, window_bounds = array<i64: 8, 320>}, {pipeline_mode = #tpu.pipeline_mode<synchronous>, transform_indices = @transform_3, window_bounds = array<i64: 1, 320>}, {pipeline_mode = #tpu.pipeline_mode<synchronous>, transform_indices = @transform_4, window_bounds = array<i64: 1, 320>}, {transform_indices = @transform_5, window_bounds = array<i64: 1024, 160>}, {transform_indices = @transform_6, window_bounds = array<i64: 1024, 160>}]} {
    %get3A = arith.constant 0 : index
    %get3A_0 = arith.constant 0 : index
    %get3A_1 = vector.load %arg2[%get3A, %get3A_0] : memref<8x320xf32, #tpu.memory_space<vmem>>, vector<1x320xf32>
    %mul3A = arith.constant 9.99999974E-5 : f32
    %mul3A_2 = vector.broadcast %mul3A : f32 to vector<1x320xf32>
    %mul3A_3 = arith.mulf %get3A_1, %mul3A_2 : vector<1x320xf32>
    %get3A_4 = arith.constant 0 : index
    %get3A_5 = arith.constant 0 : index
    %get3A_6 = vector.load %arg3[%get3A_4, %get3A_5] : memref<8x320xf32, #tpu.memory_space<vmem>>, vector<1x320xf32>
    %mul3A_7 = arith.constant 9.99999974E-5 : f32
    %mul3A_8 = vector.broadcast %mul3A_7 : f32 to vector<1x320xf32>
    %mul3A_9 = arith.mulf %get3A_6, %mul3A_8 : vector<1x320xf32>
    %add3A = arith.constant 9.99999974E-6 : f32
    %add3A_10 = vector.broadcast %add3A : f32 to vector<1x320xf32>
    %add3A_11 = arith.addf %mul3A_9, %add3A_10 : vector<1x320xf32>
    %rsqrt3A = math.rsqrt %add3A_11 : vector<1x320xf32>
    %mul3A_12 = arith.constant 5.000000e-01 : f32
    %mul3A_13 = vector.broadcast %mul3A_12 : f32 to vector<1x320xf32>
    %mul3A_14 = arith.mulf %mul3A_13, %add3A_11 : vector<1x320xf32>
    %mul3A_15 = arith.mulf %mul3A_14, %rsqrt3A : vector<1x320xf32>
    %mul3A_16 = arith.mulf %mul3A_15, %rsqrt3A : vector<1x320xf32>
    %sub3A = arith.constant 1.500000e+00 : f32
    %sub3A_17 = vector.broadcast %sub3A : f32 to vector<1x320xf32>
    %sub3A_18 = arith.subf %sub3A_17, %mul3A_16 : vector<1x320xf32>
    %mul3A_19 = arith.mulf %rsqrt3A, %sub3A_18 : vector<1x320xf32>
    %mul3A_20 = arith.constant 5.000000e-01 : f32
    %mul3A_21 = vector.broadcast %mul3A_20 : f32 to vector<1x320xf32>
    %mul3A_22 = arith.mulf %mul3A_21, %add3A_11 : vector<1x320xf32>
    %mul3A_23 = arith.mulf %mul3A_22, %mul3A_19 : vector<1x320xf32>
    %mul3A_24 = arith.mulf %mul3A_23, %mul3A_19 : vector<1x320xf32>
    %sub3A_25 = arith.constant 1.500000e+00 : f32
    %sub3A_26 = vector.broadcast %sub3A_25 : f32 to vector<1x320xf32>
    %sub3A_27 = arith.subf %sub3A_26, %mul3A_24 : vector<1x320xf32>
    %mul3A_28 = arith.mulf %mul3A_19, %sub3A_27 : vector<1x320xf32>
    %get3A_29 = arith.constant 0 : index
    %get3A_30 = arith.constant 0 : index
    %get3A_31 = vector.load %arg1[%get3A_29, %get3A_30] : memref<1024x320xf32, #tpu.memory_space<vmem>>, vector<1024x320xf32>
    %sub3A_32 = vector.broadcast %mul3A_3 : vector<1x320xf32> to vector<1024x320xf32>
    %sub3A_33 = arith.subf %get3A_31, %sub3A_32 : vector<1024x320xf32>
    %get3A_34 = arith.constant 0 : index
    %get3A_35 = arith.constant 0 : index
    %get3A_36 = vector.load %arg4[%get3A_34, %get3A_35] : memref<1x320xf32, #tpu.memory_space<vmem>>, vector<1x320xf32>
    %mul3A_37 = arith.mulf %mul3A_28, %get3A_36 : vector<1x320xf32>
    %mul3A_38 = vector.broadcast %mul3A_37 : vector<1x320xf32> to vector<1024x320xf32>
    %mul3A_39 = arith.mulf %sub3A_33, %mul3A_38 : vector<1024x320xf32>
    %get3A_40 = arith.constant 0 : index
    %get3A_41 = arith.constant 0 : index
    %get3A_42 = vector.load %arg5[%get3A_40, %get3A_41] : memref<1x320xf32, #tpu.memory_space<vmem>>, vector<1x320xf32>
    %add3A_43 = vector.broadcast %get3A_42 : vector<1x320xf32> to vector<1024x320xf32>
    %add3A_44 = arith.addf %mul3A_39, %add3A_43 : vector<1024x320xf32>
    %slice3A = vector.extract_strided_slice %add3A_44 {offsets = [0, 0], sizes = [1024, 160], strides = [1, 1]} : vector<1024x320xf32> to vector<1024x160xf32>
    %swap3A = arith.constant 0 : index
    %swap3A_45 = arith.constant 0 : index
    %swap3A_46 = vector.load %arg6[%swap3A, %swap3A_45] : memref<1024x160xf32, #tpu.memory_space<vmem>>, vector<1024x160xf32>
    tpu.vector_store %arg6[%swap3A, %swap3A_45], %slice3A {strides = array<i32>} : memref<1024x160xf32, #tpu.memory_space<vmem>>, vector<1024x160xf32>,
    %slice3A_47 = vector.extract_strided_slice %add3A_44 {offsets = [0, 160], sizes = [1024, 160], strides = [1, 1]} : vector<1024x320xf32> to vector<1024x160xf32>
    %swap3A_48 = arith.constant 0 : index
    %swap3A_49 = arith.constant 0 : index
    %swap3A_50 = vector.load %arg7[%swap3A_48, %swap3A_49] : memref<1024x160xf32, #tpu.memory_space<vmem>>, vector<1024x160xf32>
    tpu.vector_store %arg7[%swap3A_48, %swap3A_49], %slice3A_47 {strides = array<i32>} : memref<1024x160xf32, #tpu.memory_space<vmem>>, vector<1024x160xf32>,
    return
  }
  func.func @transform_0(%arg0: i32) -> (i32, i32) {
    %c0_i32 = arith.constant 0 : i32
    %c0_i32_0 = arith.constant 0 : i32
    return %arg0, %c0_i32 : i32, i32
  }
  func.func @transform_1(%arg0: i32) -> (i32, i32) {
    %c0_i32 = arith.constant 0 : i32
    %c0_i32_0 = arith.constant 0 : i32
    %c0_i32_1 = arith.constant 0 : i32
    return %c0_i32, %c0_i32_0 : i32, i32
  }
  func.func @transform_2(%arg0: i32) -> (i32, i32) {
    %c0_i32 = arith.constant 0 : i32
    %c0_i32_0 = arith.constant 0 : i32
    %c0_i32_1 = arith.constant 0 : i32
    return %c0_i32, %c0_i32_0 : i32, i32
  }
  func.func @transform_3(%arg0: i32) -> (i32, i32) {
    %c0_i32 = arith.constant 0 : i32
    %c0_i32_0 = arith.constant 0 : i32
    %c0_i32_1 = arith.constant 0 : i32
    return %c0_i32, %c0_i32_0 : i32, i32
  }
  func.func @transform_4(%arg0: i32) -> (i32, i32) {
    %c0_i32 = arith.constant 0 : i32
    %c0_i32_0 = arith.constant 0 : i32
    %c0_i32_1 = arith.constant 0 : i32
    return %c0_i32, %c0_i32_0 : i32, i32
  }
  func.func @transform_5(%arg0: i32) -> (i32, i32) {
    %c0_i32 = arith.constant 0 : i32
    %c0_i32_0 = arith.constant 0 : i32
    return %arg0, %c0_i32 : i32, i32
  }
  func.func @transform_6(%arg0: i32) -> (i32, i32) {
    %c0_i32 = arith.constant 0 : i32
    %c0_i32_0 = arith.constant 0 : i32
    return %arg0, %c0_i32 : i32, i32
  }
}

module attributes {stable_mosaic.version = 14 : i64} {
  func.func @_pool_body(%arg0: i32, %arg1: memref<1024x160xf32, #tpu.memory_space<vmem>>, %arg2: memref<1024x160xf32, #tpu.memory_space<vmem>>, %arg3: memref<1024x1xi32, #tpu.memory_space<vmem>>, %arg4: memref<320x128xf32, #tpu.memory_space<vmem>>, %arg5: memref<1x128xf32, #tpu.memory_space<vmem>>, %arg6: memref<128x32xf32, #tpu.memory_space<vmem>>, %arg7: memref<1x32xf32, #tpu.memory_space<vmem>>, %arg8: memref<32x128xf32, #tpu.memory_space<vmem>>, %arg9: memref<1x128xf32, #tpu.memory_space<vmem>>, %arg10: memref<64x128xf32, #tpu.memory_space<vmem>>, %arg11: memref<64x320xf32, #tpu.memory_space<vmem>>, %arg12: memref<64x8xf32, #tpu.memory_space<vmem>>) attributes {dimension_semantics = [#tpu.dimension_semantics<arbitrary>], iteration_bounds = array<i64: 10>, scalar_prefetch = 0 : i64, scratch_operands = 2 : i64, tpu.core_type = #tpu.core_type<tc>, window_params = [{transform_indices = @transform_0, window_bounds = array<i64: 1024, 160>}, {transform_indices = @transform_1, window_bounds = array<i64: 1024, 160>}, {transform_indices = @transform_2, window_bounds = array<i64: 1024, 1>}, {pipeline_mode = #tpu.pipeline_mode<synchronous>, transform_indices = @transform_3, window_bounds = array<i64: 320, 128>}, {pipeline_mode = #tpu.pipeline_mode<synchronous>, transform_indices = @transform_4, window_bounds = array<i64: 1, 128>}, {pipeline_mode = #tpu.pipeline_mode<synchronous>, transform_indices = @transform_5, window_bounds = array<i64: 128, 32>}, {pipeline_mode = #tpu.pipeline_mode<synchronous>, transform_indices = @transform_6, window_bounds = array<i64: 1, 32>}, {pipeline_mode = #tpu.pipeline_mode<synchronous>, transform_indices = @transform_7, window_bounds = array<i64: 32, 128>}, {pipeline_mode = #tpu.pipeline_mode<synchronous>, transform_indices = @transform_8, window_bounds = array<i64: 1, 128>}, {pipeline_mode = #tpu.pipeline_mode<synchronous>, transform_indices = @transform_9, window_bounds = array<i64: 64, 128>}]} {
    %get3A = arith.constant 0 : index
    %get3A_0 = arith.constant 0 : index
    %get3A_1 = vector.load %arg1[%get3A, %get3A_0] : memref<1024x160xf32, #tpu.memory_space<vmem>>, vector<1024x160xf32>
    %get3A_2 = arith.constant 0 : index
    %get3A_3 = arith.constant 0 : index
    %get3A_4 = vector.load %arg2[%get3A_2, %get3A_3] : memref<1024x160xf32, #tpu.memory_space<vmem>>, vector<1024x160xf32>
    %concatenate3A = tpu.concatenate %get3A_1, %get3A_4 in 1 : vector<1024x160xf32>, vector<1024x160xf32> -> vector<1024x320xf32>
    %iota3A = tpu.iota {dimensions = array<i32: 1>} : vector<1024x64xi32>
    %get3A_5 = arith.constant 0 : index
    %get3A_6 = arith.constant 0 : index
    %get3A_7 = vector.load %arg3[%get3A_5, %get3A_6] : memref<1024x1xi32, #tpu.memory_space<vmem>>, vector<1024x1xi32>
    %eq3A = vector.broadcast %get3A_7 : vector<1024x1xi32> to vector<1024x64xi32>
    %eq3A_8 = arith.cmpi eq, %eq3A, %iota3A : vector<1024x64xi32>
    %convert_element_type3A = arith.extui %eq3A_8 : vector<1024x64xi1> to vector<1024x64xi32>
    %convert_element_type3A_9 = arith.sitofp %convert_element_type3A : vector<1024x64xi32> to vector<1024x64xf32>
    %dot_general3A = arith.constant dense<0.000000e+00> : vector<64x320xf32>
    %dot_general3A_10 = tpu.matmul %convert_element_type3A_9, %concatenate3A, %dot_general3A {dimension_numbers = #tpu.dot_dimension_numbers<[0], [0], [1], [1], [0, 1, 1, 1], [], []>, precision = #tpu.contract_precision<fp32>, transpose_lhs_hint = false} : vector<1024x64xf32>, vector<1024x320xf32>, vector<64x320xf32> -> vector<64x320xf32>
    %broadcast_in_dim3A = arith.constant 1.000000e+00 : f32
    %broadcast_in_dim3A_11 = vector.broadcast %broadcast_in_dim3A : f32 to vector<1024x8xf32>
    %dot_general3A_12 = arith.constant dense<0.000000e+00> : vector<64x8xf32>
    %dot_general3A_13 = tpu.matmul %convert_element_type3A_9, %broadcast_in_dim3A_11, %dot_general3A_12 {dimension_numbers = #tpu.dot_dimension_numbers<[0], [0], [1], [1], [0, 1, 1, 1], [], []>, precision = #tpu.contract_precision<fp32>, transpose_lhs_hint = false} : vector<1024x64xf32>, vector<1024x8xf32>, vector<64x8xf32> -> vector<64x8xf32>
    %eq3A_14 = arith.constant 0 : i32
    %eq3A_15 = arith.cmpi eq, %arg0, %eq3A_14 : i32
    %convert_element_type3A_16 = arith.extui %eq3A_15 : i1 to i32
    %cond3A = arith.constant 0 : i32
    %cond3A_17 = arith.cmpi ne, %convert_element_type3A_16, %cond3A : i32
    scf.if %cond3A_17 {
      %swap3A = arith.constant 0 : index
      %swap3A_27 = arith.constant 0 : index
      %swap3A_28 = vector.load %arg11[%swap3A, %swap3A_27] : memref<64x320xf32, #tpu.memory_space<vmem>>, vector<64x320xf32>
      tpu.vector_store %arg11[%swap3A, %swap3A_27], %dot_general3A_10 {strides = array<i32>} : memref<64x320xf32, #tpu.memory_space<vmem>>, vector<64x320xf32>,
      %swap3A_29 = arith.constant 0 : index
      %swap3A_30 = arith.constant 0 : index
      %swap3A_31 = vector.load %arg12[%swap3A_29, %swap3A_30] : memref<64x8xf32, #tpu.memory_space<vmem>>, vector<64x8xf32>
      tpu.vector_store %arg12[%swap3A_29, %swap3A_30], %dot_general3A_13 {strides = array<i32>} : memref<64x8xf32, #tpu.memory_space<vmem>>, vector<64x8xf32>,
    } else {
    }
    %gt3A = arith.constant 0 : i32
    %gt3A_18 = arith.cmpi sgt, %arg0, %gt3A : i32
    %convert_element_type3A_19 = arith.extui %gt3A_18 : i1 to i32
    %cond3A_20 = arith.constant 0 : i32
    %cond3A_21 = arith.cmpi ne, %convert_element_type3A_19, %cond3A_20 : i32
    scf.if %cond3A_21 {
      %get3A_27 = arith.constant 0 : index
      %get3A_28 = arith.constant 0 : index
      %get3A_29 = vector.load %arg11[%get3A_27, %get3A_28] : memref<64x320xf32, #tpu.memory_space<vmem>>, vector<64x320xf32>
      %add3A = arith.addf %get3A_29, %dot_general3A_10 : vector<64x320xf32>
      %swap3A = arith.constant 0 : index
      %swap3A_30 = arith.constant 0 : index
      %swap3A_31 = vector.load %arg11[%swap3A, %swap3A_30] : memref<64x320xf32, #tpu.memory_space<vmem>>, vector<64x320xf32>
      tpu.vector_store %arg11[%swap3A, %swap3A_30], %add3A {strides = array<i32>} : memref<64x320xf32, #tpu.memory_space<vmem>>, vector<64x320xf32>,
      %get3A_32 = arith.constant 0 : index
      %get3A_33 = arith.constant 0 : index
      %get3A_34 = vector.load %arg12[%get3A_32, %get3A_33] : memref<64x8xf32, #tpu.memory_space<vmem>>, vector<64x8xf32>
      %add3A_35 = arith.addf %get3A_34, %dot_general3A_13 : vector<64x8xf32>
      %swap3A_36 = arith.constant 0 : index
      %swap3A_37 = arith.constant 0 : index
      %swap3A_38 = vector.load %arg12[%swap3A_36, %swap3A_37] : memref<64x8xf32, #tpu.memory_space<vmem>>, vector<64x8xf32>
      tpu.vector_store %arg12[%swap3A_36, %swap3A_37], %add3A_35 {strides = array<i32>} : memref<64x8xf32, #tpu.memory_space<vmem>>, vector<64x8xf32>,
    } else {
    }
    %eq3A_22 = arith.constant 9 : i32
    %eq3A_23 = arith.cmpi eq, %arg0, %eq3A_22 : i32
    %convert_element_type3A_24 = arith.extui %eq3A_23 : i1 to i32
    %cond3A_25 = arith.constant 0 : i32
    %cond3A_26 = arith.cmpi ne, %convert_element_type3A_24, %cond3A_25 : i32
    scf.if %cond3A_26 {
      %get3A_27 = arith.constant 0 : index
      %get3A_28 = arith.constant 0 : index
      %get3A_29 = vector.load %arg11[%get3A_27, %get3A_28] : memref<64x320xf32, #tpu.memory_space<vmem>>, vector<64x320xf32>
      %get3A_30 = arith.constant 0 : index
      %get3A_31 = arith.constant 0 : index
      %get3A_32 = vector.load %arg12[%get3A_30, %get3A_31] : memref<64x8xf32, #tpu.memory_space<vmem>>, vector<64x1xf32>
      %max3A = arith.constant 1.000000e+00 : f32
      %max3A_33 = vector.broadcast %max3A : f32 to vector<64x1xf32>
      %max3A_34 = arith.maximumf %get3A_32, %max3A_33 : vector<64x1xf32>
      %div3A = vector.broadcast %max3A_34 : vector<64x1xf32> to vector<64x320xf32>
      %div3A_35 = arith.divf %get3A_29, %div3A : vector<64x320xf32>
      %get3A_36 = arith.constant 0 : index
      %get3A_37 = arith.constant 0 : index
      %get3A_38 = vector.load %arg4[%get3A_36, %get3A_37] : memref<320x128xf32, #tpu.memory_space<vmem>>, vector<320x128xf32>
      %dot_general3A_39 = arith.constant dense<0.000000e+00> : vector<64x128xf32>
      %dot_general3A_40 = tpu.matmul %div3A_35, %get3A_38, %dot_general3A_39 {dimension_numbers = #tpu.dot_dimension_numbers<[1], [0], [0], [1], [0, 0, 1, 1], [], []>, transpose_lhs_hint = false} : vector<64x320xf32>, vector<320x128xf32>, vector<64x128xf32> -> vector<64x128xf32>
      %get3A_41 = arith.constant 0 : index
      %get3A_42 = arith.constant 0 : index
      %get3A_43 = vector.load %arg5[%get3A_41, %get3A_42] : memref<1x128xf32, #tpu.memory_space<vmem>>, vector<1x128xf32>
      %add3A = vector.broadcast %get3A_43 : vector<1x128xf32> to vector<64x128xf32>
      %add3A_44 = arith.addf %dot_general3A_40, %add3A : vector<64x128xf32>
      %max3A_45 = arith.constant 0.000000e+00 : f32
      %max3A_46 = vector.broadcast %max3A_45 : f32 to vector<64x128xf32>
      %max3A_47 = arith.maximumf %add3A_44, %max3A_46 : vector<64x128xf32>
      %get3A_48 = arith.constant 0 : index
      %get3A_49 = arith.constant 0 : index
      %get3A_50 = vector.load %arg6[%get3A_48, %get3A_49] : memref<128x32xf32, #tpu.memory_space<vmem>>, vector<128x32xf32>
      %dot_general3A_51 = arith.constant dense<0.000000e+00> : vector<64x32xf32>
      %dot_general3A_52 = tpu.matmul %max3A_47, %get3A_50, %dot_general3A_51 {dimension_numbers = #tpu.dot_dimension_numbers<[1], [0], [0], [1], [0, 0, 1, 1], [], []>, transpose_lhs_hint = false} : vector<64x128xf32>, vector<128x32xf32>, vector<64x32xf32> -> vector<64x32xf32>
      %get3A_53 = arith.constant 0 : index
      %get3A_54 = arith.constant 0 : index
      %get3A_55 = vector.load %arg7[%get3A_53, %get3A_54] : memref<1x32xf32, #tpu.memory_space<vmem>>, vector<1x32xf32>
      %add3A_56 = vector.broadcast %get3A_55 : vector<1x32xf32> to vector<64x32xf32>
      %add3A_57 = arith.addf %dot_general3A_52, %add3A_56 : vector<64x32xf32>
      %max3A_58 = arith.constant 0.000000e+00 : f32
      %max3A_59 = vector.broadcast %max3A_58 : f32 to vector<64x32xf32>
      %max3A_60 = arith.maximumf %add3A_57, %max3A_59 : vector<64x32xf32>
      %get3A_61 = arith.constant 0 : index
      %get3A_62 = arith.constant 0 : index
      %get3A_63 = vector.load %arg8[%get3A_61, %get3A_62] : memref<32x128xf32, #tpu.memory_space<vmem>>, vector<32x128xf32>
      %dot_general3A_64 = arith.constant dense<0.000000e+00> : vector<64x128xf32>
      %dot_general3A_65 = tpu.matmul %max3A_60, %get3A_63, %dot_general3A_64 {dimension_numbers = #tpu.dot_dimension_numbers<[1], [0], [0], [1], [0, 0, 1, 1], [], []>, transpose_lhs_hint = false} : vector<64x32xf32>, vector<32x128xf32>, vector<64x128xf32> -> vector<64x128xf32>
      %get3A_66 = arith.constant 0 : index
      %get3A_67 = arith.constant 0 : index
      %get3A_68 = vector.load %arg9[%get3A_66, %get3A_67] : memref<1x128xf32, #tpu.memory_space<vmem>>, vector<1x128xf32>
      %add3A_69 = vector.broadcast %get3A_68 : vector<1x128xf32> to vector<64x128xf32>
      %add3A_70 = arith.addf %dot_general3A_65, %add3A_69 : vector<64x128xf32>
      %swap3A = arith.constant 0 : index
      %swap3A_71 = arith.constant 0 : index
      %swap3A_72 = vector.load %arg10[%swap3A, %swap3A_71] : memref<64x128xf32, #tpu.memory_space<vmem>>, vector<64x128xf32>
      tpu.vector_store %arg10[%swap3A, %swap3A_71], %add3A_70 {strides = array<i32>} : memref<64x128xf32, #tpu.memory_space<vmem>>, vector<64x128xf32>,
    } else {
    }
    return
  }
  func.func @transform_0(%arg0: i32) -> (i32, i32) {
    %c0_i32 = arith.constant 0 : i32
    %c0_i32_0 = arith.constant 0 : i32
    return %arg0, %c0_i32 : i32, i32
  }
  func.func @transform_1(%arg0: i32) -> (i32, i32) {
    %c0_i32 = arith.constant 0 : i32
    %c0_i32_0 = arith.constant 0 : i32
    return %arg0, %c0_i32 : i32, i32
  }
  func.func @transform_2(%arg0: i32) -> (i32, i32) {
    %c0_i32 = arith.constant 0 : i32
    %c0_i32_0 = arith.constant 0 : i32
    return %arg0, %c0_i32 : i32, i32
  }
  func.func @transform_3(%arg0: i32) -> (i32, i32) {
    %c0_i32 = arith.constant 0 : i32
    %c0_i32_0 = arith.constant 0 : i32
    %c0_i32_1 = arith.constant 0 : i32
    return %c0_i32, %c0_i32_0 : i32, i32
  }
  func.func @transform_4(%arg0: i32) -> (i32, i32) {
    %c0_i32 = arith.constant 0 : i32
    %c0_i32_0 = arith.constant 0 : i32
    %c0_i32_1 = arith.constant 0 : i32
    return %c0_i32, %c0_i32_0 : i32, i32
  }
  func.func @transform_5(%arg0: i32) -> (i32, i32) {
    %c0_i32 = arith.constant 0 : i32
    %c0_i32_0 = arith.constant 0 : i32
    %c0_i32_1 = arith.constant 0 : i32
    return %c0_i32, %c0_i32_0 : i32, i32
  }
  func.func @transform_6(%arg0: i32) -> (i32, i32) {
    %c0_i32 = arith.constant 0 : i32
    %c0_i32_0 = arith.constant 0 : i32
    %c0_i32_1 = arith.constant 0 : i32
    return %c0_i32, %c0_i32_0 : i32, i32
  }
  func.func @transform_7(%arg0: i32) -> (i32, i32) {
    %c0_i32 = arith.constant 0 : i32
    %c0_i32_0 = arith.constant 0 : i32
    %c0_i32_1 = arith.constant 0 : i32
    return %c0_i32, %c0_i32_0 : i32, i32
  }
  func.func @transform_8(%arg0: i32) -> (i32, i32) {
    %c0_i32 = arith.constant 0 : i32
    %c0_i32_0 = arith.constant 0 : i32
    %c0_i32_1 = arith.constant 0 : i32
    return %c0_i32, %c0_i32_0 : i32, i32
  }
  func.func @transform_9(%arg0: i32) -> (i32, i32) {
    %c0_i32 = arith.constant 0 : i32
    %c0_i32_0 = arith.constant 0 : i32
    %c0_i32_1 = arith.constant 0 : i32
    return %c0_i32, %c0_i32_0 : i32, i32
  }
}

</mosaic_0001>

<sc_bundles>
// kernel: kernel.25.cloned.1.call-start
scs
__scs_entry_jumppad:
0x0: {  	(pc) =	sbr.rel $0x88, $3  }
0x1: {  	(tag) =	ssettag $0x0;
	lr =	simm.s32 $0x1  }
0x2: {  	[smem:$0x3F6D] =	sst lr;
	_ =	strace $0xD0000000  }
0x3: {  	_ = 	snop  }
0x4: {  	_ = 	snop  }
0x5: {  	_ = 	snop  }
0x6: {  	_ = 	snop  }
0x7: {  	_ = 	snop  }
__scs_overlays_trampoline_lowered:
0x8: {  	[smem:$0x3F7C] =	sst s0  }
0x9: {  	[smem:$0x3F7D] =	sst s1  }
0xa: {  	[smem:$0x3F7E] =	sst s2  }
0xb: {  	[smem:$0x3F7F] =	sst s3  }
0xc: {  	[smem:$0x3F80] =	sst s4  }
0xd: {  	[smem:$0x3F81] =	sst s5  }
0xe: {  	[smem:$0x3F82] =	sst s6  }
0xf: {  	[smem:$0x3F83] =	sst s7  }
0x10: {  	[smem:$0x3F84] =	sst s8  }
0x11: {  	[smem:$0x3F85] =	sst s9;
	s0 =	simm.s32 @!p0 $0x0  }
0x12: {  	s1 =	sld [smem:$0x3F6B];
	s0 =	simm.s32 @p0 $0x1  }
0x13: {  	[smem:$0x3F86] =	sst s0;
	s0 =	simm.s32 @!p1 $0x0  }
0x14: {  	s2 =	sld [smem:$0x3F6A];
	s0 =	simm.s32 @p1 $0x1  }
0x15: {  	[smem:$0x3F87] =	sst s0;
	s0 =	simm.s32 @!p2 $0x0  }
0x16: {  	s3 =	sld [smem:$0x3FDB];
	s0 =	simm.s32 @p2 $0x1  }
0x17: {  	s4 =	simm.s32 $0x1BF5;
	[smem:$0x3F89] =	sst s0  }
0x18: {  	s0 =	sld [smem:$0x3F6C];
	_ =	swait.ge [sflag:s4], $0x0  }
0x19: {  	s7 =	sld [smem:$0x3F6D]  }
0x1a: {  	s8 =	sadd.s32 $0xFFFFE003, lr  }
0x1b: {  	s9 =	sadd.s32 $0xFFFFFEF7, lr;
	s5 =	simm.s32 $0xFFFFFFFF;
	p2 =	slt.u32 s8, $0xFFFFF086  }
0x1c: {  	p1 =	slt.u32 s9, $0xF7A;
	s5 =	simm.s32 @!p2 $0x0  }
0x1d: {  	s5 =	simm.s32 @p1 $0x1;
	p0 =	seq.s32 s7, s2  }
0x1e: {  	s7 =	smul.u32 @!p0 $0xF7A, s2;
	p2 =	seq.s32 @!p0 s5, $0x0  }
0x1f: {  	s9 =	smul.u32 $0xF7A, s1;
	s8 =	simm.s32 @!p0 $0x1BF5;
	p2 =	por !p2, p0  }
0x20: {  	[sflag:s8] =	ssyncset.s32 @!p0 $0xFFFFF086;
	s6 =	sadd.s32 @!p0 s3, s7;
	s7 =	simm.s32 @!p0 $0x108  }
0x21: {  	s3 =	sadd.s32 s3, s9;
	s6 =	sadd.s32 @!p0 $0x88, s6;
	s7 =	simm.s32 @p2 $0x1082  }
0x22: {  	[simem:s7], [sflag:s8] =	dma.local @!p0 [hbm:s6], $0xF7A  }
0x23: {  	s9 =	sor.u32 $0xD0000000, s2;
	s6 =	simm.s32 $0x108;
	_ =	swait.ge @!p0 [sflag:s8], $0x0  }
0x24: {  	s3 =	sadd.s32 $0x88, s3;
	s6 =	simm.s32 @!p1 $0x1082;
	[sflag:s4] =	ssyncset.s32 $0xFFFFF086  }
0x25: {  	[simem:s6], [sflag:s4] =	dma.local [hbm:s3], $0xF7A  }
0x26: {  	[smem:$0x3F6D] =	sst s1;
	(tag) =	ssettag s2;
	_ =	strace s9  }
0x27: {  	s1 =	sld [smem:$0x3F7D]  }
0x28: {  	s2 =	sld [smem:$0x3F7E]  }
0x29: {  	s4 =	sld [smem:$0x3F80]  }
0x2a: {  	p0 =	seq.s32 s5, $0x0;
	s5 =	sld [smem:$0x3F81]  }
0x2b: {  	s6 =	sld [smem:$0x3F82]  }
0x2c: {  	s7 =	sld [smem:$0x3F83]  }
0x2d: {  	s3 =	simm.s32 $0x108;
	s8 =	sld [smem:$0x3F84]  }
0x2e: {  	s3 =	simm.s32 @!p0 $0x1082;
	s9 =	sld [smem:$0x3F85]  }
0x2f: {  	lr =	sadd.s32 s0, s3;
	s0 =	sld [smem:$0x3F7C]  }
0x30: {  	s3 =	sld [smem:$0x3F7F]  }
0x31: {  	[smem:$0x3F88] =	sst s10  }
0x32: {  	s10 =	sld [smem:$0x3F86];
	_ =	sdelay $0x3  }
0x33: {  	p0 =	seq.s32 s10, $0x1;
	s10 =	sld [smem:$0x3F88];
	_ =	sdelay $0x3  }
0x34: {  	[smem:$0x3F88] =	sst s10  }
0x35: {  	s10 =	sld [smem:$0x3F87];
	_ =	sdelay $0x3  }
0x36: {  	p1 =	seq.s32 s10, $0x1;
	s10 =	sld [smem:$0x3F88];
	_ =	sdelay $0x3  }
0x37: {  	[smem:$0x3F88] =	sst s10  }
0x38: {  	s10 =	sld [smem:$0x3F89]  }
0x39: {  	_ = 	snop;
	(pc) =	sbr.ind lr, $3  }
0x3a: {  	_ = 	snop  }
0x3b: {  	_ = 	snop  }
0x3c: {  	p2 =	seq.s32 s10, $0x1;
	s10 =	sld [smem:$0x3F88]  }
0x3d: {  	_ =	shalt  }
0x3e: {  	_ =	shalt  }
0x3f: {  	_ =	shalt  }
0x40: {  	_ =	shalt  }
0x41: {  	_ =	shalt  }
0x42: {  	_ =	shalt  }
0x43: {  	_ =	shalt  }
0x44: {  	_ =	shalt  }
0x45: {  	_ =	shalt  }
0x46: {  	_ =	shalt  }
0x47: {  	_ =	shalt  }
0x48: {  	_ =	shalt  }
0x49: {  	_ =	shalt  }
0x4a: {  	_ =	shalt  }
0x4b: {  	_ =	shalt  }
0x4c: {  	_ =	shalt  }
0x4d: {  	_ =	shalt  }
0x4e: {  	_ =	shalt  }
0x4f: {  	_ =	shalt  }
0x50: {  	_ =	shalt  }
0x51: {  	_ =	shalt  }
0x52: {  	_ =	shalt  }
0x53: {  	_ =	shalt  }
0x54: {  	_ =	shalt  }
0x55: {  	_ =	shalt  }
0x56: {  	_ =	shalt  }
0x57: {  	_ =	shalt  }
0x58: {  	_ =	shalt  }
0x59: {  	_ =	shalt  }
0x5a: {  	_ =	shalt  }
0x5b: {  	_ =	shalt  }
0x5c: {  	_ =	shalt  }
0x5d: {  	_ =	shalt  }
0x5e: {  	_ =	shalt  }
0x5f: {  	_ =	shalt  }
0x60: {  	_ =	shalt  }
0x61: {  	_ =	shalt  }
0x62: {  	_ =	shalt  }
0x63: {  	_ =	shalt  }
0x64: {  	_ =	shalt  }
0x65: {  	_ =	shalt  }
0x66: {  	_ =	shalt  }
0x67: {  	_ =	shalt  }
0x68: {  	_ =	shalt  }
0x69: {  	_ =	shalt  }
0x6a: {  	_ =	shalt  }
0x6b: {  	_ =	shalt  }
0x6c: {  	_ =	shalt  }
0x6d: {  	_ =	shalt  }
0x6e: {  	_ =	shalt  }
0x6f: {  	_ =	shalt  }
0x70: {  	_ =	shalt  }
0x71: {  	_ =	shalt  }
0x72: {  	_ =	shalt  }
0x73: {  	_ =	shalt  }
0x74: {  	_ =	shalt  }
0x75: {  	_ =	shalt  }
0x76: {  	_ =	shalt  }
0x77: {  	_ =	shalt  }
0x78: {  	_ =	shalt  }
0x79: {  	_ =	shalt  }
0x7a: {  	_ =	shalt  }
0x7b: {  	_ =	shalt  }
0x7c: {  	_ =	shalt  }
0x7d: {  	_ =	shalt  }
0x7e: {  	_ =	shalt  }
0x7f: {  	_ =	shalt  }
0x80: {  	_ =	shalt  }
0x81: {  	_ =	shalt  }
0x82: {  	_ =	shalt  }
0x83: {  	_ =	shalt  }
0x84: {  	_ =	shalt  }
0x85: {  	_ =	shalt  }
0x86: {  	_ =	shalt  }
0x87: {  	_ =	shalt  }
.Lfunc_end0:
.L_simem_size_0:
called_computation_lowered:
.L_overlay_start_0:
0x88: {  	s2 =	sld [smem:$0x3FD9]  }
0x89: {  	s3 =	sld [smem:$0x3FFE];
	_ =	sdelay $0x1  }
0x8a: {  	s1 =	srdreg.scid  }
0x8b: {  	s0 =	sand.u32 $0x1, s1  }
0x8c: {  	s16 =	sshll.u32 s0, $0xA;
	s2 =	sadd.s32 s3, s2  }
0x8d: {  	s2 =	sadd.s32 s2, s16  }
0x8e: {  	[smem:$0x3F94] =	sst s2  }
0x8f: {  	_ = 	snop  }
0x90: {  	(tm) =	ssettm $0x1  }
0x91: {  	s17 =	sld [smem:$0x3FFB];
	_ =	sdelay $0x3  }
0x92: {  	_ =	strace s17  }
0x93: {  	s2 =	sld [smem:$0x3FFC];
	_ =	sdelay $0x3  }
0x94: {  	_ =	strace s2  }
0x95: {  	s2 =	sld [smem:$0x3FFD];
	_ =	sdelay $0x3  }
0x96: {  	_ =	strace s2  }
0x97: {  	_ =	strace $0x8FFFFFFF  }
0x98: {  	s18 =	sld [smem:$0x3FDB];
	_ =	sdelay $0x1  }
0x99: {  	s19 =	simm.s32 $_scs_section_size  }
0x9a: {  	s4 =	simm.s32 $_size__tile_overlayer_lowered;
	s5 =	simm.s32 $_tile_overlayer_lowered  }
0x9b: {  	s22 =	simm.s32 $0x1BFF;
	s21 =	sshll.u32 s5, $0x1;
	s2 =	sadd.s32 s19, s18  }
0x9c: {  	s6 =	simm.s32 $0x0;
	s20 =	sshll.u32 s4, $0x1;
	s4 =	sadd.s32 s21, s2  }
0x9d: {  	[timem:s6], [sflag:s22] =	dma.local [hbm:s4], s20  }
0x9e: {  	_ =	swait.ge [sflag:s22], s20  }
0x9f: {  	s3 =	ssub.s32 $0x0, s20;
	[sflag:s22] =	ssyncset.done $0x0  }
0xa0: {  	[sflag:s22] =	ssyncadd.s32 s3;
	_ =	sdelay $0x1  }
0xa1: {  	s23 =	simm.s32 $0x1B8B  }
0xa2: {  	_ =	swait.ge [sflag:s23], $0x1  }
0xa3: {  	[sflag:s23] =	ssyncset.done $0x0  }
0xa4: {  	s25 =	simm.s32 $0x1B8E;
	s24 =	sld [smem:$0x3FFE];
	[sflag:s23] =	ssyncadd.s32 $0xFFFFFFFF  }
0xa5: {  	s26 =	simm.s32 $execute0_lowered;
	[smem:$0x3FD2] =	sst s25  }
0xa6: {  	s4 =	sshll.u32 s26, $0x1;
	_ =	strace $0x80000046;
	[dreg:$0x1] =	wrdreg $0xFFFFFFFF  }
0xa7: {  	s28 =	simm.s32 $_size_execute0_lowered;
	s2 =	sadd.s32 s2, s4;
	[dreg:$0x0] =	wrdreg $0x0  }
0xa8: {  	s4 =	sshll.u32 s28, $0x1;
	[dreg:$0x2] =	wrdreg s2  }
0xa9: {  	[dreg:$0x3] =	wrdreg s4  }
0xaa: {  	[dreg:$0x4] =	wrdreg $0xC0  }
0xab: {  	_ =	task [dreg:s6], $0x5FFFF  }
0xac: {  	[dreg:$0x1] =	wrdreg $0xFFFFFFFF  }
0xad: {  	[dreg:$0x0] =	wrdreg $0x60  }
0xae: {  	[dreg:$0x2] =	wrdreg s24  }
0xaf: {  	[dreg:$0x3] =	wrdreg $0x0  }
0xb0: {  	[dreg:$0x4] =	wrdreg $0x9  }
0xb1: {  	_ =	task.clear_ibuf [dreg:s6], $0x5FFFF;
	_ =	strace $0x90000046  }
0xb2: {  	s29 =	simm.s32 $0x9;
	_ =	strace $0x80000048  }
0xb3: {  	_ =	swait.ge [sflag:s29], $0x1  }
0xb4: {  	[sflag:s29] =	ssyncadd.s32 $0xFFFFFFFF  }
0xb5: {  	_ =	strace $0x90000048  }
0xb6: {  	_ =	sfence  }
0xb7: {  	s30 =	sld [smem:$0x0];
	_ =	sdelay $0x2  }
0xb8: {  	s31 =	sshll.u32 s1, $0xD;
	s1 =	sshrl.u32 s1, $0x2  }
0xb9: {  	s3 =	sand.u32 $0x4000, s31;
	s1 =	sadd.s32 s1, s30  }
0xba: {  	s0 =	sor.u32 s3, s0;
	s1 =	sshll.u32 s1, $0x11  }
0xbb: {  	s0 =	sor.u32 s1, s0  }
0xbc: {  	s0 =	sadd.s32 $0x8F2B, s0  }
0xbd: {  	[sflag:s0] =	ssyncadd.remote.s32 $0x1  }
0xbe: {  	_ =	sfence.sel $0xFFFF  }
0xbf: {  	[dreg:$0x0] =	wrdreg $0xFFFFFFFF;
	(pc) =	sbr.abs _section_cstart, $3  }
0xc0: {  	[dreg:$0x1] =	wrdreg $0xFFFFFFFF  }
0xc1: {  	_ =	task.clear_ibuf [dreg:s6], $0x2FFFF;
	_ =	strace $0x9FFFFFFF  }
0xc2: {  	(tm) =	ssettm $0x7FFFFFFF  }
0xc3: {  	_ =	shalt  }
tec
execute0_lowered:
.L_overlay_start_1:
0x0: {  	(tag) =	ssettag $0x1  }
0x1: {  	s5 =	rddreg [dreg:$0x0]  }
0x2: {  	s1 =	rddreg [dreg:$0x1]  }
0x3: {  	s0 =	rddreg [dreg:$0x2];
	s2 =	simm.s32 $0x0  }
0x4: {  	s6 =	srdreg.scid;
	s3 =	stileid.u32;
	s17 =	simm.s32 $0x1FC00  }
0x5: {  	s18 =	simm.s32 $0x2900;
	s19 =	simm.s32 $0x1;
	s20 =	simm.s32 $0x3100  }
0x6: {  	s21 =	simm.s32 $0x3108;
	s22 =	simm.s32 $0x8;
	s23 =	simm.s32 $0x3110  }
0x7: {  	s24 =	simm.s32 $0x0;
	[smem:$0x7FF] =	sst s2;
	s4 =	sadd.s32 $0x1AA00, s5  }
0x8: {  	s9 =	sand.u32 $0x1, s6;
	s12 =	sadd.s32 $0x15A00, s5;
	s26 =	smul.u32 $0x2800, s3  }
0x9: {  	s11 =	sadd.s32 $0x10A00, s5;
	s29 =	sshll.u32 s3, $0x6;
	s16 =	smul.u32 $0x1388, s3  }
0xa: {  	_ =	strace $0x80000047;
	s7 =	sshll.u32 s9, $0x4;
	s8 =	ssub.s32 $0x2, s9  }
0xb: {  	s15 =	smul.u32 $0x13880, s9;
	s6 =	sor.u32 $0x1C02, s29;
	p0 =	seq.s32 s9, $0x1  }
0xc: {  	s7 =	sor.u32 s3, s7;
	s10 =	sshrl.u32 s26, $0x3;
	s13 =	sshrl.u32 s8, $0x1  }
0xd: {  	s14 =	sadd.s32 s26, s1;
	s17 =	simm.s32 @!p0 $0x24C00;
	s7 =	smul.u32 $0x1388, s7  }
0xe: {  	s10 =	sadd.s32 s10, s5;
	s13 =	ssub.s32 s8, s13;
	s15 =	sadd.s32 s16, s15  }
0xf: {  	s16 =	simm.s32 $0x2880;
	s5 =	sadd.s32 $0x1AC00, s10;
	s9 =	smax.u32 s13, $0x1  }
0x10: {  	s31 =	sshrl.u32 s15, $0x3;
	s10 =	sadd.s32 s17, s10;
	s28 =	sshrl.u32 s7, $0x3  }
0x11: {  	s13 =	sshrl.u32 s14, $0x3;
	s14 =	simm.s32 $0x2;
	s30 =	sadd.s32 $0x270, s28  }
0x12: {  	s15 =	simm.s32 $0x2800;
	s17 =	simm.s32 $0x80;
	s7 =	sadd.s32 s12, s30  }
0x13: {  	s8 =	sadd.s32 s11, s30;
	s11 =	sadd.s32 s31, s11;
	s12 =	sadd.s32 s31, s12  }
.LBB2_1:
0x14: {  	[spmem:s13], [sflag:s6] =	dma.local [hbm:s5], $0x500  }
0x15: {  	_ =	swait.ge [sflag:s14], $0x500  }
0x16: {  	[sflag:s14] =	ssyncset.done $0x0  }
0x17: {  	[sflag:s14] =	ssyncadd.s32 $0xFFFFFB00  }
0x18: {  	s25 =	sadd.s32 $0x0, s12;
	[bflag:$0x0] =	sbarrier.arrive $0xFFFF  }
0x19: {  	[tilespmem:s15], [sflag:$0x2] =	stream.linear.gather [hbm4b:s25+s2], $0x80, $0x38;
	[tilespmem:$0x3190] =	vst v63  }
0x1a: {  	_ =	swait.ge [sflag:s14], $0x80  }
0x1b: {  	[sflag:s14] =	ssyncset.done $0x0  }
0x1c: {  	s31 =	sadd.s32 $0x0, s11;
	[sflag:s14] =	ssyncadd.s32 $0xFFFFFF80  }
0x1d: {  	[tilespmem:s16], [sflag:$0x2] =	stream.linear.gather [hbm4b:s31+s2], $0x80, $0x38;
	[tilespmem:$0x3190] =	vst v63  }
0x1e: {  	_ =	swait.ge [sflag:s14], $0x80  }
0x1f: {  	[sflag:s14] =	ssyncset.done $0x0  }
0x20: {  	[sflag:s14] =	ssyncadd.s32 $0xFFFFFF80  }
0x21: {  	[tilespmem:s18], [sflag:$0x1] =	stream.indirect.gather [hbm4b:s4+s17], $0x10, s15, s17, $0xb8;
	[tilespmem:$0x3190] =	vst v63  }
0x22: {  	_ =	swait.ge [sflag:s19], $0x800  }
0x23: {  	[sflag:s19] =	ssyncset.done $0x0  }
0x24: {  	[sflag:s19] =	ssyncadd.s32 $0xFFFFF800  }
0x25: {  	[spmem:s1] =	stream.indirect.scatter.add.f32 [tilespmem:s18], [sflag:$0x2], $0x10, s16, s17, $0xb8;
	[tilespmem:$0x3190] =	vst v63  }
0x26: {  	_ =	swait.ge [sflag:s14], $0x800  }
0x27: {  	s26 =	simm.s32 $0x20;
	s25 =	simm.s32 $0x10;
	[sflag:s14] =	ssyncset.done $0x0  }
.LBB2_2:
0x28: {  	s28 =	sadd.s32 s25, s12  }
0x29: {  	[sflag:s14] =	ssyncadd.s32 $0xFFFFF800;
	s29 =	smov.u32 s26;
	s30 =	sadd.s32 $0x10, s26  }
0x2a: {  	[tilespmem:s15], [sflag:$0x2] =	stream.linear.gather [hbm4b:s28+s2], $0x80, $0x38;
	[tilespmem:$0x3190] =	vst v63  }
0x2b: {  	p0 =	sne.s32 s26, $0x260;
	_ =	swait.ge [sflag:s14], $0x80  }
0x2c: {  	[sflag:s14] =	ssyncset.done $0x0  }
0x2d: {  	s26 =	sadd.s32 s25, s11;
	s25 =	smov.u32 s29;
	[sflag:s14] =	ssyncadd.s32 $0xFFFFFF80  }
0x2e: {  	[tilespmem:s16], [sflag:$0x2] =	stream.linear.gather [hbm4b:s26+s2], $0x80, $0x38;
	[tilespmem:$0x3190] =	vst v63  }
0x2f: {  	_ =	swait.ge [sflag:s14], $0x80  }
0x30: {  	[sflag:s14] =	ssyncset.done $0x0  }
0x31: {  	[sflag:s14] =	ssyncadd.s32 $0xFFFFFF80  }
0x32: {  	[tilespmem:s18], [sflag:$0x1] =	stream.indirect.gather [hbm4b:s4+s17], $0x10, s15, s17, $0xb8;
	[tilespmem:$0x3190] =	vst v63  }
0x33: {  	_ =	swait.ge [sflag:s19], $0x800  }
.Ltmp0:
0x34: {  	[sflag:s19] =	ssyncset.done $0x0;
	(pc) =	sbr.rel @p0 .LBB2_2-.Ltmp0, $4  }
0x35: {  	[sflag:s19] =	ssyncadd.s32 $0xFFFFF800  }
0x36: {  	[spmem:s1] =	stream.indirect.scatter.add.f32 [tilespmem:s18], [sflag:$0x2], $0x10, s16, s17, $0xb8;
	[tilespmem:$0x3190] =	vst v63  }
0x37: {  	_ =	swait.ge [sflag:s14], $0x800  }
0x38: {  	s26 =	smov.u32 s30;
	[sflag:s14] =	ssyncset.done $0x0  }
0x39: {  	s26 =	sadd.s32 s25, s12;
	[sflag:s14] =	ssyncadd.s32 $0xFFFFF800  }
0x3a: {  	[tilespmem:s15], [sflag:$0x2] =	stream.linear.gather [hbm4b:s26+s2], $0x80, $0x38;
	[tilespmem:$0x3190] =	vst v63  }
0x3b: {  	_ =	swait.ge [sflag:s14], $0x80  }
0x3c: {  	[sflag:s14] =	ssyncset.done $0x0  }
0x3d: {  	s31 =	sadd.s32 s25, s11;
	[sflag:s14] =	ssyncadd.s32 $0xFFFFFF80  }
0x3e: {  	[tilespmem:s16], [sflag:$0x2] =	stream.linear.gather [hbm4b:s31+s2], $0x80, $0x38;
	[tilespmem:$0x3190] =	vst v63  }
0x3f: {  	_ =	swait.ge [sflag:s14], $0x80  }
0x40: {  	[sflag:s14] =	ssyncset.done $0x0  }
0x41: {  	[sflag:s14] =	ssyncadd.s32 $0xFFFFFF80  }
0x42: {  	[tilespmem:s18], [sflag:$0x1] =	stream.indirect.gather [hbm4b:s4+s17], $0x10, s15, s17, $0xb8;
	[tilespmem:$0x3190] =	vst v63  }
0x43: {  	_ =	swait.ge [sflag:s19], $0x800  }
0x44: {  	[sflag:s19] =	ssyncset.done $0x0  }
0x45: {  	[sflag:s19] =	ssyncadd.s32 $0xFFFFF800  }
0x46: {  	[spmem:s1] =	stream.indirect.scatter.add.f32 [tilespmem:s18], [sflag:$0x2], $0x10, s16, s17, $0xb8;
	[tilespmem:$0x3190] =	vst v63  }
0x47: {  	_ =	swait.ge [sflag:s14], $0x800  }
0x48: {  	[sflag:s14] =	ssyncset.done $0x0  }
0x49: {  	[sflag:s14] =	ssyncadd.s32 $0xFFFFF800  }
0x4a: {  	[tilespmem:s20], [sflag:$0x2] =	stream.linear.gather [hbm4b:s7+s2], $0x8, $0x38;
	[tilespmem:$0x3190] =	vst v63  }
0x4b: {  	_ =	swait.ge [sflag:s14], $0x8  }
0x4c: {  	[sflag:s14] =	ssyncset.done $0x0  }
0x4d: {  	[sflag:s14] =	ssyncadd.s32 $0xFFFFFFF8  }
0x4e: {  	[tilespmem:s21], [sflag:$0x2] =	stream.linear.gather [hbm4b:s8+s2], $0x8, $0x38;
	[tilespmem:$0x3190] =	vst v63  }
0x4f: {  	_ =	swait.ge [sflag:s14], $0x8  }
0x50: {  	[sflag:s14] =	ssyncset.done $0x0  }
0x51: {  	[sflag:s14] =	ssyncadd.s32 $0xFFFFFFF8  }
0x52: {  	[tilespmem:s23], [sflag:$0x1] =	stream.indirect.gather [hbm4b:s4+s22], $0x10, s20, s22, $0xb8;
	[tilespmem:$0x3190] =	vst v63  }
0x53: {  	_ =	swait.ge [sflag:s19], $0x80  }
0x54: {  	[sflag:s19] =	ssyncset.done $0x0  }
0x55: {  	[sflag:s19] =	ssyncadd.s32 $0xFFFFFF80  }
0x56: {  	[spmem:s1] =	stream.indirect.scatter.add.f32 [tilespmem:s23], [sflag:$0x2], $0x10, s21, s22, $0xb8;
	[tilespmem:$0x3190] =	vst v63  }
0x57: {  	_ =	swait.ge [sflag:s14], $0x80  }
0x58: {  	s24 =	sadd.s32 $0x1, s24;
	[sflag:s14] =	ssyncset.done $0x0  }
0x59: {  	p0 =	sne.s32 s24, s9;
	[sflag:s14] =	ssyncadd.s32 $0xFFFFFF80  }
.Ltmp1:
0x5a: {  	[bflag:$0x0] =	sbarrier.arrive $0xFFFF;
	(pc) =	sbr.rel @p0 .LBB2_1-.Ltmp1, $4  }
0x5b: {  	[hbm:s10], [sflag:s6] =	dma.local [spmem:s13], $0x500  }
0x5c: {  	_ =	swait.ge [sflag:s14], $0x500  }
0x5d: {  	[sflag:s14] =	ssyncset.done $0x0  }
0x5e: {  	[sflag:s14] =	ssyncadd.s32 $0xFFFFFB00  }
0x5f: {  	_ =	sfence.sel $0x180000  }
0x60: {  	[bflag:$0x0] =	sbarrier.arrive $0xFFFF  }
0x61: {  	p0 =	sne.s32 s3, $0x0;
	_ =	strace $0x90000047  }
0x62: {  	s0 =	sadd.s32 @!p0 $0x100000, s0;
	[bflag:$0x2] =	sbarrier.arrive $0xFFFF  }
0x63: {  	[sflag:s0] =	ssyncadd.tile.s32 @!p0 $0x1;
	_ =	shalt  }
.Lfunc_end2:
_tile_overlayer_lowered:
.L_overlay_start_2:
0x64: {  	(tag) =	ssettag $0x2  }
0x65: {  	s0 =	rddreg [dreg:$0x0];
	s2 =	stileid.u32  }
0x66: {  	s1 =	rddreg [dreg:$0x1];
	p0 =	sne.s32 s2, $0x0  }
0x67: {  	s3 =	rddreg [dreg:$0x2];
	[bflag:$0x3] =	sbarrier.arrive $0xFFFF;
	s2 =	simm.s32 @!p0 $0x1C02  }
0x68: {  	[timem:s3], [sflag:s2] =	dma.local @!p0 [hbm:s0], s1  }
0x69: {  	s0 =	simm.s32 @!p0 $0x2  }
0x6a: {  	_ =	swait.ge @!p0 [sflag:s0], s1  }
0x6b: {  	s1 =	ssub.s32 @!p0 $0x0, s1;
	[sflag:s0] =	ssyncset.done @!p0 $0x0  }
0x6c: {  	[sflag:s0] =	ssyncadd.s32 @!p0 s1  }
0x6d: {  	[bflag:$0x3] =	sbarrier.arrive $0xFFFF  }
0x6e: {  	_ =	shalt  }

// kernel: kernel.28.cloned.1.call-start
scs
__scs_entry_jumppad:
0x0: {  	(pc) =	sbr.rel $0x88, $3  }
0x1: {  	(tag) =	ssettag $0x0;
	lr =	simm.s32 $0x1  }
0x2: {  	[smem:$0x3F6D] =	sst lr;
	_ =	strace $0xD0000000  }
0x3: {  	_ = 	snop  }
0x4: {  	_ = 	snop  }
0x5: {  	_ = 	snop  }
0x6: {  	_ = 	snop  }
0x7: {  	_ = 	snop  }
__scs_overlays_trampoline_lowered:
0x8: {  	[smem:$0x3F7C] =	sst s0  }
0x9: {  	[smem:$0x3F7D] =	sst s1  }
0xa: {  	[smem:$0x3F7E] =	sst s2  }
0xb: {  	[smem:$0x3F7F] =	sst s3  }
0xc: {  	[smem:$0x3F80] =	sst s4  }
0xd: {  	[smem:$0x3F81] =	sst s5  }
0xe: {  	[smem:$0x3F82] =	sst s6  }
0xf: {  	[smem:$0x3F83] =	sst s7  }
0x10: {  	[smem:$0x3F84] =	sst s8  }
0x11: {  	[smem:$0x3F85] =	sst s9;
	s0 =	simm.s32 @!p0 $0x0  }
0x12: {  	s1 =	sld [smem:$0x3F6B];
	s0 =	simm.s32 @p0 $0x1  }
0x13: {  	[smem:$0x3F86] =	sst s0;
	s0 =	simm.s32 @!p1 $0x0  }
0x14: {  	s2 =	sld [smem:$0x3F6A];
	s0 =	simm.s32 @p1 $0x1  }
0x15: {  	[smem:$0x3F87] =	sst s0;
	s0 =	simm.s32 @!p2 $0x0  }
0x16: {  	s3 =	sld [smem:$0x3FDB];
	s0 =	simm.s32 @p2 $0x1  }
0x17: {  	s4 =	simm.s32 $0x1BF5;
	[smem:$0x3F89] =	sst s0  }
0x18: {  	s0 =	sld [smem:$0x3F6C];
	_ =	swait.ge [sflag:s4], $0x0  }
0x19: {  	s7 =	sld [smem:$0x3F6D]  }
0x1a: {  	s8 =	sadd.s32 $0xFFFFE003, lr  }
0x1b: {  	s9 =	sadd.s32 $0xFFFFFEF7, lr;
	s5 =	simm.s32 $0xFFFFFFFF;
	p2 =	slt.u32 s8, $0xFFFFF086  }
0x1c: {  	p1 =	slt.u32 s9, $0xF7A;
	s5 =	simm.s32 @!p2 $0x0  }
0x1d: {  	s5 =	simm.s32 @p1 $0x1;
	p0 =	seq.s32 s7, s2  }
0x1e: {  	s7 =	smul.u32 @!p0 $0xF7A, s2;
	p2 =	seq.s32 @!p0 s5, $0x0  }
0x1f: {  	s9 =	smul.u32 $0xF7A, s1;
	s8 =	simm.s32 @!p0 $0x1BF5;
	p2 =	por !p2, p0  }
0x20: {  	[sflag:s8] =	ssyncset.s32 @!p0 $0xFFFFF086;
	s6 =	sadd.s32 @!p0 s3, s7;
	s7 =	simm.s32 @!p0 $0x108  }
0x21: {  	s3 =	sadd.s32 s3, s9;
	s6 =	sadd.s32 @!p0 $0x88, s6;
	s7 =	simm.s32 @p2 $0x1082  }
0x22: {  	[simem:s7], [sflag:s8] =	dma.local @!p0 [hbm:s6], $0xF7A  }
0x23: {  	s9 =	sor.u32 $0xD0000000, s2;
	s6 =	simm.s32 $0x108;
	_ =	swait.ge @!p0 [sflag:s8], $0x0  }
0x24: {  	s3 =	sadd.s32 $0x88, s3;
	s6 =	simm.s32 @!p1 $0x1082;
	[sflag:s4] =	ssyncset.s32 $0xFFFFF086  }
0x25: {  	[simem:s6], [sflag:s4] =	dma.local [hbm:s3], $0xF7A  }
0x26: {  	[smem:$0x3F6D] =	sst s1;
	(tag) =	ssettag s2;
	_ =	strace s9  }
0x27: {  	s1 =	sld [smem:$0x3F7D]  }
0x28: {  	s2 =	sld [smem:$0x3F7E]  }
0x29: {  	s4 =	sld [smem:$0x3F80]  }
0x2a: {  	p0 =	seq.s32 s5, $0x0;
	s5 =	sld [smem:$0x3F81]  }
0x2b: {  	s6 =	sld [smem:$0x3F82]  }
0x2c: {  	s7 =	sld [smem:$0x3F83]  }
0x2d: {  	s3 =	simm.s32 $0x108;
	s8 =	sld [smem:$0x3F84]  }
0x2e: {  	s3 =	simm.s32 @!p0 $0x1082;
	s9 =	sld [smem:$0x3F85]  }
0x2f: {  	lr =	sadd.s32 s0, s3;
	s0 =	sld [smem:$0x3F7C]  }
0x30: {  	s3 =	sld [smem:$0x3F7F]  }
0x31: {  	[smem:$0x3F88] =	sst s10  }
0x32: {  	s10 =	sld [smem:$0x3F86];
	_ =	sdelay $0x3  }
0x33: {  	p0 =	seq.s32 s10, $0x1;
	s10 =	sld [smem:$0x3F88];
	_ =	sdelay $0x3  }
0x34: {  	[smem:$0x3F88] =	sst s10  }
0x35: {  	s10 =	sld [smem:$0x3F87];
	_ =	sdelay $0x3  }
0x36: {  	p1 =	seq.s32 s10, $0x1;
	s10 =	sld [smem:$0x3F88];
	_ =	sdelay $0x3  }
0x37: {  	[smem:$0x3F88] =	sst s10  }
0x38: {  	s10 =	sld [smem:$0x3F89]  }
0x39: {  	_ = 	snop;
	(pc) =	sbr.ind lr, $3  }
0x3a: {  	_ = 	snop  }
0x3b: {  	_ = 	snop  }
0x3c: {  	p2 =	seq.s32 s10, $0x1;
	s10 =	sld [smem:$0x3F88]  }
0x3d: {  	_ =	shalt  }
0x3e: {  	_ =	shalt  }
0x3f: {  	_ =	shalt  }
0x40: {  	_ =	shalt  }
0x41: {  	_ =	shalt  }
0x42: {  	_ =	shalt  }
0x43: {  	_ =	shalt  }
0x44: {  	_ =	shalt  }
0x45: {  	_ =	shalt  }
0x46: {  	_ =	shalt  }
0x47: {  	_ =	shalt  }
0x48: {  	_ =	shalt  }
0x49: {  	_ =	shalt  }
0x4a: {  	_ =	shalt  }
0x4b: {  	_ =	shalt  }
0x4c: {  	_ =	shalt  }
0x4d: {  	_ =	shalt  }
0x4e: {  	_ =	shalt  }
0x4f: {  	_ =	shalt  }
0x50: {  	_ =	shalt  }
0x51: {  	_ =	shalt  }
0x52: {  	_ =	shalt  }
0x53: {  	_ =	shalt  }
0x54: {  	_ =	shalt  }
0x55: {  	_ =	shalt  }
0x56: {  	_ =	shalt  }
0x57: {  	_ =	shalt  }
0x58: {  	_ =	shalt  }
0x59: {  	_ =	shalt  }
0x5a: {  	_ =	shalt  }
0x5b: {  	_ =	shalt  }
0x5c: {  	_ =	shalt  }
0x5d: {  	_ =	shalt  }
0x5e: {  	_ =	shalt  }
0x5f: {  	_ =	shalt  }
0x60: {  	_ =	shalt  }
0x61: {  	_ =	shalt  }
0x62: {  	_ =	shalt  }
0x63: {  	_ =	shalt  }
0x64: {  	_ =	shalt  }
0x65: {  	_ =	shalt  }
0x66: {  	_ =	shalt  }
0x67: {  	_ =	shalt  }
0x68: {  	_ =	shalt  }
0x69: {  	_ =	shalt  }
0x6a: {  	_ =	shalt  }
0x6b: {  	_ =	shalt  }
0x6c: {  	_ =	shalt  }
0x6d: {  	_ =	shalt  }
0x6e: {  	_ =	shalt  }
0x6f: {  	_ =	shalt  }
0x70: {  	_ =	shalt  }
0x71: {  	_ =	shalt  }
0x72: {  	_ =	shalt  }
0x73: {  	_ =	shalt  }
0x74: {  	_ =	shalt  }
0x75: {  	_ =	shalt  }
0x76: {  	_ =	shalt  }
0x77: {  	_ =	shalt  }
0x78: {  	_ =	shalt  }
0x79: {  	_ =	shalt  }
0x7a: {  	_ =	shalt  }
0x7b: {  	_ =	shalt  }
0x7c: {  	_ =	shalt  }
0x7d: {  	_ =	shalt  }
0x7e: {  	_ =	shalt  }
0x7f: {  	_ =	shalt  }
0x80: {  	_ =	shalt  }
0x81: {  	_ =	shalt  }
0x82: {  	_ =	shalt  }
0x83: {  	_ =	shalt  }
0x84: {  	_ =	shalt  }
0x85: {  	_ =	shalt  }
0x86: {  	_ =	shalt  }
0x87: {  	_ =	shalt  }
.Lfunc_end0:
.L_simem_size_0:
called_computation.1_lowered:
.L_overlay_start_0:
0x88: {  	s2 =	sld [smem:$0x3FD9]  }
0x89: {  	s3 =	sld [smem:$0x3FFE];
	_ =	sdelay $0x1  }
0x8a: {  	s1 =	srdreg.scid  }
0x8b: {  	s0 =	sand.u32 $0x1, s1  }
0x8c: {  	s16 =	sshll.u32 s0, $0xA;
	s2 =	sadd.s32 s3, s2  }
0x8d: {  	s2 =	sadd.s32 s2, s16  }
0x8e: {  	[smem:$0x3F94] =	sst s2  }
0x8f: {  	_ = 	snop  }
0x90: {  	(tm) =	ssettm $0x1  }
0x91: {  	s17 =	sld [smem:$0x3FFB];
	_ =	sdelay $0x3  }
0x92: {  	_ =	strace s17  }
0x93: {  	s2 =	sld [smem:$0x3FFC];
	_ =	sdelay $0x3  }
0x94: {  	_ =	strace s2  }
0x95: {  	s2 =	sld [smem:$0x3FFD];
	_ =	sdelay $0x3  }
0x96: {  	_ =	strace s2  }
0x97: {  	_ =	strace $0x8FFFFFFF  }
0x98: {  	s18 =	sld [smem:$0x3FDB];
	_ =	sdelay $0x1  }
0x99: {  	s19 =	simm.s32 $_scs_section_size  }
0x9a: {  	s4 =	simm.s32 $_size__tile_overlayer_lowered;
	s5 =	simm.s32 $_tile_overlayer_lowered  }
0x9b: {  	s22 =	simm.s32 $0x1BFF;
	s21 =	sshll.u32 s5, $0x1;
	s2 =	sadd.s32 s19, s18  }
0x9c: {  	s6 =	simm.s32 $0x0;
	s20 =	sshll.u32 s4, $0x1;
	s4 =	sadd.s32 s21, s2  }
0x9d: {  	[timem:s6], [sflag:s22] =	dma.local [hbm:s4], s20  }
0x9e: {  	_ =	swait.ge [sflag:s22], s20  }
0x9f: {  	s3 =	ssub.s32 $0x0, s20;
	[sflag:s22] =	ssyncset.done $0x0  }
0xa0: {  	[sflag:s22] =	ssyncadd.s32 s3;
	_ =	sdelay $0x1  }
0xa1: {  	s23 =	simm.s32 $0x1B8B  }
0xa2: {  	_ =	swait.ge [sflag:s23], $0x1  }
0xa3: {  	[sflag:s23] =	ssyncset.done $0x0  }
0xa4: {  	s25 =	simm.s32 $0x1B8E;
	s24 =	sld [smem:$0x3FFE];
	[sflag:s23] =	ssyncadd.s32 $0xFFFFFFFF  }
0xa5: {  	s26 =	simm.s32 $execute0_lowered;
	[smem:$0x3FD2] =	sst s25  }
0xa6: {  	s4 =	sshll.u32 s26, $0x1;
	_ =	strace $0x80000049;
	[dreg:$0x1] =	wrdreg $0xFFFFFFFF  }
0xa7: {  	s28 =	simm.s32 $_size_execute0_lowered;
	s2 =	sadd.s32 s2, s4;
	[dreg:$0x0] =	wrdreg $0x0  }
0xa8: {  	s4 =	sshll.u32 s28, $0x1;
	[dreg:$0x2] =	wrdreg s2  }
0xa9: {  	[dreg:$0x3] =	wrdreg s4  }
0xaa: {  	[dreg:$0x4] =	wrdreg $0xC0  }
0xab: {  	_ =	task [dreg:s6], $0x5FFFF  }
0xac: {  	[dreg:$0x1] =	wrdreg $0xFFFFFFFF  }
0xad: {  	[dreg:$0x0] =	wrdreg $0x60  }
0xae: {  	[dreg:$0x2] =	wrdreg s24  }
0xaf: {  	[dreg:$0x3] =	wrdreg $0x0  }
0xb0: {  	[dreg:$0x4] =	wrdreg $0x9  }
0xb1: {  	_ =	task.clear_ibuf [dreg:s6], $0x5FFFF;
	_ =	strace $0x90000049  }
0xb2: {  	s29 =	simm.s32 $0x9;
	_ =	strace $0x8000004B  }
0xb3: {  	_ =	swait.ge [sflag:s29], $0x1  }
0xb4: {  	[sflag:s29] =	ssyncadd.s32 $0xFFFFFFFF  }
0xb5: {  	_ =	strace $0x9000004B  }
0xb6: {  	_ =	sfence  }
0xb7: {  	s30 =	sld [smem:$0x0];
	_ =	sdelay $0x2  }
0xb8: {  	s31 =	sshll.u32 s1, $0xD;
	s1 =	sshrl.u32 s1, $0x2  }
0xb9: {  	s3 =	sand.u32 $0x4000, s31;
	s1 =	sadd.s32 s1, s30  }
0xba: {  	s0 =	sor.u32 s3, s0;
	s1 =	sshll.u32 s1, $0x11  }
0xbb: {  	s0 =	sor.u32 s1, s0  }
0xbc: {  	s0 =	sadd.s32 $0x8F2B, s0  }
0xbd: {  	[sflag:s0] =	ssyncadd.remote.s32 $0x1  }
0xbe: {  	_ =	sfence.sel $0xFFFF  }
0xbf: {  	[dreg:$0x0] =	wrdreg $0xFFFFFFFF;
	(pc) =	sbr.abs _section_cstart, $3  }
0xc0: {  	[dreg:$0x1] =	wrdreg $0xFFFFFFFF  }
0xc1: {  	_ =	task.clear_ibuf [dreg:s6], $0x2FFFF;
	_ =	strace $0x9FFFFFFF  }
0xc2: {  	(tm) =	ssettm $0x7FFFFFFF  }
0xc3: {  	_ =	shalt  }
tec
execute0_lowered:
.L_overlay_start_1:
0x0: {  	(tag) =	ssettag $0x1  }
0x1: {  	s0 =	rddreg [dreg:$0x0]  }
0x2: {  	s1 =	rddreg [dreg:$0x1]  }
0x3: {  	s2 =	simm.s32 $0x0;
	s3 =	srdreg.scid;
	s6 =	stileid.u32  }
0x4: {  	s19 =	simm.s32 $0x2;
	s20 =	simm.s32 $0x19000;
	s21 =	simm.s32 $0x19080  }
0x5: {  	s22 =	simm.s32 $0x80;
	s23 =	simm.s32 $0x19100;
	s28 =	simm.s32 $0x10  }
0x6: {  	s29 =	simm.s32 $0x1E120;
	s30 =	simm.s32 $0x0;
	[smem:$0x7FF] =	sst s2  }
0x7: {  	s4 =	sadd.s32 $0x15A00, s0;
	s5 =	sadd.s32 $0xB5A00, s0;
	s3 =	sand.u32 $0x1, s3  }
0x8: {  	s16 =	sadd.s32 $0xBA00, s0;
	s9 =	smul.u32 $0x2710, s6;
	s15 =	sadd.s32 $0x10A00, s0  }
0x9: {  	s11 =	smul.u32 $0x19000, s6;
	s7 =	sadd.s32 $0x79A00, s0;
	s0 =	sadd.s32 $0x47A00, s0  }
0xa: {  	s31 =	smul.u32 $0x4E2, s6;
	_ =	strace $0x8000004A;
	[dreg:$0x3] =	wrdreg s7  }
0xb: {  	s14 =	sshll.u32 s6, $0x6;
	s8 =	ssub.s32 $0x2, s3;
	[dreg:$0x4] =	wrdreg s0  }
0xc: {  	p0 =	seq.s32 s3, $0x1;
	s17 =	sor.u32 $0x1C02, s14;
	s10 =	sshrl.u32 s8, $0x1  }
0xd: {  	s25 =	sshrl.u32 s9, $0x3;
	s18 =	sadd.s32 s11, s1;
	s24 =	ssub.s32 s8, s10  }
.Ltmp0:
0xe: {  	s8 =	sshrl.u32 s11, $0x3;
	s3 =	sadd.s32 $0x4E0, s25;
	(pc) =	sbr.rel .LBB2_1-.Ltmp0, $4  }
0xf: {  	s18 =	sshrl.u32 s18, $0x3;
	s25 =	simm.s32 $0x1E100;
	s26 =	sadd.s32 s4, s8  }
0x10: {  	s10 =	sadd.s32 s16, s3;
	s11 =	sadd.s32 s15, s3;
	s12 =	sadd.s32 s5, s8  }
0x11: {  	s13 =	smax.u32 s24, $0x1;
	s15 =	sadd.s32 s31, s15;
	s16 =	sadd.s32 s31, s16  }
0x12: {  	s24 =	simm.s32 $0x1;
	[dreg:$0x5] =	wrdreg s26;
	s26 =	simm.s32 $0x1E110  }
.LBB2_7:
0x13: {  	s3 =	sadd.s32 s0, s16;
	[sflag:s19] =	ssyncadd.s32 $0xFFFFB000  }
0x14: {  	[tilespmem:s20], [sflag:$0x2] =	stream.linear.gather [hbm4b:s3+s2], $0x80, $0x38;
	[tilespmem:$0x1EB20] =	vst v63  }
0x15: {  	_ =	swait.ge [sflag:s19], $0x80  }
0x16: {  	[sflag:s19] =	ssyncset.done $0x0  }
0x17: {  	s9 =	sadd.s32 s0, s15;
	[sflag:s19] =	ssyncadd.s32 $0xFFFFFF80  }
0x18: {  	[tilespmem:s21], [sflag:$0x2] =	stream.linear.gather [hbm4b:s9+s2], $0x80, $0x38;
	[tilespmem:$0x1EB20] =	vst v63  }
0x19: {  	_ =	swait.ge [sflag:s19], $0x80  }
0x1a: {  	[sflag:s19] =	ssyncset.done $0x0  }
0x1b: {  	[sflag:s19] =	ssyncadd.s32 $0xFFFFFF80  }
0x1c: {  	[tilespmem:s23], [sflag:$0x1] =	stream.indirect.gather [hbm4b:s5+s22], $0xA0, s20, s22, $0xb8;
	[tilespmem:$0x1EB20] =	vst v63  }
0x1d: {  	_ =	swait.ge [sflag:s24], $0x5000  }
0x1e: {  	[sflag:s24] =	ssyncset.done $0x0  }
0x1f: {  	[sflag:s24] =	ssyncadd.s32 $0xFFFFB000  }
0x20: {  	[spmem:s1] =	stream.indirect.scatter.add.f32 [tilespmem:s23], [sflag:$0x2], $0xA0, s21, s22, $0xb8;
	[tilespmem:$0x1EB20] =	vst v63  }
0x21: {  	_ =	swait.ge [sflag:s19], $0x5000  }
0x22: {  	s31 =	smov.u32 s17;
	[sflag:s19] =	ssyncset.done $0x0  }
0x23: {  	s3 =	smov.u32 s5;
	s0 =	rddreg [dreg:$0x4];
	[sflag:s19] =	ssyncadd.s32 $0xFFFFB000  }
.LBB2_8:
0x24: {  	[tilespmem:s25], [sflag:$0x2] =	stream.linear.gather [hbm4b:s10+s2], $0x10, $0x38;
	[tilespmem:$0x1EB20] =	vst v63  }
0x25: {  	_ =	swait.ge [sflag:s19], $0x10  }
0x26: {  	[sflag:s19] =	ssyncset.done $0x0  }
0x27: {  	[sflag:s19] =	ssyncadd.s32 $0xFFFFFFF0  }
0x28: {  	[tilespmem:s26], [sflag:$0x2] =	stream.linear.gather [hbm4b:s11+s2], $0x10, $0x38;
	[tilespmem:$0x1EB20] =	vst v63  }
0x29: {  	_ =	swait.ge [sflag:s19], $0x10  }
0x2a: {  	[sflag:s19] =	ssyncset.done $0x0  }
0x2b: {  	[sflag:s19] =	ssyncadd.s32 $0xFFFFFFF0  }
0x2c: {  	[tilespmem:s29], [sflag:$0x1] =	stream.indirect.gather [hbm4b:s3+s28], $0xA0, s25, s28, $0xb8;
	[tilespmem:$0x1EB20] =	vst v63  }
0x2d: {  	_ =	swait.ge [sflag:s24], $0xA00  }
0x2e: {  	[sflag:s24] =	ssyncset.done $0x0  }
0x2f: {  	[sflag:s24] =	ssyncadd.s32 $0xFFFFF600  }
0x30: {  	[spmem:s1] =	stream.indirect.scatter.add.f32 [tilespmem:s29], [sflag:$0x2], $0xA0, s26, s28, $0xb8;
	[tilespmem:$0x1EB20] =	vst v63  }
0x31: {  	_ =	swait.ge [sflag:s19], $0xA00  }
0x32: {  	s30 =	sadd.s32 $0x1, s30;
	[sflag:s19] =	ssyncset.done $0x0  }
0x33: {  	p1 =	sne.s32 s30, s13;
	[sflag:s19] =	ssyncadd.s32 $0xFFFFF600  }
.Ltmp1:
0x34: {  	s0 =	sadd.s32 s0, s8;
	[bflag:$0x0] =	sbarrier.arrive $0xFFFF;
	(pc) =	sbr.rel @!p1 .LBB2_9-.Ltmp1, $4  }
0x35: {  	[hbm:s0], [sflag:s31] =	dma.local [spmem:s18], $0x3200  }
0x36: {  	_ =	swait.ge [sflag:s19], $0x3200  }
0x37: {  	[sflag:s19] =	ssyncset.done $0x0  }
0x38: {  	[sflag:s19] =	ssyncadd.s32 $0xFFFFCE00  }
.LBB2_1:
.Ltmp2:
0x39: {  	(pc) =	sbr.rel @!p0 .LBB2_2-.Ltmp2, $1  }
0x3a: {  	_ =	sdelay $0x3  }
0x3b: {  	[spmem:s18], [sflag:s17] =	dma.local [hbm:s12], $0x3200  }
0x3c: {  	_ =	swait.ge [sflag:s19], $0x3200  }
0x3d: {  	[sflag:s19] =	ssyncset.done $0x0  }
0x3e: {  	[sflag:s19] =	ssyncadd.s32 $0xFFFFCE00  }
0x3f: {  	s0 =	sadd.s32 $0x0, s16;
	[bflag:$0x0] =	sbarrier.arrive $0xFFFF  }
0x40: {  	[tilespmem:s20], [sflag:$0x2] =	stream.linear.gather [hbm4b:s0+s2], $0x80, $0x38;
	[tilespmem:$0x1EB20] =	vst v63  }
0x41: {  	_ =	swait.ge [sflag:s19], $0x80  }
0x42: {  	[sflag:s19] =	ssyncset.done $0x0  }
0x43: {  	s31 =	sadd.s32 $0x0, s15;
	[sflag:s19] =	ssyncadd.s32 $0xFFFFFF80  }
0x44: {  	[tilespmem:s21], [sflag:$0x2] =	stream.linear.gather [hbm4b:s31+s2], $0x80, $0x38;
	[tilespmem:$0x1EB20] =	vst v63  }
0x45: {  	_ =	swait.ge [sflag:s19], $0x80  }
0x46: {  	[sflag:s19] =	ssyncset.done $0x0  }
0x47: {  	[sflag:s19] =	ssyncadd.s32 $0xFFFFFF80  }
0x48: {  	[tilespmem:s23], [sflag:$0x1] =	stream.indirect.gather [hbm4b:s5+s22], $0xA0, s20, s22, $0xb8;
	[tilespmem:$0x1EB20] =	vst v63  }
0x49: {  	_ =	swait.ge [sflag:s24], $0x5000  }
0x4a: {  	[sflag:s24] =	ssyncset.done $0x0  }
0x4b: {  	[sflag:s24] =	ssyncadd.s32 $0xFFFFB000  }
0x4c: {  	[spmem:s1] =	stream.indirect.scatter.add.f32 [tilespmem:s23], [sflag:$0x2], $0xA0, s21, s22, $0xb8;
	[tilespmem:$0x1EB20] =	vst v63  }
0x4d: {  	_ =	swait.ge [sflag:s19], $0x5000  }
0x4e: {  	s3 =	simm.s32 $0x20;
	s0 =	simm.s32 $0x10;
	[sflag:s19] =	ssyncset.done $0x0  }
.LBB2_6:
0x4f: {  	s6 =	sadd.s32 s0, s16  }
0x50: {  	[sflag:s19] =	ssyncadd.s32 $0xFFFFB000;
	s7 =	smov.u32 s3;
	s9 =	sadd.s32 $0x10, s3  }
0x51: {  	[tilespmem:s20], [sflag:$0x2] =	stream.linear.gather [hbm4b:s6+s2], $0x80, $0x38;
	[tilespmem:$0x1EB20] =	vst v63  }
0x52: {  	p1 =	sne.s32 s3, $0x4D0;
	_ =	swait.ge [sflag:s19], $0x80  }
0x53: {  	[sflag:s19] =	ssyncset.done $0x0  }
0x54: {  	s3 =	sadd.s32 s0, s15;
	s0 =	smov.u32 s7;
	[sflag:s19] =	ssyncadd.s32 $0xFFFFFF80  }
0x55: {  	[tilespmem:s21], [sflag:$0x2] =	stream.linear.gather [hbm4b:s3+s2], $0x80, $0x38;
	[tilespmem:$0x1EB20] =	vst v63  }
0x56: {  	_ =	swait.ge [sflag:s19], $0x80  }
0x57: {  	[sflag:s19] =	ssyncset.done $0x0  }
0x58: {  	[sflag:s19] =	ssyncadd.s32 $0xFFFFFF80  }
0x59: {  	[tilespmem:s23], [sflag:$0x1] =	stream.indirect.gather [hbm4b:s5+s22], $0xA0, s20, s22, $0xb8;
	[tilespmem:$0x1EB20] =	vst v63  }
0x5a: {  	_ =	swait.ge [sflag:s24], $0x5000  }
.Ltmp3:
0x5b: {  	[sflag:s24] =	ssyncset.done $0x0;
	(pc) =	sbr.rel @p1 .LBB2_6-.Ltmp3, $4  }
0x5c: {  	[sflag:s24] =	ssyncadd.s32 $0xFFFFB000  }
0x5d: {  	[spmem:s1] =	stream.indirect.scatter.add.f32 [tilespmem:s23], [sflag:$0x2], $0xA0, s21, s22, $0xb8;
	[tilespmem:$0x1EB20] =	vst v63  }
0x5e: {  	_ =	swait.ge [sflag:s19], $0x5000  }
0x5f: {  	s3 =	smov.u32 s9;
	[sflag:s19] =	ssyncset.done $0x0  }
.Ltmp4:
0x60: {  	_ = 	snop;
	(pc) =	sbr.rel .LBB2_7-.Ltmp4, $1  }
0x61: {  	_ =	sdelay $0x3  }
.LBB2_2:
0x62: {  	s31 =	sor.u32 $0x1C02, s14;
	s0 =	rddreg [dreg:$0x5]  }
0x63: {  	[spmem:s18], [sflag:s31] =	dma.local [hbm:s0], $0x3200  }
0x64: {  	_ =	swait.ge [sflag:s19], $0x3200  }
0x65: {  	[sflag:s19] =	ssyncset.done $0x0  }
0x66: {  	[sflag:s19] =	ssyncadd.s32 $0xFFFFCE00  }
0x67: {  	s7 =	sadd.s32 $0x0, s16;
	[bflag:$0x0] =	sbarrier.arrive $0xFFFF  }
0x68: {  	[tilespmem:s20], [sflag:$0x2] =	stream.linear.gather [hbm4b:s7+s2], $0x80, $0x38;
	[tilespmem:$0x1EB20] =	vst v63  }
0x69: {  	_ =	swait.ge [sflag:s19], $0x80  }
0x6a: {  	[sflag:s19] =	ssyncset.done $0x0  }
0x6b: {  	s9 =	sadd.s32 $0x0, s15;
	[sflag:s19] =	ssyncadd.s32 $0xFFFFFF80  }
0x6c: {  	[tilespmem:s21], [sflag:$0x2] =	stream.linear.gather [hbm4b:s9+s2], $0x80, $0x38;
	[tilespmem:$0x1EB20] =	vst v63  }
0x6d: {  	_ =	swait.ge [sflag:s19], $0x80  }
0x6e: {  	[sflag:s19] =	ssyncset.done $0x0  }
0x6f: {  	[sflag:s19] =	ssyncadd.s32 $0xFFFFFF80  }
0x70: {  	[tilespmem:s23], [sflag:$0x1] =	stream.indirect.gather [hbm4b:s4+s22], $0xA0, s20, s22, $0xb8;
	[tilespmem:$0x1EB20] =	vst v63  }
0x71: {  	_ =	swait.ge [sflag:s24], $0x5000  }
0x72: {  	[sflag:s24] =	ssyncset.done $0x0  }
0x73: {  	[sflag:s24] =	ssyncadd.s32 $0xFFFFB000  }
0x74: {  	[spmem:s1] =	stream.indirect.scatter.add.f32 [tilespmem:s23], [sflag:$0x2], $0xA0, s21, s22, $0xb8;
	[tilespmem:$0x1EB20] =	vst v63  }
0x75: {  	_ =	swait.ge [sflag:s19], $0x5000  }
0x76: {  	s3 =	simm.s32 $0x20;
	s0 =	simm.s32 $0x10;
	[sflag:s19] =	ssyncset.done $0x0  }
.LBB2_3:
0x77: {  	s6 =	sadd.s32 s0, s16  }
0x78: {  	[sflag:s19] =	ssyncadd.s32 $0xFFFFB000;
	s7 =	smov.u32 s3;
	s9 =	sadd.s32 $0x10, s3  }
0x79: {  	[tilespmem:s20], [sflag:$0x2] =	stream.linear.gather [hbm4b:s6+s2], $0x80, $0x38;
	[tilespmem:$0x1EB20] =	vst v63  }
0x7a: {  	p1 =	seq.s32 s3, $0x4D0;
	_ =	swait.ge [sflag:s19], $0x80  }
0x7b: {  	[sflag:s19] =	ssyncset.done $0x0  }
0x7c: {  	s3 =	sadd.s32 s0, s15;
	s0 =	smov.u32 s7;
	[sflag:s19] =	ssyncadd.s32 $0xFFFFFF80  }
0x7d: {  	[tilespmem:s21], [sflag:$0x2] =	stream.linear.gather [hbm4b:s3+s2], $0x80, $0x38;
	[tilespmem:$0x1EB20] =	vst v63  }
0x7e: {  	_ =	swait.ge [sflag:s19], $0x80  }
0x7f: {  	[sflag:s19] =	ssyncset.done $0x0  }
0x80: {  	[sflag:s19] =	ssyncadd.s32 $0xFFFFFF80  }
0x81: {  	[tilespmem:s23], [sflag:$0x1] =	stream.indirect.gather [hbm4b:s4+s22], $0xA0, s20, s22, $0xb8;
	[tilespmem:$0x1EB20] =	vst v63  }
0x82: {  	_ =	swait.ge [sflag:s24], $0x5000  }
.Ltmp5:
0x83: {  	[sflag:s24] =	ssyncset.done $0x0;
	(pc) =	sbr.rel @!p1 .LBB2_3-.Ltmp5, $4  }
0x84: {  	[sflag:s24] =	ssyncadd.s32 $0xFFFFB000  }
0x85: {  	[spmem:s1] =	stream.indirect.scatter.add.f32 [tilespmem:s23], [sflag:$0x2], $0xA0, s21, s22, $0xb8;
	[tilespmem:$0x1EB20] =	vst v63  }
0x86: {  	_ =	swait.ge [sflag:s19], $0x5000  }
0x87: {  	s3 =	smov.u32 s9;
	[sflag:s19] =	ssyncset.done $0x0  }
0x88: {  	s3 =	sadd.s32 s0, s16;
	[sflag:s19] =	ssyncadd.s32 $0xFFFFB000  }
0x89: {  	[tilespmem:s20], [sflag:$0x2] =	stream.linear.gather [hbm4b:s3+s2], $0x80, $0x38;
	[tilespmem:$0x1EB20] =	vst v63  }
0x8a: {  	_ =	swait.ge [sflag:s19], $0x80  }
0x8b: {  	[sflag:s19] =	ssyncset.done $0x0  }
0x8c: {  	s9 =	sadd.s32 s0, s15;
	[sflag:s19] =	ssyncadd.s32 $0xFFFFFF80  }
0x8d: {  	[tilespmem:s21], [sflag:$0x2] =	stream.linear.gather [hbm4b:s9+s2], $0x80, $0x38;
	[tilespmem:$0x1EB20] =	vst v63  }
0x8e: {  	_ =	swait.ge [sflag:s19], $0x80  }
0x8f: {  	[sflag:s19] =	ssyncset.done $0x0  }
0x90: {  	[sflag:s19] =	ssyncadd.s32 $0xFFFFFF80  }
0x91: {  	[tilespmem:s23], [sflag:$0x1] =	stream.indirect.gather [hbm4b:s4+s22], $0xA0, s20, s22, $0xb8;
	[tilespmem:$0x1EB20] =	vst v63  }
0x92: {  	_ =	swait.ge [sflag:s24], $0x5000  }
0x93: {  	[sflag:s24] =	ssyncset.done $0x0  }
.Ltmp6:
0x94: {  	[sflag:s24] =	ssyncadd.s32 $0xFFFFB000;
	(pc) =	sbr.rel .LBB2_8-.Ltmp6, $4  }
0x95: {  	[spmem:s1] =	stream.indirect.scatter.add.f32 [tilespmem:s23], [sflag:$0x2], $0xA0, s21, s22, $0xb8;
	[tilespmem:$0x1EB20] =	vst v63  }
0x96: {  	_ =	swait.ge [sflag:s19], $0x5000  }
0x97: {  	[sflag:s19] =	ssyncset.done $0x0  }
0x98: {  	s3 =	smov.u32 s4;
	s0 =	rddreg [dreg:$0x3];
	[sflag:s19] =	ssyncadd.s32 $0xFFFFB000  }
.LBB2_9:
0x99: {  	_ =	sfence.sel $0x180000  }
0x9a: {  	[bflag:$0x0] =	sbarrier.arrive $0xFFFF  }
0x9b: {  	_ =	strace $0x9000004A  }
0x9c: {  	s0 =	stileid.u32;
	[bflag:$0x2] =	sbarrier.arrive $0xFFFF  }
0x9d: {  	p0 =	sne.s32 s0, $0x0;
	s0 =	rddreg [dreg:$0x2]  }
0x9e: {  	s0 =	sadd.s32 @!p0 $0x100000, s0  }
0x9f: {  	[sflag:s0] =	ssyncadd.tile.s32 @!p0 $0x1;
	_ =	shalt  }
.Lfunc_end2:
_tile_overlayer_lowered:
.L_overlay_start_2:
0xa0: {  	(tag) =	ssettag $0x2  }
0xa1: {  	s0 =	rddreg [dreg:$0x0];
	s2 =	stileid.u32  }
0xa2: {  	s1 =	rddreg [dreg:$0x1];
	p0 =	sne.s32 s2, $0x0  }
0xa3: {  	s3 =	rddreg [dreg:$0x2];
	[bflag:$0x3] =	sbarrier.arrive $0xFFFF;
	s2 =	simm.s32 @!p0 $0x1C02  }
0xa4: {  	[timem:s3], [sflag:s2] =	dma.local @!p0 [hbm:s0], s1  }
0xa5: {  	s0 =	simm.s32 @!p0 $0x2  }
0xa6: {  	_ =	swait.ge @!p0 [sflag:s0], s1  }
0xa7: {  	s1 =	ssub.s32 @!p0 $0x0, s1;
	[sflag:s0] =	ssyncset.done @!p0 $0x0  }
0xa8: {  	[sflag:s0] =	ssyncadd.s32 @!p0 s1  }
0xa9: {  	[bflag:$0x3] =	sbarrier.arrive $0xFFFF  }
0xaa: {  	_ =	shalt  }

// kernel: kernel.31.cloned.1.call-start
scs
__scs_entry_jumppad:
0x0: {  	(pc) =	sbr.rel $0x88, $3  }
0x1: {  	(tag) =	ssettag $0x0;
	lr =	simm.s32 $0x1  }
0x2: {  	[smem:$0x3F6D] =	sst lr;
	_ =	strace $0xD0000000  }
0x3: {  	_ = 	snop  }
0x4: {  	_ = 	snop  }
0x5: {  	_ = 	snop  }
0x6: {  	_ = 	snop  }
0x7: {  	_ = 	snop  }
__scs_overlays_trampoline_lowered:
0x8: {  	[smem:$0x3F7C] =	sst s0  }
0x9: {  	[smem:$0x3F7D] =	sst s1  }
0xa: {  	[smem:$0x3F7E] =	sst s2  }
0xb: {  	[smem:$0x3F7F] =	sst s3  }
0xc: {  	[smem:$0x3F80] =	sst s4  }
0xd: {  	[smem:$0x3F81] =	sst s5  }
0xe: {  	[smem:$0x3F82] =	sst s6  }
0xf: {  	[smem:$0x3F83] =	sst s7  }
0x10: {  	[smem:$0x3F84] =	sst s8  }
0x11: {  	[smem:$0x3F85] =	sst s9;
	s0 =	simm.s32 @!p0 $0x0  }
0x12: {  	s1 =	sld [smem:$0x3F6B];
	s0 =	simm.s32 @p0 $0x1  }
0x13: {  	[smem:$0x3F86] =	sst s0;
	s0 =	simm.s32 @!p1 $0x0  }
0x14: {  	s2 =	sld [smem:$0x3F6A];
	s0 =	simm.s32 @p1 $0x1  }
0x15: {  	[smem:$0x3F87] =	sst s0;
	s0 =	simm.s32 @!p2 $0x0  }
0x16: {  	s3 =	sld [smem:$0x3FDB];
	s0 =	simm.s32 @p2 $0x1  }
0x17: {  	s4 =	simm.s32 $0x1BF5;
	[smem:$0x3F89] =	sst s0  }
0x18: {  	s0 =	sld [smem:$0x3F6C];
	_ =	swait.ge [sflag:s4], $0x0  }
0x19: {  	s7 =	sld [smem:$0x3F6D]  }
0x1a: {  	s8 =	sadd.s32 $0xFFFFE003, lr  }
0x1b: {  	s9 =	sadd.s32 $0xFFFFFEF7, lr;
	s5 =	simm.s32 $0xFFFFFFFF;
	p2 =	slt.u32 s8, $0xFFFFF086  }
0x1c: {  	p1 =	slt.u32 s9, $0xF7A;
	s5 =	simm.s32 @!p2 $0x0  }
0x1d: {  	s5 =	simm.s32 @p1 $0x1;
	p0 =	seq.s32 s7, s2  }
0x1e: {  	s7 =	smul.u32 @!p0 $0xF7A, s2;
	p2 =	seq.s32 @!p0 s5, $0x0  }
0x1f: {  	s9 =	smul.u32 $0xF7A, s1;
	s8 =	simm.s32 @!p0 $0x1BF5;
	p2 =	por !p2, p0  }
0x20: {  	[sflag:s8] =	ssyncset.s32 @!p0 $0xFFFFF086;
	s6 =	sadd.s32 @!p0 s3, s7;
	s7 =	simm.s32 @!p0 $0x108  }
0x21: {  	s3 =	sadd.s32 s3, s9;
	s6 =	sadd.s32 @!p0 $0x88, s6;
	s7 =	simm.s32 @p2 $0x1082  }
0x22: {  	[simem:s7], [sflag:s8] =	dma.local @!p0 [hbm:s6], $0xF7A  }
0x23: {  	s9 =	sor.u32 $0xD0000000, s2;
	s6 =	simm.s32 $0x108;
	_ =	swait.ge @!p0 [sflag:s8], $0x0  }
0x24: {  	s3 =	sadd.s32 $0x88, s3;
	s6 =	simm.s32 @!p1 $0x1082;
	[sflag:s4] =	ssyncset.s32 $0xFFFFF086  }
0x25: {  	[simem:s6], [sflag:s4] =	dma.local [hbm:s3], $0xF7A  }
0x26: {  	[smem:$0x3F6D] =	sst s1;
	(tag) =	ssettag s2;
	_ =	strace s9  }
0x27: {  	s1 =	sld [smem:$0x3F7D]  }
0x28: {  	s2 =	sld [smem:$0x3F7E]  }
0x29: {  	s4 =	sld [smem:$0x3F80]  }
0x2a: {  	p0 =	seq.s32 s5, $0x0;
	s5 =	sld [smem:$0x3F81]  }
0x2b: {  	s6 =	sld [smem:$0x3F82]  }
0x2c: {  	s7 =	sld [smem:$0x3F83]  }
0x2d: {  	s3 =	simm.s32 $0x108;
	s8 =	sld [smem:$0x3F84]  }
0x2e: {  	s3 =	simm.s32 @!p0 $0x1082;
	s9 =	sld [smem:$0x3F85]  }
0x2f: {  	lr =	sadd.s32 s0, s3;
	s0 =	sld [smem:$0x3F7C]  }
0x30: {  	s3 =	sld [smem:$0x3F7F]  }
0x31: {  	[smem:$0x3F88] =	sst s10  }
0x32: {  	s10 =	sld [smem:$0x3F86];
	_ =	sdelay $0x3  }
0x33: {  	p0 =	seq.s32 s10, $0x1;
	s10 =	sld [smem:$0x3F88];
	_ =	sdelay $0x3  }
0x34: {  	[smem:$0x3F88] =	sst s10  }
0x35: {  	s10 =	sld [smem:$0x3F87];
	_ =	sdelay $0x3  }
0x36: {  	p1 =	seq.s32 s10, $0x1;
	s10 =	sld [smem:$0x3F88];
	_ =	sdelay $0x3  }
0x37: {  	[smem:$0x3F88] =	sst s10  }
0x38: {  	s10 =	sld [smem:$0x3F89]  }
0x39: {  	_ = 	snop;
	(pc) =	sbr.ind lr, $3  }
0x3a: {  	_ = 	snop  }
0x3b: {  	_ = 	snop  }
0x3c: {  	p2 =	seq.s32 s10, $0x1;
	s10 =	sld [smem:$0x3F88]  }
0x3d: {  	_ =	shalt  }
0x3e: {  	_ =	shalt  }
0x3f: {  	_ =	shalt  }
0x40: {  	_ =	shalt  }
0x41: {  	_ =	shalt  }
0x42: {  	_ =	shalt  }
0x43: {  	_ =	shalt  }
0x44: {  	_ =	shalt  }
0x45: {  	_ =	shalt  }
0x46: {  	_ =	shalt  }
0x47: {  	_ =	shalt  }
0x48: {  	_ =	shalt  }
0x49: {  	_ =	shalt  }
0x4a: {  	_ =	shalt  }
0x4b: {  	_ =	shalt  }
0x4c: {  	_ =	shalt  }
0x4d: {  	_ =	shalt  }
0x4e: {  	_ =	shalt  }
0x4f: {  	_ =	shalt  }
0x50: {  	_ =	shalt  }
0x51: {  	_ =	shalt  }
0x52: {  	_ =	shalt  }
0x53: {  	_ =	shalt  }
0x54: {  	_ =	shalt  }
0x55: {  	_ =	shalt  }
0x56: {  	_ =	shalt  }
0x57: {  	_ =	shalt  }
0x58: {  	_ =	shalt  }
0x59: {  	_ =	shalt  }
0x5a: {  	_ =	shalt  }
0x5b: {  	_ =	shalt  }
0x5c: {  	_ =	shalt  }
0x5d: {  	_ =	shalt  }
0x5e: {  	_ =	shalt  }
0x5f: {  	_ =	shalt  }
0x60: {  	_ =	shalt  }
0x61: {  	_ =	shalt  }
0x62: {  	_ =	shalt  }
0x63: {  	_ =	shalt  }
0x64: {  	_ =	shalt  }
0x65: {  	_ =	shalt  }
0x66: {  	_ =	shalt  }
0x67: {  	_ =	shalt  }
0x68: {  	_ =	shalt  }
0x69: {  	_ =	shalt  }
0x6a: {  	_ =	shalt  }
0x6b: {  	_ =	shalt  }
0x6c: {  	_ =	shalt  }
0x6d: {  	_ =	shalt  }
0x6e: {  	_ =	shalt  }
0x6f: {  	_ =	shalt  }
0x70: {  	_ =	shalt  }
0x71: {  	_ =	shalt  }
0x72: {  	_ =	shalt  }
0x73: {  	_ =	shalt  }
0x74: {  	_ =	shalt  }
0x75: {  	_ =	shalt  }
0x76: {  	_ =	shalt  }
0x77: {  	_ =	shalt  }
0x78: {  	_ =	shalt  }
0x79: {  	_ =	shalt  }
0x7a: {  	_ =	shalt  }
0x7b: {  	_ =	shalt  }
0x7c: {  	_ =	shalt  }
0x7d: {  	_ =	shalt  }
0x7e: {  	_ =	shalt  }
0x7f: {  	_ =	shalt  }
0x80: {  	_ =	shalt  }
0x81: {  	_ =	shalt  }
0x82: {  	_ =	shalt  }
0x83: {  	_ =	shalt  }
0x84: {  	_ =	shalt  }
0x85: {  	_ =	shalt  }
0x86: {  	_ =	shalt  }
0x87: {  	_ =	shalt  }
.Lfunc_end0:
.L_simem_size_0:
called_computation.2_lowered:
.L_overlay_start_0:
0x88: {  	s2 =	sld [smem:$0x3FD9]  }
0x89: {  	s3 =	sld [smem:$0x3FFE];
	_ =	sdelay $0x1  }
0x8a: {  	s1 =	srdreg.scid  }
0x8b: {  	s0 =	sand.u32 $0x1, s1  }
0x8c: {  	s16 =	sshll.u32 s0, $0xA;
	s2 =	sadd.s32 s3, s2  }
0x8d: {  	s2 =	sadd.s32 s2, s16  }
0x8e: {  	[smem:$0x3F94] =	sst s2  }
0x8f: {  	_ = 	snop  }
0x90: {  	(tm) =	ssettm $0x1  }
0x91: {  	s17 =	sld [smem:$0x3FFB];
	_ =	sdelay $0x3  }
0x92: {  	_ =	strace s17  }
0x93: {  	s2 =	sld [smem:$0x3FFC];
	_ =	sdelay $0x3  }
0x94: {  	_ =	strace s2  }
0x95: {  	s2 =	sld [smem:$0x3FFD];
	_ =	sdelay $0x3  }
0x96: {  	_ =	strace s2  }
0x97: {  	_ =	strace $0x8FFFFFFF  }
0x98: {  	s18 =	sld [smem:$0x3FDB];
	_ =	sdelay $0x1  }
0x99: {  	s19 =	simm.s32 $_scs_section_size  }
0x9a: {  	s4 =	simm.s32 $_size__tile_overlayer_lowered;
	s5 =	simm.s32 $_tile_overlayer_lowered  }
0x9b: {  	s22 =	simm.s32 $0x1BFF;
	s21 =	sshll.u32 s5, $0x1;
	s2 =	sadd.s32 s19, s18  }
0x9c: {  	s6 =	simm.s32 $0x0;
	s20 =	sshll.u32 s4, $0x1;
	s4 =	sadd.s32 s21, s2  }
0x9d: {  	[timem:s6], [sflag:s22] =	dma.local [hbm:s4], s20  }
0x9e: {  	_ =	swait.ge [sflag:s22], s20  }
0x9f: {  	s3 =	ssub.s32 $0x0, s20;
	[sflag:s22] =	ssyncset.done $0x0  }
0xa0: {  	[sflag:s22] =	ssyncadd.s32 s3;
	_ =	sdelay $0x1  }
0xa1: {  	s23 =	simm.s32 $0x1B8B  }
0xa2: {  	_ =	swait.ge [sflag:s23], $0x1  }
0xa3: {  	[sflag:s23] =	ssyncset.done $0x0  }
0xa4: {  	s25 =	simm.s32 $0x1B8E;
	s24 =	sld [smem:$0x3FFE];
	[sflag:s23] =	ssyncadd.s32 $0xFFFFFFFF  }
0xa5: {  	s26 =	simm.s32 $execute0_lowered;
	[smem:$0x3FD2] =	sst s25  }
0xa6: {  	s4 =	sshll.u32 s26, $0x1;
	_ =	strace $0x8000004C;
	[dreg:$0x1] =	wrdreg $0xFFFFFFFF  }
0xa7: {  	s28 =	simm.s32 $_size_execute0_lowered;
	s2 =	sadd.s32 s2, s4;
	[dreg:$0x0] =	wrdreg $0x0  }
0xa8: {  	s4 =	sshll.u32 s28, $0x1;
	[dreg:$0x2] =	wrdreg s2  }
0xa9: {  	[dreg:$0x3] =	wrdreg s4  }
0xaa: {  	[dreg:$0x4] =	wrdreg $0xC0  }
0xab: {  	_ =	task [dreg:s6], $0x5FFFF  }
0xac: {  	[dreg:$0x1] =	wrdreg $0xFFFFFFFF  }
0xad: {  	[dreg:$0x0] =	wrdreg $0x60  }
0xae: {  	[dreg:$0x2] =	wrdreg s24  }
0xaf: {  	[dreg:$0x3] =	wrdreg $0x0  }
0xb0: {  	[dreg:$0x4] =	wrdreg $0x9  }
0xb1: {  	_ =	task.clear_ibuf [dreg:s6], $0x5FFFF;
	_ =	strace $0x9000004C  }
0xb2: {  	s29 =	simm.s32 $0x9;
	_ =	strace $0x8000004E  }
0xb3: {  	_ =	swait.ge [sflag:s29], $0x1  }
0xb4: {  	[sflag:s29] =	ssyncadd.s32 $0xFFFFFFFF  }
0xb5: {  	_ =	strace $0x9000004E  }
0xb6: {  	_ =	sfence  }
0xb7: {  	s30 =	sld [smem:$0x0];
	_ =	sdelay $0x2  }
0xb8: {  	s31 =	sshll.u32 s1, $0xD;
	s1 =	sshrl.u32 s1, $0x2  }
0xb9: {  	s3 =	sand.u32 $0x4000, s31;
	s1 =	sadd.s32 s1, s30  }
0xba: {  	s0 =	sor.u32 s3, s0;
	s1 =	sshll.u32 s1, $0x11  }
0xbb: {  	s0 =	sor.u32 s1, s0  }
0xbc: {  	s0 =	sadd.s32 $0x8F2B, s0  }
0xbd: {  	[sflag:s0] =	ssyncadd.remote.s32 $0x1  }
0xbe: {  	_ =	sfence.sel $0xFFFF  }
0xbf: {  	[dreg:$0x0] =	wrdreg $0xFFFFFFFF;
	(pc) =	sbr.abs _section_cstart, $3  }
0xc0: {  	[dreg:$0x1] =	wrdreg $0xFFFFFFFF  }
0xc1: {  	_ =	task.clear_ibuf [dreg:s6], $0x2FFFF;
	_ =	strace $0x9FFFFFFF  }
0xc2: {  	(tm) =	ssettm $0x7FFFFFFF  }
0xc3: {  	_ =	shalt  }
tec
execute0_lowered:
.L_overlay_start_1:
0x0: {  	(tag) =	ssettag $0x1  }
0x1: {  	s0 =	rddreg [dreg:$0x0]  }
0x2: {  	s1 =	rddreg [dreg:$0x1]  }
0x3: {  	s2 =	simm.s32 $0x0;
	s3 =	srdreg.scid;
	s6 =	stileid.u32  }
0x4: {  	s19 =	simm.s32 $0x2;
	s20 =	simm.s32 $0x19000;
	s21 =	simm.s32 $0x19080  }
0x5: {  	s22 =	simm.s32 $0x80;
	s23 =	simm.s32 $0x19100;
	s28 =	simm.s32 $0x10  }
0x6: {  	s29 =	simm.s32 $0x1E120;
	s30 =	simm.s32 $0x0;
	[smem:$0x7FF] =	sst s2  }
0x7: {  	s4 =	sadd.s32 $0x47A00, s0;
	s5 =	sadd.s32 $0x15A00, s0;
	s3 =	sand.u32 $0x1, s3  }
0x8: {  	s16 =	sadd.s32 $0xBA00, s0;
	s9 =	smul.u32 $0x2710, s6;
	s15 =	sadd.s32 $0x10A00, s0  }
0x9: {  	s11 =	smul.u32 $0x19000, s6;
	s7 =	sadd.s32 $0xABA00, s0;
	s0 =	sadd.s32 $0x79A00, s0  }
0xa: {  	s31 =	smul.u32 $0x4E2, s6;
	_ =	strace $0x8000004D;
	[dreg:$0x3] =	wrdreg s7  }
0xb: {  	s14 =	sshll.u32 s6, $0x6;
	s8 =	ssub.s32 $0x2, s3;
	[dreg:$0x4] =	wrdreg s0  }
0xc: {  	p0 =	seq.s32 s3, $0x1;
	s17 =	sor.u32 $0x1C02, s14;
	s10 =	sshrl.u32 s8, $0x1  }
0xd: {  	s25 =	sshrl.u32 s9, $0x3;
	s18 =	sadd.s32 s11, s1;
	s24 =	ssub.s32 s8, s10  }
.Ltmp0:
0xe: {  	s8 =	sshrl.u32 s11, $0x3;
	s3 =	sadd.s32 $0x4E0, s25;
	(pc) =	sbr.rel .LBB2_1-.Ltmp0, $4  }
0xf: {  	s18 =	sshrl.u32 s18, $0x3;
	s25 =	simm.s32 $0x1E100;
	s26 =	sadd.s32 s4, s8  }
0x10: {  	s10 =	sadd.s32 s16, s3;
	s11 =	sadd.s32 s15, s3;
	s12 =	sadd.s32 s5, s8  }
0x11: {  	s13 =	smax.u32 s24, $0x1;
	s15 =	sadd.s32 s31, s15;
	s16 =	sadd.s32 s31, s16  }
0x12: {  	s24 =	simm.s32 $0x1;
	[dreg:$0x5] =	wrdreg s26;
	s26 =	simm.s32 $0x1E110  }
.LBB2_7:
0x13: {  	s3 =	sadd.s32 s0, s16;
	[sflag:s19] =	ssyncadd.s32 $0xFFFFB000  }
0x14: {  	[tilespmem:s20], [sflag:$0x2] =	stream.linear.gather [hbm4b:s3+s2], $0x80, $0x38;
	[tilespmem:$0x1EB20] =	vst v63  }
0x15: {  	_ =	swait.ge [sflag:s19], $0x80  }
0x16: {  	[sflag:s19] =	ssyncset.done $0x0  }
0x17: {  	s9 =	sadd.s32 s0, s15;
	[sflag:s19] =	ssyncadd.s32 $0xFFFFFF80  }
0x18: {  	[tilespmem:s21], [sflag:$0x2] =	stream.linear.gather [hbm4b:s9+s2], $0x80, $0x38;
	[tilespmem:$0x1EB20] =	vst v63  }
0x19: {  	_ =	swait.ge [sflag:s19], $0x80  }
0x1a: {  	[sflag:s19] =	ssyncset.done $0x0  }
0x1b: {  	[sflag:s19] =	ssyncadd.s32 $0xFFFFFF80  }
0x1c: {  	[tilespmem:s23], [sflag:$0x1] =	stream.indirect.gather [hbm4b:s5+s22], $0xA0, s20, s22, $0xb8;
	[tilespmem:$0x1EB20] =	vst v63  }
0x1d: {  	_ =	swait.ge [sflag:s24], $0x5000  }
0x1e: {  	[sflag:s24] =	ssyncset.done $0x0  }
0x1f: {  	[sflag:s24] =	ssyncadd.s32 $0xFFFFB000  }
0x20: {  	[spmem:s1] =	stream.indirect.scatter.add.f32 [tilespmem:s23], [sflag:$0x2], $0xA0, s21, s22, $0xb8;
	[tilespmem:$0x1EB20] =	vst v63  }
0x21: {  	_ =	swait.ge [sflag:s19], $0x5000  }
0x22: {  	s31 =	smov.u32 s17;
	[sflag:s19] =	ssyncset.done $0x0  }
0x23: {  	s3 =	smov.u32 s5;
	s0 =	rddreg [dreg:$0x4];
	[sflag:s19] =	ssyncadd.s32 $0xFFFFB000  }
.LBB2_8:
0x24: {  	[tilespmem:s25], [sflag:$0x2] =	stream.linear.gather [hbm4b:s10+s2], $0x10, $0x38;
	[tilespmem:$0x1EB20] =	vst v63  }
0x25: {  	_ =	swait.ge [sflag:s19], $0x10  }
0x26: {  	[sflag:s19] =	ssyncset.done $0x0  }
0x27: {  	[sflag:s19] =	ssyncadd.s32 $0xFFFFFFF0  }
0x28: {  	[tilespmem:s26], [sflag:$0x2] =	stream.linear.gather [hbm4b:s11+s2], $0x10, $0x38;
	[tilespmem:$0x1EB20] =	vst v63  }
0x29: {  	_ =	swait.ge [sflag:s19], $0x10  }
0x2a: {  	[sflag:s19] =	ssyncset.done $0x0  }
0x2b: {  	[sflag:s19] =	ssyncadd.s32 $0xFFFFFFF0  }
0x2c: {  	[tilespmem:s29], [sflag:$0x1] =	stream.indirect.gather [hbm4b:s3+s28], $0xA0, s25, s28, $0xb8;
	[tilespmem:$0x1EB20] =	vst v63  }
0x2d: {  	_ =	swait.ge [sflag:s24], $0xA00  }
0x2e: {  	[sflag:s24] =	ssyncset.done $0x0  }
0x2f: {  	[sflag:s24] =	ssyncadd.s32 $0xFFFFF600  }
0x30: {  	[spmem:s1] =	stream.indirect.scatter.add.f32 [tilespmem:s29], [sflag:$0x2], $0xA0, s26, s28, $0xb8;
	[tilespmem:$0x1EB20] =	vst v63  }
0x31: {  	_ =	swait.ge [sflag:s19], $0xA00  }
0x32: {  	s30 =	sadd.s32 $0x1, s30;
	[sflag:s19] =	ssyncset.done $0x0  }
0x33: {  	p1 =	sne.s32 s30, s13;
	[sflag:s19] =	ssyncadd.s32 $0xFFFFF600  }
.Ltmp1:
0x34: {  	s0 =	sadd.s32 s0, s8;
	[bflag:$0x0] =	sbarrier.arrive $0xFFFF;
	(pc) =	sbr.rel @!p1 .LBB2_9-.Ltmp1, $4  }
0x35: {  	[hbm:s0], [sflag:s31] =	dma.local [spmem:s18], $0x3200  }
0x36: {  	_ =	swait.ge [sflag:s19], $0x3200  }
0x37: {  	[sflag:s19] =	ssyncset.done $0x0  }
0x38: {  	[sflag:s19] =	ssyncadd.s32 $0xFFFFCE00  }
.LBB2_1:
.Ltmp2:
0x39: {  	(pc) =	sbr.rel @!p0 .LBB2_2-.Ltmp2, $1  }
0x3a: {  	_ =	sdelay $0x3  }
0x3b: {  	[spmem:s18], [sflag:s17] =	dma.local [hbm:s12], $0x3200  }
0x3c: {  	_ =	swait.ge [sflag:s19], $0x3200  }
0x3d: {  	[sflag:s19] =	ssyncset.done $0x0  }
0x3e: {  	[sflag:s19] =	ssyncadd.s32 $0xFFFFCE00  }
0x3f: {  	s0 =	sadd.s32 $0x0, s16;
	[bflag:$0x0] =	sbarrier.arrive $0xFFFF  }
0x40: {  	[tilespmem:s20], [sflag:$0x2] =	stream.linear.gather [hbm4b:s0+s2], $0x80, $0x38;
	[tilespmem:$0x1EB20] =	vst v63  }
0x41: {  	_ =	swait.ge [sflag:s19], $0x80  }
0x42: {  	[sflag:s19] =	ssyncset.done $0x0  }
0x43: {  	s31 =	sadd.s32 $0x0, s15;
	[sflag:s19] =	ssyncadd.s32 $0xFFFFFF80  }
0x44: {  	[tilespmem:s21], [sflag:$0x2] =	stream.linear.gather [hbm4b:s31+s2], $0x80, $0x38;
	[tilespmem:$0x1EB20] =	vst v63  }
0x45: {  	_ =	swait.ge [sflag:s19], $0x80  }
0x46: {  	[sflag:s19] =	ssyncset.done $0x0  }
0x47: {  	[sflag:s19] =	ssyncadd.s32 $0xFFFFFF80  }
0x48: {  	[tilespmem:s23], [sflag:$0x1] =	stream.indirect.gather [hbm4b:s5+s22], $0xA0, s20, s22, $0xb8;
	[tilespmem:$0x1EB20] =	vst v63  }
0x49: {  	_ =	swait.ge [sflag:s24], $0x5000  }
0x4a: {  	[sflag:s24] =	ssyncset.done $0x0  }
0x4b: {  	[sflag:s24] =	ssyncadd.s32 $0xFFFFB000  }
0x4c: {  	[spmem:s1] =	stream.indirect.scatter.add.f32 [tilespmem:s23], [sflag:$0x2], $0xA0, s21, s22, $0xb8;
	[tilespmem:$0x1EB20] =	vst v63  }
0x4d: {  	_ =	swait.ge [sflag:s19], $0x5000  }
0x4e: {  	s3 =	simm.s32 $0x20;
	s0 =	simm.s32 $0x10;
	[sflag:s19] =	ssyncset.done $0x0  }
.LBB2_6:
0x4f: {  	s6 =	sadd.s32 s0, s16  }
0x50: {  	[sflag:s19] =	ssyncadd.s32 $0xFFFFB000;
	s7 =	smov.u32 s3;
	s9 =	sadd.s32 $0x10, s3  }
0x51: {  	[tilespmem:s20], [sflag:$0x2] =	stream.linear.gather [hbm4b:s6+s2], $0x80, $0x38;
	[tilespmem:$0x1EB20] =	vst v63  }
0x52: {  	p1 =	sne.s32 s3, $0x4D0;
	_ =	swait.ge [sflag:s19], $0x80  }
0x53: {  	[sflag:s19] =	ssyncset.done $0x0  }
0x54: {  	s3 =	sadd.s32 s0, s15;
	s0 =	smov.u32 s7;
	[sflag:s19] =	ssyncadd.s32 $0xFFFFFF80  }
0x55: {  	[tilespmem:s21], [sflag:$0x2] =	stream.linear.gather [hbm4b:s3+s2], $0x80, $0x38;
	[tilespmem:$0x1EB20] =	vst v63  }
0x56: {  	_ =	swait.ge [sflag:s19], $0x80  }
0x57: {  	[sflag:s19] =	ssyncset.done $0x0  }
0x58: {  	[sflag:s19] =	ssyncadd.s32 $0xFFFFFF80  }
0x59: {  	[tilespmem:s23], [sflag:$0x1] =	stream.indirect.gather [hbm4b:s5+s22], $0xA0, s20, s22, $0xb8;
	[tilespmem:$0x1EB20] =	vst v63  }
0x5a: {  	_ =	swait.ge [sflag:s24], $0x5000  }
.Ltmp3:
0x5b: {  	[sflag:s24] =	ssyncset.done $0x0;
	(pc) =	sbr.rel @p1 .LBB2_6-.Ltmp3, $4  }
0x5c: {  	[sflag:s24] =	ssyncadd.s32 $0xFFFFB000  }
0x5d: {  	[spmem:s1] =	stream.indirect.scatter.add.f32 [tilespmem:s23], [sflag:$0x2], $0xA0, s21, s22, $0xb8;
	[tilespmem:$0x1EB20] =	vst v63  }
0x5e: {  	_ =	swait.ge [sflag:s19], $0x5000  }
0x5f: {  	s3 =	smov.u32 s9;
	[sflag:s19] =	ssyncset.done $0x0  }
.Ltmp4:
0x60: {  	_ = 	snop;
	(pc) =	sbr.rel .LBB2_7-.Ltmp4, $1  }
0x61: {  	_ =	sdelay $0x3  }
.LBB2_2:
0x62: {  	s31 =	sor.u32 $0x1C02, s14;
	s0 =	rddreg [dreg:$0x5]  }
0x63: {  	[spmem:s18], [sflag:s31] =	dma.local [hbm:s0], $0x3200  }
0x64: {  	_ =	swait.ge [sflag:s19], $0x3200  }
0x65: {  	[sflag:s19] =	ssyncset.done $0x0  }
0x66: {  	[sflag:s19] =	ssyncadd.s32 $0xFFFFCE00  }
0x67: {  	s7 =	sadd.s32 $0x0, s16;
	[bflag:$0x0] =	sbarrier.arrive $0xFFFF  }
0x68: {  	[tilespmem:s20], [sflag:$0x2] =	stream.linear.gather [hbm4b:s7+s2], $0x80, $0x38;
	[tilespmem:$0x1EB20] =	vst v63  }
0x69: {  	_ =	swait.ge [sflag:s19], $0x80  }
0x6a: {  	[sflag:s19] =	ssyncset.done $0x0  }
0x6b: {  	s9 =	sadd.s32 $0x0, s15;
	[sflag:s19] =	ssyncadd.s32 $0xFFFFFF80  }
0x6c: {  	[tilespmem:s21], [sflag:$0x2] =	stream.linear.gather [hbm4b:s9+s2], $0x80, $0x38;
	[tilespmem:$0x1EB20] =	vst v63  }
0x6d: {  	_ =	swait.ge [sflag:s19], $0x80  }
0x6e: {  	[sflag:s19] =	ssyncset.done $0x0  }
0x6f: {  	[sflag:s19] =	ssyncadd.s32 $0xFFFFFF80  }
0x70: {  	[tilespmem:s23], [sflag:$0x1] =	stream.indirect.gather [hbm4b:s4+s22], $0xA0, s20, s22, $0xb8;
	[tilespmem:$0x1EB20] =	vst v63  }
0x71: {  	_ =	swait.ge [sflag:s24], $0x5000  }
0x72: {  	[sflag:s24] =	ssyncset.done $0x0  }
0x73: {  	[sflag:s24] =	ssyncadd.s32 $0xFFFFB000  }
0x74: {  	[spmem:s1] =	stream.indirect.scatter.add.f32 [tilespmem:s23], [sflag:$0x2], $0xA0, s21, s22, $0xb8;
	[tilespmem:$0x1EB20] =	vst v63  }
0x75: {  	_ =	swait.ge [sflag:s19], $0x5000  }
0x76: {  	s3 =	simm.s32 $0x20;
	s0 =	simm.s32 $0x10;
	[sflag:s19] =	ssyncset.done $0x0  }
.LBB2_3:
0x77: {  	s6 =	sadd.s32 s0, s16  }
0x78: {  	[sflag:s19] =	ssyncadd.s32 $0xFFFFB000;
	s7 =	smov.u32 s3;
	s9 =	sadd.s32 $0x10, s3  }
0x79: {  	[tilespmem:s20], [sflag:$0x2] =	stream.linear.gather [hbm4b:s6+s2], $0x80, $0x38;
	[tilespmem:$0x1EB20] =	vst v63  }
0x7a: {  	p1 =	seq.s32 s3, $0x4D0;
	_ =	swait.ge [sflag:s19], $0x80  }
0x7b: {  	[sflag:s19] =	ssyncset.done $0x0  }
0x7c: {  	s3 =	sadd.s32 s0, s15;
	s0 =	smov.u32 s7;
	[sflag:s19] =	ssyncadd.s32 $0xFFFFFF80  }
0x7d: {  	[tilespmem:s21], [sflag:$0x2] =	stream.linear.gather [hbm4b:s3+s2], $0x80, $0x38;
	[tilespmem:$0x1EB20] =	vst v63  }
0x7e: {  	_ =	swait.ge [sflag:s19], $0x80  }
0x7f: {  	[sflag:s19] =	ssyncset.done $0x0  }
0x80: {  	[sflag:s19] =	ssyncadd.s32 $0xFFFFFF80  }
0x81: {  	[tilespmem:s23], [sflag:$0x1] =	stream.indirect.gather [hbm4b:s4+s22], $0xA0, s20, s22, $0xb8;
	[tilespmem:$0x1EB20] =	vst v63  }
0x82: {  	_ =	swait.ge [sflag:s24], $0x5000  }
.Ltmp5:
0x83: {  	[sflag:s24] =	ssyncset.done $0x0;
	(pc) =	sbr.rel @!p1 .LBB2_3-.Ltmp5, $4  }
0x84: {  	[sflag:s24] =	ssyncadd.s32 $0xFFFFB000  }
0x85: {  	[spmem:s1] =	stream.indirect.scatter.add.f32 [tilespmem:s23], [sflag:$0x2], $0xA0, s21, s22, $0xb8;
	[tilespmem:$0x1EB20] =	vst v63  }
0x86: {  	_ =	swait.ge [sflag:s19], $0x5000  }
0x87: {  	s3 =	smov.u32 s9;
	[sflag:s19] =	ssyncset.done $0x0  }
0x88: {  	s3 =	sadd.s32 s0, s16;
	[sflag:s19] =	ssyncadd.s32 $0xFFFFB000  }
0x89: {  	[tilespmem:s20], [sflag:$0x2] =	stream.linear.gather [hbm4b:s3+s2], $0x80, $0x38;
	[tilespmem:$0x1EB20] =	vst v63  }
0x8a: {  	_ =	swait.ge [sflag:s19], $0x80  }
0x8b: {  	[sflag:s19] =	ssyncset.done $0x0  }
0x8c: {  	s9 =	sadd.s32 s0, s15;
	[sflag:s19] =	ssyncadd.s32 $0xFFFFFF80  }
0x8d: {  	[tilespmem:s21], [sflag:$0x2] =	stream.linear.gather [hbm4b:s9+s2], $0x80, $0x38;
	[tilespmem:$0x1EB20] =	vst v63  }
0x8e: {  	_ =	swait.ge [sflag:s19], $0x80  }
0x8f: {  	[sflag:s19] =	ssyncset.done $0x0  }
0x90: {  	[sflag:s19] =	ssyncadd.s32 $0xFFFFFF80  }
0x91: {  	[tilespmem:s23], [sflag:$0x1] =	stream.indirect.gather [hbm4b:s4+s22], $0xA0, s20, s22, $0xb8;
	[tilespmem:$0x1EB20] =	vst v63  }
0x92: {  	_ =	swait.ge [sflag:s24], $0x5000  }
0x93: {  	[sflag:s24] =	ssyncset.done $0x0  }
.Ltmp6:
0x94: {  	[sflag:s24] =	ssyncadd.s32 $0xFFFFB000;
	(pc) =	sbr.rel .LBB2_8-.Ltmp6, $4  }
0x95: {  	[spmem:s1] =	stream.indirect.scatter.add.f32 [tilespmem:s23], [sflag:$0x2], $0xA0, s21, s22, $0xb8;
	[tilespmem:$0x1EB20] =	vst v63  }
0x96: {  	_ =	swait.ge [sflag:s19], $0x5000  }
0x97: {  	[sflag:s19] =	ssyncset.done $0x0  }
0x98: {  	s3 =	smov.u32 s4;
	s0 =	rddreg [dreg:$0x3];
	[sflag:s19] =	ssyncadd.s32 $0xFFFFB000  }
.LBB2_9:
0x99: {  	_ =	sfence.sel $0x180000  }
0x9a: {  	[bflag:$0x0] =	sbarrier.arrive $0xFFFF  }
0x9b: {  	_ =	strace $0x9000004D  }
0x9c: {  	s0 =	stileid.u32;
	[bflag:$0x2] =	sbarrier.arrive $0xFFFF  }
0x9d: {  	p0 =	sne.s32 s0, $0x0;
	s0 =	rddreg [dreg:$0x2]  }
0x9e: {  	s0 =	sadd.s32 @!p0 $0x100000, s0  }
0x9f: {  	[sflag:s0] =	ssyncadd.tile.s32 @!p0 $0x1;
	_ =	shalt  }
.Lfunc_end2:
_tile_overlayer_lowered:
.L_overlay_start_2:
0xa0: {  	(tag) =	ssettag $0x2  }
0xa1: {  	s0 =	rddreg [dreg:$0x0];
	s2 =	stileid.u32  }
0xa2: {  	s1 =	rddreg [dreg:$0x1];
	p0 =	sne.s32 s2, $0x0  }
0xa3: {  	s3 =	rddreg [dreg:$0x2];
	[bflag:$0x3] =	sbarrier.arrive $0xFFFF;
	s2 =	simm.s32 @!p0 $0x1C02  }
0xa4: {  	[timem:s3], [sflag:s2] =	dma.local @!p0 [hbm:s0], s1  }
0xa5: {  	s0 =	simm.s32 @!p0 $0x2  }
0xa6: {  	_ =	swait.ge @!p0 [sflag:s0], s1  }
0xa7: {  	s1 =	ssub.s32 @!p0 $0x0, s1;
	[sflag:s0] =	ssyncset.done @!p0 $0x0  }
0xa8: {  	[sflag:s0] =	ssyncadd.s32 @!p0 s1  }
0xa9: {  	[bflag:$0x3] =	sbarrier.arrive $0xFFFF  }
0xaa: {  	_ =	shalt  }

// kernel: kernel.34.cloned.1.call-start
scs
__scs_entry_jumppad:
0x0: {  	(pc) =	sbr.rel $0x88, $3  }
0x1: {  	(tag) =	ssettag $0x0;
	lr =	simm.s32 $0x1  }
0x2: {  	[smem:$0x3F6D] =	sst lr;
	_ =	strace $0xD0000000  }
0x3: {  	_ = 	snop  }
0x4: {  	_ = 	snop  }
0x5: {  	_ = 	snop  }
0x6: {  	_ = 	snop  }
0x7: {  	_ = 	snop  }
__scs_overlays_trampoline_lowered:
0x8: {  	[smem:$0x3F7C] =	sst s0  }
0x9: {  	[smem:$0x3F7D] =	sst s1  }
0xa: {  	[smem:$0x3F7E] =	sst s2  }
0xb: {  	[smem:$0x3F7F] =	sst s3  }
0xc: {  	[smem:$0x3F80] =	sst s4  }
0xd: {  	[smem:$0x3F81] =	sst s5  }
0xe: {  	[smem:$0x3F82] =	sst s6  }
0xf: {  	[smem:$0x3F83] =	sst s7  }
0x10: {  	[smem:$0x3F84] =	sst s8  }
0x11: {  	[smem:$0x3F85] =	sst s9;
	s0 =	simm.s32 @!p0 $0x0  }
0x12: {  	s1 =	sld [smem:$0x3F6B];
	s0 =	simm.s32 @p0 $0x1  }
0x13: {  	[smem:$0x3F86] =	sst s0;
	s0 =	simm.s32 @!p1 $0x0  }
0x14: {  	s2 =	sld [smem:$0x3F6A];
	s0 =	simm.s32 @p1 $0x1  }
0x15: {  	[smem:$0x3F87] =	sst s0;
	s0 =	simm.s32 @!p2 $0x0  }
0x16: {  	s3 =	sld [smem:$0x3FDB];
	s0 =	simm.s32 @p2 $0x1  }
0x17: {  	s4 =	simm.s32 $0x1BF5;
	[smem:$0x3F89] =	sst s0  }
0x18: {  	s0 =	sld [smem:$0x3F6C];
	_ =	swait.ge [sflag:s4], $0x0  }
0x19: {  	s7 =	sld [smem:$0x3F6D]  }
0x1a: {  	s8 =	sadd.s32 $0xFFFFE003, lr  }
0x1b: {  	s9 =	sadd.s32 $0xFFFFFEF7, lr;
	s5 =	simm.s32 $0xFFFFFFFF;
	p2 =	slt.u32 s8, $0xFFFFF086  }
0x1c: {  	p1 =	slt.u32 s9, $0xF7A;
	s5 =	simm.s32 @!p2 $0x0  }
0x1d: {  	s5 =	simm.s32 @p1 $0x1;
	p0 =	seq.s32 s7, s2  }
0x1e: {  	s7 =	smul.u32 @!p0 $0xF7A, s2;
	p2 =	seq.s32 @!p0 s5, $0x0  }
0x1f: {  	s9 =	smul.u32 $0xF7A, s1;
	s8 =	simm.s32 @!p0 $0x1BF5;
	p2 =	por !p2, p0  }
0x20: {  	[sflag:s8] =	ssyncset.s32 @!p0 $0xFFFFF086;
	s6 =	sadd.s32 @!p0 s3, s7;
	s7 =	simm.s32 @!p0 $0x108  }
0x21: {  	s3 =	sadd.s32 s3, s9;
	s6 =	sadd.s32 @!p0 $0x88, s6;
	s7 =	simm.s32 @p2 $0x1082  }
0x22: {  	[simem:s7], [sflag:s8] =	dma.local @!p0 [hbm:s6], $0xF7A  }
0x23: {  	s9 =	sor.u32 $0xD0000000, s2;
	s6 =	simm.s32 $0x108;
	_ =	swait.ge @!p0 [sflag:s8], $0x0  }
0x24: {  	s3 =	sadd.s32 $0x88, s3;
	s6 =	simm.s32 @!p1 $0x1082;
	[sflag:s4] =	ssyncset.s32 $0xFFFFF086  }
0x25: {  	[simem:s6], [sflag:s4] =	dma.local [hbm:s3], $0xF7A  }
0x26: {  	[smem:$0x3F6D] =	sst s1;
	(tag) =	ssettag s2;
	_ =	strace s9  }
0x27: {  	s1 =	sld [smem:$0x3F7D]  }
0x28: {  	s2 =	sld [smem:$0x3F7E]  }
0x29: {  	s4 =	sld [smem:$0x3F80]  }
0x2a: {  	p0 =	seq.s32 s5, $0x0;
	s5 =	sld [smem:$0x3F81]  }
0x2b: {  	s6 =	sld [smem:$0x3F82]  }
0x2c: {  	s7 =	sld [smem:$0x3F83]  }
0x2d: {  	s3 =	simm.s32 $0x108;
	s8 =	sld [smem:$0x3F84]  }
0x2e: {  	s3 =	simm.s32 @!p0 $0x1082;
	s9 =	sld [smem:$0x3F85]  }
0x2f: {  	lr =	sadd.s32 s0, s3;
	s0 =	sld [smem:$0x3F7C]  }
0x30: {  	s3 =	sld [smem:$0x3F7F]  }
0x31: {  	[smem:$0x3F88] =	sst s10  }
0x32: {  	s10 =	sld [smem:$0x3F86];
	_ =	sdelay $0x3  }
0x33: {  	p0 =	seq.s32 s10, $0x1;
	s10 =	sld [smem:$0x3F88];
	_ =	sdelay $0x3  }
0x34: {  	[smem:$0x3F88] =	sst s10  }
0x35: {  	s10 =	sld [smem:$0x3F87];
	_ =	sdelay $0x3  }
0x36: {  	p1 =	seq.s32 s10, $0x1;
	s10 =	sld [smem:$0x3F88];
	_ =	sdelay $0x3  }
0x37: {  	[smem:$0x3F88] =	sst s10  }
0x38: {  	s10 =	sld [smem:$0x3F89]  }
0x39: {  	_ = 	snop;
	(pc) =	sbr.ind lr, $3  }
0x3a: {  	_ = 	snop  }
0x3b: {  	_ = 	snop  }
0x3c: {  	p2 =	seq.s32 s10, $0x1;
	s10 =	sld [smem:$0x3F88]  }
0x3d: {  	_ =	shalt  }
0x3e: {  	_ =	shalt  }
0x3f: {  	_ =	shalt  }
0x40: {  	_ =	shalt  }
0x41: {  	_ =	shalt  }
0x42: {  	_ =	shalt  }
0x43: {  	_ =	shalt  }
0x44: {  	_ =	shalt  }
0x45: {  	_ =	shalt  }
0x46: {  	_ =	shalt  }
0x47: {  	_ =	shalt  }
0x48: {  	_ =	shalt  }
0x49: {  	_ =	shalt  }
0x4a: {  	_ =	shalt  }
0x4b: {  	_ =	shalt  }
0x4c: {  	_ =	shalt  }
0x4d: {  	_ =	shalt  }
0x4e: {  	_ =	shalt  }
0x4f: {  	_ =	shalt  }
0x50: {  	_ =	shalt  }
0x51: {  	_ =	shalt  }
0x52: {  	_ =	shalt  }
0x53: {  	_ =	shalt  }
0x54: {  	_ =	shalt  }
0x55: {  	_ =	shalt  }
0x56: {  	_ =	shalt  }
0x57: {  	_ =	shalt  }
0x58: {  	_ =	shalt  }
0x59: {  	_ =	shalt  }
0x5a: {  	_ =	shalt  }
0x5b: {  	_ =	shalt  }
0x5c: {  	_ =	shalt  }
0x5d: {  	_ =	shalt  }
0x5e: {  	_ =	shalt  }
0x5f: {  	_ =	shalt  }
0x60: {  	_ =	shalt  }
0x61: {  	_ =	shalt  }
0x62: {  	_ =	shalt  }
0x63: {  	_ =	shalt  }
0x64: {  	_ =	shalt  }
0x65: {  	_ =	shalt  }
0x66: {  	_ =	shalt  }
0x67: {  	_ =	shalt  }
0x68: {  	_ =	shalt  }
0x69: {  	_ =	shalt  }
0x6a: {  	_ =	shalt  }
0x6b: {  	_ =	shalt  }
0x6c: {  	_ =	shalt  }
0x6d: {  	_ =	shalt  }
0x6e: {  	_ =	shalt  }
0x6f: {  	_ =	shalt  }
0x70: {  	_ =	shalt  }
0x71: {  	_ =	shalt  }
0x72: {  	_ =	shalt  }
0x73: {  	_ =	shalt  }
0x74: {  	_ =	shalt  }
0x75: {  	_ =	shalt  }
0x76: {  	_ =	shalt  }
0x77: {  	_ =	shalt  }
0x78: {  	_ =	shalt  }
0x79: {  	_ =	shalt  }
0x7a: {  	_ =	shalt  }
0x7b: {  	_ =	shalt  }
0x7c: {  	_ =	shalt  }
0x7d: {  	_ =	shalt  }
0x7e: {  	_ =	shalt  }
0x7f: {  	_ =	shalt  }
0x80: {  	_ =	shalt  }
0x81: {  	_ =	shalt  }
0x82: {  	_ =	shalt  }
0x83: {  	_ =	shalt  }
0x84: {  	_ =	shalt  }
0x85: {  	_ =	shalt  }
0x86: {  	_ =	shalt  }
0x87: {  	_ =	shalt  }
.Lfunc_end0:
.L_simem_size_0:
called_computation.3_lowered:
.L_overlay_start_0:
0x88: {  	s2 =	sld [smem:$0x3FD9]  }
0x89: {  	s3 =	sld [smem:$0x3FFE];
	_ =	sdelay $0x1  }
0x8a: {  	s1 =	srdreg.scid  }
0x8b: {  	s0 =	sand.u32 $0x1, s1  }
0x8c: {  	s16 =	sshll.u32 s0, $0xA;
	s2 =	sadd.s32 s3, s2  }
0x8d: {  	s2 =	sadd.s32 s2, s16  }
0x8e: {  	[smem:$0x3F94] =	sst s2  }
0x8f: {  	_ = 	snop  }
0x90: {  	(tm) =	ssettm $0x1  }
0x91: {  	s17 =	sld [smem:$0x3FFB];
	_ =	sdelay $0x3  }
0x92: {  	_ =	strace s17  }
0x93: {  	s2 =	sld [smem:$0x3FFC];
	_ =	sdelay $0x3  }
0x94: {  	_ =	strace s2  }
0x95: {  	s2 =	sld [smem:$0x3FFD];
	_ =	sdelay $0x3  }
0x96: {  	_ =	strace s2  }
0x97: {  	_ =	strace $0x8FFFFFFF  }
0x98: {  	s18 =	sld [smem:$0x3FDB];
	_ =	sdelay $0x1  }
0x99: {  	s19 =	simm.s32 $_scs_section_size  }
0x9a: {  	s4 =	simm.s32 $_size__tile_overlayer_lowered;
	s5 =	simm.s32 $_tile_overlayer_lowered  }
0x9b: {  	s22 =	simm.s32 $0x1BFF;
	s21 =	sshll.u32 s5, $0x1;
	s2 =	sadd.s32 s19, s18  }
0x9c: {  	s6 =	simm.s32 $0x0;
	s20 =	sshll.u32 s4, $0x1;
	s4 =	sadd.s32 s21, s2  }
0x9d: {  	[timem:s6], [sflag:s22] =	dma.local [hbm:s4], s20  }
0x9e: {  	_ =	swait.ge [sflag:s22], s20  }
0x9f: {  	s3 =	ssub.s32 $0x0, s20;
	[sflag:s22] =	ssyncset.done $0x0  }
0xa0: {  	[sflag:s22] =	ssyncadd.s32 s3;
	_ =	sdelay $0x1  }
0xa1: {  	s23 =	simm.s32 $0x1B8B  }
0xa2: {  	_ =	swait.ge [sflag:s23], $0x1  }
0xa3: {  	[sflag:s23] =	ssyncset.done $0x0  }
0xa4: {  	s25 =	simm.s32 $0x1B8E;
	s24 =	sld [smem:$0x3FFE];
	[sflag:s23] =	ssyncadd.s32 $0xFFFFFFFF  }
0xa5: {  	s26 =	simm.s32 $execute0_lowered;
	[smem:$0x3FD2] =	sst s25  }
0xa6: {  	s4 =	sshll.u32 s26, $0x1;
	_ =	strace $0x8000004F;
	[dreg:$0x1] =	wrdreg $0xFFFFFFFF  }
0xa7: {  	s28 =	simm.s32 $_size_execute0_lowered;
	s2 =	sadd.s32 s2, s4;
	[dreg:$0x0] =	wrdreg $0x0  }
0xa8: {  	s4 =	sshll.u32 s28, $0x1;
	[dreg:$0x2] =	wrdreg s2  }
0xa9: {  	[dreg:$0x3] =	wrdreg s4  }
0xaa: {  	[dreg:$0x4] =	wrdreg $0xC0  }
0xab: {  	_ =	task [dreg:s6], $0x5FFFF  }
0xac: {  	[dreg:$0x1] =	wrdreg $0xFFFFFFFF  }
0xad: {  	[dreg:$0x0] =	wrdreg $0x60  }
0xae: {  	[dreg:$0x2] =	wrdreg s24  }
0xaf: {  	[dreg:$0x3] =	wrdreg $0x0  }
0xb0: {  	[dreg:$0x4] =	wrdreg $0x9  }
0xb1: {  	_ =	task.clear_ibuf [dreg:s6], $0x5FFFF;
	_ =	strace $0x9000004F  }
0xb2: {  	s29 =	simm.s32 $0x9;
	_ =	strace $0x80000051  }
0xb3: {  	_ =	swait.ge [sflag:s29], $0x1  }
0xb4: {  	[sflag:s29] =	ssyncadd.s32 $0xFFFFFFFF  }
0xb5: {  	_ =	strace $0x90000051  }
0xb6: {  	_ =	sfence  }
0xb7: {  	s30 =	sld [smem:$0x0];
	_ =	sdelay $0x2  }
0xb8: {  	s31 =	sshll.u32 s1, $0xD;
	s1 =	sshrl.u32 s1, $0x2  }
0xb9: {  	s3 =	sand.u32 $0x4000, s31;
	s1 =	sadd.s32 s1, s30  }
0xba: {  	s0 =	sor.u32 s3, s0;
	s1 =	sshll.u32 s1, $0x11  }
0xbb: {  	s0 =	sor.u32 s1, s0  }
0xbc: {  	s0 =	sadd.s32 $0x8F2B, s0  }
0xbd: {  	[sflag:s0] =	ssyncadd.remote.s32 $0x1  }
0xbe: {  	_ =	sfence.sel $0xFFFF  }
0xbf: {  	[dreg:$0x0] =	wrdreg $0xFFFFFFFF;
	(pc) =	sbr.abs _section_cstart, $3  }
0xc0: {  	[dreg:$0x1] =	wrdreg $0xFFFFFFFF  }
0xc1: {  	_ =	task.clear_ibuf [dreg:s6], $0x2FFFF;
	_ =	strace $0x9FFFFFFF  }
0xc2: {  	(tm) =	ssettm $0x7FFFFFFF  }
0xc3: {  	_ =	shalt  }
tec
execute0_lowered:
.L_overlay_start_1:
0x0: {  	(tag) =	ssettag $0x1  }
0x1: {  	s0 =	rddreg [dreg:$0x0]  }
0x2: {  	s1 =	rddreg [dreg:$0x1]  }
0x3: {  	s2 =	simm.s32 $0x0;
	s3 =	srdreg.scid;
	s6 =	stileid.u32  }
0x4: {  	s19 =	simm.s32 $0x2;
	s20 =	simm.s32 $0x19000;
	s21 =	simm.s32 $0x19080  }
0x5: {  	s22 =	simm.s32 $0x80;
	s23 =	simm.s32 $0x19100;
	s28 =	simm.s32 $0x10  }
0x6: {  	s29 =	simm.s32 $0x1E120;
	s30 =	simm.s32 $0x0;
	[smem:$0x7FF] =	sst s2  }
0x7: {  	s4 =	sadd.s32 $0x47A00, s0;
	s5 =	sadd.s32 $0x15A00, s0;
	s3 =	sand.u32 $0x1, s3  }
0x8: {  	s16 =	sadd.s32 $0xBA00, s0;
	s9 =	smul.u32 $0x2710, s6;
	s15 =	sadd.s32 $0x10A00, s0  }
0x9: {  	s11 =	smul.u32 $0x19000, s6;
	s7 =	sadd.s32 $0xABA00, s0;
	s0 =	sadd.s32 $0x79A00, s0  }
0xa: {  	s31 =	smul.u32 $0x4E2, s6;
	_ =	strace $0x80000050;
	[dreg:$0x3] =	wrdreg s7  }
0xb: {  	s14 =	sshll.u32 s6, $0x6;
	s8 =	ssub.s32 $0x2, s3;
	[dreg:$0x4] =	wrdreg s0  }
0xc: {  	p0 =	seq.s32 s3, $0x1;
	s17 =	sor.u32 $0x1C02, s14;
	s10 =	sshrl.u32 s8, $0x1  }
0xd: {  	s25 =	sshrl.u32 s9, $0x3;
	s18 =	sadd.s32 s11, s1;
	s24 =	ssub.s32 s8, s10  }
.Ltmp0:
0xe: {  	s8 =	sshrl.u32 s11, $0x3;
	s3 =	sadd.s32 $0x4E0, s25;
	(pc) =	sbr.rel .LBB2_1-.Ltmp0, $4  }
0xf: {  	s18 =	sshrl.u32 s18, $0x3;
	s25 =	simm.s32 $0x1E100;
	s26 =	sadd.s32 s4, s8  }
0x10: {  	s10 =	sadd.s32 s16, s3;
	s11 =	sadd.s32 s15, s3;
	s12 =	sadd.s32 s5, s8  }
0x11: {  	s13 =	smax.u32 s24, $0x1;
	s15 =	sadd.s32 s31, s15;
	s16 =	sadd.s32 s31, s16  }
0x12: {  	s24 =	simm.s32 $0x1;
	[dreg:$0x5] =	wrdreg s26;
	s26 =	simm.s32 $0x1E110  }
.LBB2_7:
0x13: {  	s3 =	sadd.s32 s0, s16;
	[sflag:s19] =	ssyncadd.s32 $0xFFFFB000  }
0x14: {  	[tilespmem:s20], [sflag:$0x2] =	stream.linear.gather [hbm4b:s3+s2], $0x80, $0x38;
	[tilespmem:$0x1EB20] =	vst v63  }
0x15: {  	_ =	swait.ge [sflag:s19], $0x80  }
0x16: {  	[sflag:s19] =	ssyncset.done $0x0  }
0x17: {  	s9 =	sadd.s32 s0, s15;
	[sflag:s19] =	ssyncadd.s32 $0xFFFFFF80  }
0x18: {  	[tilespmem:s21], [sflag:$0x2] =	stream.linear.gather [hbm4b:s9+s2], $0x80, $0x38;
	[tilespmem:$0x1EB20] =	vst v63  }
0x19: {  	_ =	swait.ge [sflag:s19], $0x80  }
0x1a: {  	[sflag:s19] =	ssyncset.done $0x0  }
0x1b: {  	[sflag:s19] =	ssyncadd.s32 $0xFFFFFF80  }
0x1c: {  	[tilespmem:s23], [sflag:$0x1] =	stream.indirect.gather [hbm4b:s5+s22], $0xA0, s20, s22, $0xb8;
	[tilespmem:$0x1EB20] =	vst v63  }
0x1d: {  	_ =	swait.ge [sflag:s24], $0x5000  }
0x1e: {  	[sflag:s24] =	ssyncset.done $0x0  }
0x1f: {  	[sflag:s24] =	ssyncadd.s32 $0xFFFFB000  }
0x20: {  	[spmem:s1] =	stream.indirect.scatter.add.f32 [tilespmem:s23], [sflag:$0x2], $0xA0, s21, s22, $0xb8;
	[tilespmem:$0x1EB20] =	vst v63  }
0x21: {  	_ =	swait.ge [sflag:s19], $0x5000  }
0x22: {  	s31 =	smov.u32 s17;
	[sflag:s19] =	ssyncset.done $0x0  }
0x23: {  	s3 =	smov.u32 s5;
	s0 =	rddreg [dreg:$0x4];
	[sflag:s19] =	ssyncadd.s32 $0xFFFFB000  }
.LBB2_8:
0x24: {  	[tilespmem:s25], [sflag:$0x2] =	stream.linear.gather [hbm4b:s10+s2], $0x10, $0x38;
	[tilespmem:$0x1EB20] =	vst v63  }
0x25: {  	_ =	swait.ge [sflag:s19], $0x10  }
0x26: {  	[sflag:s19] =	ssyncset.done $0x0  }
0x27: {  	[sflag:s19] =	ssyncadd.s32 $0xFFFFFFF0  }
0x28: {  	[tilespmem:s26], [sflag:$0x2] =	stream.linear.gather [hbm4b:s11+s2], $0x10, $0x38;
	[tilespmem:$0x1EB20] =	vst v63  }
0x29: {  	_ =	swait.ge [sflag:s19], $0x10  }
0x2a: {  	[sflag:s19] =	ssyncset.done $0x0  }
0x2b: {  	[sflag:s19] =	ssyncadd.s32 $0xFFFFFFF0  }
0x2c: {  	[tilespmem:s29], [sflag:$0x1] =	stream.indirect.gather [hbm4b:s3+s28], $0xA0, s25, s28, $0xb8;
	[tilespmem:$0x1EB20] =	vst v63  }
0x2d: {  	_ =	swait.ge [sflag:s24], $0xA00  }
0x2e: {  	[sflag:s24] =	ssyncset.done $0x0  }
0x2f: {  	[sflag:s24] =	ssyncadd.s32 $0xFFFFF600  }
0x30: {  	[spmem:s1] =	stream.indirect.scatter.add.f32 [tilespmem:s29], [sflag:$0x2], $0xA0, s26, s28, $0xb8;
	[tilespmem:$0x1EB20] =	vst v63  }
0x31: {  	_ =	swait.ge [sflag:s19], $0xA00  }
0x32: {  	s30 =	sadd.s32 $0x1, s30;
	[sflag:s19] =	ssyncset.done $0x0  }
0x33: {  	p1 =	sne.s32 s30, s13;
	[sflag:s19] =	ssyncadd.s32 $0xFFFFF600  }
.Ltmp1:
0x34: {  	s0 =	sadd.s32 s0, s8;
	[bflag:$0x0] =	sbarrier.arrive $0xFFFF;
	(pc) =	sbr.rel @!p1 .LBB2_9-.Ltmp1, $4  }
0x35: {  	[hbm:s0], [sflag:s31] =	dma.local [spmem:s18], $0x3200  }
0x36: {  	_ =	swait.ge [sflag:s19], $0x3200  }
0x37: {  	[sflag:s19] =	ssyncset.done $0x0  }
0x38: {  	[sflag:s19] =	ssyncadd.s32 $0xFFFFCE00  }
.LBB2_1:
.Ltmp2:
0x39: {  	(pc) =	sbr.rel @!p0 .LBB2_2-.Ltmp2, $1  }
0x3a: {  	_ =	sdelay $0x3  }
0x3b: {  	[spmem:s18], [sflag:s17] =	dma.local [hbm:s12], $0x3200  }
0x3c: {  	_ =	swait.ge [sflag:s19], $0x3200  }
0x3d: {  	[sflag:s19] =	ssyncset.done $0x0  }
0x3e: {  	[sflag:s19] =	ssyncadd.s32 $0xFFFFCE00  }
0x3f: {  	s0 =	sadd.s32 $0x0, s16;
	[bflag:$0x0] =	sbarrier.arrive $0xFFFF  }
0x40: {  	[tilespmem:s20], [sflag:$0x2] =	stream.linear.gather [hbm4b:s0+s2], $0x80, $0x38;
	[tilespmem:$0x1EB20] =	vst v63  }
0x41: {  	_ =	swait.ge [sflag:s19], $0x80  }
0x42: {  	[sflag:s19] =	ssyncset.done $0x0  }
0x43: {  	s31 =	sadd.s32 $0x0, s15;
	[sflag:s19] =	ssyncadd.s32 $0xFFFFFF80  }
0x44: {  	[tilespmem:s21], [sflag:$0x2] =	stream.linear.gather [hbm4b:s31+s2], $0x80, $0x38;
	[tilespmem:$0x1EB20] =	vst v63  }
0x45: {  	_ =	swait.ge [sflag:s19], $0x80  }
0x46: {  	[sflag:s19] =	ssyncset.done $0x0  }
0x47: {  	[sflag:s19] =	ssyncadd.s32 $0xFFFFFF80  }
0x48: {  	[tilespmem:s23], [sflag:$0x1] =	stream.indirect.gather [hbm4b:s5+s22], $0xA0, s20, s22, $0xb8;
	[tilespmem:$0x1EB20] =	vst v63  }
0x49: {  	_ =	swait.ge [sflag:s24], $0x5000  }
0x4a: {  	[sflag:s24] =	ssyncset.done $0x0  }
0x4b: {  	[sflag:s24] =	ssyncadd.s32 $0xFFFFB000  }
0x4c: {  	[spmem:s1] =	stream.indirect.scatter.add.f32 [tilespmem:s23], [sflag:$0x2], $0xA0, s21, s22, $0xb8;
	[tilespmem:$0x1EB20] =	vst v63  }
0x4d: {  	_ =	swait.ge [sflag:s19], $0x5000  }
0x4e: {  	s3 =	simm.s32 $0x20;
	s0 =	simm.s32 $0x10;
	[sflag:s19] =	ssyncset.done $0x0  }
.LBB2_6:
0x4f: {  	s6 =	sadd.s32 s0, s16  }
0x50: {  	[sflag:s19] =	ssyncadd.s32 $0xFFFFB000;
	s7 =	smov.u32 s3;
	s9 =	sadd.s32 $0x10, s3  }
0x51: {  	[tilespmem:s20], [sflag:$0x2] =	stream.linear.gather [hbm4b:s6+s2], $0x80, $0x38;
	[tilespmem:$0x1EB20] =	vst v63  }
0x52: {  	p1 =	sne.s32 s3, $0x4D0;
	_ =	swait.ge [sflag:s19], $0x80  }
0x53: {  	[sflag:s19] =	ssyncset.done $0x0  }
0x54: {  	s3 =	sadd.s32 s0, s15;
	s0 =	smov.u32 s7;
	[sflag:s19] =	ssyncadd.s32 $0xFFFFFF80  }
0x55: {  	[tilespmem:s21], [sflag:$0x2] =	stream.linear.gather [hbm4b:s3+s2], $0x80, $0x38;
	[tilespmem:$0x1EB20] =	vst v63  }
0x56: {  	_ =	swait.ge [sflag:s19], $0x80  }
0x57: {  	[sflag:s19] =	ssyncset.done $0x0  }
0x58: {  	[sflag:s19] =	ssyncadd.s32 $0xFFFFFF80  }
0x59: {  	[tilespmem:s23], [sflag:$0x1] =	stream.indirect.gather [hbm4b:s5+s22], $0xA0, s20, s22, $0xb8;
	[tilespmem:$0x1EB20] =	vst v63  }
0x5a: {  	_ =	swait.ge [sflag:s24], $0x5000  }
.Ltmp3:
0x5b: {  	[sflag:s24] =	ssyncset.done $0x0;
	(pc) =	sbr.rel @p1 .LBB2_6-.Ltmp3, $4  }
0x5c: {  	[sflag:s24] =	ssyncadd.s32 $0xFFFFB000  }
0x5d: {  	[spmem:s1] =	stream.indirect.scatter.add.f32 [tilespmem:s23], [sflag:$0x2], $0xA0, s21, s22, $0xb8;
	[tilespmem:$0x1EB20] =	vst v63  }
0x5e: {  	_ =	swait.ge [sflag:s19], $0x5000  }
0x5f: {  	s3 =	smov.u32 s9;
	[sflag:s19] =	ssyncset.done $0x0  }
.Ltmp4:
0x60: {  	_ = 	snop;
	(pc) =	sbr.rel .LBB2_7-.Ltmp4, $1  }
0x61: {  	_ =	sdelay $0x3  }
.LBB2_2:
0x62: {  	s31 =	sor.u32 $0x1C02, s14;
	s0 =	rddreg [dreg:$0x5]  }
0x63: {  	[spmem:s18], [sflag:s31] =	dma.local [hbm:s0], $0x3200  }
0x64: {  	_ =	swait.ge [sflag:s19], $0x3200  }
0x65: {  	[sflag:s19] =	ssyncset.done $0x0  }
0x66: {  	[sflag:s19] =	ssyncadd.s32 $0xFFFFCE00  }
0x67: {  	s7 =	sadd.s32 $0x0, s16;
	[bflag:$0x0] =	sbarrier.arrive $0xFFFF  }
0x68: {  	[tilespmem:s20], [sflag:$0x2] =	stream.linear.gather [hbm4b:s7+s2], $0x80, $0x38;
	[tilespmem:$0x1EB20] =	vst v63  }
0x69: {  	_ =	swait.ge [sflag:s19], $0x80  }
0x6a: {  	[sflag:s19] =	ssyncset.done $0x0  }
0x6b: {  	s9 =	sadd.s32 $0x0, s15;
	[sflag:s19] =	ssyncadd.s32 $0xFFFFFF80  }
0x6c: {  	[tilespmem:s21], [sflag:$0x2] =	stream.linear.gather [hbm4b:s9+s2], $0x80, $0x38;
	[tilespmem:$0x1EB20] =	vst v63  }
0x6d: {  	_ =	swait.ge [sflag:s19], $0x80  }
0x6e: {  	[sflag:s19] =	ssyncset.done $0x0  }
0x6f: {  	[sflag:s19] =	ssyncadd.s32 $0xFFFFFF80  }
0x70: {  	[tilespmem:s23], [sflag:$0x1] =	stream.indirect.gather [hbm4b:s4+s22], $0xA0, s20, s22, $0xb8;
	[tilespmem:$0x1EB20] =	vst v63  }
0x71: {  	_ =	swait.ge [sflag:s24], $0x5000  }
0x72: {  	[sflag:s24] =	ssyncset.done $0x0  }
0x73: {  	[sflag:s24] =	ssyncadd.s32 $0xFFFFB000  }
0x74: {  	[spmem:s1] =	stream.indirect.scatter.add.f32 [tilespmem:s23], [sflag:$0x2], $0xA0, s21, s22, $0xb8;
	[tilespmem:$0x1EB20] =	vst v63  }
0x75: {  	_ =	swait.ge [sflag:s19], $0x5000  }
0x76: {  	s3 =	simm.s32 $0x20;
	s0 =	simm.s32 $0x10;
	[sflag:s19] =	ssyncset.done $0x0  }
.LBB2_3:
0x77: {  	s6 =	sadd.s32 s0, s16  }
0x78: {  	[sflag:s19] =	ssyncadd.s32 $0xFFFFB000;
	s7 =	smov.u32 s3;
	s9 =	sadd.s32 $0x10, s3  }
0x79: {  	[tilespmem:s20], [sflag:$0x2] =	stream.linear.gather [hbm4b:s6+s2], $0x80, $0x38;
	[tilespmem:$0x1EB20] =	vst v63  }
0x7a: {  	p1 =	seq.s32 s3, $0x4D0;
	_ =	swait.ge [sflag:s19], $0x80  }
0x7b: {  	[sflag:s19] =	ssyncset.done $0x0  }
0x7c: {  	s3 =	sadd.s32 s0, s15;
	s0 =	smov.u32 s7;
	[sflag:s19] =	ssyncadd.s32 $0xFFFFFF80  }
0x7d: {  	[tilespmem:s21], [sflag:$0x2] =	stream.linear.gather [hbm4b:s3+s2], $0x80, $0x38;
	[tilespmem:$0x1EB20] =	vst v63  }
0x7e: {  	_ =	swait.ge [sflag:s19], $0x80  }
0x7f: {  	[sflag:s19] =	ssyncset.done $0x0  }
0x80: {  	[sflag:s19] =	ssyncadd.s32 $0xFFFFFF80  }
0x81: {  	[tilespmem:s23], [sflag:$0x1] =	stream.indirect.gather [hbm4b:s4+s22], $0xA0, s20, s22, $0xb8;
	[tilespmem:$0x1EB20] =	vst v63  }
0x82: {  	_ =	swait.ge [sflag:s24], $0x5000  }
.Ltmp5:
0x83: {  	[sflag:s24] =	ssyncset.done $0x0;
	(pc) =	sbr.rel @!p1 .LBB2_3-.Ltmp5, $4  }
0x84: {  	[sflag:s24] =	ssyncadd.s32 $0xFFFFB000  }
0x85: {  	[spmem:s1] =	stream.indirect.scatter.add.f32 [tilespmem:s23], [sflag:$0x2], $0xA0, s21, s22, $0xb8;
	[tilespmem:$0x1EB20] =	vst v63  }
0x86: {  	_ =	swait.ge [sflag:s19], $0x5000  }
0x87: {  	s3 =	smov.u32 s9;
	[sflag:s19] =	ssyncset.done $0x0  }
0x88: {  	s3 =	sadd.s32 s0, s16;
	[sflag:s19] =	ssyncadd.s32 $0xFFFFB000  }
0x89: {  	[tilespmem:s20], [sflag:$0x2] =	stream.linear.gather [hbm4b:s3+s2], $0x80, $0x38;
	[tilespmem:$0x1EB20] =	vst v63  }
0x8a: {  	_ =	swait.ge [sflag:s19], $0x80  }
0x8b: {  	[sflag:s19] =	ssyncset.done $0x0  }
0x8c: {  	s9 =	sadd.s32 s0, s15;
	[sflag:s19] =	ssyncadd.s32 $0xFFFFFF80  }
0x8d: {  	[tilespmem:s21], [sflag:$0x2] =	stream.linear.gather [hbm4b:s9+s2], $0x80, $0x38;
	[tilespmem:$0x1EB20] =	vst v63  }
0x8e: {  	_ =	swait.ge [sflag:s19], $0x80  }
0x8f: {  	[sflag:s19] =	ssyncset.done $0x0  }
0x90: {  	[sflag:s19] =	ssyncadd.s32 $0xFFFFFF80  }
0x91: {  	[tilespmem:s23], [sflag:$0x1] =	stream.indirect.gather [hbm4b:s4+s22], $0xA0, s20, s22, $0xb8;
	[tilespmem:$0x1EB20] =	vst v63  }
0x92: {  	_ =	swait.ge [sflag:s24], $0x5000  }
0x93: {  	[sflag:s24] =	ssyncset.done $0x0  }
.Ltmp6:
0x94: {  	[sflag:s24] =	ssyncadd.s32 $0xFFFFB000;
	(pc) =	sbr.rel .LBB2_8-.Ltmp6, $4  }
0x95: {  	[spmem:s1] =	stream.indirect.scatter.add.f32 [tilespmem:s23], [sflag:$0x2], $0xA0, s21, s22, $0xb8;
	[tilespmem:$0x1EB20] =	vst v63  }
0x96: {  	_ =	swait.ge [sflag:s19], $0x5000  }
0x97: {  	[sflag:s19] =	ssyncset.done $0x0  }
0x98: {  	s3 =	smov.u32 s4;
	s0 =	rddreg [dreg:$0x3];
	[sflag:s19] =	ssyncadd.s32 $0xFFFFB000  }
.LBB2_9:
0x99: {  	_ =	sfence.sel $0x180000  }
0x9a: {  	[bflag:$0x0] =	sbarrier.arrive $0xFFFF  }
0x9b: {  	_ =	strace $0x90000050  }
0x9c: {  	s0 =	stileid.u32;
	[bflag:$0x2] =	sbarrier.arrive $0xFFFF  }
0x9d: {  	p0 =	sne.s32 s0, $0x0;
	s0 =	rddreg [dreg:$0x2]  }
0x9e: {  	s0 =	sadd.s32 @!p0 $0x100000, s0  }
0x9f: {  	[sflag:s0] =	ssyncadd.tile.s32 @!p0 $0x1;
	_ =	shalt  }
.Lfunc_end2:
_tile_overlayer_lowered:
.L_overlay_start_2:
0xa0: {  	(tag) =	ssettag $0x2  }
0xa1: {  	s0 =	rddreg [dreg:$0x0];
	s2 =	stileid.u32  }
0xa2: {  	s1 =	rddreg [dreg:$0x1];
	p0 =	sne.s32 s2, $0x0  }
0xa3: {  	s3 =	rddreg [dreg:$0x2];
	[bflag:$0x3] =	sbarrier.arrive $0xFFFF;
	s2 =	simm.s32 @!p0 $0x1C02  }
0xa4: {  	[timem:s3], [sflag:s2] =	dma.local @!p0 [hbm:s0], s1  }
0xa5: {  	s0 =	simm.s32 @!p0 $0x2  }
0xa6: {  	_ =	swait.ge @!p0 [sflag:s0], s1  }
0xa7: {  	s1 =	ssub.s32 @!p0 $0x0, s1;
	[sflag:s0] =	ssyncset.done @!p0 $0x0  }
0xa8: {  	[sflag:s0] =	ssyncadd.s32 @!p0 s1  }
0xa9: {  	[bflag:$0x3] =	sbarrier.arrive $0xFFFF  }
0xaa: {  	_ =	shalt  }

// kernel: kernel.37.cloned.1.call-start
scs
__scs_entry_jumppad:
0x0: {  	(pc) =	sbr.rel $0x88, $3  }
0x1: {  	(tag) =	ssettag $0x0;
	lr =	simm.s32 $0x1  }
0x2: {  	[smem:$0x3F6D] =	sst lr;
	_ =	strace $0xD0000000  }
0x3: {  	_ = 	snop  }
0x4: {  	_ = 	snop  }
0x5: {  	_ = 	snop  }
0x6: {  	_ = 	snop  }
0x7: {  	_ = 	snop  }
__scs_overlays_trampoline_lowered:
0x8: {  	[smem:$0x3F7C] =	sst s0  }
0x9: {  	[smem:$0x3F7D] =	sst s1  }
0xa: {  	[smem:$0x3F7E] =	sst s2  }
0xb: {  	[smem:$0x3F7F] =	sst s3  }
0xc: {  	[smem:$0x3F80] =	sst s4  }
0xd: {  	[smem:$0x3F81] =	sst s5  }
0xe: {  	[smem:$0x3F82] =	sst s6  }
0xf: {  	[smem:$0x3F83] =	sst s7  }
0x10: {  	[smem:$0x3F84] =	sst s8  }
0x11: {  	[smem:$0x3F85] =	sst s9;
	s0 =	simm.s32 @!p0 $0x0  }
0x12: {  	s1 =	sld [smem:$0x3F6B];
	s0 =	simm.s32 @p0 $0x1  }
0x13: {  	[smem:$0x3F86] =	sst s0;
	s0 =	simm.s32 @!p1 $0x0  }
0x14: {  	s2 =	sld [smem:$0x3F6A];
	s0 =	simm.s32 @p1 $0x1  }
0x15: {  	[smem:$0x3F87] =	sst s0;
	s0 =	simm.s32 @!p2 $0x0  }
0x16: {  	s3 =	sld [smem:$0x3FDB];
	s0 =	simm.s32 @p2 $0x1  }
0x17: {  	s4 =	simm.s32 $0x1BF5;
	[smem:$0x3F89] =	sst s0  }
0x18: {  	s0 =	sld [smem:$0x3F6C];
	_ =	swait.ge [sflag:s4], $0x0  }
0x19: {  	s7 =	sld [smem:$0x3F6D]  }
0x1a: {  	s8 =	sadd.s32 $0xFFFFE003, lr  }
0x1b: {  	s9 =	sadd.s32 $0xFFFFFEF7, lr;
	s5 =	simm.s32 $0xFFFFFFFF;
	p2 =	slt.u32 s8, $0xFFFFF086  }
0x1c: {  	p1 =	slt.u32 s9, $0xF7A;
	s5 =	simm.s32 @!p2 $0x0  }
0x1d: {  	s5 =	simm.s32 @p1 $0x1;
	p0 =	seq.s32 s7, s2  }
0x1e: {  	s7 =	smul.u32 @!p0 $0xF7A, s2;
	p2 =	seq.s32 @!p0 s5, $0x0  }
0x1f: {  	s9 =	smul.u32 $0xF7A, s1;
	s8 =	simm.s32 @!p0 $0x1BF5;
	p2 =	por !p2, p0  }
0x20: {  	[sflag:s8] =	ssyncset.s32 @!p0 $0xFFFFF086;
	s6 =	sadd.s32 @!p0 s3, s7;
	s7 =	simm.s32 @!p0 $0x108  }
0x21: {  	s3 =	sadd.s32 s3, s9;
	s6 =	sadd.s32 @!p0 $0x88, s6;
	s7 =	simm.s32 @p2 $0x1082  }
0x22: {  	[simem:s7], [sflag:s8] =	dma.local @!p0 [hbm:s6], $0xF7A  }
0x23: {  	s9 =	sor.u32 $0xD0000000, s2;
	s6 =	simm.s32 $0x108;
	_ =	swait.ge @!p0 [sflag:s8], $0x0  }
0x24: {  	s3 =	sadd.s32 $0x88, s3;
	s6 =	simm.s32 @!p1 $0x1082;
	[sflag:s4] =	ssyncset.s32 $0xFFFFF086  }
0x25: {  	[simem:s6], [sflag:s4] =	dma.local [hbm:s3], $0xF7A  }
0x26: {  	[smem:$0x3F6D] =	sst s1;
	(tag) =	ssettag s2;
	_ =	strace s9  }
0x27: {  	s1 =	sld [smem:$0x3F7D]  }
0x28: {  	s2 =	sld [smem:$0x3F7E]  }
0x29: {  	s4 =	sld [smem:$0x3F80]  }
0x2a: {  	p0 =	seq.s32 s5, $0x0;
	s5 =	sld [smem:$0x3F81]  }
0x2b: {  	s6 =	sld [smem:$0x3F82]  }
0x2c: {  	s7 =	sld [smem:$0x3F83]  }
0x2d: {  	s3 =	simm.s32 $0x108;
	s8 =	sld [smem:$0x3F84]  }
0x2e: {  	s3 =	simm.s32 @!p0 $0x1082;
	s9 =	sld [smem:$0x3F85]  }
0x2f: {  	lr =	sadd.s32 s0, s3;
	s0 =	sld [smem:$0x3F7C]  }
0x30: {  	s3 =	sld [smem:$0x3F7F]  }
0x31: {  	[smem:$0x3F88] =	sst s10  }
0x32: {  	s10 =	sld [smem:$0x3F86];
	_ =	sdelay $0x3  }
0x33: {  	p0 =	seq.s32 s10, $0x1;
	s10 =	sld [smem:$0x3F88];
	_ =	sdelay $0x3  }
0x34: {  	[smem:$0x3F88] =	sst s10  }
0x35: {  	s10 =	sld [smem:$0x3F87];
	_ =	sdelay $0x3  }
0x36: {  	p1 =	seq.s32 s10, $0x1;
	s10 =	sld [smem:$0x3F88];
	_ =	sdelay $0x3  }
0x37: {  	[smem:$0x3F88] =	sst s10  }
0x38: {  	s10 =	sld [smem:$0x3F89]  }
0x39: {  	_ = 	snop;
	(pc) =	sbr.ind lr, $3  }
0x3a: {  	_ = 	snop  }
0x3b: {  	_ = 	snop  }
0x3c: {  	p2 =	seq.s32 s10, $0x1;
	s10 =	sld [smem:$0x3F88]  }
0x3d: {  	_ =	shalt  }
0x3e: {  	_ =	shalt  }
0x3f: {  	_ =	shalt  }
0x40: {  	_ =	shalt  }
0x41: {  	_ =	shalt  }
0x42: {  	_ =	shalt  }
0x43: {  	_ =	shalt  }
0x44: {  	_ =	shalt  }
0x45: {  	_ =	shalt  }
0x46: {  	_ =	shalt  }
0x47: {  	_ =	shalt  }
0x48: {  	_ =	shalt  }
0x49: {  	_ =	shalt  }
0x4a: {  	_ =	shalt  }
0x4b: {  	_ =	shalt  }
0x4c: {  	_ =	shalt  }
0x4d: {  	_ =	shalt  }
0x4e: {  	_ =	shalt  }
0x4f: {  	_ =	shalt  }
0x50: {  	_ =	shalt  }
0x51: {  	_ =	shalt  }
0x52: {  	_ =	shalt  }
0x53: {  	_ =	shalt  }
0x54: {  	_ =	shalt  }
0x55: {  	_ =	shalt  }
0x56: {  	_ =	shalt  }
0x57: {  	_ =	shalt  }
0x58: {  	_ =	shalt  }
0x59: {  	_ =	shalt  }
0x5a: {  	_ =	shalt  }
0x5b: {  	_ =	shalt  }
0x5c: {  	_ =	shalt  }
0x5d: {  	_ =	shalt  }
0x5e: {  	_ =	shalt  }
0x5f: {  	_ =	shalt  }
0x60: {  	_ =	shalt  }
0x61: {  	_ =	shalt  }
0x62: {  	_ =	shalt  }
0x63: {  	_ =	shalt  }
0x64: {  	_ =	shalt  }
0x65: {  	_ =	shalt  }
0x66: {  	_ =	shalt  }
0x67: {  	_ =	shalt  }
0x68: {  	_ =	shalt  }
0x69: {  	_ =	shalt  }
0x6a: {  	_ =	shalt  }
0x6b: {  	_ =	shalt  }
0x6c: {  	_ =	shalt  }
0x6d: {  	_ =	shalt  }
0x6e: {  	_ =	shalt  }
0x6f: {  	_ =	shalt  }
0x70: {  	_ =	shalt  }
0x71: {  	_ =	shalt  }
0x72: {  	_ =	shalt  }
0x73: {  	_ =	shalt  }
0x74: {  	_ =	shalt  }
0x75: {  	_ =	shalt  }
0x76: {  	_ =	shalt  }
0x77: {  	_ =	shalt  }
0x78: {  	_ =	shalt  }
0x79: {  	_ =	shalt  }
0x7a: {  	_ =	shalt  }
0x7b: {  	_ =	shalt  }
0x7c: {  	_ =	shalt  }
0x7d: {  	_ =	shalt  }
0x7e: {  	_ =	shalt  }
0x7f: {  	_ =	shalt  }
0x80: {  	_ =	shalt  }
0x81: {  	_ =	shalt  }
0x82: {  	_ =	shalt  }
0x83: {  	_ =	shalt  }
0x84: {  	_ =	shalt  }
0x85: {  	_ =	shalt  }
0x86: {  	_ =	shalt  }
0x87: {  	_ =	shalt  }
.Lfunc_end0:
.L_simem_size_0:
called_computation.4_lowered:
.L_overlay_start_0:
0x88: {  	s2 =	sld [smem:$0x3FD9]  }
0x89: {  	s3 =	sld [smem:$0x3FFE];
	_ =	sdelay $0x1  }
0x8a: {  	s1 =	srdreg.scid  }
0x8b: {  	s0 =	sand.u32 $0x1, s1  }
0x8c: {  	s16 =	sshll.u32 s0, $0xA;
	s2 =	sadd.s32 s3, s2  }
0x8d: {  	s2 =	sadd.s32 s2, s16  }
0x8e: {  	[smem:$0x3F94] =	sst s2  }
0x8f: {  	_ = 	snop  }
0x90: {  	(tm) =	ssettm $0x1  }
0x91: {  	s17 =	sld [smem:$0x3FFB];
	_ =	sdelay $0x3  }
0x92: {  	_ =	strace s17  }
0x93: {  	s2 =	sld [smem:$0x3FFC];
	_ =	sdelay $0x3  }
0x94: {  	_ =	strace s2  }
0x95: {  	s2 =	sld [smem:$0x3FFD];
	_ =	sdelay $0x3  }
0x96: {  	_ =	strace s2  }
0x97: {  	_ =	strace $0x8FFFFFFF  }
0x98: {  	s18 =	sld [smem:$0x3FDB];
	_ =	sdelay $0x1  }
0x99: {  	s19 =	simm.s32 $_scs_section_size  }
0x9a: {  	s4 =	simm.s32 $_size__tile_overlayer_lowered;
	s5 =	simm.s32 $_tile_overlayer_lowered  }
0x9b: {  	s22 =	simm.s32 $0x1BFF;
	s21 =	sshll.u32 s5, $0x1;
	s2 =	sadd.s32 s19, s18  }
0x9c: {  	s6 =	simm.s32 $0x0;
	s20 =	sshll.u32 s4, $0x1;
	s4 =	sadd.s32 s21, s2  }
0x9d: {  	[timem:s6], [sflag:s22] =	dma.local [hbm:s4], s20  }
0x9e: {  	_ =	swait.ge [sflag:s22], s20  }
0x9f: {  	s3 =	ssub.s32 $0x0, s20;
	[sflag:s22] =	ssyncset.done $0x0  }
0xa0: {  	[sflag:s22] =	ssyncadd.s32 s3;
	_ =	sdelay $0x1  }
0xa1: {  	s23 =	simm.s32 $0x1B8B  }
0xa2: {  	_ =	swait.ge [sflag:s23], $0x1  }
0xa3: {  	[sflag:s23] =	ssyncset.done $0x0  }
0xa4: {  	s25 =	simm.s32 $0x1B8E;
	s24 =	sld [smem:$0x3FFE];
	[sflag:s23] =	ssyncadd.s32 $0xFFFFFFFF  }
0xa5: {  	s26 =	simm.s32 $execute0_lowered;
	[smem:$0x3FD2] =	sst s25  }
0xa6: {  	s4 =	sshll.u32 s26, $0x1;
	_ =	strace $0x80000052;
	[dreg:$0x1] =	wrdreg $0xFFFFFFFF  }
0xa7: {  	s28 =	simm.s32 $_size_execute0_lowered;
	s2 =	sadd.s32 s2, s4;
	[dreg:$0x0] =	wrdreg $0x0  }
0xa8: {  	s4 =	sshll.u32 s28, $0x1;
	[dreg:$0x2] =	wrdreg s2  }
0xa9: {  	[dreg:$0x3] =	wrdreg s4  }
0xaa: {  	[dreg:$0x4] =	wrdreg $0xC0  }
0xab: {  	_ =	task [dreg:s6], $0x5FFFF  }
0xac: {  	[dreg:$0x1] =	wrdreg $0xFFFFFFFF  }
0xad: {  	[dreg:$0x0] =	wrdreg $0x60  }
0xae: {  	[dreg:$0x2] =	wrdreg s24  }
0xaf: {  	[dreg:$0x3] =	wrdreg $0x0  }
0xb0: {  	[dreg:$0x4] =	wrdreg $0x9  }
0xb1: {  	_ =	task.clear_ibuf [dreg:s6], $0x5FFFF;
	_ =	strace $0x90000052  }
0xb2: {  	s29 =	simm.s32 $0x9;
	_ =	strace $0x80000054  }
0xb3: {  	_ =	swait.ge [sflag:s29], $0x1  }
0xb4: {  	[sflag:s29] =	ssyncadd.s32 $0xFFFFFFFF  }
0xb5: {  	_ =	strace $0x90000054  }
0xb6: {  	_ =	sfence  }
0xb7: {  	s30 =	sld [smem:$0x0];
	_ =	sdelay $0x2  }
0xb8: {  	s31 =	sshll.u32 s1, $0xD;
	s1 =	sshrl.u32 s1, $0x2  }
0xb9: {  	s3 =	sand.u32 $0x4000, s31;
	s1 =	sadd.s32 s1, s30  }
0xba: {  	s0 =	sor.u32 s3, s0;
	s1 =	sshll.u32 s1, $0x11  }
0xbb: {  	s0 =	sor.u32 s1, s0  }
0xbc: {  	s0 =	sadd.s32 $0x8F2B, s0  }
0xbd: {  	[sflag:s0] =	ssyncadd.remote.s32 $0x1  }
0xbe: {  	_ =	sfence.sel $0xFFFF  }
0xbf: {  	[dreg:$0x0] =	wrdreg $0xFFFFFFFF;
	(pc) =	sbr.abs _section_cstart, $3  }
0xc0: {  	[dreg:$0x1] =	wrdreg $0xFFFFFFFF  }
0xc1: {  	_ =	task.clear_ibuf [dreg:s6], $0x2FFFF;
	_ =	strace $0x9FFFFFFF  }
0xc2: {  	(tm) =	ssettm $0x7FFFFFFF  }
0xc3: {  	_ =	shalt  }
tec
execute0_lowered:
.L_overlay_start_1:
0x0: {  	(tag) =	ssettag $0x1  }
0x1: {  	s0 =	rddreg [dreg:$0x0]  }
0x2: {  	s1 =	rddreg [dreg:$0x1]  }
0x3: {  	s2 =	simm.s32 $0x0;
	s3 =	srdreg.scid;
	s6 =	stileid.u32  }
0x4: {  	s19 =	simm.s32 $0x2;
	s20 =	simm.s32 $0x19000;
	s21 =	simm.s32 $0x19080  }
0x5: {  	s22 =	simm.s32 $0x80;
	s23 =	simm.s32 $0x19100;
	s28 =	simm.s32 $0x10  }
0x6: {  	s29 =	simm.s32 $0x1E120;
	s30 =	simm.s32 $0x0;
	[smem:$0x7FF] =	sst s2  }
0x7: {  	s4 =	sadd.s32 $0x47A00, s0;
	s5 =	sadd.s32 $0x15A00, s0;
	s3 =	sand.u32 $0x1, s3  }
0x8: {  	s16 =	sadd.s32 $0xBA00, s0;
	s9 =	smul.u32 $0x2710, s6;
	s15 =	sadd.s32 $0x10A00, s0  }
0x9: {  	s11 =	smul.u32 $0x19000, s6;
	s7 =	sadd.s32 $0xABA00, s0;
	s0 =	sadd.s32 $0x79A00, s0  }
0xa: {  	s31 =	smul.u32 $0x4E2, s6;
	_ =	strace $0x80000053;
	[dreg:$0x3] =	wrdreg s7  }
0xb: {  	s14 =	sshll.u32 s6, $0x6;
	s8 =	ssub.s32 $0x2, s3;
	[dreg:$0x4] =	wrdreg s0  }
0xc: {  	p0 =	seq.s32 s3, $0x1;
	s17 =	sor.u32 $0x1C02, s14;
	s10 =	sshrl.u32 s8, $0x1  }
0xd: {  	s25 =	sshrl.u32 s9, $0x3;
	s18 =	sadd.s32 s11, s1;
	s24 =	ssub.s32 s8, s10  }
.Ltmp0:
0xe: {  	s8 =	sshrl.u32 s11, $0x3;
	s3 =	sadd.s32 $0x4E0, s25;
	(pc) =	sbr.rel .LBB2_1-.Ltmp0, $4  }
0xf: {  	s18 =	sshrl.u32 s18, $0x3;
	s25 =	simm.s32 $0x1E100;
	s26 =	sadd.s32 s4, s8  }
0x10: {  	s10 =	sadd.s32 s16, s3;
	s11 =	sadd.s32 s15, s3;
	s12 =	sadd.s32 s5, s8  }
0x11: {  	s13 =	smax.u32 s24, $0x1;
	s15 =	sadd.s32 s31, s15;
	s16 =	sadd.s32 s31, s16  }
0x12: {  	s24 =	simm.s32 $0x1;
	[dreg:$0x5] =	wrdreg s26;
	s26 =	simm.s32 $0x1E110  }
.LBB2_7:
0x13: {  	s3 =	sadd.s32 s0, s16;
	[sflag:s19] =	ssyncadd.s32 $0xFFFFB000  }
0x14: {  	[tilespmem:s20], [sflag:$0x2] =	stream.linear.gather [hbm4b:s3+s2], $0x80, $0x38;
	[tilespmem:$0x1EB20] =	vst v63  }
0x15: {  	_ =	swait.ge [sflag:s19], $0x80  }
0x16: {  	[sflag:s19] =	ssyncset.done $0x0  }
0x17: {  	s9 =	sadd.s32 s0, s15;
	[sflag:s19] =	ssyncadd.s32 $0xFFFFFF80  }
0x18: {  	[tilespmem:s21], [sflag:$0x2] =	stream.linear.gather [hbm4b:s9+s2], $0x80, $0x38;
	[tilespmem:$0x1EB20] =	vst v63  }
0x19: {  	_ =	swait.ge [sflag:s19], $0x80  }
0x1a: {  	[sflag:s19] =	ssyncset.done $0x0  }
0x1b: {  	[sflag:s19] =	ssyncadd.s32 $0xFFFFFF80  }
0x1c: {  	[tilespmem:s23], [sflag:$0x1] =	stream.indirect.gather [hbm4b:s5+s22], $0xA0, s20, s22, $0xb8;
	[tilespmem:$0x1EB20] =	vst v63  }
0x1d: {  	_ =	swait.ge [sflag:s24], $0x5000  }
0x1e: {  	[sflag:s24] =	ssyncset.done $0x0  }
0x1f: {  	[sflag:s24] =	ssyncadd.s32 $0xFFFFB000  }
0x20: {  	[spmem:s1] =	stream.indirect.scatter.add.f32 [tilespmem:s23], [sflag:$0x2], $0xA0, s21, s22, $0xb8;
	[tilespmem:$0x1EB20] =	vst v63  }
0x21: {  	_ =	swait.ge [sflag:s19], $0x5000  }
0x22: {  	s31 =	smov.u32 s17;
	[sflag:s19] =	ssyncset.done $0x0  }
0x23: {  	s3 =	smov.u32 s5;
	s0 =	rddreg [dreg:$0x4];
	[sflag:s19] =	ssyncadd.s32 $0xFFFFB000  }
.LBB2_8:
0x24: {  	[tilespmem:s25], [sflag:$0x2] =	stream.linear.gather [hbm4b:s10+s2], $0x10, $0x38;
	[tilespmem:$0x1EB20] =	vst v63  }
0x25: {  	_ =	swait.ge [sflag:s19], $0x10  }
0x26: {  	[sflag:s19] =	ssyncset.done $0x0  }
0x27: {  	[sflag:s19] =	ssyncadd.s32 $0xFFFFFFF0  }
0x28: {  	[tilespmem:s26], [sflag:$0x2] =	stream.linear.gather [hbm4b:s11+s2], $0x10, $0x38;
	[tilespmem:$0x1EB20] =	vst v63  }
0x29: {  	_ =	swait.ge [sflag:s19], $0x10  }
0x2a: {  	[sflag:s19] =	ssyncset.done $0x0  }
0x2b: {  	[sflag:s19] =	ssyncadd.s32 $0xFFFFFFF0  }
0x2c: {  	[tilespmem:s29], [sflag:$0x1] =	stream.indirect.gather [hbm4b:s3+s28], $0xA0, s25, s28, $0xb8;
	[tilespmem:$0x1EB20] =	vst v63  }
0x2d: {  	_ =	swait.ge [sflag:s24], $0xA00  }
0x2e: {  	[sflag:s24] =	ssyncset.done $0x0  }
0x2f: {  	[sflag:s24] =	ssyncadd.s32 $0xFFFFF600  }
0x30: {  	[spmem:s1] =	stream.indirect.scatter.add.f32 [tilespmem:s29], [sflag:$0x2], $0xA0, s26, s28, $0xb8;
	[tilespmem:$0x1EB20] =	vst v63  }
0x31: {  	_ =	swait.ge [sflag:s19], $0xA00  }
0x32: {  	s30 =	sadd.s32 $0x1, s30;
	[sflag:s19] =	ssyncset.done $0x0  }
0x33: {  	p1 =	sne.s32 s30, s13;
	[sflag:s19] =	ssyncadd.s32 $0xFFFFF600  }
.Ltmp1:
0x34: {  	s0 =	sadd.s32 s0, s8;
	[bflag:$0x0] =	sbarrier.arrive $0xFFFF;
	(pc) =	sbr.rel @!p1 .LBB2_9-.Ltmp1, $4  }
0x35: {  	[hbm:s0], [sflag:s31] =	dma.local [spmem:s18], $0x3200  }
0x36: {  	_ =	swait.ge [sflag:s19], $0x3200  }
0x37: {  	[sflag:s19] =	ssyncset.done $0x0  }
0x38: {  	[sflag:s19] =	ssyncadd.s32 $0xFFFFCE00  }
.LBB2_1:
.Ltmp2:
0x39: {  	(pc) =	sbr.rel @!p0 .LBB2_2-.Ltmp2, $1  }
0x3a: {  	_ =	sdelay $0x3  }
0x3b: {  	[spmem:s18], [sflag:s17] =	dma.local [hbm:s12], $0x3200  }
0x3c: {  	_ =	swait.ge [sflag:s19], $0x3200  }
0x3d: {  	[sflag:s19] =	ssyncset.done $0x0  }
0x3e: {  	[sflag:s19] =	ssyncadd.s32 $0xFFFFCE00  }
0x3f: {  	s0 =	sadd.s32 $0x0, s16;
	[bflag:$0x0] =	sbarrier.arrive $0xFFFF  }
0x40: {  	[tilespmem:s20], [sflag:$0x2] =	stream.linear.gather [hbm4b:s0+s2], $0x80, $0x38;
	[tilespmem:$0x1EB20] =	vst v63  }
0x41: {  	_ =	swait.ge [sflag:s19], $0x80  }
0x42: {  	[sflag:s19] =	ssyncset.done $0x0  }
0x43: {  	s31 =	sadd.s32 $0x0, s15;
	[sflag:s19] =	ssyncadd.s32 $0xFFFFFF80  }
0x44: {  	[tilespmem:s21], [sflag:$0x2] =	stream.linear.gather [hbm4b:s31+s2], $0x80, $0x38;
	[tilespmem:$0x1EB20] =	vst v63  }
0x45: {  	_ =	swait.ge [sflag:s19], $0x80  }
0x46: {  	[sflag:s19] =	ssyncset.done $0x0  }
0x47: {  	[sflag:s19] =	ssyncadd.s32 $0xFFFFFF80  }
0x48: {  	[tilespmem:s23], [sflag:$0x1] =	stream.indirect.gather [hbm4b:s5+s22], $0xA0, s20, s22, $0xb8;
	[tilespmem:$0x1EB20] =	vst v63  }
0x49: {  	_ =	swait.ge [sflag:s24], $0x5000  }
0x4a: {  	[sflag:s24] =	ssyncset.done $0x0  }
0x4b: {  	[sflag:s24] =	ssyncadd.s32 $0xFFFFB000  }
0x4c: {  	[spmem:s1] =	stream.indirect.scatter.add.f32 [tilespmem:s23], [sflag:$0x2], $0xA0, s21, s22, $0xb8;
	[tilespmem:$0x1EB20] =	vst v63  }
0x4d: {  	_ =	swait.ge [sflag:s19], $0x5000  }
0x4e: {  	s3 =	simm.s32 $0x20;
	s0 =	simm.s32 $0x10;
	[sflag:s19] =	ssyncset.done $0x0  }
.LBB2_6:
0x4f: {  	s6 =	sadd.s32 s0, s16  }
0x50: {  	[sflag:s19] =	ssyncadd.s32 $0xFFFFB000;
	s7 =	smov.u32 s3;
	s9 =	sadd.s32 $0x10, s3  }
0x51: {  	[tilespmem:s20], [sflag:$0x2] =	stream.linear.gather [hbm4b:s6+s2], $0x80, $0x38;
	[tilespmem:$0x1EB20] =	vst v63  }
0x52: {  	p1 =	sne.s32 s3, $0x4D0;
	_ =	swait.ge [sflag:s19], $0x80  }
0x53: {  	[sflag:s19] =	ssyncset.done $0x0  }
0x54: {  	s3 =	sadd.s32 s0, s15;
	s0 =	smov.u32 s7;
	[sflag:s19] =	ssyncadd.s32 $0xFFFFFF80  }
0x55: {  	[tilespmem:s21], [sflag:$0x2] =	stream.linear.gather [hbm4b:s3+s2], $0x80, $0x38;
	[tilespmem:$0x1EB20] =	vst v63  }
0x56: {  	_ =	swait.ge [sflag:s19], $0x80  }
0x57: {  	[sflag:s19] =	ssyncset.done $0x0  }
0x58: {  	[sflag:s19] =	ssyncadd.s32 $0xFFFFFF80  }
0x59: {  	[tilespmem:s23], [sflag:$0x1] =	stream.indirect.gather [hbm4b:s5+s22], $0xA0, s20, s22, $0xb8;
	[tilespmem:$0x1EB20] =	vst v63  }
0x5a: {  	_ =	swait.ge [sflag:s24], $0x5000  }
.Ltmp3:
0x5b: {  	[sflag:s24] =	ssyncset.done $0x0;
	(pc) =	sbr.rel @p1 .LBB2_6-.Ltmp3, $4  }
0x5c: {  	[sflag:s24] =	ssyncadd.s32 $0xFFFFB000  }
0x5d: {  	[spmem:s1] =	stream.indirect.scatter.add.f32 [tilespmem:s23], [sflag:$0x2], $0xA0, s21, s22, $0xb8;
	[tilespmem:$0x1EB20] =	vst v63  }
0x5e: {  	_ =	swait.ge [sflag:s19], $0x5000  }
0x5f: {  	s3 =	smov.u32 s9;
	[sflag:s19] =	ssyncset.done $0x0  }
.Ltmp4:
0x60: {  	_ = 	snop;
	(pc) =	sbr.rel .LBB2_7-.Ltmp4, $1  }
0x61: {  	_ =	sdelay $0x3  }
.LBB2_2:
0x62: {  	s31 =	sor.u32 $0x1C02, s14;
	s0 =	rddreg [dreg:$0x5]  }
0x63: {  	[spmem:s18], [sflag:s31] =	dma.local [hbm:s0], $0x3200  }
0x64: {  	_ =	swait.ge [sflag:s19], $0x3200  }
0x65: {  	[sflag:s19] =	ssyncset.done $0x0  }
0x66: {  	[sflag:s19] =	ssyncadd.s32 $0xFFFFCE00  }
0x67: {  	s7 =	sadd.s32 $0x0, s16;
	[bflag:$0x0] =	sbarrier.arrive $0xFFFF  }
0x68: {  	[tilespmem:s20], [sflag:$0x2] =	stream.linear.gather [hbm4b:s7+s2], $0x80, $0x38;
	[tilespmem:$0x1EB20] =	vst v63  }
0x69: {  	_ =	swait.ge [sflag:s19], $0x80  }
0x6a: {  	[sflag:s19] =	ssyncset.done $0x0  }
0x6b: {  	s9 =	sadd.s32 $0x0, s15;
	[sflag:s19] =	ssyncadd.s32 $0xFFFFFF80  }
0x6c: {  	[tilespmem:s21], [sflag:$0x2] =	stream.linear.gather [hbm4b:s9+s2], $0x80, $0x38;
	[tilespmem:$0x1EB20] =	vst v63  }
0x6d: {  	_ =	swait.ge [sflag:s19], $0x80  }
0x6e: {  	[sflag:s19] =	ssyncset.done $0x0  }
0x6f: {  	[sflag:s19] =	ssyncadd.s32 $0xFFFFFF80  }
0x70: {  	[tilespmem:s23], [sflag:$0x1] =	stream.indirect.gather [hbm4b:s4+s22], $0xA0, s20, s22, $0xb8;
	[tilespmem:$0x1EB20] =	vst v63  }
0x71: {  	_ =	swait.ge [sflag:s24], $0x5000  }
0x72: {  	[sflag:s24] =	ssyncset.done $0x0  }
0x73: {  	[sflag:s24] =	ssyncadd.s32 $0xFFFFB000  }
0x74: {  	[spmem:s1] =	stream.indirect.scatter.add.f32 [tilespmem:s23], [sflag:$0x2], $0xA0, s21, s22, $0xb8;
	[tilespmem:$0x1EB20] =	vst v63  }
0x75: {  	_ =	swait.ge [sflag:s19], $0x5000  }
0x76: {  	s3 =	simm.s32 $0x20;
	s0 =	simm.s32 $0x10;
	[sflag:s19] =	ssyncset.done $0x0  }
.LBB2_3:
0x77: {  	s6 =	sadd.s32 s0, s16  }
0x78: {  	[sflag:s19] =	ssyncadd.s32 $0xFFFFB000;
	s7 =	smov.u32 s3;
	s9 =	sadd.s32 $0x10, s3  }
0x79: {  	[tilespmem:s20], [sflag:$0x2] =	stream.linear.gather [hbm4b:s6+s2], $0x80, $0x38;
	[tilespmem:$0x1EB20] =	vst v63  }
0x7a: {  	p1 =	seq.s32 s3, $0x4D0;
	_ =	swait.ge [sflag:s19], $0x80  }
0x7b: {  	[sflag:s19] =	ssyncset.done $0x0  }
0x7c: {  	s3 =	sadd.s32 s0, s15;
	s0 =	smov.u32 s7;
	[sflag:s19] =	ssyncadd.s32 $0xFFFFFF80  }
0x7d: {  	[tilespmem:s21], [sflag:$0x2] =	stream.linear.gather [hbm4b:s3+s2], $0x80, $0x38;
	[tilespmem:$0x1EB20] =	vst v63  }
0x7e: {  	_ =	swait.ge [sflag:s19], $0x80  }
0x7f: {  	[sflag:s19] =	ssyncset.done $0x0  }
0x80: {  	[sflag:s19] =	ssyncadd.s32 $0xFFFFFF80  }
0x81: {  	[tilespmem:s23], [sflag:$0x1] =	stream.indirect.gather [hbm4b:s4+s22], $0xA0, s20, s22, $0xb8;
	[tilespmem:$0x1EB20] =	vst v63  }
0x82: {  	_ =	swait.ge [sflag:s24], $0x5000  }
.Ltmp5:
0x83: {  	[sflag:s24] =	ssyncset.done $0x0;
	(pc) =	sbr.rel @!p1 .LBB2_3-.Ltmp5, $4  }
0x84: {  	[sflag:s24] =	ssyncadd.s32 $0xFFFFB000  }
0x85: {  	[spmem:s1] =	stream.indirect.scatter.add.f32 [tilespmem:s23], [sflag:$0x2], $0xA0, s21, s22, $0xb8;
	[tilespmem:$0x1EB20] =	vst v63  }
0x86: {  	_ =	swait.ge [sflag:s19], $0x5000  }
0x87: {  	s3 =	smov.u32 s9;
	[sflag:s19] =	ssyncset.done $0x0  }
0x88: {  	s3 =	sadd.s32 s0, s16;
	[sflag:s19] =	ssyncadd.s32 $0xFFFFB000  }
0x89: {  	[tilespmem:s20], [sflag:$0x2] =	stream.linear.gather [hbm4b:s3+s2], $0x80, $0x38;
	[tilespmem:$0x1EB20] =	vst v63  }
0x8a: {  	_ =	swait.ge [sflag:s19], $0x80  }
0x8b: {  	[sflag:s19] =	ssyncset.done $0x0  }
0x8c: {  	s9 =	sadd.s32 s0, s15;
	[sflag:s19] =	ssyncadd.s32 $0xFFFFFF80  }
0x8d: {  	[tilespmem:s21], [sflag:$0x2] =	stream.linear.gather [hbm4b:s9+s2], $0x80, $0x38;
	[tilespmem:$0x1EB20] =	vst v63  }
0x8e: {  	_ =	swait.ge [sflag:s19], $0x80  }
0x8f: {  	[sflag:s19] =	ssyncset.done $0x0  }
0x90: {  	[sflag:s19] =	ssyncadd.s32 $0xFFFFFF80  }
0x91: {  	[tilespmem:s23], [sflag:$0x1] =	stream.indirect.gather [hbm4b:s4+s22], $0xA0, s20, s22, $0xb8;
	[tilespmem:$0x1EB20] =	vst v63  }
0x92: {  	_ =	swait.ge [sflag:s24], $0x5000  }
0x93: {  	[sflag:s24] =	ssyncset.done $0x0  }
.Ltmp6:
0x94: {  	[sflag:s24] =	ssyncadd.s32 $0xFFFFB000;
	(pc) =	sbr.rel .LBB2_8-.Ltmp6, $4  }
0x95: {  	[spmem:s1] =	stream.indirect.scatter.add.f32 [tilespmem:s23], [sflag:$0x2], $0xA0, s21, s22, $0xb8;
	[tilespmem:$0x1EB20] =	vst v63  }
0x96: {  	_ =	swait.ge [sflag:s19], $0x5000  }
0x97: {  	[sflag:s19] =	ssyncset.done $0x0  }
0x98: {  	s3 =	smov.u32 s4;
	s0 =	rddreg [dreg:$0x3];
	[sflag:s19] =	ssyncadd.s32 $0xFFFFB000  }
.LBB2_9:
0x99: {  	_ =	sfence.sel $0x180000  }
0x9a: {  	[bflag:$0x0] =	sbarrier.arrive $0xFFFF  }
0x9b: {  	_ =	strace $0x90000053  }
0x9c: {  	s0 =	stileid.u32;
	[bflag:$0x2] =	sbarrier.arrive $0xFFFF  }
0x9d: {  	p0 =	sne.s32 s0, $0x0;
	s0 =	rddreg [dreg:$0x2]  }
0x9e: {  	s0 =	sadd.s32 @!p0 $0x100000, s0  }
0x9f: {  	[sflag:s0] =	ssyncadd.tile.s32 @!p0 $0x1;
	_ =	shalt  }
.Lfunc_end2:
_tile_overlayer_lowered:
.L_overlay_start_2:
0xa0: {  	(tag) =	ssettag $0x2  }
0xa1: {  	s0 =	rddreg [dreg:$0x0];
	s2 =	stileid.u32  }
0xa2: {  	s1 =	rddreg [dreg:$0x1];
	p0 =	sne.s32 s2, $0x0  }
0xa3: {  	s3 =	rddreg [dreg:$0x2];
	[bflag:$0x3] =	sbarrier.arrive $0xFFFF;
	s2 =	simm.s32 @!p0 $0x1C02  }
0xa4: {  	[timem:s3], [sflag:s2] =	dma.local @!p0 [hbm:s0], s1  }
0xa5: {  	s0 =	simm.s32 @!p0 $0x2  }
0xa6: {  	_ =	swait.ge @!p0 [sflag:s0], s1  }
0xa7: {  	s1 =	ssub.s32 @!p0 $0x0, s1;
	[sflag:s0] =	ssyncset.done @!p0 $0x0  }
0xa8: {  	[sflag:s0] =	ssyncadd.s32 @!p0 s1  }
0xa9: {  	[bflag:$0x3] =	sbarrier.arrive $0xFFFF  }
0xaa: {  	_ =	shalt  }

// kernel: kernel.40.cloned.1.call-start
scs
__scs_entry_jumppad:
0x0: {  	(pc) =	sbr.rel $0x88, $3  }
0x1: {  	(tag) =	ssettag $0x0;
	lr =	simm.s32 $0x1  }
0x2: {  	[smem:$0x3F6D] =	sst lr;
	_ =	strace $0xD0000000  }
0x3: {  	_ = 	snop  }
0x4: {  	_ = 	snop  }
0x5: {  	_ = 	snop  }
0x6: {  	_ = 	snop  }
0x7: {  	_ = 	snop  }
__scs_overlays_trampoline_lowered:
0x8: {  	[smem:$0x3F7C] =	sst s0  }
0x9: {  	[smem:$0x3F7D] =	sst s1  }
0xa: {  	[smem:$0x3F7E] =	sst s2  }
0xb: {  	[smem:$0x3F7F] =	sst s3  }
0xc: {  	[smem:$0x3F80] =	sst s4  }
0xd: {  	[smem:$0x3F81] =	sst s5  }
0xe: {  	[smem:$0x3F82] =	sst s6  }
0xf: {  	[smem:$0x3F83] =	sst s7  }
0x10: {  	[smem:$0x3F84] =	sst s8  }
0x11: {  	[smem:$0x3F85] =	sst s9;
	s0 =	simm.s32 @!p0 $0x0  }
0x12: {  	s1 =	sld [smem:$0x3F6B];
	s0 =	simm.s32 @p0 $0x1  }
0x13: {  	[smem:$0x3F86] =	sst s0;
	s0 =	simm.s32 @!p1 $0x0  }
0x14: {  	s2 =	sld [smem:$0x3F6A];
	s0 =	simm.s32 @p1 $0x1  }
0x15: {  	[smem:$0x3F87] =	sst s0;
	s0 =	simm.s32 @!p2 $0x0  }
0x16: {  	s3 =	sld [smem:$0x3FDB];
	s0 =	simm.s32 @p2 $0x1  }
0x17: {  	s4 =	simm.s32 $0x1BF5;
	[smem:$0x3F89] =	sst s0  }
0x18: {  	s0 =	sld [smem:$0x3F6C];
	_ =	swait.ge [sflag:s4], $0x0  }
0x19: {  	s7 =	sld [smem:$0x3F6D]  }
0x1a: {  	s8 =	sadd.s32 $0xFFFFE003, lr  }
0x1b: {  	s9 =	sadd.s32 $0xFFFFFEF7, lr;
	s5 =	simm.s32 $0xFFFFFFFF;
	p2 =	slt.u32 s8, $0xFFFFF086  }
0x1c: {  	p1 =	slt.u32 s9, $0xF7A;
	s5 =	simm.s32 @!p2 $0x0  }
0x1d: {  	s5 =	simm.s32 @p1 $0x1;
	p0 =	seq.s32 s7, s2  }
0x1e: {  	s7 =	smul.u32 @!p0 $0xF7A, s2;
	p2 =	seq.s32 @!p0 s5, $0x0  }
0x1f: {  	s9 =	smul.u32 $0xF7A, s1;
	s8 =	simm.s32 @!p0 $0x1BF5;
	p2 =	por !p2, p0  }
0x20: {  	[sflag:s8] =	ssyncset.s32 @!p0 $0xFFFFF086;
	s6 =	sadd.s32 @!p0 s3, s7;
	s7 =	simm.s32 @!p0 $0x108  }
0x21: {  	s3 =	sadd.s32 s3, s9;
	s6 =	sadd.s32 @!p0 $0x88, s6;
	s7 =	simm.s32 @p2 $0x1082  }
0x22: {  	[simem:s7], [sflag:s8] =	dma.local @!p0 [hbm:s6], $0xF7A  }
0x23: {  	s9 =	sor.u32 $0xD0000000, s2;
	s6 =	simm.s32 $0x108;
	_ =	swait.ge @!p0 [sflag:s8], $0x0  }
0x24: {  	s3 =	sadd.s32 $0x88, s3;
	s6 =	simm.s32 @!p1 $0x1082;
	[sflag:s4] =	ssyncset.s32 $0xFFFFF086  }
0x25: {  	[simem:s6], [sflag:s4] =	dma.local [hbm:s3], $0xF7A  }
0x26: {  	[smem:$0x3F6D] =	sst s1;
	(tag) =	ssettag s2;
	_ =	strace s9  }
0x27: {  	s1 =	sld [smem:$0x3F7D]  }
0x28: {  	s2 =	sld [smem:$0x3F7E]  }
0x29: {  	s4 =	sld [smem:$0x3F80]  }
0x2a: {  	p0 =	seq.s32 s5, $0x0;
	s5 =	sld [smem:$0x3F81]  }
0x2b: {  	s6 =	sld [smem:$0x3F82]  }
0x2c: {  	s7 =	sld [smem:$0x3F83]  }
0x2d: {  	s3 =	simm.s32 $0x108;
	s8 =	sld [smem:$0x3F84]  }
0x2e: {  	s3 =	simm.s32 @!p0 $0x1082;
	s9 =	sld [smem:$0x3F85]  }
0x2f: {  	lr =	sadd.s32 s0, s3;
	s0 =	sld [smem:$0x3F7C]  }
0x30: {  	s3 =	sld [smem:$0x3F7F]  }
0x31: {  	[smem:$0x3F88] =	sst s10  }
0x32: {  	s10 =	sld [smem:$0x3F86];
	_ =	sdelay $0x3  }
0x33: {  	p0 =	seq.s32 s10, $0x1;
	s10 =	sld [smem:$0x3F88];
	_ =	sdelay $0x3  }
0x34: {  	[smem:$0x3F88] =	sst s10  }
0x35: {  	s10 =	sld [smem:$0x3F87];
	_ =	sdelay $0x3  }
0x36: {  	p1 =	seq.s32 s10, $0x1;
	s10 =	sld [smem:$0x3F88];
	_ =	sdelay $0x3  }
0x37: {  	[smem:$0x3F88] =	sst s10  }
0x38: {  	s10 =	sld [smem:$0x3F89]  }
0x39: {  	_ = 	snop;
	(pc) =	sbr.ind lr, $3  }
0x3a: {  	_ = 	snop  }
0x3b: {  	_ = 	snop  }
0x3c: {  	p2 =	seq.s32 s10, $0x1;
	s10 =	sld [smem:$0x3F88]  }
0x3d: {  	_ =	shalt  }
0x3e: {  	_ =	shalt  }
0x3f: {  	_ =	shalt  }
0x40: {  	_ =	shalt  }
0x41: {  	_ =	shalt  }
0x42: {  	_ =	shalt  }
0x43: {  	_ =	shalt  }
0x44: {  	_ =	shalt  }
0x45: {  	_ =	shalt  }
0x46: {  	_ =	shalt  }
0x47: {  	_ =	shalt  }
0x48: {  	_ =	shalt  }
0x49: {  	_ =	shalt  }
0x4a: {  	_ =	shalt  }
0x4b: {  	_ =	shalt  }
0x4c: {  	_ =	shalt  }
0x4d: {  	_ =	shalt  }
0x4e: {  	_ =	shalt  }
0x4f: {  	_ =	shalt  }
0x50: {  	_ =	shalt  }
0x51: {  	_ =	shalt  }
0x52: {  	_ =	shalt  }
0x53: {  	_ =	shalt  }
0x54: {  	_ =	shalt  }
0x55: {  	_ =	shalt  }
0x56: {  	_ =	shalt  }
0x57: {  	_ =	shalt  }
0x58: {  	_ =	shalt  }
0x59: {  	_ =	shalt  }
0x5a: {  	_ =	shalt  }
0x5b: {  	_ =	shalt  }
0x5c: {  	_ =	shalt  }
0x5d: {  	_ =	shalt  }
0x5e: {  	_ =	shalt  }
0x5f: {  	_ =	shalt  }
0x60: {  	_ =	shalt  }
0x61: {  	_ =	shalt  }
0x62: {  	_ =	shalt  }
0x63: {  	_ =	shalt  }
0x64: {  	_ =	shalt  }
0x65: {  	_ =	shalt  }
0x66: {  	_ =	shalt  }
0x67: {  	_ =	shalt  }
0x68: {  	_ =	shalt  }
0x69: {  	_ =	shalt  }
0x6a: {  	_ =	shalt  }
0x6b: {  	_ =	shalt  }
0x6c: {  	_ =	shalt  }
0x6d: {  	_ =	shalt  }
0x6e: {  	_ =	shalt  }
0x6f: {  	_ =	shalt  }
0x70: {  	_ =	shalt  }
0x71: {  	_ =	shalt  }
0x72: {  	_ =	shalt  }
0x73: {  	_ =	shalt  }
0x74: {  	_ =	shalt  }
0x75: {  	_ =	shalt  }
0x76: {  	_ =	shalt  }
0x77: {  	_ =	shalt  }
0x78: {  	_ =	shalt  }
0x79: {  	_ =	shalt  }
0x7a: {  	_ =	shalt  }
0x7b: {  	_ =	shalt  }
0x7c: {  	_ =	shalt  }
0x7d: {  	_ =	shalt  }
0x7e: {  	_ =	shalt  }
0x7f: {  	_ =	shalt  }
0x80: {  	_ =	shalt  }
0x81: {  	_ =	shalt  }
0x82: {  	_ =	shalt  }
0x83: {  	_ =	shalt  }
0x84: {  	_ =	shalt  }
0x85: {  	_ =	shalt  }
0x86: {  	_ =	shalt  }
0x87: {  	_ =	shalt  }
.Lfunc_end0:
.L_simem_size_0:
called_computation.5_lowered:
.L_overlay_start_0:
0x88: {  	s2 =	sld [smem:$0x3FD9]  }
0x89: {  	s3 =	sld [smem:$0x3FFE];
	_ =	sdelay $0x1  }
0x8a: {  	s1 =	srdreg.scid  }
0x8b: {  	s0 =	sand.u32 $0x1, s1  }
0x8c: {  	s16 =	sshll.u32 s0, $0xA;
	s2 =	sadd.s32 s3, s2  }
0x8d: {  	s2 =	sadd.s32 s2, s16  }
0x8e: {  	[smem:$0x3F94] =	sst s2  }
0x8f: {  	_ = 	snop  }
0x90: {  	(tm) =	ssettm $0x1  }
0x91: {  	s17 =	sld [smem:$0x3FFB];
	_ =	sdelay $0x3  }
0x92: {  	_ =	strace s17  }
0x93: {  	s2 =	sld [smem:$0x3FFC];
	_ =	sdelay $0x3  }
0x94: {  	_ =	strace s2  }
0x95: {  	s2 =	sld [smem:$0x3FFD];
	_ =	sdelay $0x3  }
0x96: {  	_ =	strace s2  }
0x97: {  	_ =	strace $0x8FFFFFFF  }
0x98: {  	s18 =	sld [smem:$0x3FDB];
	_ =	sdelay $0x1  }
0x99: {  	s19 =	simm.s32 $_scs_section_size  }
0x9a: {  	s4 =	simm.s32 $_size__tile_overlayer_lowered;
	s5 =	simm.s32 $_tile_overlayer_lowered  }
0x9b: {  	s22 =	simm.s32 $0x1BFF;
	s21 =	sshll.u32 s5, $0x1;
	s2 =	sadd.s32 s19, s18  }
0x9c: {  	s6 =	simm.s32 $0x0;
	s20 =	sshll.u32 s4, $0x1;
	s4 =	sadd.s32 s21, s2  }
0x9d: {  	[timem:s6], [sflag:s22] =	dma.local [hbm:s4], s20  }
0x9e: {  	_ =	swait.ge [sflag:s22], s20  }
0x9f: {  	s3 =	ssub.s32 $0x0, s20;
	[sflag:s22] =	ssyncset.done $0x0  }
0xa0: {  	[sflag:s22] =	ssyncadd.s32 s3;
	_ =	sdelay $0x1  }
0xa1: {  	s23 =	simm.s32 $0x1B8B  }
0xa2: {  	_ =	swait.ge [sflag:s23], $0x1  }
0xa3: {  	[sflag:s23] =	ssyncset.done $0x0  }
0xa4: {  	s25 =	simm.s32 $0x1B8E;
	s24 =	sld [smem:$0x3FFE];
	[sflag:s23] =	ssyncadd.s32 $0xFFFFFFFF  }
0xa5: {  	s26 =	simm.s32 $execute0_lowered;
	[smem:$0x3FD2] =	sst s25  }
0xa6: {  	s4 =	sshll.u32 s26, $0x1;
	_ =	strace $0x80000055;
	[dreg:$0x1] =	wrdreg $0xFFFFFFFF  }
0xa7: {  	s28 =	simm.s32 $_size_execute0_lowered;
	s2 =	sadd.s32 s2, s4;
	[dreg:$0x0] =	wrdreg $0x0  }
0xa8: {  	s4 =	sshll.u32 s28, $0x1;
	[dreg:$0x2] =	wrdreg s2  }
0xa9: {  	[dreg:$0x3] =	wrdreg s4  }
0xaa: {  	[dreg:$0x4] =	wrdreg $0xC0  }
0xab: {  	_ =	task [dreg:s6], $0x5FFFF  }
0xac: {  	[dreg:$0x1] =	wrdreg $0xFFFFFFFF  }
0xad: {  	[dreg:$0x0] =	wrdreg $0x60  }
0xae: {  	[dreg:$0x2] =	wrdreg s24  }
0xaf: {  	[dreg:$0x3] =	wrdreg $0x0  }
0xb0: {  	[dreg:$0x4] =	wrdreg $0x9  }
0xb1: {  	_ =	task.clear_ibuf [dreg:s6], $0x5FFFF;
	_ =	strace $0x90000055  }
0xb2: {  	s29 =	simm.s32 $0x9;
	_ =	strace $0x80000057  }
0xb3: {  	_ =	swait.ge [sflag:s29], $0x1  }
0xb4: {  	[sflag:s29] =	ssyncadd.s32 $0xFFFFFFFF  }
0xb5: {  	_ =	strace $0x90000057  }
0xb6: {  	_ =	sfence  }
0xb7: {  	s30 =	sld [smem:$0x0];
	_ =	sdelay $0x2  }
0xb8: {  	s31 =	sshll.u32 s1, $0xD;
	s1 =	sshrl.u32 s1, $0x2  }
0xb9: {  	s3 =	sand.u32 $0x4000, s31;
	s1 =	sadd.s32 s1, s30  }
0xba: {  	s0 =	sor.u32 s3, s0;
	s1 =	sshll.u32 s1, $0x11  }
0xbb: {  	s0 =	sor.u32 s1, s0  }
0xbc: {  	s0 =	sadd.s32 $0x8F2B, s0  }
0xbd: {  	[sflag:s0] =	ssyncadd.remote.s32 $0x1  }
0xbe: {  	_ =	sfence.sel $0xFFFF  }
0xbf: {  	[dreg:$0x0] =	wrdreg $0xFFFFFFFF;
	(pc) =	sbr.abs _section_cstart, $3  }
0xc0: {  	[dreg:$0x1] =	wrdreg $0xFFFFFFFF  }
0xc1: {  	_ =	task.clear_ibuf [dreg:s6], $0x2FFFF;
	_ =	strace $0x9FFFFFFF  }
0xc2: {  	(tm) =	ssettm $0x7FFFFFFF  }
0xc3: {  	_ =	shalt  }
tec
execute0_lowered:
.L_overlay_start_1:
0x0: {  	(tag) =	ssettag $0x1  }
0x1: {  	s0 =	rddreg [dreg:$0x0]  }
0x2: {  	s1 =	rddreg [dreg:$0x1]  }
0x3: {  	s2 =	simm.s32 $0x0;
	s3 =	srdreg.scid;
	s6 =	stileid.u32  }
0x4: {  	s19 =	simm.s32 $0x2;
	s20 =	simm.s32 $0x19000;
	s21 =	simm.s32 $0x19080  }
0x5: {  	s22 =	simm.s32 $0x80;
	s23 =	simm.s32 $0x19100;
	s28 =	simm.s32 $0x10  }
0x6: {  	s29 =	simm.s32 $0x1E120;
	s30 =	simm.s32 $0x0;
	[smem:$0x7FF] =	sst s2  }
0x7: {  	s4 =	sadd.s32 $0x47A00, s0;
	s5 =	sadd.s32 $0x15A00, s0;
	s3 =	sand.u32 $0x1, s3  }
0x8: {  	s16 =	sadd.s32 $0xBA00, s0;
	s9 =	smul.u32 $0x2710, s6;
	s15 =	sadd.s32 $0x10A00, s0  }
0x9: {  	s11 =	smul.u32 $0x19000, s6;
	s7 =	sadd.s32 $0xABA00, s0;
	s0 =	sadd.s32 $0x79A00, s0  }
0xa: {  	s31 =	smul.u32 $0x4E2, s6;
	_ =	strace $0x80000056;
	[dreg:$0x3] =	wrdreg s7  }
0xb: {  	s14 =	sshll.u32 s6, $0x6;
	s8 =	ssub.s32 $0x2, s3;
	[dreg:$0x4] =	wrdreg s0  }
0xc: {  	p0 =	seq.s32 s3, $0x1;
	s17 =	sor.u32 $0x1C02, s14;
	s10 =	sshrl.u32 s8, $0x1  }
0xd: {  	s25 =	sshrl.u32 s9, $0x3;
	s18 =	sadd.s32 s11, s1;
	s24 =	ssub.s32 s8, s10  }
.Ltmp0:
0xe: {  	s8 =	sshrl.u32 s11, $0x3;
	s3 =	sadd.s32 $0x4E0, s25;
	(pc) =	sbr.rel .LBB2_1-.Ltmp0, $4  }
0xf: {  	s18 =	sshrl.u32 s18, $0x3;
	s25 =	simm.s32 $0x1E100;
	s26 =	sadd.s32 s4, s8  }
0x10: {  	s10 =	sadd.s32 s16, s3;
	s11 =	sadd.s32 s15, s3;
	s12 =	sadd.s32 s5, s8  }
0x11: {  	s13 =	smax.u32 s24, $0x1;
	s15 =	sadd.s32 s31, s15;
	s16 =	sadd.s32 s31, s16  }
0x12: {  	s24 =	simm.s32 $0x1;
	[dreg:$0x5] =	wrdreg s26;
	s26 =	simm.s32 $0x1E110  }
.LBB2_7:
0x13: {  	s3 =	sadd.s32 s0, s16;
	[sflag:s19] =	ssyncadd.s32 $0xFFFFB000  }
0x14: {  	[tilespmem:s20], [sflag:$0x2] =	stream.linear.gather [hbm4b:s3+s2], $0x80, $0x38;
	[tilespmem:$0x1EB20] =	vst v63  }
0x15: {  	_ =	swait.ge [sflag:s19], $0x80  }
0x16: {  	[sflag:s19] =	ssyncset.done $0x0  }
0x17: {  	s9 =	sadd.s32 s0, s15;
	[sflag:s19] =	ssyncadd.s32 $0xFFFFFF80  }
0x18: {  	[tilespmem:s21], [sflag:$0x2] =	stream.linear.gather [hbm4b:s9+s2], $0x80, $0x38;
	[tilespmem:$0x1EB20] =	vst v63  }
0x19: {  	_ =	swait.ge [sflag:s19], $0x80  }
0x1a: {  	[sflag:s19] =	ssyncset.done $0x0  }
0x1b: {  	[sflag:s19] =	ssyncadd.s32 $0xFFFFFF80  }
0x1c: {  	[tilespmem:s23], [sflag:$0x1] =	stream.indirect.gather [hbm4b:s5+s22], $0xA0, s20, s22, $0xb8;
	[tilespmem:$0x1EB20] =	vst v63  }
0x1d: {  	_ =	swait.ge [sflag:s24], $0x5000  }
0x1e: {  	[sflag:s24] =	ssyncset.done $0x0  }
0x1f: {  	[sflag:s24] =	ssyncadd.s32 $0xFFFFB000  }
0x20: {  	[spmem:s1] =	stream.indirect.scatter.add.f32 [tilespmem:s23], [sflag:$0x2], $0xA0, s21, s22, $0xb8;
	[tilespmem:$0x1EB20] =	vst v63  }
0x21: {  	_ =	swait.ge [sflag:s19], $0x5000  }
0x22: {  	s31 =	smov.u32 s17;
	[sflag:s19] =	ssyncset.done $0x0  }
0x23: {  	s3 =	smov.u32 s5;
	s0 =	rddreg [dreg:$0x4];
	[sflag:s19] =	ssyncadd.s32 $0xFFFFB000  }
.LBB2_8:
0x24: {  	[tilespmem:s25], [sflag:$0x2] =	stream.linear.gather [hbm4b:s10+s2], $0x10, $0x38;
	[tilespmem:$0x1EB20] =	vst v63  }
0x25: {  	_ =	swait.ge [sflag:s19], $0x10  }
0x26: {  	[sflag:s19] =	ssyncset.done $0x0  }
0x27: {  	[sflag:s19] =	ssyncadd.s32 $0xFFFFFFF0  }
0x28: {  	[tilespmem:s26], [sflag:$0x2] =	stream.linear.gather [hbm4b:s11+s2], $0x10, $0x38;
	[tilespmem:$0x1EB20] =	vst v63  }
0x29: {  	_ =	swait.ge [sflag:s19], $0x10  }
0x2a: {  	[sflag:s19] =	ssyncset.done $0x0  }
0x2b: {  	[sflag:s19] =	ssyncadd.s32 $0xFFFFFFF0  }
0x2c: {  	[tilespmem:s29], [sflag:$0x1] =	stream.indirect.gather [hbm4b:s3+s28], $0xA0, s25, s28, $0xb8;
	[tilespmem:$0x1EB20] =	vst v63  }
0x2d: {  	_ =	swait.ge [sflag:s24], $0xA00  }
0x2e: {  	[sflag:s24] =	ssyncset.done $0x0  }
0x2f: {  	[sflag:s24] =	ssyncadd.s32 $0xFFFFF600  }
0x30: {  	[spmem:s1] =	stream.indirect.scatter.add.f32 [tilespmem:s29], [sflag:$0x2], $0xA0, s26, s28, $0xb8;
	[tilespmem:$0x1EB20] =	vst v63  }
0x31: {  	_ =	swait.ge [sflag:s19], $0xA00  }
0x32: {  	s30 =	sadd.s32 $0x1, s30;
	[sflag:s19] =	ssyncset.done $0x0  }
0x33: {  	p1 =	sne.s32 s30, s13;
	[sflag:s19] =	ssyncadd.s32 $0xFFFFF600  }
.Ltmp1:
0x34: {  	s0 =	sadd.s32 s0, s8;
	[bflag:$0x0] =	sbarrier.arrive $0xFFFF;
	(pc) =	sbr.rel @!p1 .LBB2_9-.Ltmp1, $4  }
0x35: {  	[hbm:s0], [sflag:s31] =	dma.local [spmem:s18], $0x3200  }
0x36: {  	_ =	swait.ge [sflag:s19], $0x3200  }
0x37: {  	[sflag:s19] =	ssyncset.done $0x0  }
0x38: {  	[sflag:s19] =	ssyncadd.s32 $0xFFFFCE00  }
.LBB2_1:
.Ltmp2:
0x39: {  	(pc) =	sbr.rel @!p0 .LBB2_2-.Ltmp2, $1  }
0x3a: {  	_ =	sdelay $0x3  }
0x3b: {  	[spmem:s18], [sflag:s17] =	dma.local [hbm:s12], $0x3200  }
0x3c: {  	_ =	swait.ge [sflag:s19], $0x3200  }
0x3d: {  	[sflag:s19] =	ssyncset.done $0x0  }
0x3e: {  	[sflag:s19] =	ssyncadd.s32 $0xFFFFCE00  }
0x3f: {  	s0 =	sadd.s32 $0x0, s16;
	[bflag:$0x0] =	sbarrier.arrive $0xFFFF  }
0x40: {  	[tilespmem:s20], [sflag:$0x2] =	stream.linear.gather [hbm4b:s0+s2], $0x80, $0x38;
	[tilespmem:$0x1EB20] =	vst v63  }
0x41: {  	_ =	swait.ge [sflag:s19], $0x80  }
0x42: {  	[sflag:s19] =	ssyncset.done $0x0  }
0x43: {  	s31 =	sadd.s32 $0x0, s15;
	[sflag:s19] =	ssyncadd.s32 $0xFFFFFF80  }
0x44: {  	[tilespmem:s21], [sflag:$0x2] =	stream.linear.gather [hbm4b:s31+s2], $0x80, $0x38;
	[tilespmem:$0x1EB20] =	vst v63  }
0x45: {  	_ =	swait.ge [sflag:s19], $0x80  }
0x46: {  	[sflag:s19] =	ssyncset.done $0x0  }
0x47: {  	[sflag:s19] =	ssyncadd.s32 $0xFFFFFF80  }
0x48: {  	[tilespmem:s23], [sflag:$0x1] =	stream.indirect.gather [hbm4b:s5+s22], $0xA0, s20, s22, $0xb8;
	[tilespmem:$0x1EB20] =	vst v63  }
0x49: {  	_ =	swait.ge [sflag:s24], $0x5000  }
0x4a: {  	[sflag:s24] =	ssyncset.done $0x0  }
0x4b: {  	[sflag:s24] =	ssyncadd.s32 $0xFFFFB000  }
0x4c: {  	[spmem:s1] =	stream.indirect.scatter.add.f32 [tilespmem:s23], [sflag:$0x2], $0xA0, s21, s22, $0xb8;
	[tilespmem:$0x1EB20] =	vst v63  }
0x4d: {  	_ =	swait.ge [sflag:s19], $0x5000  }
0x4e: {  	s3 =	simm.s32 $0x20;
	s0 =	simm.s32 $0x10;
	[sflag:s19] =	ssyncset.done $0x0  }
.LBB2_6:
0x4f: {  	s6 =	sadd.s32 s0, s16  }
0x50: {  	[sflag:s19] =	ssyncadd.s32 $0xFFFFB000;
	s7 =	smov.u32 s3;
	s9 =	sadd.s32 $0x10, s3  }
0x51: {  	[tilespmem:s20], [sflag:$0x2] =	stream.linear.gather [hbm4b:s6+s2], $0x80, $0x38;
	[tilespmem:$0x1EB20] =	vst v63  }
0x52: {  	p1 =	sne.s32 s3, $0x4D0;
	_ =	swait.ge [sflag:s19], $0x80  }
0x53: {  	[sflag:s19] =	ssyncset.done $0x0  }
0x54: {  	s3 =	sadd.s32 s0, s15;
	s0 =	smov.u32 s7;
	[sflag:s19] =	ssyncadd.s32 $0xFFFFFF80  }
0x55: {  	[tilespmem:s21], [sflag:$0x2] =	stream.linear.gather [hbm4b:s3+s2], $0x80, $0x38;
	[tilespmem:$0x1EB20] =	vst v63  }
0x56: {  	_ =	swait.ge [sflag:s19], $0x80  }
0x57: {  	[sflag:s19] =	ssyncset.done $0x0  }
0x58: {  	[sflag:s19] =	ssyncadd.s32 $0xFFFFFF80  }
0x59: {  	[tilespmem:s23], [sflag:$0x1] =	stream.indirect.gather [hbm4b:s5+s22], $0xA0, s20, s22, $0xb8;
	[tilespmem:$0x1EB20] =	vst v63  }
0x5a: {  	_ =	swait.ge [sflag:s24], $0x5000  }
.Ltmp3:
0x5b: {  	[sflag:s24] =	ssyncset.done $0x0;
	(pc) =	sbr.rel @p1 .LBB2_6-.Ltmp3, $4  }
0x5c: {  	[sflag:s24] =	ssyncadd.s32 $0xFFFFB000  }
0x5d: {  	[spmem:s1] =	stream.indirect.scatter.add.f32 [tilespmem:s23], [sflag:$0x2], $0xA0, s21, s22, $0xb8;
	[tilespmem:$0x1EB20] =	vst v63  }
0x5e: {  	_ =	swait.ge [sflag:s19], $0x5000  }
0x5f: {  	s3 =	smov.u32 s9;
	[sflag:s19] =	ssyncset.done $0x0  }
.Ltmp4:
0x60: {  	_ = 	snop;
	(pc) =	sbr.rel .LBB2_7-.Ltmp4, $1  }
0x61: {  	_ =	sdelay $0x3  }
.LBB2_2:
0x62: {  	s31 =	sor.u32 $0x1C02, s14;
	s0 =	rddreg [dreg:$0x5]  }
0x63: {  	[spmem:s18], [sflag:s31] =	dma.local [hbm:s0], $0x3200  }
0x64: {  	_ =	swait.ge [sflag:s19], $0x3200  }
0x65: {  	[sflag:s19] =	ssyncset.done $0x0  }
0x66: {  	[sflag:s19] =	ssyncadd.s32 $0xFFFFCE00  }
0x67: {  	s7 =	sadd.s32 $0x0, s16;
	[bflag:$0x0] =	sbarrier.arrive $0xFFFF  }
0x68: {  	[tilespmem:s20], [sflag:$0x2] =	stream.linear.gather [hbm4b:s7+s2], $0x80, $0x38;
	[tilespmem:$0x1EB20] =	vst v63  }
0x69: {  	_ =	swait.ge [sflag:s19], $0x80  }
0x6a: {  	[sflag:s19] =	ssyncset.done $0x0  }
0x6b: {  	s9 =	sadd.s32 $0x0, s15;
	[sflag:s19] =	ssyncadd.s32 $0xFFFFFF80  }
0x6c: {  	[tilespmem:s21], [sflag:$0x2] =	stream.linear.gather [hbm4b:s9+s2], $0x80, $0x38;
	[tilespmem:$0x1EB20] =	vst v63  }
0x6d: {  	_ =	swait.ge [sflag:s19], $0x80  }
0x6e: {  	[sflag:s19] =	ssyncset.done $0x0  }
0x6f: {  	[sflag:s19] =	ssyncadd.s32 $0xFFFFFF80  }
0x70: {  	[tilespmem:s23], [sflag:$0x1] =	stream.indirect.gather [hbm4b:s4+s22], $0xA0, s20, s22, $0xb8;
	[tilespmem:$0x1EB20] =	vst v63  }
0x71: {  	_ =	swait.ge [sflag:s24], $0x5000  }
0x72: {  	[sflag:s24] =	ssyncset.done $0x0  }
0x73: {  	[sflag:s24] =	ssyncadd.s32 $0xFFFFB000  }
0x74: {  	[spmem:s1] =	stream.indirect.scatter.add.f32 [tilespmem:s23], [sflag:$0x2], $0xA0, s21, s22, $0xb8;
	[tilespmem:$0x1EB20] =	vst v63  }
0x75: {  	_ =	swait.ge [sflag:s19], $0x5000  }
0x76: {  	s3 =	simm.s32 $0x20;
	s0 =	simm.s32 $0x10;
	[sflag:s19] =	ssyncset.done $0x0  }
.LBB2_3:
0x77: {  	s6 =	sadd.s32 s0, s16  }
0x78: {  	[sflag:s19] =	ssyncadd.s32 $0xFFFFB000;
	s7 =	smov.u32 s3;
	s9 =	sadd.s32 $0x10, s3  }
0x79: {  	[tilespmem:s20], [sflag:$0x2] =	stream.linear.gather [hbm4b:s6+s2], $0x80, $0x38;
	[tilespmem:$0x1EB20] =	vst v63  }
0x7a: {  	p1 =	seq.s32 s3, $0x4D0;
	_ =	swait.ge [sflag:s19], $0x80  }
0x7b: {  	[sflag:s19] =	ssyncset.done $0x0  }
0x7c: {  	s3 =	sadd.s32 s0, s15;
	s0 =	smov.u32 s7;
	[sflag:s19] =	ssyncadd.s32 $0xFFFFFF80  }
0x7d: {  	[tilespmem:s21], [sflag:$0x2] =	stream.linear.gather [hbm4b:s3+s2], $0x80, $0x38;
	[tilespmem:$0x1EB20] =	vst v63  }
0x7e: {  	_ =	swait.ge [sflag:s19], $0x80  }
0x7f: {  	[sflag:s19] =	ssyncset.done $0x0  }
0x80: {  	[sflag:s19] =	ssyncadd.s32 $0xFFFFFF80  }
0x81: {  	[tilespmem:s23], [sflag:$0x1] =	stream.indirect.gather [hbm4b:s4+s22], $0xA0, s20, s22, $0xb8;
	[tilespmem:$0x1EB20] =	vst v63  }
0x82: {  	_ =	swait.ge [sflag:s24], $0x5000  }
.Ltmp5:
0x83: {  	[sflag:s24] =	ssyncset.done $0x0;
	(pc) =	sbr.rel @!p1 .LBB2_3-.Ltmp5, $4  }
0x84: {  	[sflag:s24] =	ssyncadd.s32 $0xFFFFB000  }
0x85: {  	[spmem:s1] =	stream.indirect.scatter.add.f32 [tilespmem:s23], [sflag:$0x2], $0xA0, s21, s22, $0xb8;
	[tilespmem:$0x1EB20] =	vst v63  }
0x86: {  	_ =	swait.ge [sflag:s19], $0x5000  }
0x87: {  	s3 =	smov.u32 s9;
	[sflag:s19] =	ssyncset.done $0x0  }
0x88: {  	s3 =	sadd.s32 s0, s16;
	[sflag:s19] =	ssyncadd.s32 $0xFFFFB000  }
0x89: {  	[tilespmem:s20], [sflag:$0x2] =	stream.linear.gather [hbm4b:s3+s2], $0x80, $0x38;
	[tilespmem:$0x1EB20] =	vst v63  }
0x8a: {  	_ =	swait.ge [sflag:s19], $0x80  }
0x8b: {  	[sflag:s19] =	ssyncset.done $0x0  }
0x8c: {  	s9 =	sadd.s32 s0, s15;
	[sflag:s19] =	ssyncadd.s32 $0xFFFFFF80  }
0x8d: {  	[tilespmem:s21], [sflag:$0x2] =	stream.linear.gather [hbm4b:s9+s2], $0x80, $0x38;
	[tilespmem:$0x1EB20] =	vst v63  }
0x8e: {  	_ =	swait.ge [sflag:s19], $0x80  }
0x8f: {  	[sflag:s19] =	ssyncset.done $0x0  }
0x90: {  	[sflag:s19] =	ssyncadd.s32 $0xFFFFFF80  }
0x91: {  	[tilespmem:s23], [sflag:$0x1] =	stream.indirect.gather [hbm4b:s4+s22], $0xA0, s20, s22, $0xb8;
	[tilespmem:$0x1EB20] =	vst v63  }
0x92: {  	_ =	swait.ge [sflag:s24], $0x5000  }
0x93: {  	[sflag:s24] =	ssyncset.done $0x0  }
.Ltmp6:
0x94: {  	[sflag:s24] =	ssyncadd.s32 $0xFFFFB000;
	(pc) =	sbr.rel .LBB2_8-.Ltmp6, $4  }
0x95: {  	[spmem:s1] =	stream.indirect.scatter.add.f32 [tilespmem:s23], [sflag:$0x2], $0xA0, s21, s22, $0xb8;
	[tilespmem:$0x1EB20] =	vst v63  }
0x96: {  	_ =	swait.ge [sflag:s19], $0x5000  }
0x97: {  	[sflag:s19] =	ssyncset.done $0x0  }
0x98: {  	s3 =	smov.u32 s4;
	s0 =	rddreg [dreg:$0x3];
	[sflag:s19] =	ssyncadd.s32 $0xFFFFB000  }
.LBB2_9:
0x99: {  	_ =	sfence.sel $0x180000  }
0x9a: {  	[bflag:$0x0] =	sbarrier.arrive $0xFFFF  }
0x9b: {  	_ =	strace $0x90000056  }
0x9c: {  	s0 =	stileid.u32;
	[bflag:$0x2] =	sbarrier.arrive $0xFFFF  }
0x9d: {  	p0 =	sne.s32 s0, $0x0;
	s0 =	rddreg [dreg:$0x2]  }
0x9e: {  	s0 =	sadd.s32 @!p0 $0x100000, s0  }
0x9f: {  	[sflag:s0] =	ssyncadd.tile.s32 @!p0 $0x1;
	_ =	shalt  }
.Lfunc_end2:
_tile_overlayer_lowered:
.L_overlay_start_2:
0xa0: {  	(tag) =	ssettag $0x2  }
0xa1: {  	s0 =	rddreg [dreg:$0x0];
	s2 =	stileid.u32  }
0xa2: {  	s1 =	rddreg [dreg:$0x1];
	p0 =	sne.s32 s2, $0x0  }
0xa3: {  	s3 =	rddreg [dreg:$0x2];
	[bflag:$0x3] =	sbarrier.arrive $0xFFFF;
	s2 =	simm.s32 @!p0 $0x1C02  }
0xa4: {  	[timem:s3], [sflag:s2] =	dma.local @!p0 [hbm:s0], s1  }
0xa5: {  	s0 =	simm.s32 @!p0 $0x2  }
0xa6: {  	_ =	swait.ge @!p0 [sflag:s0], s1  }
0xa7: {  	s1 =	ssub.s32 @!p0 $0x0, s1;
	[sflag:s0] =	ssyncset.done @!p0 $0x0  }
0xa8: {  	[sflag:s0] =	ssyncadd.s32 @!p0 s1  }
0xa9: {  	[bflag:$0x3] =	sbarrier.arrive $0xFFFF  }
0xaa: {  	_ =	shalt  }

</sc_bundles>
